<compile_context>
chip_gen: v7x
topology: tpu7x:2x2x1
jax: 0.10.2.dev20260603
libtpu: 0.0.44.dev20260713+nightly
codegen_flags: <defaults>
</compile_context>

<pallas_src>
import jax
import jax.numpy as jnp
from jax import lax
from jax.experimental import pallas as pl
from jax.experimental.pallas import tpu as pltpu
from jax.experimental.pallas import tpu_sc as plsc

N = 10000
D = 128
E = 320000

NC = 2
NS = 16
NW = NC * NS
EPT = E // NW

K = 128
NB = 80
EPADT = NB * K
CH = 8
NCH = NB // CH

NPAD = 10240
TRASH = N
DPT = NPAD // NS
ZR = 128

_f32 = jnp.float32
_i32 = jnp.int32

_mesh = plsc.VectorSubcoreMesh(
    core_axis_name="c", subcore_axis_name="s", num_cores=NC, num_subcores=NS)



def _deg_body(colb_hbm, deg_out, col_v, ones_v, zrow_v, deg_sh):
    c = lax.axis_index("c")
    s = lax.axis_index("s")
    wid = c * NS + s
    pltpu.sync_copy(colb_hbm.at[wid], col_v)
    one16 = jnp.ones((16,), _f32)
    zero16 = jnp.zeros((16,), _f32)
    for t in range(K // 16):
        ones_v[pl.ds(t * 16, 16)] = one16
    for t in range(DPT // 16):
        zrow_v[pl.ds(t * 16, 16)] = zero16
    pltpu.sync_copy(zrow_v, deg_sh.at[pl.ds(s * DPT, DPT)])
    plsc.subcore_barrier()

    def step(j, carry):
        pltpu.sync_copy(ones_v, deg_sh.at[col_v.at[j]], add=True)
        return carry

    lax.fori_loop(0, NB, step, 0)
    plsc.subcore_barrier()
    pltpu.sync_copy(deg_sh.at[pl.ds(s * DPT, DPT)],
                    deg_out.at[c, pl.ds(s * DPT, DPT)])


_deg = pl.kernel(
    _deg_body,
    out_type=jax.ShapeDtypeStruct((NC, NPAD), _f32),
    mesh=_mesh,
    scratch_types=[
        pltpu.VMEM((NB, K), _i32),
        pltpu.VMEM((K,), _f32),
        pltpu.VMEM((DPT,), _f32),
        pltpu.VMEM_SHARED((NPAD,), _f32),
    ],
)


def _prop_body(g_hbm, rowb_hbm, colb_hbm, zeros_hbm, acc_out,
               rbuf0, rbuf1, cbuf0, cbuf1, buf0, buf1,
               rsem, csem, sem0, sem1, zsem, acc_sh):
    c = lax.axis_index("c")
    s = lax.axis_index("s")
    wid = c * NS + s
    rbufs = (rbuf0, rbuf1)
    cbufs = (cbuf0, cbuf1)
    bufs = (buf0, buf1)
    gsems = (sem0, sem1)

    for t in range(DPT // ZR):
        pltpu.async_copy(zeros_hbm,
                         acc_sh.at[pl.ds(s * DPT + t * ZR, ZR)], zsem)
    pltpu.sync_copy(rowb_hbm.at[wid, pl.ds(0, CH)], rbuf0)
    pltpu.sync_copy(colb_hbm.at[wid, pl.ds(0, CH)], cbuf0)
    pltpu.async_copy(rowb_hbm.at[wid, pl.ds(CH, CH)], rbuf1, rsem)
    pltpu.async_copy(colb_hbm.at[wid, pl.ds(CH, CH)], cbuf1, csem)
    for t in range(DPT // ZR):
        pltpu.make_async_copy(
            zeros_hbm, acc_sh.at[pl.ds(s * DPT + t * ZR, ZR)], zsem).wait()
    plsc.subcore_barrier()

    pltpu.async_copy(g_hbm.at[rbuf0.at[0]], buf0, sem0)
    pltpu.async_copy(g_hbm.at[rbuf0.at[1]], buf1, sem1)

    def qstep(qq, carry):
        for qp in range(2):
            q = qq * 2 + qp
            for i in range(CH):
                par = i % 2
                pltpu.make_async_copy(
                    g_hbm.at[rbufs[qp].at[i]], bufs[par], gsems[par]).wait()
                pltpu.sync_copy(bufs[par], acc_sh.at[cbufs[qp].at[i]],
                                add=True)
                if i == CH - 2:
                    @pl.when(q + 1 < NCH)
                    def _():
                        pltpu.make_async_copy(
                            rowb_hbm.at[wid, pl.ds((q + 1) * CH, CH)],
                            rbufs[1 - qp], rsem).wait()
                        pltpu.make_async_copy(
                            colb_hbm.at[wid, pl.ds((q + 1) * CH, CH)],
                            cbufs[1 - qp], csem).wait()
                if i < CH - 2:
                    pltpu.async_copy(
                        g_hbm.at[rbufs[qp].at[i + 2]], bufs[par], gsems[par])
                else:
                    @pl.when(q + 1 < NCH)
                    def _():
                        pltpu.async_copy(
                            g_hbm.at[rbufs[1 - qp].at[i - (CH - 2)]],
                            bufs[par], gsems[par])
            @pl.when(q + 2 < NCH)
            def _():
                pltpu.async_copy(
                    rowb_hbm.at[wid, pl.ds((q + 2) * CH, CH)],
                    rbufs[qp], rsem)
                pltpu.async_copy(
                    colb_hbm.at[wid, pl.ds((q + 2) * CH, CH)],
                    cbufs[qp], csem)
        return carry

    lax.fori_loop(0, NCH // 2, qstep, 0)
    plsc.subcore_barrier()
    pltpu.sync_copy(acc_sh.at[pl.ds(s * DPT, DPT)],
                    acc_out.at[c, pl.ds(s * DPT, DPT)])


_prop = pl.kernel(
    _prop_body,
    out_type=jax.ShapeDtypeStruct((NC, NPAD, D), _f32),
    mesh=_mesh,
    scratch_types=[
        pltpu.VMEM((CH, K), _i32),
        pltpu.VMEM((CH, K), _i32),
        pltpu.VMEM((CH, K), _i32),
        pltpu.VMEM((CH, K), _i32),
        pltpu.VMEM((K, D), _f32),
        pltpu.VMEM((K, D), _f32),
        pltpu.SemaphoreType.DMA,
        pltpu.SemaphoreType.DMA,
        pltpu.SemaphoreType.DMA,
        pltpu.SemaphoreType.DMA,
        pltpu.SemaphoreType.DMA,
        pltpu.VMEM_SHARED((NPAD, D), _f32),
    ],
)



def _pre_body(x_ref, w_ref, d_ref, g_ref, dinv_ref):
    deg = d_ref[0] + d_ref[1] + 1.0
    dinv = lax.rsqrt(deg)
    dinv_ref[...] = dinv
    g_ref[...] = jnp.dot(x_ref[...], w_ref[...],
                         preferred_element_type=_f32) * dinv


_pre = pl.pallas_call(
    _pre_body,
    out_shape=(jax.ShapeDtypeStruct((N, D), _f32),
               jax.ShapeDtypeStruct((N, 1), _f32)),
)


def _mid_body(a_ref, g1_ref, dinv_ref, b_ref, w_ref, g2_ref):
    dinv = dinv_ref[...]
    h = (a_ref[0] + a_ref[1] + g1_ref[...]) * dinv + b_ref[...]
    h = jnp.maximum(h, 0.0)
    g2_ref[...] = jnp.dot(h, w_ref[...], preferred_element_type=_f32) * dinv


_mid = pl.pallas_call(
    _mid_body,
    out_shape=jax.ShapeDtypeStruct((N, D), _f32),
)


def _post_body(a_ref, g2_ref, dinv_ref, b_ref, out_ref):
    out_ref[...] = (a_ref[0] + a_ref[1] + g2_ref[...]) * dinv_ref[...] \
        + b_ref[...]


_post = pl.pallas_call(
    _post_body,
    out_shape=jax.ShapeDtypeStruct((N, D), _f32),
)



def kernel(x, edge_index, W1, b1, W2, b2):
    ei = edge_index.astype(_i32)
    r2 = ei[0].reshape(NW, EPT)
    c2 = ei[1].reshape(NW, EPT)
    rowb = jnp.zeros((NW, EPADT), _i32).at[:, :EPT].set(r2) \
        .reshape(NW, NB, K)
    colb = jnp.full((NW, EPADT), TRASH, _i32).at[:, :EPT].set(c2) \
        .reshape(NW, NB, K)
    zeros = jnp.zeros((ZR, D), _f32)

    deg_raw = _deg(colb)
    d3 = deg_raw[:, :N, None]
    g1, dinv = _pre(x, W1, d3)
    acc1 = _prop(g1, rowb, colb, zeros)[:, :N]
    g2 = _mid(acc1, g1, dinv, b1.reshape(1, D), W2)
    acc2 = _prop(g2, rowb, colb, zeros)[:, :N]
    return _post(acc2, g2, dinv, b2.reshape(1, D))

# --- scband reference (transcript-rebuilt; emitter-appended) ---
"""Pipeline reference for scband-gcn-35210141893299 (READ-ONLY COPY).

The authoritative reference and input builder live on the scoring server;
editing this copy changes nothing except your own understanding.
"""

import jax, jax.numpy as jnp
import numpy as np

N_NODES = 10000
D_IN = 128
D_HID = 128
D_OUT = 128
N_EDGES = 320000


def gcn_conv(x, edge_index, W, b):
    N = x.shape[0]
    loop = jnp.arange(N, dtype=edge_index.dtype)
    row = jnp.concatenate([edge_index[0], loop])
    col = jnp.concatenate([edge_index[1], loop])
    ones = jnp.ones(row.shape[0], dtype=x.dtype)
    deg = jax.ops.segment_sum(ones, col, num_segments=N)
    deg_inv_sqrt = jnp.where(deg > 0, jax.lax.rsqrt(jnp.maximum(deg, 1e-12)), 0.0)
    norm = deg_inv_sqrt[row] * deg_inv_sqrt[col]
    h = x @ W
    msg = h[row] * norm[:, None]
    out = jax.ops.segment_sum(msg, col, num_segments=N)
    return out + b


def setup_inputs(seed: int = 0) -> dict:
    key = jax.random.key(seed)
    k1, k2, k3, k4, k5 = jax.random.split(key, 5)
    x = jax.random.normal(k1, (N_NODES, D_IN), dtype=jnp.float32)
    edge_index = jax.random.randint(k2, (2, N_EDGES), 0, N_NODES, dtype=jnp.int64)
    # Glorot-style init for GCNConv weights, zeros for bias (PyG default)
    s1 = float(np.sqrt(6.0 / (D_IN + D_HID)))
    s2 = float(np.sqrt(6.0 / (D_HID + D_OUT)))
    W1 = jax.random.uniform(k3, (D_IN, D_HID), dtype=jnp.float32, minval=-s1, maxval=s1)
    W2 = jax.random.uniform(k4, (D_HID, D_OUT), dtype=jnp.float32, minval=-s2, maxval=s2)
    b1 = jnp.zeros((D_HID,), dtype=jnp.float32)
    b2 = jnp.zeros((D_OUT,), dtype=jnp.float32)
    return {"x": x, "edge_index": edge_index, "W1": W1, "b1": b1, "W2": W2, "b2": b2}


def reference(x, edge_index, W1, b1, W2, b2):
    # dropout p=0.02 is identity in eval mode
    h = gcn_conv(x, edge_index, W1, b1)
    h = jax.nn.relu(h)
    out = gcn_conv(h, edge_index, W2, b2)
    return out

if __name__ == "__main__":
    import jax
    _d = setup_inputs()
    print(jax.jit(kernel)(*tuple(_d.values())))

</pallas_src>

<mosaic_0001>
#map = affine_map<(d0, d1) -> (0, 0)>
#map1 = affine_map<(d0, d1) -> (0, 0, 0)>
module attributes {stable_mosaic.version = 14 : i64} {
  func.func @_prop_body(%arg0: i32, %arg1: i32, %arg2: memref<10000x128xf32, #tpu.memory_space<hbm>>, %arg3: memref<32x80x128xi32, #tpu.memory_space<hbm>>, %arg4: memref<32x80x128xi32, #tpu.memory_space<hbm>>, %arg5: memref<128x128xf32, #tpu.memory_space<hbm>>, %arg6: memref<2x10240x128xf32, #tpu.memory_space<hbm>>, %arg7: memref<8x128xi32, #tpu.memory_space<vmem>>, %arg8: memref<8x128xi32, #tpu.memory_space<vmem>>, %arg9: memref<8x128xi32, #tpu.memory_space<vmem>>, %arg10: memref<8x128xi32, #tpu.memory_space<vmem>>, %arg11: memref<128x128xf32, #tpu.memory_space<vmem>>, %arg12: memref<128x128xf32, #tpu.memory_space<vmem>>, %arg13: memref<!tpu.dma_semaphore, #tpu.memory_space<semaphore_mem>>, %arg14: memref<!tpu.dma_semaphore, #tpu.memory_space<semaphore_mem>>, %arg15: memref<!tpu.dma_semaphore, #tpu.memory_space<semaphore_mem>>, %arg16: memref<!tpu.dma_semaphore, #tpu.memory_space<semaphore_mem>>, %arg17: memref<!tpu.dma_semaphore, #tpu.memory_space<semaphore_mem>>, %arg18: memref<10240x128xf32, #tpu.memory_space<vmem_shared>>) attributes {dimension_semantics = [#tpu.dimension_semantics<core_parallel>, #tpu.dimension_semantics<subcore_parallel>], iteration_bounds = array<i64: 2, 16>, scalar_prefetch = 0 : i64, scratch_operands = 12 : i64, tpu.core_type = #tpu.core_type<sc_vector_subcore>, window_params = [{transform_indices = #map}, {transform_indices = #map1}, {transform_indices = #map1}, {transform_indices = #map}, {transform_indices = #map1}]} {
    %mul3A = arith.constant 16 : i32
    %mul3A_0 = arith.muli %arg0, %mul3A : i32
    %add3A = arith.addi %mul3A_0, %arg1 : i32
    %mul3A_1 = arith.constant 640 : i32
    %mul3A_2 = arith.muli %arg1, %mul3A_1 : i32
    %add3A_3 = arith.constant 0 : i32
    %add3A_4 = arith.addi %mul3A_2, %add3A_3 : i32
    %dma_start3A = arith.constant 0 : i32
    %dma_start3A_5 = tpu.memref_slice %arg18[%add3A_4, %dma_start3A] : memref<10240x128xf32, #tpu.memory_space<vmem_shared>> -> memref<128x128xf32, #tpu.memory_space<vmem_shared>>
    tpu.enqueue_dma source(%arg5 : memref<128x128xf32, #tpu.memory_space<hbm>>) target(%dma_start3A_5 : memref<128x128xf32, #tpu.memory_space<vmem_shared>>) target_semaphore(%arg17 : memref<!tpu.dma_semaphore, #tpu.memory_space<semaphore_mem>>)
    %mul3A_6 = arith.constant 640 : i32
    %mul3A_7 = arith.muli %arg1, %mul3A_6 : i32
    %add3A_8 = arith.constant 128 : i32
    %add3A_9 = arith.addi %mul3A_7, %add3A_8 : i32
    %dma_start3A_10 = arith.constant 0 : i32
    %dma_start3A_11 = tpu.memref_slice %arg18[%add3A_9, %dma_start3A_10] : memref<10240x128xf32, #tpu.memory_space<vmem_shared>> -> memref<128x128xf32, #tpu.memory_space<vmem_shared>>
    tpu.enqueue_dma source(%arg5 : memref<128x128xf32, #tpu.memory_space<hbm>>) target(%dma_start3A_11 : memref<128x128xf32, #tpu.memory_space<vmem_shared>>) target_semaphore(%arg17 : memref<!tpu.dma_semaphore, #tpu.memory_space<semaphore_mem>>)
    %mul3A_12 = arith.constant 640 : i32
    %mul3A_13 = arith.muli %arg1, %mul3A_12 : i32
    %add3A_14 = arith.constant 256 : i32
    %add3A_15 = arith.addi %mul3A_13, %add3A_14 : i32
    %dma_start3A_16 = arith.constant 0 : i32
    %dma_start3A_17 = tpu.memref_slice %arg18[%add3A_15, %dma_start3A_16] : memref<10240x128xf32, #tpu.memory_space<vmem_shared>> -> memref<128x128xf32, #tpu.memory_space<vmem_shared>>
    tpu.enqueue_dma source(%arg5 : memref<128x128xf32, #tpu.memory_space<hbm>>) target(%dma_start3A_17 : memref<128x128xf32, #tpu.memory_space<vmem_shared>>) target_semaphore(%arg17 : memref<!tpu.dma_semaphore, #tpu.memory_space<semaphore_mem>>)
    %mul3A_18 = arith.constant 640 : i32
    %mul3A_19 = arith.muli %arg1, %mul3A_18 : i32
    %add3A_20 = arith.constant 384 : i32
    %add3A_21 = arith.addi %mul3A_19, %add3A_20 : i32
    %dma_start3A_22 = arith.constant 0 : i32
    %dma_start3A_23 = tpu.memref_slice %arg18[%add3A_21, %dma_start3A_22] : memref<10240x128xf32, #tpu.memory_space<vmem_shared>> -> memref<128x128xf32, #tpu.memory_space<vmem_shared>>
    tpu.enqueue_dma source(%arg5 : memref<128x128xf32, #tpu.memory_space<hbm>>) target(%dma_start3A_23 : memref<128x128xf32, #tpu.memory_space<vmem_shared>>) target_semaphore(%arg17 : memref<!tpu.dma_semaphore, #tpu.memory_space<semaphore_mem>>)
    %mul3A_24 = arith.constant 640 : i32
    %mul3A_25 = arith.muli %arg1, %mul3A_24 : i32
    %add3A_26 = arith.constant 512 : i32
    %add3A_27 = arith.addi %mul3A_25, %add3A_26 : i32
    %dma_start3A_28 = arith.constant 0 : i32
    %dma_start3A_29 = tpu.memref_slice %arg18[%add3A_27, %dma_start3A_28] : memref<10240x128xf32, #tpu.memory_space<vmem_shared>> -> memref<128x128xf32, #tpu.memory_space<vmem_shared>>
    tpu.enqueue_dma source(%arg5 : memref<128x128xf32, #tpu.memory_space<hbm>>) target(%dma_start3A_29 : memref<128x128xf32, #tpu.memory_space<vmem_shared>>) target_semaphore(%arg17 : memref<!tpu.dma_semaphore, #tpu.memory_space<semaphore_mem>>)
    "tpu.region"() ({
      %run_scoped3A = tpu.sem_alloc : memref<!tpu.dma_semaphore, #tpu.memory_space<semaphore_mem>>
      %dma_start3A_99 = arith.constant 0 : i32
      %dma_start3A_100 = arith.constant 0 : i32
      %dma_start3A_101 = tpu.memref_slice %arg3[%add3A, %dma_start3A_99, %dma_start3A_100] : memref<32x80x128xi32, #tpu.memory_space<hbm>> -> memref<1x8x128xi32, #tpu.memory_space<hbm>>
      %dma_start3A_102 = tpu.memref_squeeze %dma_start3A_101 : memref<1x8x128xi32, #tpu.memory_space<hbm>> -> memref<8x128xi32, #tpu.memory_space<hbm>>
      %dma_start3A_103 = arith.constant 0 : i32
      %dma_start3A_104 = arith.constant 0 : i32
      %dma_start3A_105 = tpu.memref_slice %arg3[%add3A, %dma_start3A_103, %dma_start3A_104] : memref<32x80x128xi32, #tpu.memory_space<hbm>> -> memref<1x8x128xi32, #tpu.memory_space<hbm>>
      %dma_start3A_106 = tpu.memref_squeeze %dma_start3A_105 : memref<1x8x128xi32, #tpu.memory_space<hbm>> -> memref<8x128xi32, #tpu.memory_space<hbm>>
      tpu.enqueue_dma source(%dma_start3A_106 : memref<8x128xi32, #tpu.memory_space<hbm>>) target(%arg7 : memref<8x128xi32, #tpu.memory_space<vmem>>) target_semaphore(%run_scoped3A : memref<!tpu.dma_semaphore, #tpu.memory_space<semaphore_mem>>)
      %dma_wait3A_107 = arith.constant 0 : i32
      %dma_wait3A_108 = arith.constant 0 : i32
      %dma_wait3A_109 = tpu.memref_slice %arg3[%add3A, %dma_wait3A_107, %dma_wait3A_108] : memref<32x80x128xi32, #tpu.memory_space<hbm>> -> memref<1x8x128xi32, #tpu.memory_space<hbm>>
      %dma_wait3A_110 = tpu.memref_squeeze %dma_wait3A_109 : memref<1x8x128xi32, #tpu.memory_space<hbm>> -> memref<8x128xi32, #tpu.memory_space<hbm>>
      %dma_wait3A_111 = arith.constant 0 : i32
      %dma_wait3A_112 = arith.constant 0 : i32
      %dma_wait3A_113 = tpu.memref_slice %arg3[%add3A, %dma_wait3A_111, %dma_wait3A_112] : memref<32x80x128xi32, #tpu.memory_space<hbm>> -> memref<1x8x128xi32, #tpu.memory_space<hbm>>
      %dma_wait3A_114 = tpu.memref_squeeze %dma_wait3A_113 : memref<1x8x128xi32, #tpu.memory_space<hbm>> -> memref<8x128xi32, #tpu.memory_space<hbm>>
      tpu.wait_dma2 semaphore(%run_scoped3A : memref<!tpu.dma_semaphore, #tpu.memory_space<semaphore_mem>>) src(%dma_wait3A_114 : memref<8x128xi32, #tpu.memory_space<hbm>>) dst(%arg7 : memref<8x128xi32, #tpu.memory_space<vmem>>)
      tpu.yield
    }) : () -> ()
    "tpu.region"() ({
      %run_scoped3A = tpu.sem_alloc : memref<!tpu.dma_semaphore, #tpu.memory_space<semaphore_mem>>
      %dma_start3A_99 = arith.constant 0 : i32
      %dma_start3A_100 = arith.constant 0 : i32
      %dma_start3A_101 = tpu.memref_slice %arg4[%add3A, %dma_start3A_99, %dma_start3A_100] : memref<32x80x128xi32, #tpu.memory_space<hbm>> -> memref<1x8x128xi32, #tpu.memory_space<hbm>>
      %dma_start3A_102 = tpu.memref_squeeze %dma_start3A_101 : memref<1x8x128xi32, #tpu.memory_space<hbm>> -> memref<8x128xi32, #tpu.memory_space<hbm>>
      %dma_start3A_103 = arith.constant 0 : i32
      %dma_start3A_104 = arith.constant 0 : i32
      %dma_start3A_105 = tpu.memref_slice %arg4[%add3A, %dma_start3A_103, %dma_start3A_104] : memref<32x80x128xi32, #tpu.memory_space<hbm>> -> memref<1x8x128xi32, #tpu.memory_space<hbm>>
      %dma_start3A_106 = tpu.memref_squeeze %dma_start3A_105 : memref<1x8x128xi32, #tpu.memory_space<hbm>> -> memref<8x128xi32, #tpu.memory_space<hbm>>
      tpu.enqueue_dma source(%dma_start3A_106 : memref<8x128xi32, #tpu.memory_space<hbm>>) target(%arg9 : memref<8x128xi32, #tpu.memory_space<vmem>>) target_semaphore(%run_scoped3A : memref<!tpu.dma_semaphore, #tpu.memory_space<semaphore_mem>>)
      %dma_wait3A_107 = arith.constant 0 : i32
      %dma_wait3A_108 = arith.constant 0 : i32
      %dma_wait3A_109 = tpu.memref_slice %arg4[%add3A, %dma_wait3A_107, %dma_wait3A_108] : memref<32x80x128xi32, #tpu.memory_space<hbm>> -> memref<1x8x128xi32, #tpu.memory_space<hbm>>
      %dma_wait3A_110 = tpu.memref_squeeze %dma_wait3A_109 : memref<1x8x128xi32, #tpu.memory_space<hbm>> -> memref<8x128xi32, #tpu.memory_space<hbm>>
      %dma_wait3A_111 = arith.constant 0 : i32
      %dma_wait3A_112 = arith.constant 0 : i32
      %dma_wait3A_113 = tpu.memref_slice %arg4[%add3A, %dma_wait3A_111, %dma_wait3A_112] : memref<32x80x128xi32, #tpu.memory_space<hbm>> -> memref<1x8x128xi32, #tpu.memory_space<hbm>>
      %dma_wait3A_114 = tpu.memref_squeeze %dma_wait3A_113 : memref<1x8x128xi32, #tpu.memory_space<hbm>> -> memref<8x128xi32, #tpu.memory_space<hbm>>
      tpu.wait_dma2 semaphore(%run_scoped3A : memref<!tpu.dma_semaphore, #tpu.memory_space<semaphore_mem>>) src(%dma_wait3A_114 : memref<8x128xi32, #tpu.memory_space<hbm>>) dst(%arg9 : memref<8x128xi32, #tpu.memory_space<vmem>>)
      tpu.yield
    }) : () -> ()
    %dma_start3A_30 = arith.constant 8 : i32
    %dma_start3A_31 = arith.constant 0 : i32
    %dma_start3A_32 = tpu.memref_slice %arg3[%add3A, %dma_start3A_30, %dma_start3A_31] : memref<32x80x128xi32, #tpu.memory_space<hbm>> -> memref<1x8x128xi32, #tpu.memory_space<hbm>>
    %dma_start3A_33 = tpu.memref_squeeze %dma_start3A_32 : memref<1x8x128xi32, #tpu.memory_space<hbm>> -> memref<8x128xi32, #tpu.memory_space<hbm>>
    %dma_start3A_34 = arith.constant 8 : i32
    %dma_start3A_35 = arith.constant 0 : i32
    %dma_start3A_36 = tpu.memref_slice %arg3[%add3A, %dma_start3A_34, %dma_start3A_35] : memref<32x80x128xi32, #tpu.memory_space<hbm>> -> memref<1x8x128xi32, #tpu.memory_space<hbm>>
    %dma_start3A_37 = tpu.memref_squeeze %dma_start3A_36 : memref<1x8x128xi32, #tpu.memory_space<hbm>> -> memref<8x128xi32, #tpu.memory_space<hbm>>
    tpu.enqueue_dma source(%dma_start3A_37 : memref<8x128xi32, #tpu.memory_space<hbm>>) target(%arg8 : memref<8x128xi32, #tpu.memory_space<vmem>>) target_semaphore(%arg13 : memref<!tpu.dma_semaphore, #tpu.memory_space<semaphore_mem>>)
    %dma_start3A_38 = arith.constant 8 : i32
    %dma_start3A_39 = arith.constant 0 : i32
    %dma_start3A_40 = tpu.memref_slice %arg4[%add3A, %dma_start3A_38, %dma_start3A_39] : memref<32x80x128xi32, #tpu.memory_space<hbm>> -> memref<1x8x128xi32, #tpu.memory_space<hbm>>
    %dma_start3A_41 = tpu.memref_squeeze %dma_start3A_40 : memref<1x8x128xi32, #tpu.memory_space<hbm>> -> memref<8x128xi32, #tpu.memory_space<hbm>>
    %dma_start3A_42 = arith.constant 8 : i32
    %dma_start3A_43 = arith.constant 0 : i32
    %dma_start3A_44 = tpu.memref_slice %arg4[%add3A, %dma_start3A_42, %dma_start3A_43] : memref<32x80x128xi32, #tpu.memory_space<hbm>> -> memref<1x8x128xi32, #tpu.memory_space<hbm>>
    %dma_start3A_45 = tpu.memref_squeeze %dma_start3A_44 : memref<1x8x128xi32, #tpu.memory_space<hbm>> -> memref<8x128xi32, #tpu.memory_space<hbm>>
    tpu.enqueue_dma source(%dma_start3A_45 : memref<8x128xi32, #tpu.memory_space<hbm>>) target(%arg10 : memref<8x128xi32, #tpu.memory_space<vmem>>) target_semaphore(%arg14 : memref<!tpu.dma_semaphore, #tpu.memory_space<semaphore_mem>>)
    %mul3A_46 = arith.constant 640 : i32
    %mul3A_47 = arith.muli %arg1, %mul3A_46 : i32
    %add3A_48 = arith.constant 0 : i32
    %add3A_49 = arith.addi %mul3A_47, %add3A_48 : i32
    %dma_wait3A = arith.constant 0 : i32
    %dma_wait3A_50 = tpu.memref_slice %arg18[%add3A_49, %dma_wait3A] : memref<10240x128xf32, #tpu.memory_space<vmem_shared>> -> memref<128x128xf32, #tpu.memory_space<vmem_shared>>
    tpu.wait_dma2 semaphore(%arg17 : memref<!tpu.dma_semaphore, #tpu.memory_space<semaphore_mem>>) src(%arg5 : memref<128x128xf32, #tpu.memory_space<hbm>>) dst(%dma_wait3A_50 : memref<128x128xf32, #tpu.memory_space<vmem_shared>>)
    %mul3A_51 = arith.constant 640 : i32
    %mul3A_52 = arith.muli %arg1, %mul3A_51 : i32
    %add3A_53 = arith.constant 128 : i32
    %add3A_54 = arith.addi %mul3A_52, %add3A_53 : i32
    %dma_wait3A_55 = arith.constant 0 : i32
    %dma_wait3A_56 = tpu.memref_slice %arg18[%add3A_54, %dma_wait3A_55] : memref<10240x128xf32, #tpu.memory_space<vmem_shared>> -> memref<128x128xf32, #tpu.memory_space<vmem_shared>>
    tpu.wait_dma2 semaphore(%arg17 : memref<!tpu.dma_semaphore, #tpu.memory_space<semaphore_mem>>) src(%arg5 : memref<128x128xf32, #tpu.memory_space<hbm>>) dst(%dma_wait3A_56 : memref<128x128xf32, #tpu.memory_space<vmem_shared>>)
    %mul3A_57 = arith.constant 640 : i32
    %mul3A_58 = arith.muli %arg1, %mul3A_57 : i32
    %add3A_59 = arith.constant 256 : i32
    %add3A_60 = arith.addi %mul3A_58, %add3A_59 : i32
    %dma_wait3A_61 = arith.constant 0 : i32
    %dma_wait3A_62 = tpu.memref_slice %arg18[%add3A_60, %dma_wait3A_61] : memref<10240x128xf32, #tpu.memory_space<vmem_shared>> -> memref<128x128xf32, #tpu.memory_space<vmem_shared>>
    tpu.wait_dma2 semaphore(%arg17 : memref<!tpu.dma_semaphore, #tpu.memory_space<semaphore_mem>>) src(%arg5 : memref<128x128xf32, #tpu.memory_space<hbm>>) dst(%dma_wait3A_62 : memref<128x128xf32, #tpu.memory_space<vmem_shared>>)
    %mul3A_63 = arith.constant 640 : i32
    %mul3A_64 = arith.muli %arg1, %mul3A_63 : i32
    %add3A_65 = arith.constant 384 : i32
    %add3A_66 = arith.addi %mul3A_64, %add3A_65 : i32
    %dma_wait3A_67 = arith.constant 0 : i32
    %dma_wait3A_68 = tpu.memref_slice %arg18[%add3A_66, %dma_wait3A_67] : memref<10240x128xf32, #tpu.memory_space<vmem_shared>> -> memref<128x128xf32, #tpu.memory_space<vmem_shared>>
    tpu.wait_dma2 semaphore(%arg17 : memref<!tpu.dma_semaphore, #tpu.memory_space<semaphore_mem>>) src(%arg5 : memref<128x128xf32, #tpu.memory_space<hbm>>) dst(%dma_wait3A_68 : memref<128x128xf32, #tpu.memory_space<vmem_shared>>)
    %mul3A_69 = arith.constant 640 : i32
    %mul3A_70 = arith.muli %arg1, %mul3A_69 : i32
    %add3A_71 = arith.constant 512 : i32
    %add3A_72 = arith.addi %mul3A_70, %add3A_71 : i32
    %dma_wait3A_73 = arith.constant 0 : i32
    %dma_wait3A_74 = tpu.memref_slice %arg18[%add3A_72, %dma_wait3A_73] : memref<10240x128xf32, #tpu.memory_space<vmem_shared>> -> memref<128x128xf32, #tpu.memory_space<vmem_shared>>
    tpu.wait_dma2 semaphore(%arg17 : memref<!tpu.dma_semaphore, #tpu.memory_space<semaphore_mem>>) src(%arg5 : memref<128x128xf32, #tpu.memory_space<hbm>>) dst(%dma_wait3A_74 : memref<128x128xf32, #tpu.memory_space<vmem_shared>>)
    %barrier3A = arith.constant 0 : index
    tpu.barrier barrier_id(%barrier3A)
    %dma_start3A_75 = arith.constant 0 : i32
    %dma_start3A_76 = arith.constant 0 : i32
    %dma_start3A_77 = tpu.memref_slice %arg7[%dma_start3A_75, %dma_start3A_76] : memref<8x128xi32, #tpu.memory_space<vmem>> -> memref<1x128xi32, #tpu.memory_space<vmem>>
    %dma_start3A_78 = tpu.memref_squeeze %dma_start3A_77 : memref<1x128xi32, #tpu.memory_space<vmem>> -> memref<128xi32, #tpu.memory_space<vmem>>
    %dma_start3A_79 = arith.constant 0 : i32
    %dma_start3A_80 = arith.constant 0 : i32
    %dma_start3A_81 = tpu.memref_slice %arg2[%dma_start3A_79, %dma_start3A_80] : memref<10000x128xf32, #tpu.memory_space<hbm>> -> memref<10000x128xf32, #tpu.memory_space<hbm>>
    tpu.enqueue_indirect_dma source(%dma_start3A_81 : memref<10000x128xf32, #tpu.memory_space<hbm>>) target(%arg11 : memref<128x128xf32, #tpu.memory_space<vmem>>) offsets(%dma_start3A_78 : memref<128xi32, #tpu.memory_space<vmem>>) semaphore(%arg15 : memref<!tpu.dma_semaphore, #tpu.memory_space<semaphore_mem>>)
    %dma_start3A_82 = arith.constant 1 : i32
    %dma_start3A_83 = arith.constant 0 : i32
    %dma_start3A_84 = tpu.memref_slice %arg7[%dma_start3A_82, %dma_start3A_83] : memref<8x128xi32, #tpu.memory_space<vmem>> -> memref<1x128xi32, #tpu.memory_space<vmem>>
    %dma_start3A_85 = tpu.memref_squeeze %dma_start3A_84 : memref<1x128xi32, #tpu.memory_space<vmem>> -> memref<128xi32, #tpu.memory_space<vmem>>
    %dma_start3A_86 = arith.constant 0 : i32
    %dma_start3A_87 = arith.constant 0 : i32
    %dma_start3A_88 = tpu.memref_slice %arg2[%dma_start3A_86, %dma_start3A_87] : memref<10000x128xf32, #tpu.memory_space<hbm>> -> memref<10000x128xf32, #tpu.memory_space<hbm>>
    tpu.enqueue_indirect_dma source(%dma_start3A_88 : memref<10000x128xf32, #tpu.memory_space<hbm>>) target(%arg12 : memref<128x128xf32, #tpu.memory_space<vmem>>) offsets(%dma_start3A_85 : memref<128xi32, #tpu.memory_space<vmem>>) semaphore(%arg16 : memref<!tpu.dma_semaphore, #tpu.memory_space<semaphore_mem>>)
    %scan3A = arith.constant 0 : i32
    %scan3A_89 = arith.constant 0 : i32
    %scan3A_90 = arith.constant 5 : i32
    %scan3A_91 = arith.addi %scan3A_89, %scan3A_90 : i32
    %scan3A_92 = arith.constant 1 : i32
    scf.for %scan3A_99 = %scan3A_89 to %scan3A_91 step %scan3A_92  : i32 {
      %mul3A_100 = arith.constant 2 : i32
      %mul3A_101 = arith.muli %scan3A_99, %mul3A_100 : i32
      %add3A_102 = arith.constant 0 : i32
      %add3A_103 = arith.addi %mul3A_101, %add3A_102 : i32
      %dma_wait3A_104 = arith.constant 0 : i32
      %dma_wait3A_105 = arith.constant 0 : i32
      %dma_wait3A_106 = tpu.memref_slice %arg7[%dma_wait3A_104, %dma_wait3A_105] : memref<8x128xi32, #tpu.memory_space<vmem>> -> memref<1x128xi32, #tpu.memory_space<vmem>>
      %dma_wait3A_107 = tpu.memref_squeeze %dma_wait3A_106 : memref<1x128xi32, #tpu.memory_space<vmem>> -> memref<128xi32, #tpu.memory_space<vmem>>
      %dma_wait3A_108 = arith.constant 0 : i32
      %dma_wait3A_109 = arith.constant 0 : i32
      %dma_wait3A_110 = tpu.memref_slice %arg2[%dma_wait3A_108, %dma_wait3A_109] : memref<10000x128xf32, #tpu.memory_space<hbm>> -> memref<10000x128xf32, #tpu.memory_space<hbm>>
      tpu.wait_indirect_dma semaphore(%arg15 : memref<!tpu.dma_semaphore, #tpu.memory_space<semaphore_mem>>) src(%dma_wait3A_110 : memref<10000x128xf32, #tpu.memory_space<hbm>>) dst(%arg11 : memref<128x128xf32, #tpu.memory_space<vmem>>)
      %run_scoped3A = arith.constant 0 : i32
      "tpu.region"() ({
        %run_scoped3A_372 = tpu.sem_alloc : memref<!tpu.dma_semaphore, #tpu.memory_space<semaphore_mem>>
        %dma_start3A_373 = arith.constant 0 : i32
        %dma_start3A_374 = tpu.memref_slice %arg9[%run_scoped3A, %dma_start3A_373] : memref<8x128xi32, #tpu.memory_space<vmem>> -> memref<1x128xi32, #tpu.memory_space<vmem>>
        %dma_start3A_375 = tpu.memref_squeeze %dma_start3A_374 : memref<1x128xi32, #tpu.memory_space<vmem>> -> memref<128xi32, #tpu.memory_space<vmem>>
        %dma_start3A_376 = arith.constant 0 : i32
        %dma_start3A_377 = arith.constant 0 : i32
        %dma_start3A_378 = tpu.memref_slice %arg18[%dma_start3A_376, %dma_start3A_377] : memref<10240x128xf32, #tpu.memory_space<vmem_shared>> -> memref<10240x128xf32, #tpu.memory_space<vmem_shared>>
        tpu.enqueue_indirect_dma source(%arg11 : memref<128x128xf32, #tpu.memory_space<vmem>>) target(%dma_start3A_378 : memref<10240x128xf32, #tpu.memory_space<vmem_shared>>) offsets(%dma_start3A_375 : memref<128xi32, #tpu.memory_space<vmem>>) semaphore(%run_scoped3A_372 : memref<!tpu.dma_semaphore, #tpu.memory_space<semaphore_mem>>) {add = true}
        %dma_wait3A_379 = arith.constant 0 : i32
        %dma_wait3A_380 = tpu.memref_slice %arg9[%run_scoped3A, %dma_wait3A_379] : memref<8x128xi32, #tpu.memory_space<vmem>> -> memref<1x128xi32, #tpu.memory_space<vmem>>
        %dma_wait3A_381 = tpu.memref_squeeze %dma_wait3A_380 : memref<1x128xi32, #tpu.memory_space<vmem>> -> memref<128xi32, #tpu.memory_space<vmem>>
        %dma_wait3A_382 = arith.constant 0 : i32
        %dma_wait3A_383 = arith.constant 0 : i32
        %dma_wait3A_384 = tpu.memref_slice %arg18[%dma_wait3A_382, %dma_wait3A_383] : memref<10240x128xf32, #tpu.memory_space<vmem_shared>> -> memref<10240x128xf32, #tpu.memory_space<vmem_shared>>
        tpu.wait_indirect_dma semaphore(%run_scoped3A_372 : memref<!tpu.dma_semaphore, #tpu.memory_space<semaphore_mem>>) src(%arg11 : memref<128x128xf32, #tpu.memory_space<vmem>>) dst(%dma_wait3A_384 : memref<10240x128xf32, #tpu.memory_space<vmem_shared>>)
        tpu.yield
      }) : () -> ()
      %dma_start3A_111 = arith.constant 2 : i32
      %dma_start3A_112 = arith.constant 0 : i32
      %dma_start3A_113 = tpu.memref_slice %arg7[%dma_start3A_111, %dma_start3A_112] : memref<8x128xi32, #tpu.memory_space<vmem>> -> memref<1x128xi32, #tpu.memory_space<vmem>>
      %dma_start3A_114 = tpu.memref_squeeze %dma_start3A_113 : memref<1x128xi32, #tpu.memory_space<vmem>> -> memref<128xi32, #tpu.memory_space<vmem>>
      %dma_start3A_115 = arith.constant 0 : i32
      %dma_start3A_116 = arith.constant 0 : i32
      %dma_start3A_117 = tpu.memref_slice %arg2[%dma_start3A_115, %dma_start3A_116] : memref<10000x128xf32, #tpu.memory_space<hbm>> -> memref<10000x128xf32, #tpu.memory_space<hbm>>
      tpu.enqueue_indirect_dma source(%dma_start3A_117 : memref<10000x128xf32, #tpu.memory_space<hbm>>) target(%arg11 : memref<128x128xf32, #tpu.memory_space<vmem>>) offsets(%dma_start3A_114 : memref<128xi32, #tpu.memory_space<vmem>>) semaphore(%arg15 : memref<!tpu.dma_semaphore, #tpu.memory_space<semaphore_mem>>)
      %dma_wait3A_118 = arith.constant 1 : i32
      %dma_wait3A_119 = arith.constant 0 : i32
      %dma_wait3A_120 = tpu.memref_slice %arg7[%dma_wait3A_118, %dma_wait3A_119] : memref<8x128xi32, #tpu.memory_space<vmem>> -> memref<1x128xi32, #tpu.memory_space<vmem>>
      %dma_wait3A_121 = tpu.memref_squeeze %dma_wait3A_120 : memref<1x128xi32, #tpu.memory_space<vmem>> -> memref<128xi32, #tpu.memory_space<vmem>>
      %dma_wait3A_122 = arith.constant 0 : i32
      %dma_wait3A_123 = arith.constant 0 : i32
      %dma_wait3A_124 = tpu.memref_slice %arg2[%dma_wait3A_122, %dma_wait3A_123] : memref<10000x128xf32, #tpu.memory_space<hbm>> -> memref<10000x128xf32, #tpu.memory_space<hbm>>
      tpu.wait_indirect_dma semaphore(%arg16 : memref<!tpu.dma_semaphore, #tpu.memory_space<semaphore_mem>>) src(%dma_wait3A_124 : memref<10000x128xf32, #tpu.memory_space<hbm>>) dst(%arg12 : memref<128x128xf32, #tpu.memory_space<vmem>>)
      %run_scoped3A_125 = arith.constant 1 : i32
      "tpu.region"() ({
        %run_scoped3A_372 = tpu.sem_alloc : memref<!tpu.dma_semaphore, #tpu.memory_space<semaphore_mem>>
        %dma_start3A_373 = arith.constant 0 : i32
        %dma_start3A_374 = tpu.memref_slice %arg9[%run_scoped3A_125, %dma_start3A_373] : memref<8x128xi32, #tpu.memory_space<vmem>> -> memref<1x128xi32, #tpu.memory_space<vmem>>
        %dma_start3A_375 = tpu.memref_squeeze %dma_start3A_374 : memref<1x128xi32, #tpu.memory_space<vmem>> -> memref<128xi32, #tpu.memory_space<vmem>>
        %dma_start3A_376 = arith.constant 0 : i32
        %dma_start3A_377 = arith.constant 0 : i32
        %dma_start3A_378 = tpu.memref_slice %arg18[%dma_start3A_376, %dma_start3A_377] : memref<10240x128xf32, #tpu.memory_space<vmem_shared>> -> memref<10240x128xf32, #tpu.memory_space<vmem_shared>>
        tpu.enqueue_indirect_dma source(%arg12 : memref<128x128xf32, #tpu.memory_space<vmem>>) target(%dma_start3A_378 : memref<10240x128xf32, #tpu.memory_space<vmem_shared>>) offsets(%dma_start3A_375 : memref<128xi32, #tpu.memory_space<vmem>>) semaphore(%run_scoped3A_372 : memref<!tpu.dma_semaphore, #tpu.memory_space<semaphore_mem>>) {add = true}
        %dma_wait3A_379 = arith.constant 0 : i32
        %dma_wait3A_380 = tpu.memref_slice %arg9[%run_scoped3A_125, %dma_wait3A_379] : memref<8x128xi32, #tpu.memory_space<vmem>> -> memref<1x128xi32, #tpu.memory_space<vmem>>
        %dma_wait3A_381 = tpu.memref_squeeze %dma_wait3A_380 : memref<1x128xi32, #tpu.memory_space<vmem>> -> memref<128xi32, #tpu.memory_space<vmem>>
        %dma_wait3A_382 = arith.constant 0 : i32
        %dma_wait3A_383 = arith.constant 0 : i32
        %dma_wait3A_384 = tpu.memref_slice %arg18[%dma_wait3A_382, %dma_wait3A_383] : memref<10240x128xf32, #tpu.memory_space<vmem_shared>> -> memref<10240x128xf32, #tpu.memory_space<vmem_shared>>
        tpu.wait_indirect_dma semaphore(%run_scoped3A_372 : memref<!tpu.dma_semaphore, #tpu.memory_space<semaphore_mem>>) src(%arg12 : memref<128x128xf32, #tpu.memory_space<vmem>>) dst(%dma_wait3A_384 : memref<10240x128xf32, #tpu.memory_space<vmem_shared>>)
        tpu.yield
      }) : () -> ()
      %dma_start3A_126 = arith.constant 3 : i32
      %dma_start3A_127 = arith.constant 0 : i32
      %dma_start3A_128 = tpu.memref_slice %arg7[%dma_start3A_126, %dma_start3A_127] : memref<8x128xi32, #tpu.memory_space<vmem>> -> memref<1x128xi32, #tpu.memory_space<vmem>>
      %dma_start3A_129 = tpu.memref_squeeze %dma_start3A_128 : memref<1x128xi32, #tpu.memory_space<vmem>> -> memref<128xi32, #tpu.memory_space<vmem>>
      %dma_start3A_130 = arith.constant 0 : i32
      %dma_start3A_131 = arith.constant 0 : i32
      %dma_start3A_132 = tpu.memref_slice %arg2[%dma_start3A_130, %dma_start3A_131] : memref<10000x128xf32, #tpu.memory_space<hbm>> -> memref<10000x128xf32, #tpu.memory_space<hbm>>
      tpu.enqueue_indirect_dma source(%dma_start3A_132 : memref<10000x128xf32, #tpu.memory_space<hbm>>) target(%arg12 : memref<128x128xf32, #tpu.memory_space<vmem>>) offsets(%dma_start3A_129 : memref<128xi32, #tpu.memory_space<vmem>>) semaphore(%arg16 : memref<!tpu.dma_semaphore, #tpu.memory_space<semaphore_mem>>)
      %dma_wait3A_133 = arith.constant 2 : i32
      %dma_wait3A_134 = arith.constant 0 : i32
      %dma_wait3A_135 = tpu.memref_slice %arg7[%dma_wait3A_133, %dma_wait3A_134] : memref<8x128xi32, #tpu.memory_space<vmem>> -> memref<1x128xi32, #tpu.memory_space<vmem>>
      %dma_wait3A_136 = tpu.memref_squeeze %dma_wait3A_135 : memref<1x128xi32, #tpu.memory_space<vmem>> -> memref<128xi32, #tpu.memory_space<vmem>>
      %dma_wait3A_137 = arith.constant 0 : i32
      %dma_wait3A_138 = arith.constant 0 : i32
      %dma_wait3A_139 = tpu.memref_slice %arg2[%dma_wait3A_137, %dma_wait3A_138] : memref<10000x128xf32, #tpu.memory_space<hbm>> -> memref<10000x128xf32, #tpu.memory_space<hbm>>
      tpu.wait_indirect_dma semaphore(%arg15 : memref<!tpu.dma_semaphore, #tpu.memory_space<semaphore_mem>>) src(%dma_wait3A_139 : memref<10000x128xf32, #tpu.memory_space<hbm>>) dst(%arg11 : memref<128x128xf32, #tpu.memory_space<vmem>>)
      %run_scoped3A_140 = arith.constant 2 : i32
      "tpu.region"() ({
        %run_scoped3A_372 = tpu.sem_alloc : memref<!tpu.dma_semaphore, #tpu.memory_space<semaphore_mem>>
        %dma_start3A_373 = arith.constant 0 : i32
        %dma_start3A_374 = tpu.memref_slice %arg9[%run_scoped3A_140, %dma_start3A_373] : memref<8x128xi32, #tpu.memory_space<vmem>> -> memref<1x128xi32, #tpu.memory_space<vmem>>
        %dma_start3A_375 = tpu.memref_squeeze %dma_start3A_374 : memref<1x128xi32, #tpu.memory_space<vmem>> -> memref<128xi32, #tpu.memory_space<vmem>>
        %dma_start3A_376 = arith.constant 0 : i32
        %dma_start3A_377 = arith.constant 0 : i32
        %dma_start3A_378 = tpu.memref_slice %arg18[%dma_start3A_376, %dma_start3A_377] : memref<10240x128xf32, #tpu.memory_space<vmem_shared>> -> memref<10240x128xf32, #tpu.memory_space<vmem_shared>>
        tpu.enqueue_indirect_dma source(%arg11 : memref<128x128xf32, #tpu.memory_space<vmem>>) target(%dma_start3A_378 : memref<10240x128xf32, #tpu.memory_space<vmem_shared>>) offsets(%dma_start3A_375 : memref<128xi32, #tpu.memory_space<vmem>>) semaphore(%run_scoped3A_372 : memref<!tpu.dma_semaphore, #tpu.memory_space<semaphore_mem>>) {add = true}
        %dma_wait3A_379 = arith.constant 0 : i32
        %dma_wait3A_380 = tpu.memref_slice %arg9[%run_scoped3A_140, %dma_wait3A_379] : memref<8x128xi32, #tpu.memory_space<vmem>> -> memref<1x128xi32, #tpu.memory_space<vmem>>
        %dma_wait3A_381 = tpu.memref_squeeze %dma_wait3A_380 : memref<1x128xi32, #tpu.memory_space<vmem>> -> memref<128xi32, #tpu.memory_space<vmem>>
        %dma_wait3A_382 = arith.constant 0 : i32
        %dma_wait3A_383 = arith.constant 0 : i32
        %dma_wait3A_384 = tpu.memref_slice %arg18[%dma_wait3A_382, %dma_wait3A_383] : memref<10240x128xf32, #tpu.memory_space<vmem_shared>> -> memref<10240x128xf32, #tpu.memory_space<vmem_shared>>
        tpu.wait_indirect_dma semaphore(%run_scoped3A_372 : memref<!tpu.dma_semaphore, #tpu.memory_space<semaphore_mem>>) src(%arg11 : memref<128x128xf32, #tpu.memory_space<vmem>>) dst(%dma_wait3A_384 : memref<10240x128xf32, #tpu.memory_space<vmem_shared>>)
        tpu.yield
      }) : () -> ()
      %dma_start3A_141 = arith.constant 4 : i32
      %dma_start3A_142 = arith.constant 0 : i32
      %dma_start3A_143 = tpu.memref_slice %arg7[%dma_start3A_141, %dma_start3A_142] : memref<8x128xi32, #tpu.memory_space<vmem>> -> memref<1x128xi32, #tpu.memory_space<vmem>>
      %dma_start3A_144 = tpu.memref_squeeze %dma_start3A_143 : memref<1x128xi32, #tpu.memory_space<vmem>> -> memref<128xi32, #tpu.memory_space<vmem>>
      %dma_start3A_145 = arith.constant 0 : i32
      %dma_start3A_146 = arith.constant 0 : i32
      %dma_start3A_147 = tpu.memref_slice %arg2[%dma_start3A_145, %dma_start3A_146] : memref<10000x128xf32, #tpu.memory_space<hbm>> -> memref<10000x128xf32, #tpu.memory_space<hbm>>
      tpu.enqueue_indirect_dma source(%dma_start3A_147 : memref<10000x128xf32, #tpu.memory_space<hbm>>) target(%arg11 : memref<128x128xf32, #tpu.memory_space<vmem>>) offsets(%dma_start3A_144 : memref<128xi32, #tpu.memory_space<vmem>>) semaphore(%arg15 : memref<!tpu.dma_semaphore, #tpu.memory_space<semaphore_mem>>)
      %dma_wait3A_148 = arith.constant 3 : i32
      %dma_wait3A_149 = arith.constant 0 : i32
      %dma_wait3A_150 = tpu.memref_slice %arg7[%dma_wait3A_148, %dma_wait3A_149] : memref<8x128xi32, #tpu.memory_space<vmem>> -> memref<1x128xi32, #tpu.memory_space<vmem>>
      %dma_wait3A_151 = tpu.memref_squeeze %dma_wait3A_150 : memref<1x128xi32, #tpu.memory_space<vmem>> -> memref<128xi32, #tpu.memory_space<vmem>>
      %dma_wait3A_152 = arith.constant 0 : i32
      %dma_wait3A_153 = arith.constant 0 : i32
      %dma_wait3A_154 = tpu.memref_slice %arg2[%dma_wait3A_152, %dma_wait3A_153] : memref<10000x128xf32, #tpu.memory_space<hbm>> -> memref<10000x128xf32, #tpu.memory_space<hbm>>
      tpu.wait_indirect_dma semaphore(%arg16 : memref<!tpu.dma_semaphore, #tpu.memory_space<semaphore_mem>>) src(%dma_wait3A_154 : memref<10000x128xf32, #tpu.memory_space<hbm>>) dst(%arg12 : memref<128x128xf32, #tpu.memory_space<vmem>>)
      %run_scoped3A_155 = arith.constant 3 : i32
      "tpu.region"() ({
        %run_scoped3A_372 = tpu.sem_alloc : memref<!tpu.dma_semaphore, #tpu.memory_space<semaphore_mem>>
        %dma_start3A_373 = arith.constant 0 : i32
        %dma_start3A_374 = tpu.memref_slice %arg9[%run_scoped3A_155, %dma_start3A_373] : memref<8x128xi32, #tpu.memory_space<vmem>> -> memref<1x128xi32, #tpu.memory_space<vmem>>
        %dma_start3A_375 = tpu.memref_squeeze %dma_start3A_374 : memref<1x128xi32, #tpu.memory_space<vmem>> -> memref<128xi32, #tpu.memory_space<vmem>>
        %dma_start3A_376 = arith.constant 0 : i32
        %dma_start3A_377 = arith.constant 0 : i32
        %dma_start3A_378 = tpu.memref_slice %arg18[%dma_start3A_376, %dma_start3A_377] : memref<10240x128xf32, #tpu.memory_space<vmem_shared>> -> memref<10240x128xf32, #tpu.memory_space<vmem_shared>>
        tpu.enqueue_indirect_dma source(%arg12 : memref<128x128xf32, #tpu.memory_space<vmem>>) target(%dma_start3A_378 : memref<10240x128xf32, #tpu.memory_space<vmem_shared>>) offsets(%dma_start3A_375 : memref<128xi32, #tpu.memory_space<vmem>>) semaphore(%run_scoped3A_372 : memref<!tpu.dma_semaphore, #tpu.memory_space<semaphore_mem>>) {add = true}
        %dma_wait3A_379 = arith.constant 0 : i32
        %dma_wait3A_380 = tpu.memref_slice %arg9[%run_scoped3A_155, %dma_wait3A_379] : memref<8x128xi32, #tpu.memory_space<vmem>> -> memref<1x128xi32, #tpu.memory_space<vmem>>
        %dma_wait3A_381 = tpu.memref_squeeze %dma_wait3A_380 : memref<1x128xi32, #tpu.memory_space<vmem>> -> memref<128xi32, #tpu.memory_space<vmem>>
        %dma_wait3A_382 = arith.constant 0 : i32
        %dma_wait3A_383 = arith.constant 0 : i32
        %dma_wait3A_384 = tpu.memref_slice %arg18[%dma_wait3A_382, %dma_wait3A_383] : memref<10240x128xf32, #tpu.memory_space<vmem_shared>> -> memref<10240x128xf32, #tpu.memory_space<vmem_shared>>
        tpu.wait_indirect_dma semaphore(%run_scoped3A_372 : memref<!tpu.dma_semaphore, #tpu.memory_space<semaphore_mem>>) src(%arg12 : memref<128x128xf32, #tpu.memory_space<vmem>>) dst(%dma_wait3A_384 : memref<10240x128xf32, #tpu.memory_space<vmem_shared>>)
        tpu.yield
      }) : () -> ()
      %dma_start3A_156 = arith.constant 5 : i32
      %dma_start3A_157 = arith.constant 0 : i32
      %dma_start3A_158 = tpu.memref_slice %arg7[%dma_start3A_156, %dma_start3A_157] : memref<8x128xi32, #tpu.memory_space<vmem>> -> memref<1x128xi32, #tpu.memory_space<vmem>>
      %dma_start3A_159 = tpu.memref_squeeze %dma_start3A_158 : memref<1x128xi32, #tpu.memory_space<vmem>> -> memref<128xi32, #tpu.memory_space<vmem>>
      %dma_start3A_160 = arith.constant 0 : i32
      %dma_start3A_161 = arith.constant 0 : i32
      %dma_start3A_162 = tpu.memref_slice %arg2[%dma_start3A_160, %dma_start3A_161] : memref<10000x128xf32, #tpu.memory_space<hbm>> -> memref<10000x128xf32, #tpu.memory_space<hbm>>
      tpu.enqueue_indirect_dma source(%dma_start3A_162 : memref<10000x128xf32, #tpu.memory_space<hbm>>) target(%arg12 : memref<128x128xf32, #tpu.memory_space<vmem>>) offsets(%dma_start3A_159 : memref<128xi32, #tpu.memory_space<vmem>>) semaphore(%arg16 : memref<!tpu.dma_semaphore, #tpu.memory_space<semaphore_mem>>)
      %dma_wait3A_163 = arith.constant 4 : i32
      %dma_wait3A_164 = arith.constant 0 : i32
      %dma_wait3A_165 = tpu.memref_slice %arg7[%dma_wait3A_163, %dma_wait3A_164] : memref<8x128xi32, #tpu.memory_space<vmem>> -> memref<1x128xi32, #tpu.memory_space<vmem>>
      %dma_wait3A_166 = tpu.memref_squeeze %dma_wait3A_165 : memref<1x128xi32, #tpu.memory_space<vmem>> -> memref<128xi32, #tpu.memory_space<vmem>>
      %dma_wait3A_167 = arith.constant 0 : i32
      %dma_wait3A_168 = arith.constant 0 : i32
      %dma_wait3A_169 = tpu.memref_slice %arg2[%dma_wait3A_167, %dma_wait3A_168] : memref<10000x128xf32, #tpu.memory_space<hbm>> -> memref<10000x128xf32, #tpu.memory_space<hbm>>
      tpu.wait_indirect_dma semaphore(%arg15 : memref<!tpu.dma_semaphore, #tpu.memory_space<semaphore_mem>>) src(%dma_wait3A_169 : memref<10000x128xf32, #tpu.memory_space<hbm>>) dst(%arg11 : memref<128x128xf32, #tpu.memory_space<vmem>>)
      %run_scoped3A_170 = arith.constant 4 : i32
      "tpu.region"() ({
        %run_scoped3A_372 = tpu.sem_alloc : memref<!tpu.dma_semaphore, #tpu.memory_space<semaphore_mem>>
        %dma_start3A_373 = arith.constant 0 : i32
        %dma_start3A_374 = tpu.memref_slice %arg9[%run_scoped3A_170, %dma_start3A_373] : memref<8x128xi32, #tpu.memory_space<vmem>> -> memref<1x128xi32, #tpu.memory_space<vmem>>
        %dma_start3A_375 = tpu.memref_squeeze %dma_start3A_374 : memref<1x128xi32, #tpu.memory_space<vmem>> -> memref<128xi32, #tpu.memory_space<vmem>>
        %dma_start3A_376 = arith.constant 0 : i32
        %dma_start3A_377 = arith.constant 0 : i32
        %dma_start3A_378 = tpu.memref_slice %arg18[%dma_start3A_376, %dma_start3A_377] : memref<10240x128xf32, #tpu.memory_space<vmem_shared>> -> memref<10240x128xf32, #tpu.memory_space<vmem_shared>>
        tpu.enqueue_indirect_dma source(%arg11 : memref<128x128xf32, #tpu.memory_space<vmem>>) target(%dma_start3A_378 : memref<10240x128xf32, #tpu.memory_space<vmem_shared>>) offsets(%dma_start3A_375 : memref<128xi32, #tpu.memory_space<vmem>>) semaphore(%run_scoped3A_372 : memref<!tpu.dma_semaphore, #tpu.memory_space<semaphore_mem>>) {add = true}
        %dma_wait3A_379 = arith.constant 0 : i32
        %dma_wait3A_380 = tpu.memref_slice %arg9[%run_scoped3A_170, %dma_wait3A_379] : memref<8x128xi32, #tpu.memory_space<vmem>> -> memref<1x128xi32, #tpu.memory_space<vmem>>
        %dma_wait3A_381 = tpu.memref_squeeze %dma_wait3A_380 : memref<1x128xi32, #tpu.memory_space<vmem>> -> memref<128xi32, #tpu.memory_space<vmem>>
        %dma_wait3A_382 = arith.constant 0 : i32
        %dma_wait3A_383 = arith.constant 0 : i32
        %dma_wait3A_384 = tpu.memref_slice %arg18[%dma_wait3A_382, %dma_wait3A_383] : memref<10240x128xf32, #tpu.memory_space<vmem_shared>> -> memref<10240x128xf32, #tpu.memory_space<vmem_shared>>
        tpu.wait_indirect_dma semaphore(%run_scoped3A_372 : memref<!tpu.dma_semaphore, #tpu.memory_space<semaphore_mem>>) src(%arg11 : memref<128x128xf32, #tpu.memory_space<vmem>>) dst(%dma_wait3A_384 : memref<10240x128xf32, #tpu.memory_space<vmem_shared>>)
        tpu.yield
      }) : () -> ()
      %dma_start3A_171 = arith.constant 6 : i32
      %dma_start3A_172 = arith.constant 0 : i32
      %dma_start3A_173 = tpu.memref_slice %arg7[%dma_start3A_171, %dma_start3A_172] : memref<8x128xi32, #tpu.memory_space<vmem>> -> memref<1x128xi32, #tpu.memory_space<vmem>>
      %dma_start3A_174 = tpu.memref_squeeze %dma_start3A_173 : memref<1x128xi32, #tpu.memory_space<vmem>> -> memref<128xi32, #tpu.memory_space<vmem>>
      %dma_start3A_175 = arith.constant 0 : i32
      %dma_start3A_176 = arith.constant 0 : i32
      %dma_start3A_177 = tpu.memref_slice %arg2[%dma_start3A_175, %dma_start3A_176] : memref<10000x128xf32, #tpu.memory_space<hbm>> -> memref<10000x128xf32, #tpu.memory_space<hbm>>
      tpu.enqueue_indirect_dma source(%dma_start3A_177 : memref<10000x128xf32, #tpu.memory_space<hbm>>) target(%arg11 : memref<128x128xf32, #tpu.memory_space<vmem>>) offsets(%dma_start3A_174 : memref<128xi32, #tpu.memory_space<vmem>>) semaphore(%arg15 : memref<!tpu.dma_semaphore, #tpu.memory_space<semaphore_mem>>)
      %dma_wait3A_178 = arith.constant 5 : i32
      %dma_wait3A_179 = arith.constant 0 : i32
      %dma_wait3A_180 = tpu.memref_slice %arg7[%dma_wait3A_178, %dma_wait3A_179] : memref<8x128xi32, #tpu.memory_space<vmem>> -> memref<1x128xi32, #tpu.memory_space<vmem>>
      %dma_wait3A_181 = tpu.memref_squeeze %dma_wait3A_180 : memref<1x128xi32, #tpu.memory_space<vmem>> -> memref<128xi32, #tpu.memory_space<vmem>>
      %dma_wait3A_182 = arith.constant 0 : i32
      %dma_wait3A_183 = arith.constant 0 : i32
      %dma_wait3A_184 = tpu.memref_slice %arg2[%dma_wait3A_182, %dma_wait3A_183] : memref<10000x128xf32, #tpu.memory_space<hbm>> -> memref<10000x128xf32, #tpu.memory_space<hbm>>
      tpu.wait_indirect_dma semaphore(%arg16 : memref<!tpu.dma_semaphore, #tpu.memory_space<semaphore_mem>>) src(%dma_wait3A_184 : memref<10000x128xf32, #tpu.memory_space<hbm>>) dst(%arg12 : memref<128x128xf32, #tpu.memory_space<vmem>>)
      %run_scoped3A_185 = arith.constant 5 : i32
      "tpu.region"() ({
        %run_scoped3A_372 = tpu.sem_alloc : memref<!tpu.dma_semaphore, #tpu.memory_space<semaphore_mem>>
        %dma_start3A_373 = arith.constant 0 : i32
        %dma_start3A_374 = tpu.memref_slice %arg9[%run_scoped3A_185, %dma_start3A_373] : memref<8x128xi32, #tpu.memory_space<vmem>> -> memref<1x128xi32, #tpu.memory_space<vmem>>
        %dma_start3A_375 = tpu.memref_squeeze %dma_start3A_374 : memref<1x128xi32, #tpu.memory_space<vmem>> -> memref<128xi32, #tpu.memory_space<vmem>>
        %dma_start3A_376 = arith.constant 0 : i32
        %dma_start3A_377 = arith.constant 0 : i32
        %dma_start3A_378 = tpu.memref_slice %arg18[%dma_start3A_376, %dma_start3A_377] : memref<10240x128xf32, #tpu.memory_space<vmem_shared>> -> memref<10240x128xf32, #tpu.memory_space<vmem_shared>>
        tpu.enqueue_indirect_dma source(%arg12 : memref<128x128xf32, #tpu.memory_space<vmem>>) target(%dma_start3A_378 : memref<10240x128xf32, #tpu.memory_space<vmem_shared>>) offsets(%dma_start3A_375 : memref<128xi32, #tpu.memory_space<vmem>>) semaphore(%run_scoped3A_372 : memref<!tpu.dma_semaphore, #tpu.memory_space<semaphore_mem>>) {add = true}
        %dma_wait3A_379 = arith.constant 0 : i32
        %dma_wait3A_380 = tpu.memref_slice %arg9[%run_scoped3A_185, %dma_wait3A_379] : memref<8x128xi32, #tpu.memory_space<vmem>> -> memref<1x128xi32, #tpu.memory_space<vmem>>
        %dma_wait3A_381 = tpu.memref_squeeze %dma_wait3A_380 : memref<1x128xi32, #tpu.memory_space<vmem>> -> memref<128xi32, #tpu.memory_space<vmem>>
        %dma_wait3A_382 = arith.constant 0 : i32
        %dma_wait3A_383 = arith.constant 0 : i32
        %dma_wait3A_384 = tpu.memref_slice %arg18[%dma_wait3A_382, %dma_wait3A_383] : memref<10240x128xf32, #tpu.memory_space<vmem_shared>> -> memref<10240x128xf32, #tpu.memory_space<vmem_shared>>
        tpu.wait_indirect_dma semaphore(%run_scoped3A_372 : memref<!tpu.dma_semaphore, #tpu.memory_space<semaphore_mem>>) src(%arg12 : memref<128x128xf32, #tpu.memory_space<vmem>>) dst(%dma_wait3A_384 : memref<10240x128xf32, #tpu.memory_space<vmem_shared>>)
        tpu.yield
      }) : () -> ()
      %dma_start3A_186 = arith.constant 7 : i32
      %dma_start3A_187 = arith.constant 0 : i32
      %dma_start3A_188 = tpu.memref_slice %arg7[%dma_start3A_186, %dma_start3A_187] : memref<8x128xi32, #tpu.memory_space<vmem>> -> memref<1x128xi32, #tpu.memory_space<vmem>>
      %dma_start3A_189 = tpu.memref_squeeze %dma_start3A_188 : memref<1x128xi32, #tpu.memory_space<vmem>> -> memref<128xi32, #tpu.memory_space<vmem>>
      %dma_start3A_190 = arith.constant 0 : i32
      %dma_start3A_191 = arith.constant 0 : i32
      %dma_start3A_192 = tpu.memref_slice %arg2[%dma_start3A_190, %dma_start3A_191] : memref<10000x128xf32, #tpu.memory_space<hbm>> -> memref<10000x128xf32, #tpu.memory_space<hbm>>
      tpu.enqueue_indirect_dma source(%dma_start3A_192 : memref<10000x128xf32, #tpu.memory_space<hbm>>) target(%arg12 : memref<128x128xf32, #tpu.memory_space<vmem>>) offsets(%dma_start3A_189 : memref<128xi32, #tpu.memory_space<vmem>>) semaphore(%arg16 : memref<!tpu.dma_semaphore, #tpu.memory_space<semaphore_mem>>)
      %dma_wait3A_193 = arith.constant 6 : i32
      %dma_wait3A_194 = arith.constant 0 : i32
      %dma_wait3A_195 = tpu.memref_slice %arg7[%dma_wait3A_193, %dma_wait3A_194] : memref<8x128xi32, #tpu.memory_space<vmem>> -> memref<1x128xi32, #tpu.memory_space<vmem>>
      %dma_wait3A_196 = tpu.memref_squeeze %dma_wait3A_195 : memref<1x128xi32, #tpu.memory_space<vmem>> -> memref<128xi32, #tpu.memory_space<vmem>>
      %dma_wait3A_197 = arith.constant 0 : i32
      %dma_wait3A_198 = arith.constant 0 : i32
      %dma_wait3A_199 = tpu.memref_slice %arg2[%dma_wait3A_197, %dma_wait3A_198] : memref<10000x128xf32, #tpu.memory_space<hbm>> -> memref<10000x128xf32, #tpu.memory_space<hbm>>
      tpu.wait_indirect_dma semaphore(%arg15 : memref<!tpu.dma_semaphore, #tpu.memory_space<semaphore_mem>>) src(%dma_wait3A_199 : memref<10000x128xf32, #tpu.memory_space<hbm>>) dst(%arg11 : memref<128x128xf32, #tpu.memory_space<vmem>>)
      %run_scoped3A_200 = arith.constant 6 : i32
      "tpu.region"() ({
        %run_scoped3A_372 = tpu.sem_alloc : memref<!tpu.dma_semaphore, #tpu.memory_space<semaphore_mem>>
        %dma_start3A_373 = arith.constant 0 : i32
        %dma_start3A_374 = tpu.memref_slice %arg9[%run_scoped3A_200, %dma_start3A_373] : memref<8x128xi32, #tpu.memory_space<vmem>> -> memref<1x128xi32, #tpu.memory_space<vmem>>
        %dma_start3A_375 = tpu.memref_squeeze %dma_start3A_374 : memref<1x128xi32, #tpu.memory_space<vmem>> -> memref<128xi32, #tpu.memory_space<vmem>>
        %dma_start3A_376 = arith.constant 0 : i32
        %dma_start3A_377 = arith.constant 0 : i32
        %dma_start3A_378 = tpu.memref_slice %arg18[%dma_start3A_376, %dma_start3A_377] : memref<10240x128xf32, #tpu.memory_space<vmem_shared>> -> memref<10240x128xf32, #tpu.memory_space<vmem_shared>>
        tpu.enqueue_indirect_dma source(%arg11 : memref<128x128xf32, #tpu.memory_space<vmem>>) target(%dma_start3A_378 : memref<10240x128xf32, #tpu.memory_space<vmem_shared>>) offsets(%dma_start3A_375 : memref<128xi32, #tpu.memory_space<vmem>>) semaphore(%run_scoped3A_372 : memref<!tpu.dma_semaphore, #tpu.memory_space<semaphore_mem>>) {add = true}
        %dma_wait3A_379 = arith.constant 0 : i32
        %dma_wait3A_380 = tpu.memref_slice %arg9[%run_scoped3A_200, %dma_wait3A_379] : memref<8x128xi32, #tpu.memory_space<vmem>> -> memref<1x128xi32, #tpu.memory_space<vmem>>
        %dma_wait3A_381 = tpu.memref_squeeze %dma_wait3A_380 : memref<1x128xi32, #tpu.memory_space<vmem>> -> memref<128xi32, #tpu.memory_space<vmem>>
        %dma_wait3A_382 = arith.constant 0 : i32
        %dma_wait3A_383 = arith.constant 0 : i32
        %dma_wait3A_384 = tpu.memref_slice %arg18[%dma_wait3A_382, %dma_wait3A_383] : memref<10240x128xf32, #tpu.memory_space<vmem_shared>> -> memref<10240x128xf32, #tpu.memory_space<vmem_shared>>
        tpu.wait_indirect_dma semaphore(%run_scoped3A_372 : memref<!tpu.dma_semaphore, #tpu.memory_space<semaphore_mem>>) src(%arg11 : memref<128x128xf32, #tpu.memory_space<vmem>>) dst(%dma_wait3A_384 : memref<10240x128xf32, #tpu.memory_space<vmem_shared>>)
        tpu.yield
      }) : () -> ()
      %add3A_201 = arith.constant 1 : i32
      %add3A_202 = arith.addi %add3A_103, %add3A_201 : i32
      %lt3A = arith.constant 10 : i32
      %lt3A_203 = arith.cmpi slt, %add3A_202, %lt3A : i32
      %convert_element_type3A = arith.extui %lt3A_203 : i1 to i32
      %cond3A = arith.constant 0 : i32
      %cond3A_204 = arith.cmpi ne, %convert_element_type3A, %cond3A : i32
      scf.if %cond3A_204 {
        %add3A_372 = arith.constant 1 : i32
        %add3A_373 = arith.addi %add3A_103, %add3A_372 : i32
        %mul3A_374 = arith.constant 8 : i32
        %mul3A_375 = arith.muli %add3A_373, %mul3A_374 : i32
        %dma_wait3A_376 = arith.constant 0 : i32
        %dma_wait3A_377 = tpu.memref_slice %arg3[%add3A, %mul3A_375, %dma_wait3A_376] : memref<32x80x128xi32, #tpu.memory_space<hbm>> -> memref<1x8x128xi32, #tpu.memory_space<hbm>>
        %dma_wait3A_378 = tpu.memref_squeeze %dma_wait3A_377 : memref<1x8x128xi32, #tpu.memory_space<hbm>> -> memref<8x128xi32, #tpu.memory_space<hbm>>
        %dma_wait3A_379 = arith.constant 0 : i32
        %dma_wait3A_380 = tpu.memref_slice %arg3[%add3A, %mul3A_375, %dma_wait3A_379] : memref<32x80x128xi32, #tpu.memory_space<hbm>> -> memref<1x8x128xi32, #tpu.memory_space<hbm>>
        %dma_wait3A_381 = tpu.memref_squeeze %dma_wait3A_380 : memref<1x8x128xi32, #tpu.memory_space<hbm>> -> memref<8x128xi32, #tpu.memory_space<hbm>>
        tpu.wait_dma2 semaphore(%arg13 : memref<!tpu.dma_semaphore, #tpu.memory_space<semaphore_mem>>) src(%dma_wait3A_381 : memref<8x128xi32, #tpu.memory_space<hbm>>) dst(%arg8 : memref<8x128xi32, #tpu.memory_space<vmem>>)
        %add3A_382 = arith.constant 1 : i32
        %add3A_383 = arith.addi %add3A_103, %add3A_382 : i32
        %mul3A_384 = arith.constant 8 : i32
        %mul3A_385 = arith.muli %add3A_383, %mul3A_384 : i32
        %dma_wait3A_386 = arith.constant 0 : i32
        %dma_wait3A_387 = tpu.memref_slice %arg4[%add3A, %mul3A_385, %dma_wait3A_386] : memref<32x80x128xi32, #tpu.memory_space<hbm>> -> memref<1x8x128xi32, #tpu.memory_space<hbm>>
        %dma_wait3A_388 = tpu.memref_squeeze %dma_wait3A_387 : memref<1x8x128xi32, #tpu.memory_space<hbm>> -> memref<8x128xi32, #tpu.memory_space<hbm>>
        %dma_wait3A_389 = arith.constant 0 : i32
        %dma_wait3A_390 = tpu.memref_slice %arg4[%add3A, %mul3A_385, %dma_wait3A_389] : memref<32x80x128xi32, #tpu.memory_space<hbm>> -> memref<1x8x128xi32, #tpu.memory_space<hbm>>
        %dma_wait3A_391 = tpu.memref_squeeze %dma_wait3A_390 : memref<1x8x128xi32, #tpu.memory_space<hbm>> -> memref<8x128xi32, #tpu.memory_space<hbm>>
        tpu.wait_dma2 semaphore(%arg14 : memref<!tpu.dma_semaphore, #tpu.memory_space<semaphore_mem>>) src(%dma_wait3A_391 : memref<8x128xi32, #tpu.memory_space<hbm>>) dst(%arg10 : memref<8x128xi32, #tpu.memory_space<vmem>>)
      } else {
      }
      %add3A_205 = arith.constant 1 : i32
      %add3A_206 = arith.addi %add3A_103, %add3A_205 : i32
      %lt3A_207 = arith.constant 10 : i32
      %lt3A_208 = arith.cmpi slt, %add3A_206, %lt3A_207 : i32
      %convert_element_type3A_209 = arith.extui %lt3A_208 : i1 to i32
      %cond3A_210 = arith.constant 0 : i32
      %cond3A_211 = arith.cmpi ne, %convert_element_type3A_209, %cond3A_210 : i32
      scf.if %cond3A_211 {
        %dma_start3A_372 = arith.constant 0 : i32
        %dma_start3A_373 = arith.constant 0 : i32
        %dma_start3A_374 = tpu.memref_slice %arg8[%dma_start3A_372, %dma_start3A_373] : memref<8x128xi32, #tpu.memory_space<vmem>> -> memref<1x128xi32, #tpu.memory_space<vmem>>
        %dma_start3A_375 = tpu.memref_squeeze %dma_start3A_374 : memref<1x128xi32, #tpu.memory_space<vmem>> -> memref<128xi32, #tpu.memory_space<vmem>>
        %dma_start3A_376 = arith.constant 0 : i32
        %dma_start3A_377 = arith.constant 0 : i32
        %dma_start3A_378 = tpu.memref_slice %arg2[%dma_start3A_376, %dma_start3A_377] : memref<10000x128xf32, #tpu.memory_space<hbm>> -> memref<10000x128xf32, #tpu.memory_space<hbm>>
        tpu.enqueue_indirect_dma source(%dma_start3A_378 : memref<10000x128xf32, #tpu.memory_space<hbm>>) target(%arg11 : memref<128x128xf32, #tpu.memory_space<vmem>>) offsets(%dma_start3A_375 : memref<128xi32, #tpu.memory_space<vmem>>) semaphore(%arg15 : memref<!tpu.dma_semaphore, #tpu.memory_space<semaphore_mem>>)
      } else {
      }
      %dma_wait3A_212 = arith.constant 7 : i32
      %dma_wait3A_213 = arith.constant 0 : i32
      %dma_wait3A_214 = tpu.memref_slice %arg7[%dma_wait3A_212, %dma_wait3A_213] : memref<8x128xi32, #tpu.memory_space<vmem>> -> memref<1x128xi32, #tpu.memory_space<vmem>>
      %dma_wait3A_215 = tpu.memref_squeeze %dma_wait3A_214 : memref<1x128xi32, #tpu.memory_space<vmem>> -> memref<128xi32, #tpu.memory_space<vmem>>
      %dma_wait3A_216 = arith.constant 0 : i32
      %dma_wait3A_217 = arith.constant 0 : i32
      %dma_wait3A_218 = tpu.memref_slice %arg2[%dma_wait3A_216, %dma_wait3A_217] : memref<10000x128xf32, #tpu.memory_space<hbm>> -> memref<10000x128xf32, #tpu.memory_space<hbm>>
      tpu.wait_indirect_dma semaphore(%arg16 : memref<!tpu.dma_semaphore, #tpu.memory_space<semaphore_mem>>) src(%dma_wait3A_218 : memref<10000x128xf32, #tpu.memory_space<hbm>>) dst(%arg12 : memref<128x128xf32, #tpu.memory_space<vmem>>)
      %run_scoped3A_219 = arith.constant 7 : i32
      "tpu.region"() ({
        %run_scoped3A_372 = tpu.sem_alloc : memref<!tpu.dma_semaphore, #tpu.memory_space<semaphore_mem>>
        %dma_start3A_373 = arith.constant 0 : i32
        %dma_start3A_374 = tpu.memref_slice %arg9[%run_scoped3A_219, %dma_start3A_373] : memref<8x128xi32, #tpu.memory_space<vmem>> -> memref<1x128xi32, #tpu.memory_space<vmem>>
        %dma_start3A_375 = tpu.memref_squeeze %dma_start3A_374 : memref<1x128xi32, #tpu.memory_space<vmem>> -> memref<128xi32, #tpu.memory_space<vmem>>
        %dma_start3A_376 = arith.constant 0 : i32
        %dma_start3A_377 = arith.constant 0 : i32
        %dma_start3A_378 = tpu.memref_slice %arg18[%dma_start3A_376, %dma_start3A_377] : memref<10240x128xf32, #tpu.memory_space<vmem_shared>> -> memref<10240x128xf32, #tpu.memory_space<vmem_shared>>
        tpu.enqueue_indirect_dma source(%arg12 : memref<128x128xf32, #tpu.memory_space<vmem>>) target(%dma_start3A_378 : memref<10240x128xf32, #tpu.memory_space<vmem_shared>>) offsets(%dma_start3A_375 : memref<128xi32, #tpu.memory_space<vmem>>) semaphore(%run_scoped3A_372 : memref<!tpu.dma_semaphore, #tpu.memory_space<semaphore_mem>>) {add = true}
        %dma_wait3A_379 = arith.constant 0 : i32
        %dma_wait3A_380 = tpu.memref_slice %arg9[%run_scoped3A_219, %dma_wait3A_379] : memref<8x128xi32, #tpu.memory_space<vmem>> -> memref<1x128xi32, #tpu.memory_space<vmem>>
        %dma_wait3A_381 = tpu.memref_squeeze %dma_wait3A_380 : memref<1x128xi32, #tpu.memory_space<vmem>> -> memref<128xi32, #tpu.memory_space<vmem>>
        %dma_wait3A_382 = arith.constant 0 : i32
        %dma_wait3A_383 = arith.constant 0 : i32
        %dma_wait3A_384 = tpu.memref_slice %arg18[%dma_wait3A_382, %dma_wait3A_383] : memref<10240x128xf32, #tpu.memory_space<vmem_shared>> -> memref<10240x128xf32, #tpu.memory_space<vmem_shared>>
        tpu.wait_indirect_dma semaphore(%run_scoped3A_372 : memref<!tpu.dma_semaphore, #tpu.memory_space<semaphore_mem>>) src(%arg12 : memref<128x128xf32, #tpu.memory_space<vmem>>) dst(%dma_wait3A_384 : memref<10240x128xf32, #tpu.memory_space<vmem_shared>>)
        tpu.yield
      }) : () -> ()
      %add3A_220 = arith.constant 1 : i32
      %add3A_221 = arith.addi %add3A_103, %add3A_220 : i32
      %lt3A_222 = arith.constant 10 : i32
      %lt3A_223 = arith.cmpi slt, %add3A_221, %lt3A_222 : i32
      %convert_element_type3A_224 = arith.extui %lt3A_223 : i1 to i32
      %cond3A_225 = arith.constant 0 : i32
      %cond3A_226 = arith.cmpi ne, %convert_element_type3A_224, %cond3A_225 : i32
      scf.if %cond3A_226 {
        %dma_start3A_372 = arith.constant 1 : i32
        %dma_start3A_373 = arith.constant 0 : i32
        %dma_start3A_374 = tpu.memref_slice %arg8[%dma_start3A_372, %dma_start3A_373] : memref<8x128xi32, #tpu.memory_space<vmem>> -> memref<1x128xi32, #tpu.memory_space<vmem>>
        %dma_start3A_375 = tpu.memref_squeeze %dma_start3A_374 : memref<1x128xi32, #tpu.memory_space<vmem>> -> memref<128xi32, #tpu.memory_space<vmem>>
        %dma_start3A_376 = arith.constant 0 : i32
        %dma_start3A_377 = arith.constant 0 : i32
        %dma_start3A_378 = tpu.memref_slice %arg2[%dma_start3A_376, %dma_start3A_377] : memref<10000x128xf32, #tpu.memory_space<hbm>> -> memref<10000x128xf32, #tpu.memory_space<hbm>>
        tpu.enqueue_indirect_dma source(%dma_start3A_378 : memref<10000x128xf32, #tpu.memory_space<hbm>>) target(%arg12 : memref<128x128xf32, #tpu.memory_space<vmem>>) offsets(%dma_start3A_375 : memref<128xi32, #tpu.memory_space<vmem>>) semaphore(%arg16 : memref<!tpu.dma_semaphore, #tpu.memory_space<semaphore_mem>>)
      } else {
      }
      %add3A_227 = arith.constant 2 : i32
      %add3A_228 = arith.addi %add3A_103, %add3A_227 : i32
      %lt3A_229 = arith.constant 10 : i32
      %lt3A_230 = arith.cmpi slt, %add3A_228, %lt3A_229 : i32
      %convert_element_type3A_231 = arith.extui %lt3A_230 : i1 to i32
      %cond3A_232 = arith.constant 0 : i32
      %cond3A_233 = arith.cmpi ne, %convert_element_type3A_231, %cond3A_232 : i32
      scf.if %cond3A_233 {
        %add3A_372 = arith.constant 2 : i32
        %add3A_373 = arith.addi %add3A_103, %add3A_372 : i32
        %mul3A_374 = arith.constant 8 : i32
        %mul3A_375 = arith.muli %add3A_373, %mul3A_374 : i32
        %dma_start3A_376 = arith.constant 0 : i32
        %dma_start3A_377 = tpu.memref_slice %arg3[%add3A, %mul3A_375, %dma_start3A_376] : memref<32x80x128xi32, #tpu.memory_space<hbm>> -> memref<1x8x128xi32, #tpu.memory_space<hbm>>
        %dma_start3A_378 = tpu.memref_squeeze %dma_start3A_377 : memref<1x8x128xi32, #tpu.memory_space<hbm>> -> memref<8x128xi32, #tpu.memory_space<hbm>>
        %dma_start3A_379 = arith.constant 0 : i32
        %dma_start3A_380 = tpu.memref_slice %arg3[%add3A, %mul3A_375, %dma_start3A_379] : memref<32x80x128xi32, #tpu.memory_space<hbm>> -> memref<1x8x128xi32, #tpu.memory_space<hbm>>
        %dma_start3A_381 = tpu.memref_squeeze %dma_start3A_380 : memref<1x8x128xi32, #tpu.memory_space<hbm>> -> memref<8x128xi32, #tpu.memory_space<hbm>>
        tpu.enqueue_dma source(%dma_start3A_381 : memref<8x128xi32, #tpu.memory_space<hbm>>) target(%arg7 : memref<8x128xi32, #tpu.memory_space<vmem>>) target_semaphore(%arg13 : memref<!tpu.dma_semaphore, #tpu.memory_space<semaphore_mem>>)
        %add3A_382 = arith.constant 2 : i32
        %add3A_383 = arith.addi %add3A_103, %add3A_382 : i32
        %mul3A_384 = arith.constant 8 : i32
        %mul3A_385 = arith.muli %add3A_383, %mul3A_384 : i32
        %dma_start3A_386 = arith.constant 0 : i32
        %dma_start3A_387 = tpu.memref_slice %arg4[%add3A, %mul3A_385, %dma_start3A_386] : memref<32x80x128xi32, #tpu.memory_space<hbm>> -> memref<1x8x128xi32, #tpu.memory_space<hbm>>
        %dma_start3A_388 = tpu.memref_squeeze %dma_start3A_387 : memref<1x8x128xi32, #tpu.memory_space<hbm>> -> memref<8x128xi32, #tpu.memory_space<hbm>>
        %dma_start3A_389 = arith.constant 0 : i32
        %dma_start3A_390 = tpu.memref_slice %arg4[%add3A, %mul3A_385, %dma_start3A_389] : memref<32x80x128xi32, #tpu.memory_space<hbm>> -> memref<1x8x128xi32, #tpu.memory_space<hbm>>
        %dma_start3A_391 = tpu.memref_squeeze %dma_start3A_390 : memref<1x8x128xi32, #tpu.memory_space<hbm>> -> memref<8x128xi32, #tpu.memory_space<hbm>>
        tpu.enqueue_dma source(%dma_start3A_391 : memref<8x128xi32, #tpu.memory_space<hbm>>) target(%arg9 : memref<8x128xi32, #tpu.memory_space<vmem>>) target_semaphore(%arg14 : memref<!tpu.dma_semaphore, #tpu.memory_space<semaphore_mem>>)
      } else {
      }
      %mul3A_234 = arith.constant 2 : i32
      %mul3A_235 = arith.muli %scan3A_99, %mul3A_234 : i32
      %add3A_236 = arith.constant 1 : i32
      %add3A_237 = arith.addi %mul3A_235, %add3A_236 : i32
      %dma_wait3A_238 = arith.constant 0 : i32
      %dma_wait3A_239 = arith.constant 0 : i32
      %dma_wait3A_240 = tpu.memref_slice %arg8[%dma_wait3A_238, %dma_wait3A_239] : memref<8x128xi32, #tpu.memory_space<vmem>> -> memref<1x128xi32, #tpu.memory_space<vmem>>
      %dma_wait3A_241 = tpu.memref_squeeze %dma_wait3A_240 : memref<1x128xi32, #tpu.memory_space<vmem>> -> memref<128xi32, #tpu.memory_space<vmem>>
      %dma_wait3A_242 = arith.constant 0 : i32
      %dma_wait3A_243 = arith.constant 0 : i32
      %dma_wait3A_244 = tpu.memref_slice %arg2[%dma_wait3A_242, %dma_wait3A_243] : memref<10000x128xf32, #tpu.memory_space<hbm>> -> memref<10000x128xf32, #tpu.memory_space<hbm>>
      tpu.wait_indirect_dma semaphore(%arg15 : memref<!tpu.dma_semaphore, #tpu.memory_space<semaphore_mem>>) src(%dma_wait3A_244 : memref<10000x128xf32, #tpu.memory_space<hbm>>) dst(%arg11 : memref<128x128xf32, #tpu.memory_space<vmem>>)
      %run_scoped3A_245 = arith.constant 0 : i32
      "tpu.region"() ({
        %run_scoped3A_372 = tpu.sem_alloc : memref<!tpu.dma_semaphore, #tpu.memory_space<semaphore_mem>>
        %dma_start3A_373 = arith.constant 0 : i32
        %dma_start3A_374 = tpu.memref_slice %arg10[%run_scoped3A_245, %dma_start3A_373] : memref<8x128xi32, #tpu.memory_space<vmem>> -> memref<1x128xi32, #tpu.memory_space<vmem>>
        %dma_start3A_375 = tpu.memref_squeeze %dma_start3A_374 : memref<1x128xi32, #tpu.memory_space<vmem>> -> memref<128xi32, #tpu.memory_space<vmem>>
        %dma_start3A_376 = arith.constant 0 : i32
        %dma_start3A_377 = arith.constant 0 : i32
        %dma_start3A_378 = tpu.memref_slice %arg18[%dma_start3A_376, %dma_start3A_377] : memref<10240x128xf32, #tpu.memory_space<vmem_shared>> -> memref<10240x128xf32, #tpu.memory_space<vmem_shared>>
        tpu.enqueue_indirect_dma source(%arg11 : memref<128x128xf32, #tpu.memory_space<vmem>>) target(%dma_start3A_378 : memref<10240x128xf32, #tpu.memory_space<vmem_shared>>) offsets(%dma_start3A_375 : memref<128xi32, #tpu.memory_space<vmem>>) semaphore(%run_scoped3A_372 : memref<!tpu.dma_semaphore, #tpu.memory_space<semaphore_mem>>) {add = true}
        %dma_wait3A_379 = arith.constant 0 : i32
        %dma_wait3A_380 = tpu.memref_slice %arg10[%run_scoped3A_245, %dma_wait3A_379] : memref<8x128xi32, #tpu.memory_space<vmem>> -> memref<1x128xi32, #tpu.memory_space<vmem>>
        %dma_wait3A_381 = tpu.memref_squeeze %dma_wait3A_380 : memref<1x128xi32, #tpu.memory_space<vmem>> -> memref<128xi32, #tpu.memory_space<vmem>>
        %dma_wait3A_382 = arith.constant 0 : i32
        %dma_wait3A_383 = arith.constant 0 : i32
        %dma_wait3A_384 = tpu.memref_slice %arg18[%dma_wait3A_382, %dma_wait3A_383] : memref<10240x128xf32, #tpu.memory_space<vmem_shared>> -> memref<10240x128xf32, #tpu.memory_space<vmem_shared>>
        tpu.wait_indirect_dma semaphore(%run_scoped3A_372 : memref<!tpu.dma_semaphore, #tpu.memory_space<semaphore_mem>>) src(%arg11 : memref<128x128xf32, #tpu.memory_space<vmem>>) dst(%dma_wait3A_384 : memref<10240x128xf32, #tpu.memory_space<vmem_shared>>)
        tpu.yield
      }) : () -> ()
      %dma_start3A_246 = arith.constant 2 : i32
      %dma_start3A_247 = arith.constant 0 : i32
      %dma_start3A_248 = tpu.memref_slice %arg8[%dma_start3A_246, %dma_start3A_247] : memref<8x128xi32, #tpu.memory_space<vmem>> -> memref<1x128xi32, #tpu.memory_space<vmem>>
      %dma_start3A_249 = tpu.memref_squeeze %dma_start3A_248 : memref<1x128xi32, #tpu.memory_space<vmem>> -> memref<128xi32, #tpu.memory_space<vmem>>
      %dma_start3A_250 = arith.constant 0 : i32
      %dma_start3A_251 = arith.constant 0 : i32
      %dma_start3A_252 = tpu.memref_slice %arg2[%dma_start3A_250, %dma_start3A_251] : memref<10000x128xf32, #tpu.memory_space<hbm>> -> memref<10000x128xf32, #tpu.memory_space<hbm>>
      tpu.enqueue_indirect_dma source(%dma_start3A_252 : memref<10000x128xf32, #tpu.memory_space<hbm>>) target(%arg11 : memref<128x128xf32, #tpu.memory_space<vmem>>) offsets(%dma_start3A_249 : memref<128xi32, #tpu.memory_space<vmem>>) semaphore(%arg15 : memref<!tpu.dma_semaphore, #tpu.memory_space<semaphore_mem>>)
      %dma_wait3A_253 = arith.constant 1 : i32
      %dma_wait3A_254 = arith.constant 0 : i32
      %dma_wait3A_255 = tpu.memref_slice %arg8[%dma_wait3A_253, %dma_wait3A_254] : memref<8x128xi32, #tpu.memory_space<vmem>> -> memref<1x128xi32, #tpu.memory_space<vmem>>
      %dma_wait3A_256 = tpu.memref_squeeze %dma_wait3A_255 : memref<1x128xi32, #tpu.memory_space<vmem>> -> memref<128xi32, #tpu.memory_space<vmem>>
      %dma_wait3A_257 = arith.constant 0 : i32
      %dma_wait3A_258 = arith.constant 0 : i32
      %dma_wait3A_259 = tpu.memref_slice %arg2[%dma_wait3A_257, %dma_wait3A_258] : memref<10000x128xf32, #tpu.memory_space<hbm>> -> memref<10000x128xf32, #tpu.memory_space<hbm>>
      tpu.wait_indirect_dma semaphore(%arg16 : memref<!tpu.dma_semaphore, #tpu.memory_space<semaphore_mem>>) src(%dma_wait3A_259 : memref<10000x128xf32, #tpu.memory_space<hbm>>) dst(%arg12 : memref<128x128xf32, #tpu.memory_space<vmem>>)
      %run_scoped3A_260 = arith.constant 1 : i32
      "tpu.region"() ({
        %run_scoped3A_372 = tpu.sem_alloc : memref<!tpu.dma_semaphore, #tpu.memory_space<semaphore_mem>>
        %dma_start3A_373 = arith.constant 0 : i32
        %dma_start3A_374 = tpu.memref_slice %arg10[%run_scoped3A_260, %dma_start3A_373] : memref<8x128xi32, #tpu.memory_space<vmem>> -> memref<1x128xi32, #tpu.memory_space<vmem>>
        %dma_start3A_375 = tpu.memref_squeeze %dma_start3A_374 : memref<1x128xi32, #tpu.memory_space<vmem>> -> memref<128xi32, #tpu.memory_space<vmem>>
        %dma_start3A_376 = arith.constant 0 : i32
        %dma_start3A_377 = arith.constant 0 : i32
        %dma_start3A_378 = tpu.memref_slice %arg18[%dma_start3A_376, %dma_start3A_377] : memref<10240x128xf32, #tpu.memory_space<vmem_shared>> -> memref<10240x128xf32, #tpu.memory_space<vmem_shared>>
        tpu.enqueue_indirect_dma source(%arg12 : memref<128x128xf32, #tpu.memory_space<vmem>>) target(%dma_start3A_378 : memref<10240x128xf32, #tpu.memory_space<vmem_shared>>) offsets(%dma_start3A_375 : memref<128xi32, #tpu.memory_space<vmem>>) semaphore(%run_scoped3A_372 : memref<!tpu.dma_semaphore, #tpu.memory_space<semaphore_mem>>) {add = true}
        %dma_wait3A_379 = arith.constant 0 : i32
        %dma_wait3A_380 = tpu.memref_slice %arg10[%run_scoped3A_260, %dma_wait3A_379] : memref<8x128xi32, #tpu.memory_space<vmem>> -> memref<1x128xi32, #tpu.memory_space<vmem>>
        %dma_wait3A_381 = tpu.memref_squeeze %dma_wait3A_380 : memref<1x128xi32, #tpu.memory_space<vmem>> -> memref<128xi32, #tpu.memory_space<vmem>>
        %dma_wait3A_382 = arith.constant 0 : i32
        %dma_wait3A_383 = arith.constant 0 : i32
        %dma_wait3A_384 = tpu.memref_slice %arg18[%dma_wait3A_382, %dma_wait3A_383] : memref<10240x128xf32, #tpu.memory_space<vmem_shared>> -> memref<10240x128xf32, #tpu.memory_space<vmem_shared>>
        tpu.wait_indirect_dma semaphore(%run_scoped3A_372 : memref<!tpu.dma_semaphore, #tpu.memory_space<semaphore_mem>>) src(%arg12 : memref<128x128xf32, #tpu.memory_space<vmem>>) dst(%dma_wait3A_384 : memref<10240x128xf32, #tpu.memory_space<vmem_shared>>)
        tpu.yield
      }) : () -> ()
      %dma_start3A_261 = arith.constant 3 : i32
      %dma_start3A_262 = arith.constant 0 : i32
      %dma_start3A_263 = tpu.memref_slice %arg8[%dma_start3A_261, %dma_start3A_262] : memref<8x128xi32, #tpu.memory_space<vmem>> -> memref<1x128xi32, #tpu.memory_space<vmem>>
      %dma_start3A_264 = tpu.memref_squeeze %dma_start3A_263 : memref<1x128xi32, #tpu.memory_space<vmem>> -> memref<128xi32, #tpu.memory_space<vmem>>
      %dma_start3A_265 = arith.constant 0 : i32
      %dma_start3A_266 = arith.constant 0 : i32
      %dma_start3A_267 = tpu.memref_slice %arg2[%dma_start3A_265, %dma_start3A_266] : memref<10000x128xf32, #tpu.memory_space<hbm>> -> memref<10000x128xf32, #tpu.memory_space<hbm>>
      tpu.enqueue_indirect_dma source(%dma_start3A_267 : memref<10000x128xf32, #tpu.memory_space<hbm>>) target(%arg12 : memref<128x128xf32, #tpu.memory_space<vmem>>) offsets(%dma_start3A_264 : memref<128xi32, #tpu.memory_space<vmem>>) semaphore(%arg16 : memref<!tpu.dma_semaphore, #tpu.memory_space<semaphore_mem>>)
      %dma_wait3A_268 = arith.constant 2 : i32
      %dma_wait3A_269 = arith.constant 0 : i32
      %dma_wait3A_270 = tpu.memref_slice %arg8[%dma_wait3A_268, %dma_wait3A_269] : memref<8x128xi32, #tpu.memory_space<vmem>> -> memref<1x128xi32, #tpu.memory_space<vmem>>
      %dma_wait3A_271 = tpu.memref_squeeze %dma_wait3A_270 : memref<1x128xi32, #tpu.memory_space<vmem>> -> memref<128xi32, #tpu.memory_space<vmem>>
      %dma_wait3A_272 = arith.constant 0 : i32
      %dma_wait3A_273 = arith.constant 0 : i32
      %dma_wait3A_274 = tpu.memref_slice %arg2[%dma_wait3A_272, %dma_wait3A_273] : memref<10000x128xf32, #tpu.memory_space<hbm>> -> memref<10000x128xf32, #tpu.memory_space<hbm>>
      tpu.wait_indirect_dma semaphore(%arg15 : memref<!tpu.dma_semaphore, #tpu.memory_space<semaphore_mem>>) src(%dma_wait3A_274 : memref<10000x128xf32, #tpu.memory_space<hbm>>) dst(%arg11 : memref<128x128xf32, #tpu.memory_space<vmem>>)
      %run_scoped3A_275 = arith.constant 2 : i32
      "tpu.region"() ({
        %run_scoped3A_372 = tpu.sem_alloc : memref<!tpu.dma_semaphore, #tpu.memory_space<semaphore_mem>>
        %dma_start3A_373 = arith.constant 0 : i32
        %dma_start3A_374 = tpu.memref_slice %arg10[%run_scoped3A_275, %dma_start3A_373] : memref<8x128xi32, #tpu.memory_space<vmem>> -> memref<1x128xi32, #tpu.memory_space<vmem>>
        %dma_start3A_375 = tpu.memref_squeeze %dma_start3A_374 : memref<1x128xi32, #tpu.memory_space<vmem>> -> memref<128xi32, #tpu.memory_space<vmem>>
        %dma_start3A_376 = arith.constant 0 : i32
        %dma_start3A_377 = arith.constant 0 : i32
        %dma_start3A_378 = tpu.memref_slice %arg18[%dma_start3A_376, %dma_start3A_377] : memref<10240x128xf32, #tpu.memory_space<vmem_shared>> -> memref<10240x128xf32, #tpu.memory_space<vmem_shared>>
        tpu.enqueue_indirect_dma source(%arg11 : memref<128x128xf32, #tpu.memory_space<vmem>>) target(%dma_start3A_378 : memref<10240x128xf32, #tpu.memory_space<vmem_shared>>) offsets(%dma_start3A_375 : memref<128xi32, #tpu.memory_space<vmem>>) semaphore(%run_scoped3A_372 : memref<!tpu.dma_semaphore, #tpu.memory_space<semaphore_mem>>) {add = true}
        %dma_wait3A_379 = arith.constant 0 : i32
        %dma_wait3A_380 = tpu.memref_slice %arg10[%run_scoped3A_275, %dma_wait3A_379] : memref<8x128xi32, #tpu.memory_space<vmem>> -> memref<1x128xi32, #tpu.memory_space<vmem>>
        %dma_wait3A_381 = tpu.memref_squeeze %dma_wait3A_380 : memref<1x128xi32, #tpu.memory_space<vmem>> -> memref<128xi32, #tpu.memory_space<vmem>>
        %dma_wait3A_382 = arith.constant 0 : i32
        %dma_wait3A_383 = arith.constant 0 : i32
        %dma_wait3A_384 = tpu.memref_slice %arg18[%dma_wait3A_382, %dma_wait3A_383] : memref<10240x128xf32, #tpu.memory_space<vmem_shared>> -> memref<10240x128xf32, #tpu.memory_space<vmem_shared>>
        tpu.wait_indirect_dma semaphore(%run_scoped3A_372 : memref<!tpu.dma_semaphore, #tpu.memory_space<semaphore_mem>>) src(%arg11 : memref<128x128xf32, #tpu.memory_space<vmem>>) dst(%dma_wait3A_384 : memref<10240x128xf32, #tpu.memory_space<vmem_shared>>)
        tpu.yield
      }) : () -> ()
      %dma_start3A_276 = arith.constant 4 : i32
      %dma_start3A_277 = arith.constant 0 : i32
      %dma_start3A_278 = tpu.memref_slice %arg8[%dma_start3A_276, %dma_start3A_277] : memref<8x128xi32, #tpu.memory_space<vmem>> -> memref<1x128xi32, #tpu.memory_space<vmem>>
      %dma_start3A_279 = tpu.memref_squeeze %dma_start3A_278 : memref<1x128xi32, #tpu.memory_space<vmem>> -> memref<128xi32, #tpu.memory_space<vmem>>
      %dma_start3A_280 = arith.constant 0 : i32
      %dma_start3A_281 = arith.constant 0 : i32
      %dma_start3A_282 = tpu.memref_slice %arg2[%dma_start3A_280, %dma_start3A_281] : memref<10000x128xf32, #tpu.memory_space<hbm>> -> memref<10000x128xf32, #tpu.memory_space<hbm>>
      tpu.enqueue_indirect_dma source(%dma_start3A_282 : memref<10000x128xf32, #tpu.memory_space<hbm>>) target(%arg11 : memref<128x128xf32, #tpu.memory_space<vmem>>) offsets(%dma_start3A_279 : memref<128xi32, #tpu.memory_space<vmem>>) semaphore(%arg15 : memref<!tpu.dma_semaphore, #tpu.memory_space<semaphore_mem>>)
      %dma_wait3A_283 = arith.constant 3 : i32
      %dma_wait3A_284 = arith.constant 0 : i32
      %dma_wait3A_285 = tpu.memref_slice %arg8[%dma_wait3A_283, %dma_wait3A_284] : memref<8x128xi32, #tpu.memory_space<vmem>> -> memref<1x128xi32, #tpu.memory_space<vmem>>
      %dma_wait3A_286 = tpu.memref_squeeze %dma_wait3A_285 : memref<1x128xi32, #tpu.memory_space<vmem>> -> memref<128xi32, #tpu.memory_space<vmem>>
      %dma_wait3A_287 = arith.constant 0 : i32
      %dma_wait3A_288 = arith.constant 0 : i32
      %dma_wait3A_289 = tpu.memref_slice %arg2[%dma_wait3A_287, %dma_wait3A_288] : memref<10000x128xf32, #tpu.memory_space<hbm>> -> memref<10000x128xf32, #tpu.memory_space<hbm>>
      tpu.wait_indirect_dma semaphore(%arg16 : memref<!tpu.dma_semaphore, #tpu.memory_space<semaphore_mem>>) src(%dma_wait3A_289 : memref<10000x128xf32, #tpu.memory_space<hbm>>) dst(%arg12 : memref<128x128xf32, #tpu.memory_space<vmem>>)
      %run_scoped3A_290 = arith.constant 3 : i32
      "tpu.region"() ({
        %run_scoped3A_372 = tpu.sem_alloc : memref<!tpu.dma_semaphore, #tpu.memory_space<semaphore_mem>>
        %dma_start3A_373 = arith.constant 0 : i32
        %dma_start3A_374 = tpu.memref_slice %arg10[%run_scoped3A_290, %dma_start3A_373] : memref<8x128xi32, #tpu.memory_space<vmem>> -> memref<1x128xi32, #tpu.memory_space<vmem>>
        %dma_start3A_375 = tpu.memref_squeeze %dma_start3A_374 : memref<1x128xi32, #tpu.memory_space<vmem>> -> memref<128xi32, #tpu.memory_space<vmem>>
        %dma_start3A_376 = arith.constant 0 : i32
        %dma_start3A_377 = arith.constant 0 : i32
        %dma_start3A_378 = tpu.memref_slice %arg18[%dma_start3A_376, %dma_start3A_377] : memref<10240x128xf32, #tpu.memory_space<vmem_shared>> -> memref<10240x128xf32, #tpu.memory_space<vmem_shared>>
        tpu.enqueue_indirect_dma source(%arg12 : memref<128x128xf32, #tpu.memory_space<vmem>>) target(%dma_start3A_378 : memref<10240x128xf32, #tpu.memory_space<vmem_shared>>) offsets(%dma_start3A_375 : memref<128xi32, #tpu.memory_space<vmem>>) semaphore(%run_scoped3A_372 : memref<!tpu.dma_semaphore, #tpu.memory_space<semaphore_mem>>) {add = true}
        %dma_wait3A_379 = arith.constant 0 : i32
        %dma_wait3A_380 = tpu.memref_slice %arg10[%run_scoped3A_290, %dma_wait3A_379] : memref<8x128xi32, #tpu.memory_space<vmem>> -> memref<1x128xi32, #tpu.memory_space<vmem>>
        %dma_wait3A_381 = tpu.memref_squeeze %dma_wait3A_380 : memref<1x128xi32, #tpu.memory_space<vmem>> -> memref<128xi32, #tpu.memory_space<vmem>>
        %dma_wait3A_382 = arith.constant 0 : i32
        %dma_wait3A_383 = arith.constant 0 : i32
        %dma_wait3A_384 = tpu.memref_slice %arg18[%dma_wait3A_382, %dma_wait3A_383] : memref<10240x128xf32, #tpu.memory_space<vmem_shared>> -> memref<10240x128xf32, #tpu.memory_space<vmem_shared>>
        tpu.wait_indirect_dma semaphore(%run_scoped3A_372 : memref<!tpu.dma_semaphore, #tpu.memory_space<semaphore_mem>>) src(%arg12 : memref<128x128xf32, #tpu.memory_space<vmem>>) dst(%dma_wait3A_384 : memref<10240x128xf32, #tpu.memory_space<vmem_shared>>)
        tpu.yield
      }) : () -> ()
      %dma_start3A_291 = arith.constant 5 : i32
      %dma_start3A_292 = arith.constant 0 : i32
      %dma_start3A_293 = tpu.memref_slice %arg8[%dma_start3A_291, %dma_start3A_292] : memref<8x128xi32, #tpu.memory_space<vmem>> -> memref<1x128xi32, #tpu.memory_space<vmem>>
      %dma_start3A_294 = tpu.memref_squeeze %dma_start3A_293 : memref<1x128xi32, #tpu.memory_space<vmem>> -> memref<128xi32, #tpu.memory_space<vmem>>
      %dma_start3A_295 = arith.constant 0 : i32
      %dma_start3A_296 = arith.constant 0 : i32
      %dma_start3A_297 = tpu.memref_slice %arg2[%dma_start3A_295, %dma_start3A_296] : memref<10000x128xf32, #tpu.memory_space<hbm>> -> memref<10000x128xf32, #tpu.memory_space<hbm>>
      tpu.enqueue_indirect_dma source(%dma_start3A_297 : memref<10000x128xf32, #tpu.memory_space<hbm>>) target(%arg12 : memref<128x128xf32, #tpu.memory_space<vmem>>) offsets(%dma_start3A_294 : memref<128xi32, #tpu.memory_space<vmem>>) semaphore(%arg16 : memref<!tpu.dma_semaphore, #tpu.memory_space<semaphore_mem>>)
      %dma_wait3A_298 = arith.constant 4 : i32
      %dma_wait3A_299 = arith.constant 0 : i32
      %dma_wait3A_300 = tpu.memref_slice %arg8[%dma_wait3A_298, %dma_wait3A_299] : memref<8x128xi32, #tpu.memory_space<vmem>> -> memref<1x128xi32, #tpu.memory_space<vmem>>
      %dma_wait3A_301 = tpu.memref_squeeze %dma_wait3A_300 : memref<1x128xi32, #tpu.memory_space<vmem>> -> memref<128xi32, #tpu.memory_space<vmem>>
      %dma_wait3A_302 = arith.constant 0 : i32
      %dma_wait3A_303 = arith.constant 0 : i32
      %dma_wait3A_304 = tpu.memref_slice %arg2[%dma_wait3A_302, %dma_wait3A_303] : memref<10000x128xf32, #tpu.memory_space<hbm>> -> memref<10000x128xf32, #tpu.memory_space<hbm>>
      tpu.wait_indirect_dma semaphore(%arg15 : memref<!tpu.dma_semaphore, #tpu.memory_space<semaphore_mem>>) src(%dma_wait3A_304 : memref<10000x128xf32, #tpu.memory_space<hbm>>) dst(%arg11 : memref<128x128xf32, #tpu.memory_space<vmem>>)
      %run_scoped3A_305 = arith.constant 4 : i32
      "tpu.region"() ({
        %run_scoped3A_372 = tpu.sem_alloc : memref<!tpu.dma_semaphore, #tpu.memory_space<semaphore_mem>>
        %dma_start3A_373 = arith.constant 0 : i32
        %dma_start3A_374 = tpu.memref_slice %arg10[%run_scoped3A_305, %dma_start3A_373] : memref<8x128xi32, #tpu.memory_space<vmem>> -> memref<1x128xi32, #tpu.memory_space<vmem>>
        %dma_start3A_375 = tpu.memref_squeeze %dma_start3A_374 : memref<1x128xi32, #tpu.memory_space<vmem>> -> memref<128xi32, #tpu.memory_space<vmem>>
        %dma_start3A_376 = arith.constant 0 : i32
        %dma_start3A_377 = arith.constant 0 : i32
        %dma_start3A_378 = tpu.memref_slice %arg18[%dma_start3A_376, %dma_start3A_377] : memref<10240x128xf32, #tpu.memory_space<vmem_shared>> -> memref<10240x128xf32, #tpu.memory_space<vmem_shared>>
        tpu.enqueue_indirect_dma source(%arg11 : memref<128x128xf32, #tpu.memory_space<vmem>>) target(%dma_start3A_378 : memref<10240x128xf32, #tpu.memory_space<vmem_shared>>) offsets(%dma_start3A_375 : memref<128xi32, #tpu.memory_space<vmem>>) semaphore(%run_scoped3A_372 : memref<!tpu.dma_semaphore, #tpu.memory_space<semaphore_mem>>) {add = true}
        %dma_wait3A_379 = arith.constant 0 : i32
        %dma_wait3A_380 = tpu.memref_slice %arg10[%run_scoped3A_305, %dma_wait3A_379] : memref<8x128xi32, #tpu.memory_space<vmem>> -> memref<1x128xi32, #tpu.memory_space<vmem>>
        %dma_wait3A_381 = tpu.memref_squeeze %dma_wait3A_380 : memref<1x128xi32, #tpu.memory_space<vmem>> -> memref<128xi32, #tpu.memory_space<vmem>>
        %dma_wait3A_382 = arith.constant 0 : i32
        %dma_wait3A_383 = arith.constant 0 : i32
        %dma_wait3A_384 = tpu.memref_slice %arg18[%dma_wait3A_382, %dma_wait3A_383] : memref<10240x128xf32, #tpu.memory_space<vmem_shared>> -> memref<10240x128xf32, #tpu.memory_space<vmem_shared>>
        tpu.wait_indirect_dma semaphore(%run_scoped3A_372 : memref<!tpu.dma_semaphore, #tpu.memory_space<semaphore_mem>>) src(%arg11 : memref<128x128xf32, #tpu.memory_space<vmem>>) dst(%dma_wait3A_384 : memref<10240x128xf32, #tpu.memory_space<vmem_shared>>)
        tpu.yield
      }) : () -> ()
      %dma_start3A_306 = arith.constant 6 : i32
      %dma_start3A_307 = arith.constant 0 : i32
      %dma_start3A_308 = tpu.memref_slice %arg8[%dma_start3A_306, %dma_start3A_307] : memref<8x128xi32, #tpu.memory_space<vmem>> -> memref<1x128xi32, #tpu.memory_space<vmem>>
      %dma_start3A_309 = tpu.memref_squeeze %dma_start3A_308 : memref<1x128xi32, #tpu.memory_space<vmem>> -> memref<128xi32, #tpu.memory_space<vmem>>
      %dma_start3A_310 = arith.constant 0 : i32
      %dma_start3A_311 = arith.constant 0 : i32
      %dma_start3A_312 = tpu.memref_slice %arg2[%dma_start3A_310, %dma_start3A_311] : memref<10000x128xf32, #tpu.memory_space<hbm>> -> memref<10000x128xf32, #tpu.memory_space<hbm>>
      tpu.enqueue_indirect_dma source(%dma_start3A_312 : memref<10000x128xf32, #tpu.memory_space<hbm>>) target(%arg11 : memref<128x128xf32, #tpu.memory_space<vmem>>) offsets(%dma_start3A_309 : memref<128xi32, #tpu.memory_space<vmem>>) semaphore(%arg15 : memref<!tpu.dma_semaphore, #tpu.memory_space<semaphore_mem>>)
      %dma_wait3A_313 = arith.constant 5 : i32
      %dma_wait3A_314 = arith.constant 0 : i32
      %dma_wait3A_315 = tpu.memref_slice %arg8[%dma_wait3A_313, %dma_wait3A_314] : memref<8x128xi32, #tpu.memory_space<vmem>> -> memref<1x128xi32, #tpu.memory_space<vmem>>
      %dma_wait3A_316 = tpu.memref_squeeze %dma_wait3A_315 : memref<1x128xi32, #tpu.memory_space<vmem>> -> memref<128xi32, #tpu.memory_space<vmem>>
      %dma_wait3A_317 = arith.constant 0 : i32
      %dma_wait3A_318 = arith.constant 0 : i32
      %dma_wait3A_319 = tpu.memref_slice %arg2[%dma_wait3A_317, %dma_wait3A_318] : memref<10000x128xf32, #tpu.memory_space<hbm>> -> memref<10000x128xf32, #tpu.memory_space<hbm>>
      tpu.wait_indirect_dma semaphore(%arg16 : memref<!tpu.dma_semaphore, #tpu.memory_space<semaphore_mem>>) src(%dma_wait3A_319 : memref<10000x128xf32, #tpu.memory_space<hbm>>) dst(%arg12 : memref<128x128xf32, #tpu.memory_space<vmem>>)
      %run_scoped3A_320 = arith.constant 5 : i32
      "tpu.region"() ({
        %run_scoped3A_372 = tpu.sem_alloc : memref<!tpu.dma_semaphore, #tpu.memory_space<semaphore_mem>>
        %dma_start3A_373 = arith.constant 0 : i32
        %dma_start3A_374 = tpu.memref_slice %arg10[%run_scoped3A_320, %dma_start3A_373] : memref<8x128xi32, #tpu.memory_space<vmem>> -> memref<1x128xi32, #tpu.memory_space<vmem>>
        %dma_start3A_375 = tpu.memref_squeeze %dma_start3A_374 : memref<1x128xi32, #tpu.memory_space<vmem>> -> memref<128xi32, #tpu.memory_space<vmem>>
        %dma_start3A_376 = arith.constant 0 : i32
        %dma_start3A_377 = arith.constant 0 : i32
        %dma_start3A_378 = tpu.memref_slice %arg18[%dma_start3A_376, %dma_start3A_377] : memref<10240x128xf32, #tpu.memory_space<vmem_shared>> -> memref<10240x128xf32, #tpu.memory_space<vmem_shared>>
        tpu.enqueue_indirect_dma source(%arg12 : memref<128x128xf32, #tpu.memory_space<vmem>>) target(%dma_start3A_378 : memref<10240x128xf32, #tpu.memory_space<vmem_shared>>) offsets(%dma_start3A_375 : memref<128xi32, #tpu.memory_space<vmem>>) semaphore(%run_scoped3A_372 : memref<!tpu.dma_semaphore, #tpu.memory_space<semaphore_mem>>) {add = true}
        %dma_wait3A_379 = arith.constant 0 : i32
        %dma_wait3A_380 = tpu.memref_slice %arg10[%run_scoped3A_320, %dma_wait3A_379] : memref<8x128xi32, #tpu.memory_space<vmem>> -> memref<1x128xi32, #tpu.memory_space<vmem>>
        %dma_wait3A_381 = tpu.memref_squeeze %dma_wait3A_380 : memref<1x128xi32, #tpu.memory_space<vmem>> -> memref<128xi32, #tpu.memory_space<vmem>>
        %dma_wait3A_382 = arith.constant 0 : i32
        %dma_wait3A_383 = arith.constant 0 : i32
        %dma_wait3A_384 = tpu.memref_slice %arg18[%dma_wait3A_382, %dma_wait3A_383] : memref<10240x128xf32, #tpu.memory_space<vmem_shared>> -> memref<10240x128xf32, #tpu.memory_space<vmem_shared>>
        tpu.wait_indirect_dma semaphore(%run_scoped3A_372 : memref<!tpu.dma_semaphore, #tpu.memory_space<semaphore_mem>>) src(%arg12 : memref<128x128xf32, #tpu.memory_space<vmem>>) dst(%dma_wait3A_384 : memref<10240x128xf32, #tpu.memory_space<vmem_shared>>)
        tpu.yield
      }) : () -> ()
      %dma_start3A_321 = arith.constant 7 : i32
      %dma_start3A_322 = arith.constant 0 : i32
      %dma_start3A_323 = tpu.memref_slice %arg8[%dma_start3A_321, %dma_start3A_322] : memref<8x128xi32, #tpu.memory_space<vmem>> -> memref<1x128xi32, #tpu.memory_space<vmem>>
      %dma_start3A_324 = tpu.memref_squeeze %dma_start3A_323 : memref<1x128xi32, #tpu.memory_space<vmem>> -> memref<128xi32, #tpu.memory_space<vmem>>
      %dma_start3A_325 = arith.constant 0 : i32
      %dma_start3A_326 = arith.constant 0 : i32
      %dma_start3A_327 = tpu.memref_slice %arg2[%dma_start3A_325, %dma_start3A_326] : memref<10000x128xf32, #tpu.memory_space<hbm>> -> memref<10000x128xf32, #tpu.memory_space<hbm>>
      tpu.enqueue_indirect_dma source(%dma_start3A_327 : memref<10000x128xf32, #tpu.memory_space<hbm>>) target(%arg12 : memref<128x128xf32, #tpu.memory_space<vmem>>) offsets(%dma_start3A_324 : memref<128xi32, #tpu.memory_space<vmem>>) semaphore(%arg16 : memref<!tpu.dma_semaphore, #tpu.memory_space<semaphore_mem>>)
      %dma_wait3A_328 = arith.constant 6 : i32
      %dma_wait3A_329 = arith.constant 0 : i32
      %dma_wait3A_330 = tpu.memref_slice %arg8[%dma_wait3A_328, %dma_wait3A_329] : memref<8x128xi32, #tpu.memory_space<vmem>> -> memref<1x128xi32, #tpu.memory_space<vmem>>
      %dma_wait3A_331 = tpu.memref_squeeze %dma_wait3A_330 : memref<1x128xi32, #tpu.memory_space<vmem>> -> memref<128xi32, #tpu.memory_space<vmem>>
      %dma_wait3A_332 = arith.constant 0 : i32
      %dma_wait3A_333 = arith.constant 0 : i32
      %dma_wait3A_334 = tpu.memref_slice %arg2[%dma_wait3A_332, %dma_wait3A_333] : memref<10000x128xf32, #tpu.memory_space<hbm>> -> memref<10000x128xf32, #tpu.memory_space<hbm>>
      tpu.wait_indirect_dma semaphore(%arg15 : memref<!tpu.dma_semaphore, #tpu.memory_space<semaphore_mem>>) src(%dma_wait3A_334 : memref<10000x128xf32, #tpu.memory_space<hbm>>) dst(%arg11 : memref<128x128xf32, #tpu.memory_space<vmem>>)
      %run_scoped3A_335 = arith.constant 6 : i32
      "tpu.region"() ({
        %run_scoped3A_372 = tpu.sem_alloc : memref<!tpu.dma_semaphore, #tpu.memory_space<semaphore_mem>>
        %dma_start3A_373 = arith.constant 0 : i32
        %dma_start3A_374 = tpu.memref_slice %arg10[%run_scoped3A_335, %dma_start3A_373] : memref<8x128xi32, #tpu.memory_space<vmem>> -> memref<1x128xi32, #tpu.memory_space<vmem>>
        %dma_start3A_375 = tpu.memref_squeeze %dma_start3A_374 : memref<1x128xi32, #tpu.memory_space<vmem>> -> memref<128xi32, #tpu.memory_space<vmem>>
        %dma_start3A_376 = arith.constant 0 : i32
        %dma_start3A_377 = arith.constant 0 : i32
        %dma_start3A_378 = tpu.memref_slice %arg18[%dma_start3A_376, %dma_start3A_377] : memref<10240x128xf32, #tpu.memory_space<vmem_shared>> -> memref<10240x128xf32, #tpu.memory_space<vmem_shared>>
        tpu.enqueue_indirect_dma source(%arg11 : memref<128x128xf32, #tpu.memory_space<vmem>>) target(%dma_start3A_378 : memref<10240x128xf32, #tpu.memory_space<vmem_shared>>) offsets(%dma_start3A_375 : memref<128xi32, #tpu.memory_space<vmem>>) semaphore(%run_scoped3A_372 : memref<!tpu.dma_semaphore, #tpu.memory_space<semaphore_mem>>) {add = true}
        %dma_wait3A_379 = arith.constant 0 : i32
        %dma_wait3A_380 = tpu.memref_slice %arg10[%run_scoped3A_335, %dma_wait3A_379] : memref<8x128xi32, #tpu.memory_space<vmem>> -> memref<1x128xi32, #tpu.memory_space<vmem>>
        %dma_wait3A_381 = tpu.memref_squeeze %dma_wait3A_380 : memref<1x128xi32, #tpu.memory_space<vmem>> -> memref<128xi32, #tpu.memory_space<vmem>>
        %dma_wait3A_382 = arith.constant 0 : i32
        %dma_wait3A_383 = arith.constant 0 : i32
        %dma_wait3A_384 = tpu.memref_slice %arg18[%dma_wait3A_382, %dma_wait3A_383] : memref<10240x128xf32, #tpu.memory_space<vmem_shared>> -> memref<10240x128xf32, #tpu.memory_space<vmem_shared>>
        tpu.wait_indirect_dma semaphore(%run_scoped3A_372 : memref<!tpu.dma_semaphore, #tpu.memory_space<semaphore_mem>>) src(%arg11 : memref<128x128xf32, #tpu.memory_space<vmem>>) dst(%dma_wait3A_384 : memref<10240x128xf32, #tpu.memory_space<vmem_shared>>)
        tpu.yield
      }) : () -> ()
      %add3A_336 = arith.constant 1 : i32
      %add3A_337 = arith.addi %add3A_237, %add3A_336 : i32
      %lt3A_338 = arith.constant 10 : i32
      %lt3A_339 = arith.cmpi slt, %add3A_337, %lt3A_338 : i32
      %convert_element_type3A_340 = arith.extui %lt3A_339 : i1 to i32
      %cond3A_341 = arith.constant 0 : i32
      %cond3A_342 = arith.cmpi ne, %convert_element_type3A_340, %cond3A_341 : i32
      scf.if %cond3A_342 {
        %add3A_372 = arith.constant 1 : i32
        %add3A_373 = arith.addi %add3A_237, %add3A_372 : i32
        %mul3A_374 = arith.constant 8 : i32
        %mul3A_375 = arith.muli %add3A_373, %mul3A_374 : i32
        %dma_wait3A_376 = arith.constant 0 : i32
        %dma_wait3A_377 = tpu.memref_slice %arg3[%add3A, %mul3A_375, %dma_wait3A_376] : memref<32x80x128xi32, #tpu.memory_space<hbm>> -> memref<1x8x128xi32, #tpu.memory_space<hbm>>
        %dma_wait3A_378 = tpu.memref_squeeze %dma_wait3A_377 : memref<1x8x128xi32, #tpu.memory_space<hbm>> -> memref<8x128xi32, #tpu.memory_space<hbm>>
        %dma_wait3A_379 = arith.constant 0 : i32
        %dma_wait3A_380 = tpu.memref_slice %arg3[%add3A, %mul3A_375, %dma_wait3A_379] : memref<32x80x128xi32, #tpu.memory_space<hbm>> -> memref<1x8x128xi32, #tpu.memory_space<hbm>>
        %dma_wait3A_381 = tpu.memref_squeeze %dma_wait3A_380 : memref<1x8x128xi32, #tpu.memory_space<hbm>> -> memref<8x128xi32, #tpu.memory_space<hbm>>
        tpu.wait_dma2 semaphore(%arg13 : memref<!tpu.dma_semaphore, #tpu.memory_space<semaphore_mem>>) src(%dma_wait3A_381 : memref<8x128xi32, #tpu.memory_space<hbm>>) dst(%arg7 : memref<8x128xi32, #tpu.memory_space<vmem>>)
        %add3A_382 = arith.constant 1 : i32
        %add3A_383 = arith.addi %add3A_237, %add3A_382 : i32
        %mul3A_384 = arith.constant 8 : i32
        %mul3A_385 = arith.muli %add3A_383, %mul3A_384 : i32
        %dma_wait3A_386 = arith.constant 0 : i32
        %dma_wait3A_387 = tpu.memref_slice %arg4[%add3A, %mul3A_385, %dma_wait3A_386] : memref<32x80x128xi32, #tpu.memory_space<hbm>> -> memref<1x8x128xi32, #tpu.memory_space<hbm>>
        %dma_wait3A_388 = tpu.memref_squeeze %dma_wait3A_387 : memref<1x8x128xi32, #tpu.memory_space<hbm>> -> memref<8x128xi32, #tpu.memory_space<hbm>>
        %dma_wait3A_389 = arith.constant 0 : i32
        %dma_wait3A_390 = tpu.memref_slice %arg4[%add3A, %mul3A_385, %dma_wait3A_389] : memref<32x80x128xi32, #tpu.memory_space<hbm>> -> memref<1x8x128xi32, #tpu.memory_space<hbm>>
        %dma_wait3A_391 = tpu.memref_squeeze %dma_wait3A_390 : memref<1x8x128xi32, #tpu.memory_space<hbm>> -> memref<8x128xi32, #tpu.memory_space<hbm>>
        tpu.wait_dma2 semaphore(%arg14 : memref<!tpu.dma_semaphore, #tpu.memory_space<semaphore_mem>>) src(%dma_wait3A_391 : memref<8x128xi32, #tpu.memory_space<hbm>>) dst(%arg9 : memref<8x128xi32, #tpu.memory_space<vmem>>)
      } else {
      }
      %add3A_343 = arith.constant 1 : i32
      %add3A_344 = arith.addi %add3A_237, %add3A_343 : i32
      %lt3A_345 = arith.constant 10 : i32
      %lt3A_346 = arith.cmpi slt, %add3A_344, %lt3A_345 : i32
      %convert_element_type3A_347 = arith.extui %lt3A_346 : i1 to i32
      %cond3A_348 = arith.constant 0 : i32
      %cond3A_349 = arith.cmpi ne, %convert_element_type3A_347, %cond3A_348 : i32
      scf.if %cond3A_349 {
        %dma_start3A_372 = arith.constant 0 : i32
        %dma_start3A_373 = arith.constant 0 : i32
        %dma_start3A_374 = tpu.memref_slice %arg7[%dma_start3A_372, %dma_start3A_373] : memref<8x128xi32, #tpu.memory_space<vmem>> -> memref<1x128xi32, #tpu.memory_space<vmem>>
        %dma_start3A_375 = tpu.memref_squeeze %dma_start3A_374 : memref<1x128xi32, #tpu.memory_space<vmem>> -> memref<128xi32, #tpu.memory_space<vmem>>
        %dma_start3A_376 = arith.constant 0 : i32
        %dma_start3A_377 = arith.constant 0 : i32
        %dma_start3A_378 = tpu.memref_slice %arg2[%dma_start3A_376, %dma_start3A_377] : memref<10000x128xf32, #tpu.memory_space<hbm>> -> memref<10000x128xf32, #tpu.memory_space<hbm>>
        tpu.enqueue_indirect_dma source(%dma_start3A_378 : memref<10000x128xf32, #tpu.memory_space<hbm>>) target(%arg11 : memref<128x128xf32, #tpu.memory_space<vmem>>) offsets(%dma_start3A_375 : memref<128xi32, #tpu.memory_space<vmem>>) semaphore(%arg15 : memref<!tpu.dma_semaphore, #tpu.memory_space<semaphore_mem>>)
      } else {
      }
      %dma_wait3A_350 = arith.constant 7 : i32
      %dma_wait3A_351 = arith.constant 0 : i32
      %dma_wait3A_352 = tpu.memref_slice %arg8[%dma_wait3A_350, %dma_wait3A_351] : memref<8x128xi32, #tpu.memory_space<vmem>> -> memref<1x128xi32, #tpu.memory_space<vmem>>
      %dma_wait3A_353 = tpu.memref_squeeze %dma_wait3A_352 : memref<1x128xi32, #tpu.memory_space<vmem>> -> memref<128xi32, #tpu.memory_space<vmem>>
      %dma_wait3A_354 = arith.constant 0 : i32
      %dma_wait3A_355 = arith.constant 0 : i32
      %dma_wait3A_356 = tpu.memref_slice %arg2[%dma_wait3A_354, %dma_wait3A_355] : memref<10000x128xf32, #tpu.memory_space<hbm>> -> memref<10000x128xf32, #tpu.memory_space<hbm>>
      tpu.wait_indirect_dma semaphore(%arg16 : memref<!tpu.dma_semaphore, #tpu.memory_space<semaphore_mem>>) src(%dma_wait3A_356 : memref<10000x128xf32, #tpu.memory_space<hbm>>) dst(%arg12 : memref<128x128xf32, #tpu.memory_space<vmem>>)
      %run_scoped3A_357 = arith.constant 7 : i32
      "tpu.region"() ({
        %run_scoped3A_372 = tpu.sem_alloc : memref<!tpu.dma_semaphore, #tpu.memory_space<semaphore_mem>>
        %dma_start3A_373 = arith.constant 0 : i32
        %dma_start3A_374 = tpu.memref_slice %arg10[%run_scoped3A_357, %dma_start3A_373] : memref<8x128xi32, #tpu.memory_space<vmem>> -> memref<1x128xi32, #tpu.memory_space<vmem>>
        %dma_start3A_375 = tpu.memref_squeeze %dma_start3A_374 : memref<1x128xi32, #tpu.memory_space<vmem>> -> memref<128xi32, #tpu.memory_space<vmem>>
        %dma_start3A_376 = arith.constant 0 : i32
        %dma_start3A_377 = arith.constant 0 : i32
        %dma_start3A_378 = tpu.memref_slice %arg18[%dma_start3A_376, %dma_start3A_377] : memref<10240x128xf32, #tpu.memory_space<vmem_shared>> -> memref<10240x128xf32, #tpu.memory_space<vmem_shared>>
        tpu.enqueue_indirect_dma source(%arg12 : memref<128x128xf32, #tpu.memory_space<vmem>>) target(%dma_start3A_378 : memref<10240x128xf32, #tpu.memory_space<vmem_shared>>) offsets(%dma_start3A_375 : memref<128xi32, #tpu.memory_space<vmem>>) semaphore(%run_scoped3A_372 : memref<!tpu.dma_semaphore, #tpu.memory_space<semaphore_mem>>) {add = true}
        %dma_wait3A_379 = arith.constant 0 : i32
        %dma_wait3A_380 = tpu.memref_slice %arg10[%run_scoped3A_357, %dma_wait3A_379] : memref<8x128xi32, #tpu.memory_space<vmem>> -> memref<1x128xi32, #tpu.memory_space<vmem>>
        %dma_wait3A_381 = tpu.memref_squeeze %dma_wait3A_380 : memref<1x128xi32, #tpu.memory_space<vmem>> -> memref<128xi32, #tpu.memory_space<vmem>>
        %dma_wait3A_382 = arith.constant 0 : i32
        %dma_wait3A_383 = arith.constant 0 : i32
        %dma_wait3A_384 = tpu.memref_slice %arg18[%dma_wait3A_382, %dma_wait3A_383] : memref<10240x128xf32, #tpu.memory_space<vmem_shared>> -> memref<10240x128xf32, #tpu.memory_space<vmem_shared>>
        tpu.wait_indirect_dma semaphore(%run_scoped3A_372 : memref<!tpu.dma_semaphore, #tpu.memory_space<semaphore_mem>>) src(%arg12 : memref<128x128xf32, #tpu.memory_space<vmem>>) dst(%dma_wait3A_384 : memref<10240x128xf32, #tpu.memory_space<vmem_shared>>)
        tpu.yield
      }) : () -> ()
      %add3A_358 = arith.constant 1 : i32
      %add3A_359 = arith.addi %add3A_237, %add3A_358 : i32
      %lt3A_360 = arith.constant 10 : i32
      %lt3A_361 = arith.cmpi slt, %add3A_359, %lt3A_360 : i32
      %convert_element_type3A_362 = arith.extui %lt3A_361 : i1 to i32
      %cond3A_363 = arith.constant 0 : i32
      %cond3A_364 = arith.cmpi ne, %convert_element_type3A_362, %cond3A_363 : i32
      scf.if %cond3A_364 {
        %dma_start3A_372 = arith.constant 1 : i32
        %dma_start3A_373 = arith.constant 0 : i32
        %dma_start3A_374 = tpu.memref_slice %arg7[%dma_start3A_372, %dma_start3A_373] : memref<8x128xi32, #tpu.memory_space<vmem>> -> memref<1x128xi32, #tpu.memory_space<vmem>>
        %dma_start3A_375 = tpu.memref_squeeze %dma_start3A_374 : memref<1x128xi32, #tpu.memory_space<vmem>> -> memref<128xi32, #tpu.memory_space<vmem>>
        %dma_start3A_376 = arith.constant 0 : i32
        %dma_start3A_377 = arith.constant 0 : i32
        %dma_start3A_378 = tpu.memref_slice %arg2[%dma_start3A_376, %dma_start3A_377] : memref<10000x128xf32, #tpu.memory_space<hbm>> -> memref<10000x128xf32, #tpu.memory_space<hbm>>
        tpu.enqueue_indirect_dma source(%dma_start3A_378 : memref<10000x128xf32, #tpu.memory_space<hbm>>) target(%arg12 : memref<128x128xf32, #tpu.memory_space<vmem>>) offsets(%dma_start3A_375 : memref<128xi32, #tpu.memory_space<vmem>>) semaphore(%arg16 : memref<!tpu.dma_semaphore, #tpu.memory_space<semaphore_mem>>)
      } else {
      }
      %add3A_365 = arith.constant 2 : i32
      %add3A_366 = arith.addi %add3A_237, %add3A_365 : i32
      %lt3A_367 = arith.constant 10 : i32
      %lt3A_368 = arith.cmpi slt, %add3A_366, %lt3A_367 : i32
      %convert_element_type3A_369 = arith.extui %lt3A_368 : i1 to i32
      %cond3A_370 = arith.constant 0 : i32
      %cond3A_371 = arith.cmpi ne, %convert_element_type3A_369, %cond3A_370 : i32
      scf.if %cond3A_371 {
        %add3A_372 = arith.constant 2 : i32
        %add3A_373 = arith.addi %add3A_237, %add3A_372 : i32
        %mul3A_374 = arith.constant 8 : i32
        %mul3A_375 = arith.muli %add3A_373, %mul3A_374 : i32
        %dma_start3A_376 = arith.constant 0 : i32
        %dma_start3A_377 = tpu.memref_slice %arg3[%add3A, %mul3A_375, %dma_start3A_376] : memref<32x80x128xi32, #tpu.memory_space<hbm>> -> memref<1x8x128xi32, #tpu.memory_space<hbm>>
        %dma_start3A_378 = tpu.memref_squeeze %dma_start3A_377 : memref<1x8x128xi32, #tpu.memory_space<hbm>> -> memref<8x128xi32, #tpu.memory_space<hbm>>
        %dma_start3A_379 = arith.constant 0 : i32
        %dma_start3A_380 = tpu.memref_slice %arg3[%add3A, %mul3A_375, %dma_start3A_379] : memref<32x80x128xi32, #tpu.memory_space<hbm>> -> memref<1x8x128xi32, #tpu.memory_space<hbm>>
        %dma_start3A_381 = tpu.memref_squeeze %dma_start3A_380 : memref<1x8x128xi32, #tpu.memory_space<hbm>> -> memref<8x128xi32, #tpu.memory_space<hbm>>
        tpu.enqueue_dma source(%dma_start3A_381 : memref<8x128xi32, #tpu.memory_space<hbm>>) target(%arg8 : memref<8x128xi32, #tpu.memory_space<vmem>>) target_semaphore(%arg13 : memref<!tpu.dma_semaphore, #tpu.memory_space<semaphore_mem>>)
        %add3A_382 = arith.constant 2 : i32
        %add3A_383 = arith.addi %add3A_237, %add3A_382 : i32
        %mul3A_384 = arith.constant 8 : i32
        %mul3A_385 = arith.muli %add3A_383, %mul3A_384 : i32
        %dma_start3A_386 = arith.constant 0 : i32
        %dma_start3A_387 = tpu.memref_slice %arg4[%add3A, %mul3A_385, %dma_start3A_386] : memref<32x80x128xi32, #tpu.memory_space<hbm>> -> memref<1x8x128xi32, #tpu.memory_space<hbm>>
        %dma_start3A_388 = tpu.memref_squeeze %dma_start3A_387 : memref<1x8x128xi32, #tpu.memory_space<hbm>> -> memref<8x128xi32, #tpu.memory_space<hbm>>
        %dma_start3A_389 = arith.constant 0 : i32
        %dma_start3A_390 = tpu.memref_slice %arg4[%add3A, %mul3A_385, %dma_start3A_389] : memref<32x80x128xi32, #tpu.memory_space<hbm>> -> memref<1x8x128xi32, #tpu.memory_space<hbm>>
        %dma_start3A_391 = tpu.memref_squeeze %dma_start3A_390 : memref<1x8x128xi32, #tpu.memory_space<hbm>> -> memref<8x128xi32, #tpu.memory_space<hbm>>
        tpu.enqueue_dma source(%dma_start3A_391 : memref<8x128xi32, #tpu.memory_space<hbm>>) target(%arg10 : memref<8x128xi32, #tpu.memory_space<vmem>>) target_semaphore(%arg14 : memref<!tpu.dma_semaphore, #tpu.memory_space<semaphore_mem>>)
      } else {
      }
    }
    %scan3A_93 = arith.constant 5 : i32
    %barrier3A_94 = arith.constant 0 : index
    tpu.barrier barrier_id(%barrier3A_94)
    %mul3A_95 = arith.constant 640 : i32
    %mul3A_96 = arith.muli %arg1, %mul3A_95 : i32
    %mul3A_97 = arith.constant 640 : i32
    %mul3A_98 = arith.muli %arg1, %mul3A_97 : i32
    "tpu.region"() ({
      %run_scoped3A = tpu.sem_alloc : memref<!tpu.dma_semaphore, #tpu.memory_space<semaphore_mem>>
      %dma_start3A_99 = arith.constant 0 : i32
      %dma_start3A_100 = tpu.memref_slice %arg6[%arg0, %mul3A_98, %dma_start3A_99] : memref<2x10240x128xf32, #tpu.memory_space<hbm>> -> memref<1x640x128xf32, #tpu.memory_space<hbm>>
      %dma_start3A_101 = tpu.memref_squeeze %dma_start3A_100 : memref<1x640x128xf32, #tpu.memory_space<hbm>> -> memref<640x128xf32, #tpu.memory_space<hbm>>
      %dma_start3A_102 = arith.constant 0 : i32
      %dma_start3A_103 = tpu.memref_slice %arg18[%mul3A_96, %dma_start3A_102] : memref<10240x128xf32, #tpu.memory_space<vmem_shared>> -> memref<640x128xf32, #tpu.memory_space<vmem_shared>>
      tpu.enqueue_dma source(%dma_start3A_103 : memref<640x128xf32, #tpu.memory_space<vmem_shared>>) target(%dma_start3A_101 : memref<640x128xf32, #tpu.memory_space<hbm>>) target_semaphore(%run_scoped3A : memref<!tpu.dma_semaphore, #tpu.memory_space<semaphore_mem>>)
      %dma_wait3A_104 = arith.constant 0 : i32
      %dma_wait3A_105 = tpu.memref_slice %arg6[%arg0, %mul3A_98, %dma_wait3A_104] : memref<2x10240x128xf32, #tpu.memory_space<hbm>> -> memref<1x640x128xf32, #tpu.memory_space<hbm>>
      %dma_wait3A_106 = tpu.memref_squeeze %dma_wait3A_105 : memref<1x640x128xf32, #tpu.memory_space<hbm>> -> memref<640x128xf32, #tpu.memory_space<hbm>>
      %dma_wait3A_107 = arith.constant 0 : i32
      %dma_wait3A_108 = tpu.memref_slice %arg18[%mul3A_96, %dma_wait3A_107] : memref<10240x128xf32, #tpu.memory_space<vmem_shared>> -> memref<640x128xf32, #tpu.memory_space<vmem_shared>>
      tpu.wait_dma2 semaphore(%run_scoped3A : memref<!tpu.dma_semaphore, #tpu.memory_space<semaphore_mem>>) src(%dma_wait3A_108 : memref<640x128xf32, #tpu.memory_space<vmem_shared>>) dst(%dma_wait3A_106 : memref<640x128xf32, #tpu.memory_space<hbm>>)
      tpu.yield
    }) : () -> ()
    return
  }
}

#map = affine_map<(d0, d1) -> (0, 0, 0)>
#map1 = affine_map<(d0, d1) -> (0, 0)>
module attributes {stable_mosaic.version = 14 : i64} {
  func.func @_deg_body(%arg0: i32, %arg1: i32, %arg2: memref<32x80x128xi32, #tpu.memory_space<hbm>>, %arg3: memref<2x10240xf32, #tpu.memory_space<hbm>>, %arg4: memref<80x128xi32, #tpu.memory_space<vmem>>, %arg5: memref<128xf32, #tpu.memory_space<vmem>>, %arg6: memref<640xf32, #tpu.memory_space<vmem>>, %arg7: memref<10240xf32, #tpu.memory_space<vmem_shared>>) attributes {dimension_semantics = [#tpu.dimension_semantics<core_parallel>, #tpu.dimension_semantics<subcore_parallel>], iteration_bounds = array<i64: 2, 16>, scalar_prefetch = 0 : i64, scratch_operands = 4 : i64, tpu.core_type = #tpu.core_type<sc_vector_subcore>, window_params = [{transform_indices = #map}, {transform_indices = #map1}]} {
    %mul3A = arith.constant 16 : i32
    %mul3A_0 = arith.muli %arg0, %mul3A : i32
    %add3A = arith.addi %mul3A_0, %arg1 : i32
    "tpu.region"() ({
      %run_scoped3A = tpu.sem_alloc : memref<!tpu.dma_semaphore, #tpu.memory_space<semaphore_mem>>
      %dma_start3A = arith.constant 0 : i32
      %dma_start3A_207 = arith.constant 0 : i32
      %dma_start3A_208 = tpu.memref_slice %arg2[%add3A, %dma_start3A, %dma_start3A_207] : memref<32x80x128xi32, #tpu.memory_space<hbm>> -> memref<1x80x128xi32, #tpu.memory_space<hbm>>
      %dma_start3A_209 = tpu.memref_squeeze %dma_start3A_208 : memref<1x80x128xi32, #tpu.memory_space<hbm>> -> memref<80x128xi32, #tpu.memory_space<hbm>>
      %dma_start3A_210 = arith.constant 0 : i32
      %dma_start3A_211 = arith.constant 0 : i32
      %dma_start3A_212 = tpu.memref_slice %arg2[%add3A, %dma_start3A_210, %dma_start3A_211] : memref<32x80x128xi32, #tpu.memory_space<hbm>> -> memref<1x80x128xi32, #tpu.memory_space<hbm>>
      %dma_start3A_213 = tpu.memref_squeeze %dma_start3A_212 : memref<1x80x128xi32, #tpu.memory_space<hbm>> -> memref<80x128xi32, #tpu.memory_space<hbm>>
      tpu.enqueue_dma source(%dma_start3A_213 : memref<80x128xi32, #tpu.memory_space<hbm>>) target(%arg4 : memref<80x128xi32, #tpu.memory_space<vmem>>) target_semaphore(%run_scoped3A : memref<!tpu.dma_semaphore, #tpu.memory_space<semaphore_mem>>)
      %dma_wait3A = arith.constant 0 : i32
      %dma_wait3A_214 = arith.constant 0 : i32
      %dma_wait3A_215 = tpu.memref_slice %arg2[%add3A, %dma_wait3A, %dma_wait3A_214] : memref<32x80x128xi32, #tpu.memory_space<hbm>> -> memref<1x80x128xi32, #tpu.memory_space<hbm>>
      %dma_wait3A_216 = tpu.memref_squeeze %dma_wait3A_215 : memref<1x80x128xi32, #tpu.memory_space<hbm>> -> memref<80x128xi32, #tpu.memory_space<hbm>>
      %dma_wait3A_217 = arith.constant 0 : i32
      %dma_wait3A_218 = arith.constant 0 : i32
      %dma_wait3A_219 = tpu.memref_slice %arg2[%add3A, %dma_wait3A_217, %dma_wait3A_218] : memref<32x80x128xi32, #tpu.memory_space<hbm>> -> memref<1x80x128xi32, #tpu.memory_space<hbm>>
      %dma_wait3A_220 = tpu.memref_squeeze %dma_wait3A_219 : memref<1x80x128xi32, #tpu.memory_space<hbm>> -> memref<80x128xi32, #tpu.memory_space<hbm>>
      tpu.wait_dma2 semaphore(%run_scoped3A : memref<!tpu.dma_semaphore, #tpu.memory_space<semaphore_mem>>) src(%dma_wait3A_220 : memref<80x128xi32, #tpu.memory_space<hbm>>) dst(%arg4 : memref<80x128xi32, #tpu.memory_space<vmem>>)
      tpu.yield
    }) : () -> ()
    %broadcast_in_dim3A = arith.constant 1.000000e+00 : f32
    %broadcast_in_dim3A_1 = vector.broadcast %broadcast_in_dim3A : f32 to vector<16xf32>
    %broadcast_in_dim3A_2 = arith.constant 0.000000e+00 : f32
    %broadcast_in_dim3A_3 = vector.broadcast %broadcast_in_dim3A_2 : f32 to vector<16xf32>
    %swap3A = arith.constant 0 : index
    %swap3A_4 = tpu.vector_load %arg5[%swap3A] {strides = array<i32>} : memref<128xf32, #tpu.memory_space<vmem>>, vector<16xf32>,
    %swap3A_5 = vector.shape_cast %swap3A_4 : vector<16xf32> to vector<16xf32>
    %swap3A_6 = vector.shape_cast %broadcast_in_dim3A_1 : vector<16xf32> to vector<16xf32>
    tpu.vector_store %arg5[%swap3A], %swap3A_6 {strides = array<i32>} : memref<128xf32, #tpu.memory_space<vmem>>, vector<16xf32>,
    %swap3A_7 = arith.constant 16 : index
    %swap3A_8 = tpu.vector_load %arg5[%swap3A_7] {strides = array<i32>} : memref<128xf32, #tpu.memory_space<vmem>>, vector<16xf32>,
    %swap3A_9 = vector.shape_cast %swap3A_8 : vector<16xf32> to vector<16xf32>
    %swap3A_10 = vector.shape_cast %broadcast_in_dim3A_1 : vector<16xf32> to vector<16xf32>
    tpu.vector_store %arg5[%swap3A_7], %swap3A_10 {strides = array<i32>} : memref<128xf32, #tpu.memory_space<vmem>>, vector<16xf32>,
    %swap3A_11 = arith.constant 32 : index
    %swap3A_12 = tpu.vector_load %arg5[%swap3A_11] {strides = array<i32>} : memref<128xf32, #tpu.memory_space<vmem>>, vector<16xf32>,
    %swap3A_13 = vector.shape_cast %swap3A_12 : vector<16xf32> to vector<16xf32>
    %swap3A_14 = vector.shape_cast %broadcast_in_dim3A_1 : vector<16xf32> to vector<16xf32>
    tpu.vector_store %arg5[%swap3A_11], %swap3A_14 {strides = array<i32>} : memref<128xf32, #tpu.memory_space<vmem>>, vector<16xf32>,
    %swap3A_15 = arith.constant 48 : index
    %swap3A_16 = tpu.vector_load %arg5[%swap3A_15] {strides = array<i32>} : memref<128xf32, #tpu.memory_space<vmem>>, vector<16xf32>,
    %swap3A_17 = vector.shape_cast %swap3A_16 : vector<16xf32> to vector<16xf32>
    %swap3A_18 = vector.shape_cast %broadcast_in_dim3A_1 : vector<16xf32> to vector<16xf32>
    tpu.vector_store %arg5[%swap3A_15], %swap3A_18 {strides = array<i32>} : memref<128xf32, #tpu.memory_space<vmem>>, vector<16xf32>,
    %swap3A_19 = arith.constant 64 : index
    %swap3A_20 = tpu.vector_load %arg5[%swap3A_19] {strides = array<i32>} : memref<128xf32, #tpu.memory_space<vmem>>, vector<16xf32>,
    %swap3A_21 = vector.shape_cast %swap3A_20 : vector<16xf32> to vector<16xf32>
    %swap3A_22 = vector.shape_cast %broadcast_in_dim3A_1 : vector<16xf32> to vector<16xf32>
    tpu.vector_store %arg5[%swap3A_19], %swap3A_22 {strides = array<i32>} : memref<128xf32, #tpu.memory_space<vmem>>, vector<16xf32>,
    %swap3A_23 = arith.constant 80 : index
    %swap3A_24 = tpu.vector_load %arg5[%swap3A_23] {strides = array<i32>} : memref<128xf32, #tpu.memory_space<vmem>>, vector<16xf32>,
    %swap3A_25 = vector.shape_cast %swap3A_24 : vector<16xf32> to vector<16xf32>
    %swap3A_26 = vector.shape_cast %broadcast_in_dim3A_1 : vector<16xf32> to vector<16xf32>
    tpu.vector_store %arg5[%swap3A_23], %swap3A_26 {strides = array<i32>} : memref<128xf32, #tpu.memory_space<vmem>>, vector<16xf32>,
    %swap3A_27 = arith.constant 96 : index
    %swap3A_28 = tpu.vector_load %arg5[%swap3A_27] {strides = array<i32>} : memref<128xf32, #tpu.memory_space<vmem>>, vector<16xf32>,
    %swap3A_29 = vector.shape_cast %swap3A_28 : vector<16xf32> to vector<16xf32>
    %swap3A_30 = vector.shape_cast %broadcast_in_dim3A_1 : vector<16xf32> to vector<16xf32>
    tpu.vector_store %arg5[%swap3A_27], %swap3A_30 {strides = array<i32>} : memref<128xf32, #tpu.memory_space<vmem>>, vector<16xf32>,
    %swap3A_31 = arith.constant 112 : index
    %swap3A_32 = tpu.vector_load %arg5[%swap3A_31] {strides = array<i32>} : memref<128xf32, #tpu.memory_space<vmem>>, vector<16xf32>,
    %swap3A_33 = vector.shape_cast %swap3A_32 : vector<16xf32> to vector<16xf32>
    %swap3A_34 = vector.shape_cast %broadcast_in_dim3A_1 : vector<16xf32> to vector<16xf32>
    tpu.vector_store %arg5[%swap3A_31], %swap3A_34 {strides = array<i32>} : memref<128xf32, #tpu.memory_space<vmem>>, vector<16xf32>,
    %swap3A_35 = arith.constant 0 : index
    %swap3A_36 = tpu.vector_load %arg6[%swap3A_35] {strides = array<i32>} : memref<640xf32, #tpu.memory_space<vmem>>, vector<16xf32>,
    %swap3A_37 = vector.shape_cast %swap3A_36 : vector<16xf32> to vector<16xf32>
    %swap3A_38 = vector.shape_cast %broadcast_in_dim3A_3 : vector<16xf32> to vector<16xf32>
    tpu.vector_store %arg6[%swap3A_35], %swap3A_38 {strides = array<i32>} : memref<640xf32, #tpu.memory_space<vmem>>, vector<16xf32>,
    %swap3A_39 = arith.constant 16 : index
    %swap3A_40 = tpu.vector_load %arg6[%swap3A_39] {strides = array<i32>} : memref<640xf32, #tpu.memory_space<vmem>>, vector<16xf32>,
    %swap3A_41 = vector.shape_cast %swap3A_40 : vector<16xf32> to vector<16xf32>
    %swap3A_42 = vector.shape_cast %broadcast_in_dim3A_3 : vector<16xf32> to vector<16xf32>
    tpu.vector_store %arg6[%swap3A_39], %swap3A_42 {strides = array<i32>} : memref<640xf32, #tpu.memory_space<vmem>>, vector<16xf32>,
    %swap3A_43 = arith.constant 32 : index
    %swap3A_44 = tpu.vector_load %arg6[%swap3A_43] {strides = array<i32>} : memref<640xf32, #tpu.memory_space<vmem>>, vector<16xf32>,
    %swap3A_45 = vector.shape_cast %swap3A_44 : vector<16xf32> to vector<16xf32>
    %swap3A_46 = vector.shape_cast %broadcast_in_dim3A_3 : vector<16xf32> to vector<16xf32>
    tpu.vector_store %arg6[%swap3A_43], %swap3A_46 {strides = array<i32>} : memref<640xf32, #tpu.memory_space<vmem>>, vector<16xf32>,
    %swap3A_47 = arith.constant 48 : index
    %swap3A_48 = tpu.vector_load %arg6[%swap3A_47] {strides = array<i32>} : memref<640xf32, #tpu.memory_space<vmem>>, vector<16xf32>,
    %swap3A_49 = vector.shape_cast %swap3A_48 : vector<16xf32> to vector<16xf32>
    %swap3A_50 = vector.shape_cast %broadcast_in_dim3A_3 : vector<16xf32> to vector<16xf32>
    tpu.vector_store %arg6[%swap3A_47], %swap3A_50 {strides = array<i32>} : memref<640xf32, #tpu.memory_space<vmem>>, vector<16xf32>,
    %swap3A_51 = arith.constant 64 : index
    %swap3A_52 = tpu.vector_load %arg6[%swap3A_51] {strides = array<i32>} : memref<640xf32, #tpu.memory_space<vmem>>, vector<16xf32>,
    %swap3A_53 = vector.shape_cast %swap3A_52 : vector<16xf32> to vector<16xf32>
    %swap3A_54 = vector.shape_cast %broadcast_in_dim3A_3 : vector<16xf32> to vector<16xf32>
    tpu.vector_store %arg6[%swap3A_51], %swap3A_54 {strides = array<i32>} : memref<640xf32, #tpu.memory_space<vmem>>, vector<16xf32>,
    %swap3A_55 = arith.constant 80 : index
    %swap3A_56 = tpu.vector_load %arg6[%swap3A_55] {strides = array<i32>} : memref<640xf32, #tpu.memory_space<vmem>>, vector<16xf32>,
    %swap3A_57 = vector.shape_cast %swap3A_56 : vector<16xf32> to vector<16xf32>
    %swap3A_58 = vector.shape_cast %broadcast_in_dim3A_3 : vector<16xf32> to vector<16xf32>
    tpu.vector_store %arg6[%swap3A_55], %swap3A_58 {strides = array<i32>} : memref<640xf32, #tpu.memory_space<vmem>>, vector<16xf32>,
    %swap3A_59 = arith.constant 96 : index
    %swap3A_60 = tpu.vector_load %arg6[%swap3A_59] {strides = array<i32>} : memref<640xf32, #tpu.memory_space<vmem>>, vector<16xf32>,
    %swap3A_61 = vector.shape_cast %swap3A_60 : vector<16xf32> to vector<16xf32>
    %swap3A_62 = vector.shape_cast %broadcast_in_dim3A_3 : vector<16xf32> to vector<16xf32>
    tpu.vector_store %arg6[%swap3A_59], %swap3A_62 {strides = array<i32>} : memref<640xf32, #tpu.memory_space<vmem>>, vector<16xf32>,
    %swap3A_63 = arith.constant 112 : index
    %swap3A_64 = tpu.vector_load %arg6[%swap3A_63] {strides = array<i32>} : memref<640xf32, #tpu.memory_space<vmem>>, vector<16xf32>,
    %swap3A_65 = vector.shape_cast %swap3A_64 : vector<16xf32> to vector<16xf32>
    %swap3A_66 = vector.shape_cast %broadcast_in_dim3A_3 : vector<16xf32> to vector<16xf32>
    tpu.vector_store %arg6[%swap3A_63], %swap3A_66 {strides = array<i32>} : memref<640xf32, #tpu.memory_space<vmem>>, vector<16xf32>,
    %swap3A_67 = arith.constant 128 : index
    %swap3A_68 = tpu.vector_load %arg6[%swap3A_67] {strides = array<i32>} : memref<640xf32, #tpu.memory_space<vmem>>, vector<16xf32>,
    %swap3A_69 = vector.shape_cast %swap3A_68 : vector<16xf32> to vector<16xf32>
    %swap3A_70 = vector.shape_cast %broadcast_in_dim3A_3 : vector<16xf32> to vector<16xf32>
    tpu.vector_store %arg6[%swap3A_67], %swap3A_70 {strides = array<i32>} : memref<640xf32, #tpu.memory_space<vmem>>, vector<16xf32>,
    %swap3A_71 = arith.constant 144 : index
    %swap3A_72 = tpu.vector_load %arg6[%swap3A_71] {strides = array<i32>} : memref<640xf32, #tpu.memory_space<vmem>>, vector<16xf32>,
    %swap3A_73 = vector.shape_cast %swap3A_72 : vector<16xf32> to vector<16xf32>
    %swap3A_74 = vector.shape_cast %broadcast_in_dim3A_3 : vector<16xf32> to vector<16xf32>
    tpu.vector_store %arg6[%swap3A_71], %swap3A_74 {strides = array<i32>} : memref<640xf32, #tpu.memory_space<vmem>>, vector<16xf32>,
    %swap3A_75 = arith.constant 160 : index
    %swap3A_76 = tpu.vector_load %arg6[%swap3A_75] {strides = array<i32>} : memref<640xf32, #tpu.memory_space<vmem>>, vector<16xf32>,
    %swap3A_77 = vector.shape_cast %swap3A_76 : vector<16xf32> to vector<16xf32>
    %swap3A_78 = vector.shape_cast %broadcast_in_dim3A_3 : vector<16xf32> to vector<16xf32>
    tpu.vector_store %arg6[%swap3A_75], %swap3A_78 {strides = array<i32>} : memref<640xf32, #tpu.memory_space<vmem>>, vector<16xf32>,
    %swap3A_79 = arith.constant 176 : index
    %swap3A_80 = tpu.vector_load %arg6[%swap3A_79] {strides = array<i32>} : memref<640xf32, #tpu.memory_space<vmem>>, vector<16xf32>,
    %swap3A_81 = vector.shape_cast %swap3A_80 : vector<16xf32> to vector<16xf32>
    %swap3A_82 = vector.shape_cast %broadcast_in_dim3A_3 : vector<16xf32> to vector<16xf32>
    tpu.vector_store %arg6[%swap3A_79], %swap3A_82 {strides = array<i32>} : memref<640xf32, #tpu.memory_space<vmem>>, vector<16xf32>,
    %swap3A_83 = arith.constant 192 : index
    %swap3A_84 = tpu.vector_load %arg6[%swap3A_83] {strides = array<i32>} : memref<640xf32, #tpu.memory_space<vmem>>, vector<16xf32>,
    %swap3A_85 = vector.shape_cast %swap3A_84 : vector<16xf32> to vector<16xf32>
    %swap3A_86 = vector.shape_cast %broadcast_in_dim3A_3 : vector<16xf32> to vector<16xf32>
    tpu.vector_store %arg6[%swap3A_83], %swap3A_86 {strides = array<i32>} : memref<640xf32, #tpu.memory_space<vmem>>, vector<16xf32>,
    %swap3A_87 = arith.constant 208 : index
    %swap3A_88 = tpu.vector_load %arg6[%swap3A_87] {strides = array<i32>} : memref<640xf32, #tpu.memory_space<vmem>>, vector<16xf32>,
    %swap3A_89 = vector.shape_cast %swap3A_88 : vector<16xf32> to vector<16xf32>
    %swap3A_90 = vector.shape_cast %broadcast_in_dim3A_3 : vector<16xf32> to vector<16xf32>
    tpu.vector_store %arg6[%swap3A_87], %swap3A_90 {strides = array<i32>} : memref<640xf32, #tpu.memory_space<vmem>>, vector<16xf32>,
    %swap3A_91 = arith.constant 224 : index
    %swap3A_92 = tpu.vector_load %arg6[%swap3A_91] {strides = array<i32>} : memref<640xf32, #tpu.memory_space<vmem>>, vector<16xf32>,
    %swap3A_93 = vector.shape_cast %swap3A_92 : vector<16xf32> to vector<16xf32>
    %swap3A_94 = vector.shape_cast %broadcast_in_dim3A_3 : vector<16xf32> to vector<16xf32>
    tpu.vector_store %arg6[%swap3A_91], %swap3A_94 {strides = array<i32>} : memref<640xf32, #tpu.memory_space<vmem>>, vector<16xf32>,
    %swap3A_95 = arith.constant 240 : index
    %swap3A_96 = tpu.vector_load %arg6[%swap3A_95] {strides = array<i32>} : memref<640xf32, #tpu.memory_space<vmem>>, vector<16xf32>,
    %swap3A_97 = vector.shape_cast %swap3A_96 : vector<16xf32> to vector<16xf32>
    %swap3A_98 = vector.shape_cast %broadcast_in_dim3A_3 : vector<16xf32> to vector<16xf32>
    tpu.vector_store %arg6[%swap3A_95], %swap3A_98 {strides = array<i32>} : memref<640xf32, #tpu.memory_space<vmem>>, vector<16xf32>,
    %swap3A_99 = arith.constant 256 : index
    %swap3A_100 = tpu.vector_load %arg6[%swap3A_99] {strides = array<i32>} : memref<640xf32, #tpu.memory_space<vmem>>, vector<16xf32>,
    %swap3A_101 = vector.shape_cast %swap3A_100 : vector<16xf32> to vector<16xf32>
    %swap3A_102 = vector.shape_cast %broadcast_in_dim3A_3 : vector<16xf32> to vector<16xf32>
    tpu.vector_store %arg6[%swap3A_99], %swap3A_102 {strides = array<i32>} : memref<640xf32, #tpu.memory_space<vmem>>, vector<16xf32>,
    %swap3A_103 = arith.constant 272 : index
    %swap3A_104 = tpu.vector_load %arg6[%swap3A_103] {strides = array<i32>} : memref<640xf32, #tpu.memory_space<vmem>>, vector<16xf32>,
    %swap3A_105 = vector.shape_cast %swap3A_104 : vector<16xf32> to vector<16xf32>
    %swap3A_106 = vector.shape_cast %broadcast_in_dim3A_3 : vector<16xf32> to vector<16xf32>
    tpu.vector_store %arg6[%swap3A_103], %swap3A_106 {strides = array<i32>} : memref<640xf32, #tpu.memory_space<vmem>>, vector<16xf32>,
    %swap3A_107 = arith.constant 288 : index
    %swap3A_108 = tpu.vector_load %arg6[%swap3A_107] {strides = array<i32>} : memref<640xf32, #tpu.memory_space<vmem>>, vector<16xf32>,
    %swap3A_109 = vector.shape_cast %swap3A_108 : vector<16xf32> to vector<16xf32>
    %swap3A_110 = vector.shape_cast %broadcast_in_dim3A_3 : vector<16xf32> to vector<16xf32>
    tpu.vector_store %arg6[%swap3A_107], %swap3A_110 {strides = array<i32>} : memref<640xf32, #tpu.memory_space<vmem>>, vector<16xf32>,
    %swap3A_111 = arith.constant 304 : index
    %swap3A_112 = tpu.vector_load %arg6[%swap3A_111] {strides = array<i32>} : memref<640xf32, #tpu.memory_space<vmem>>, vector<16xf32>,
    %swap3A_113 = vector.shape_cast %swap3A_112 : vector<16xf32> to vector<16xf32>
    %swap3A_114 = vector.shape_cast %broadcast_in_dim3A_3 : vector<16xf32> to vector<16xf32>
    tpu.vector_store %arg6[%swap3A_111], %swap3A_114 {strides = array<i32>} : memref<640xf32, #tpu.memory_space<vmem>>, vector<16xf32>,
    %swap3A_115 = arith.constant 320 : index
    %swap3A_116 = tpu.vector_load %arg6[%swap3A_115] {strides = array<i32>} : memref<640xf32, #tpu.memory_space<vmem>>, vector<16xf32>,
    %swap3A_117 = vector.shape_cast %swap3A_116 : vector<16xf32> to vector<16xf32>
    %swap3A_118 = vector.shape_cast %broadcast_in_dim3A_3 : vector<16xf32> to vector<16xf32>
    tpu.vector_store %arg6[%swap3A_115], %swap3A_118 {strides = array<i32>} : memref<640xf32, #tpu.memory_space<vmem>>, vector<16xf32>,
    %swap3A_119 = arith.constant 336 : index
    %swap3A_120 = tpu.vector_load %arg6[%swap3A_119] {strides = array<i32>} : memref<640xf32, #tpu.memory_space<vmem>>, vector<16xf32>,
    %swap3A_121 = vector.shape_cast %swap3A_120 : vector<16xf32> to vector<16xf32>
    %swap3A_122 = vector.shape_cast %broadcast_in_dim3A_3 : vector<16xf32> to vector<16xf32>
    tpu.vector_store %arg6[%swap3A_119], %swap3A_122 {strides = array<i32>} : memref<640xf32, #tpu.memory_space<vmem>>, vector<16xf32>,
    %swap3A_123 = arith.constant 352 : index
    %swap3A_124 = tpu.vector_load %arg6[%swap3A_123] {strides = array<i32>} : memref<640xf32, #tpu.memory_space<vmem>>, vector<16xf32>,
    %swap3A_125 = vector.shape_cast %swap3A_124 : vector<16xf32> to vector<16xf32>
    %swap3A_126 = vector.shape_cast %broadcast_in_dim3A_3 : vector<16xf32> to vector<16xf32>
    tpu.vector_store %arg6[%swap3A_123], %swap3A_126 {strides = array<i32>} : memref<640xf32, #tpu.memory_space<vmem>>, vector<16xf32>,
    %swap3A_127 = arith.constant 368 : index
    %swap3A_128 = tpu.vector_load %arg6[%swap3A_127] {strides = array<i32>} : memref<640xf32, #tpu.memory_space<vmem>>, vector<16xf32>,
    %swap3A_129 = vector.shape_cast %swap3A_128 : vector<16xf32> to vector<16xf32>
    %swap3A_130 = vector.shape_cast %broadcast_in_dim3A_3 : vector<16xf32> to vector<16xf32>
    tpu.vector_store %arg6[%swap3A_127], %swap3A_130 {strides = array<i32>} : memref<640xf32, #tpu.memory_space<vmem>>, vector<16xf32>,
    %swap3A_131 = arith.constant 384 : index
    %swap3A_132 = tpu.vector_load %arg6[%swap3A_131] {strides = array<i32>} : memref<640xf32, #tpu.memory_space<vmem>>, vector<16xf32>,
    %swap3A_133 = vector.shape_cast %swap3A_132 : vector<16xf32> to vector<16xf32>
    %swap3A_134 = vector.shape_cast %broadcast_in_dim3A_3 : vector<16xf32> to vector<16xf32>
    tpu.vector_store %arg6[%swap3A_131], %swap3A_134 {strides = array<i32>} : memref<640xf32, #tpu.memory_space<vmem>>, vector<16xf32>,
    %swap3A_135 = arith.constant 400 : index
    %swap3A_136 = tpu.vector_load %arg6[%swap3A_135] {strides = array<i32>} : memref<640xf32, #tpu.memory_space<vmem>>, vector<16xf32>,
    %swap3A_137 = vector.shape_cast %swap3A_136 : vector<16xf32> to vector<16xf32>
    %swap3A_138 = vector.shape_cast %broadcast_in_dim3A_3 : vector<16xf32> to vector<16xf32>
    tpu.vector_store %arg6[%swap3A_135], %swap3A_138 {strides = array<i32>} : memref<640xf32, #tpu.memory_space<vmem>>, vector<16xf32>,
    %swap3A_139 = arith.constant 416 : index
    %swap3A_140 = tpu.vector_load %arg6[%swap3A_139] {strides = array<i32>} : memref<640xf32, #tpu.memory_space<vmem>>, vector<16xf32>,
    %swap3A_141 = vector.shape_cast %swap3A_140 : vector<16xf32> to vector<16xf32>
    %swap3A_142 = vector.shape_cast %broadcast_in_dim3A_3 : vector<16xf32> to vector<16xf32>
    tpu.vector_store %arg6[%swap3A_139], %swap3A_142 {strides = array<i32>} : memref<640xf32, #tpu.memory_space<vmem>>, vector<16xf32>,
    %swap3A_143 = arith.constant 432 : index
    %swap3A_144 = tpu.vector_load %arg6[%swap3A_143] {strides = array<i32>} : memref<640xf32, #tpu.memory_space<vmem>>, vector<16xf32>,
    %swap3A_145 = vector.shape_cast %swap3A_144 : vector<16xf32> to vector<16xf32>
    %swap3A_146 = vector.shape_cast %broadcast_in_dim3A_3 : vector<16xf32> to vector<16xf32>
    tpu.vector_store %arg6[%swap3A_143], %swap3A_146 {strides = array<i32>} : memref<640xf32, #tpu.memory_space<vmem>>, vector<16xf32>,
    %swap3A_147 = arith.constant 448 : index
    %swap3A_148 = tpu.vector_load %arg6[%swap3A_147] {strides = array<i32>} : memref<640xf32, #tpu.memory_space<vmem>>, vector<16xf32>,
    %swap3A_149 = vector.shape_cast %swap3A_148 : vector<16xf32> to vector<16xf32>
    %swap3A_150 = vector.shape_cast %broadcast_in_dim3A_3 : vector<16xf32> to vector<16xf32>
    tpu.vector_store %arg6[%swap3A_147], %swap3A_150 {strides = array<i32>} : memref<640xf32, #tpu.memory_space<vmem>>, vector<16xf32>,
    %swap3A_151 = arith.constant 464 : index
    %swap3A_152 = tpu.vector_load %arg6[%swap3A_151] {strides = array<i32>} : memref<640xf32, #tpu.memory_space<vmem>>, vector<16xf32>,
    %swap3A_153 = vector.shape_cast %swap3A_152 : vector<16xf32> to vector<16xf32>
    %swap3A_154 = vector.shape_cast %broadcast_in_dim3A_3 : vector<16xf32> to vector<16xf32>
    tpu.vector_store %arg6[%swap3A_151], %swap3A_154 {strides = array<i32>} : memref<640xf32, #tpu.memory_space<vmem>>, vector<16xf32>,
    %swap3A_155 = arith.constant 480 : index
    %swap3A_156 = tpu.vector_load %arg6[%swap3A_155] {strides = array<i32>} : memref<640xf32, #tpu.memory_space<vmem>>, vector<16xf32>,
    %swap3A_157 = vector.shape_cast %swap3A_156 : vector<16xf32> to vector<16xf32>
    %swap3A_158 = vector.shape_cast %broadcast_in_dim3A_3 : vector<16xf32> to vector<16xf32>
    tpu.vector_store %arg6[%swap3A_155], %swap3A_158 {strides = array<i32>} : memref<640xf32, #tpu.memory_space<vmem>>, vector<16xf32>,
    %swap3A_159 = arith.constant 496 : index
    %swap3A_160 = tpu.vector_load %arg6[%swap3A_159] {strides = array<i32>} : memref<640xf32, #tpu.memory_space<vmem>>, vector<16xf32>,
    %swap3A_161 = vector.shape_cast %swap3A_160 : vector<16xf32> to vector<16xf32>
    %swap3A_162 = vector.shape_cast %broadcast_in_dim3A_3 : vector<16xf32> to vector<16xf32>
    tpu.vector_store %arg6[%swap3A_159], %swap3A_162 {strides = array<i32>} : memref<640xf32, #tpu.memory_space<vmem>>, vector<16xf32>,
    %swap3A_163 = arith.constant 512 : index
    %swap3A_164 = tpu.vector_load %arg6[%swap3A_163] {strides = array<i32>} : memref<640xf32, #tpu.memory_space<vmem>>, vector<16xf32>,
    %swap3A_165 = vector.shape_cast %swap3A_164 : vector<16xf32> to vector<16xf32>
    %swap3A_166 = vector.shape_cast %broadcast_in_dim3A_3 : vector<16xf32> to vector<16xf32>
    tpu.vector_store %arg6[%swap3A_163], %swap3A_166 {strides = array<i32>} : memref<640xf32, #tpu.memory_space<vmem>>, vector<16xf32>,
    %swap3A_167 = arith.constant 528 : index
    %swap3A_168 = tpu.vector_load %arg6[%swap3A_167] {strides = array<i32>} : memref<640xf32, #tpu.memory_space<vmem>>, vector<16xf32>,
    %swap3A_169 = vector.shape_cast %swap3A_168 : vector<16xf32> to vector<16xf32>
    %swap3A_170 = vector.shape_cast %broadcast_in_dim3A_3 : vector<16xf32> to vector<16xf32>
    tpu.vector_store %arg6[%swap3A_167], %swap3A_170 {strides = array<i32>} : memref<640xf32, #tpu.memory_space<vmem>>, vector<16xf32>,
    %swap3A_171 = arith.constant 544 : index
    %swap3A_172 = tpu.vector_load %arg6[%swap3A_171] {strides = array<i32>} : memref<640xf32, #tpu.memory_space<vmem>>, vector<16xf32>,
    %swap3A_173 = vector.shape_cast %swap3A_172 : vector<16xf32> to vector<16xf32>
    %swap3A_174 = vector.shape_cast %broadcast_in_dim3A_3 : vector<16xf32> to vector<16xf32>
    tpu.vector_store %arg6[%swap3A_171], %swap3A_174 {strides = array<i32>} : memref<640xf32, #tpu.memory_space<vmem>>, vector<16xf32>,
    %swap3A_175 = arith.constant 560 : index
    %swap3A_176 = tpu.vector_load %arg6[%swap3A_175] {strides = array<i32>} : memref<640xf32, #tpu.memory_space<vmem>>, vector<16xf32>,
    %swap3A_177 = vector.shape_cast %swap3A_176 : vector<16xf32> to vector<16xf32>
    %swap3A_178 = vector.shape_cast %broadcast_in_dim3A_3 : vector<16xf32> to vector<16xf32>
    tpu.vector_store %arg6[%swap3A_175], %swap3A_178 {strides = array<i32>} : memref<640xf32, #tpu.memory_space<vmem>>, vector<16xf32>,
    %swap3A_179 = arith.constant 576 : index
    %swap3A_180 = tpu.vector_load %arg6[%swap3A_179] {strides = array<i32>} : memref<640xf32, #tpu.memory_space<vmem>>, vector<16xf32>,
    %swap3A_181 = vector.shape_cast %swap3A_180 : vector<16xf32> to vector<16xf32>
    %swap3A_182 = vector.shape_cast %broadcast_in_dim3A_3 : vector<16xf32> to vector<16xf32>
    tpu.vector_store %arg6[%swap3A_179], %swap3A_182 {strides = array<i32>} : memref<640xf32, #tpu.memory_space<vmem>>, vector<16xf32>,
    %swap3A_183 = arith.constant 592 : index
    %swap3A_184 = tpu.vector_load %arg6[%swap3A_183] {strides = array<i32>} : memref<640xf32, #tpu.memory_space<vmem>>, vector<16xf32>,
    %swap3A_185 = vector.shape_cast %swap3A_184 : vector<16xf32> to vector<16xf32>
    %swap3A_186 = vector.shape_cast %broadcast_in_dim3A_3 : vector<16xf32> to vector<16xf32>
    tpu.vector_store %arg6[%swap3A_183], %swap3A_186 {strides = array<i32>} : memref<640xf32, #tpu.memory_space<vmem>>, vector<16xf32>,
    %swap3A_187 = arith.constant 608 : index
    %swap3A_188 = tpu.vector_load %arg6[%swap3A_187] {strides = array<i32>} : memref<640xf32, #tpu.memory_space<vmem>>, vector<16xf32>,
    %swap3A_189 = vector.shape_cast %swap3A_188 : vector<16xf32> to vector<16xf32>
    %swap3A_190 = vector.shape_cast %broadcast_in_dim3A_3 : vector<16xf32> to vector<16xf32>
    tpu.vector_store %arg6[%swap3A_187], %swap3A_190 {strides = array<i32>} : memref<640xf32, #tpu.memory_space<vmem>>, vector<16xf32>,
    %swap3A_191 = arith.constant 624 : index
    %swap3A_192 = tpu.vector_load %arg6[%swap3A_191] {strides = array<i32>} : memref<640xf32, #tpu.memory_space<vmem>>, vector<16xf32>,
    %swap3A_193 = vector.shape_cast %swap3A_192 : vector<16xf32> to vector<16xf32>
    %swap3A_194 = vector.shape_cast %broadcast_in_dim3A_3 : vector<16xf32> to vector<16xf32>
    tpu.vector_store %arg6[%swap3A_191], %swap3A_194 {strides = array<i32>} : memref<640xf32, #tpu.memory_space<vmem>>, vector<16xf32>,
    %mul3A_195 = arith.constant 640 : i32
    %mul3A_196 = arith.muli %arg1, %mul3A_195 : i32
    "tpu.region"() ({
      %run_scoped3A = tpu.sem_alloc : memref<!tpu.dma_semaphore, #tpu.memory_space<semaphore_mem>>
      %dma_start3A = tpu.memref_slice %arg7[%mul3A_196] : memref<10240xf32, #tpu.memory_space<vmem_shared>> -> memref<640xf32, #tpu.memory_space<vmem_shared>>
      %dma_start3A_207 = tpu.memref_slice %arg7[%mul3A_196] : memref<10240xf32, #tpu.memory_space<vmem_shared>> -> memref<640xf32, #tpu.memory_space<vmem_shared>>
      tpu.enqueue_dma source(%arg6 : memref<640xf32, #tpu.memory_space<vmem>>) target(%dma_start3A_207 : memref<640xf32, #tpu.memory_space<vmem_shared>>) target_semaphore(%run_scoped3A : memref<!tpu.dma_semaphore, #tpu.memory_space<semaphore_mem>>)
      %dma_wait3A = tpu.memref_slice %arg7[%mul3A_196] : memref<10240xf32, #tpu.memory_space<vmem_shared>> -> memref<640xf32, #tpu.memory_space<vmem_shared>>
      %dma_wait3A_208 = tpu.memref_slice %arg7[%mul3A_196] : memref<10240xf32, #tpu.memory_space<vmem_shared>> -> memref<640xf32, #tpu.memory_space<vmem_shared>>
      tpu.wait_dma2 semaphore(%run_scoped3A : memref<!tpu.dma_semaphore, #tpu.memory_space<semaphore_mem>>) src(%arg6 : memref<640xf32, #tpu.memory_space<vmem>>) dst(%dma_wait3A_208 : memref<640xf32, #tpu.memory_space<vmem_shared>>)
      tpu.yield
    }) : () -> ()
    %barrier3A = arith.constant 0 : index
    tpu.barrier barrier_id(%barrier3A)
    %scan3A = arith.constant 0 : i32
    %scan3A_197 = arith.constant 0 : i32
    %scan3A_198 = arith.constant 80 : i32
    %scan3A_199 = arith.addi %scan3A_197, %scan3A_198 : i32
    %scan3A_200 = arith.constant 1 : i32
    scf.for %scan3A_207 = %scan3A_197 to %scan3A_199 step %scan3A_200  : i32 {
      "tpu.region"() ({
        %run_scoped3A = tpu.sem_alloc : memref<!tpu.dma_semaphore, #tpu.memory_space<semaphore_mem>>
        %dma_start3A = arith.constant 0 : i32
        %dma_start3A_208 = tpu.memref_slice %arg4[%scan3A_207, %dma_start3A] : memref<80x128xi32, #tpu.memory_space<vmem>> -> memref<1x128xi32, #tpu.memory_space<vmem>>
        %dma_start3A_209 = tpu.memref_squeeze %dma_start3A_208 : memref<1x128xi32, #tpu.memory_space<vmem>> -> memref<128xi32, #tpu.memory_space<vmem>>
        %dma_start3A_210 = arith.constant 0 : i32
        %dma_start3A_211 = tpu.memref_slice %arg7[%dma_start3A_210] : memref<10240xf32, #tpu.memory_space<vmem_shared>> -> memref<10240xf32, #tpu.memory_space<vmem_shared>>
        tpu.enqueue_indirect_dma source(%arg5 : memref<128xf32, #tpu.memory_space<vmem>>) target(%dma_start3A_211 : memref<10240xf32, #tpu.memory_space<vmem_shared>>) offsets(%dma_start3A_209 : memref<128xi32, #tpu.memory_space<vmem>>) semaphore(%run_scoped3A : memref<!tpu.dma_semaphore, #tpu.memory_space<semaphore_mem>>) {add = true}
        %dma_wait3A = arith.constant 0 : i32
        %dma_wait3A_212 = tpu.memref_slice %arg4[%scan3A_207, %dma_wait3A] : memref<80x128xi32, #tpu.memory_space<vmem>> -> memref<1x128xi32, #tpu.memory_space<vmem>>
        %dma_wait3A_213 = tpu.memref_squeeze %dma_wait3A_212 : memref<1x128xi32, #tpu.memory_space<vmem>> -> memref<128xi32, #tpu.memory_space<vmem>>
        %dma_wait3A_214 = arith.constant 0 : i32
        %dma_wait3A_215 = tpu.memref_slice %arg7[%dma_wait3A_214] : memref<10240xf32, #tpu.memory_space<vmem_shared>> -> memref<10240xf32, #tpu.memory_space<vmem_shared>>
        tpu.wait_indirect_dma semaphore(%run_scoped3A : memref<!tpu.dma_semaphore, #tpu.memory_space<semaphore_mem>>) src(%arg5 : memref<128xf32, #tpu.memory_space<vmem>>) dst(%dma_wait3A_215 : memref<10240xf32, #tpu.memory_space<vmem_shared>>)
        tpu.yield
      }) : () -> ()
    }
    %scan3A_201 = arith.constant 80 : i32
    %barrier3A_202 = arith.constant 0 : index
    tpu.barrier barrier_id(%barrier3A_202)
    %mul3A_203 = arith.constant 640 : i32
    %mul3A_204 = arith.muli %arg1, %mul3A_203 : i32
    %mul3A_205 = arith.constant 640 : i32
    %mul3A_206 = arith.muli %arg1, %mul3A_205 : i32
    "tpu.region"() ({
      %run_scoped3A = tpu.sem_alloc : memref<!tpu.dma_semaphore, #tpu.memory_space<semaphore_mem>>
      %dma_start3A = tpu.memref_slice %arg3[%arg0, %mul3A_206] : memref<2x10240xf32, #tpu.memory_space<hbm>> -> memref<1x640xf32, #tpu.memory_space<hbm>>
      %dma_start3A_207 = tpu.memref_squeeze %dma_start3A : memref<1x640xf32, #tpu.memory_space<hbm>> -> memref<640xf32, #tpu.memory_space<hbm>>
      %dma_start3A_208 = tpu.memref_slice %arg7[%mul3A_204] : memref<10240xf32, #tpu.memory_space<vmem_shared>> -> memref<640xf32, #tpu.memory_space<vmem_shared>>
      tpu.enqueue_dma source(%dma_start3A_208 : memref<640xf32, #tpu.memory_space<vmem_shared>>) target(%dma_start3A_207 : memref<640xf32, #tpu.memory_space<hbm>>) target_semaphore(%run_scoped3A : memref<!tpu.dma_semaphore, #tpu.memory_space<semaphore_mem>>)
      %dma_wait3A = tpu.memref_slice %arg3[%arg0, %mul3A_206] : memref<2x10240xf32, #tpu.memory_space<hbm>> -> memref<1x640xf32, #tpu.memory_space<hbm>>
      %dma_wait3A_209 = tpu.memref_squeeze %dma_wait3A : memref<1x640xf32, #tpu.memory_space<hbm>> -> memref<640xf32, #tpu.memory_space<hbm>>
      %dma_wait3A_210 = tpu.memref_slice %arg7[%mul3A_204] : memref<10240xf32, #tpu.memory_space<vmem_shared>> -> memref<640xf32, #tpu.memory_space<vmem_shared>>
      tpu.wait_dma2 semaphore(%run_scoped3A : memref<!tpu.dma_semaphore, #tpu.memory_space<semaphore_mem>>) src(%dma_wait3A_210 : memref<640xf32, #tpu.memory_space<vmem_shared>>) dst(%dma_wait3A_209 : memref<640xf32, #tpu.memory_space<hbm>>)
      tpu.yield
    }) : () -> ()
    return
  }
}

#map = affine_map<(d0, d1) -> (0, 0)>
#map1 = affine_map<(d0, d1) -> (0, 0, 0)>
module attributes {stable_mosaic.version = 14 : i64} {
  func.func @_prop_body(%arg0: i32, %arg1: i32, %arg2: memref<10000x128xf32, #tpu.memory_space<hbm>>, %arg3: memref<32x80x128xi32, #tpu.memory_space<hbm>>, %arg4: memref<32x80x128xi32, #tpu.memory_space<hbm>>, %arg5: memref<128x128xf32, #tpu.memory_space<hbm>>, %arg6: memref<2x10240x128xf32, #tpu.memory_space<hbm>>, %arg7: memref<8x128xi32, #tpu.memory_space<vmem>>, %arg8: memref<8x128xi32, #tpu.memory_space<vmem>>, %arg9: memref<8x128xi32, #tpu.memory_space<vmem>>, %arg10: memref<8x128xi32, #tpu.memory_space<vmem>>, %arg11: memref<128x128xf32, #tpu.memory_space<vmem>>, %arg12: memref<128x128xf32, #tpu.memory_space<vmem>>, %arg13: memref<!tpu.dma_semaphore, #tpu.memory_space<semaphore_mem>>, %arg14: memref<!tpu.dma_semaphore, #tpu.memory_space<semaphore_mem>>, %arg15: memref<!tpu.dma_semaphore, #tpu.memory_space<semaphore_mem>>, %arg16: memref<!tpu.dma_semaphore, #tpu.memory_space<semaphore_mem>>, %arg17: memref<!tpu.dma_semaphore, #tpu.memory_space<semaphore_mem>>, %arg18: memref<10240x128xf32, #tpu.memory_space<vmem_shared>>) attributes {dimension_semantics = [#tpu.dimension_semantics<core_parallel>, #tpu.dimension_semantics<subcore_parallel>], iteration_bounds = array<i64: 2, 16>, scalar_prefetch = 0 : i64, scratch_operands = 12 : i64, tpu.core_type = #tpu.core_type<sc_vector_subcore>, window_params = [{transform_indices = #map}, {transform_indices = #map1}, {transform_indices = #map1}, {transform_indices = #map}, {transform_indices = #map1}]} {
    %mul3A = arith.constant 16 : i32
    %mul3A_0 = arith.muli %arg0, %mul3A : i32
    %add3A = arith.addi %mul3A_0, %arg1 : i32
    %mul3A_1 = arith.constant 640 : i32
    %mul3A_2 = arith.muli %arg1, %mul3A_1 : i32
    %add3A_3 = arith.constant 0 : i32
    %add3A_4 = arith.addi %mul3A_2, %add3A_3 : i32
    %dma_start3A = arith.constant 0 : i32
    %dma_start3A_5 = tpu.memref_slice %arg18[%add3A_4, %dma_start3A] : memref<10240x128xf32, #tpu.memory_space<vmem_shared>> -> memref<128x128xf32, #tpu.memory_space<vmem_shared>>
    tpu.enqueue_dma source(%arg5 : memref<128x128xf32, #tpu.memory_space<hbm>>) target(%dma_start3A_5 : memref<128x128xf32, #tpu.memory_space<vmem_shared>>) target_semaphore(%arg17 : memref<!tpu.dma_semaphore, #tpu.memory_space<semaphore_mem>>)
    %mul3A_6 = arith.constant 640 : i32
    %mul3A_7 = arith.muli %arg1, %mul3A_6 : i32
    %add3A_8 = arith.constant 128 : i32
    %add3A_9 = arith.addi %mul3A_7, %add3A_8 : i32
    %dma_start3A_10 = arith.constant 0 : i32
    %dma_start3A_11 = tpu.memref_slice %arg18[%add3A_9, %dma_start3A_10] : memref<10240x128xf32, #tpu.memory_space<vmem_shared>> -> memref<128x128xf32, #tpu.memory_space<vmem_shared>>
    tpu.enqueue_dma source(%arg5 : memref<128x128xf32, #tpu.memory_space<hbm>>) target(%dma_start3A_11 : memref<128x128xf32, #tpu.memory_space<vmem_shared>>) target_semaphore(%arg17 : memref<!tpu.dma_semaphore, #tpu.memory_space<semaphore_mem>>)
    %mul3A_12 = arith.constant 640 : i32
    %mul3A_13 = arith.muli %arg1, %mul3A_12 : i32
    %add3A_14 = arith.constant 256 : i32
    %add3A_15 = arith.addi %mul3A_13, %add3A_14 : i32
    %dma_start3A_16 = arith.constant 0 : i32
    %dma_start3A_17 = tpu.memref_slice %arg18[%add3A_15, %dma_start3A_16] : memref<10240x128xf32, #tpu.memory_space<vmem_shared>> -> memref<128x128xf32, #tpu.memory_space<vmem_shared>>
    tpu.enqueue_dma source(%arg5 : memref<128x128xf32, #tpu.memory_space<hbm>>) target(%dma_start3A_17 : memref<128x128xf32, #tpu.memory_space<vmem_shared>>) target_semaphore(%arg17 : memref<!tpu.dma_semaphore, #tpu.memory_space<semaphore_mem>>)
    %mul3A_18 = arith.constant 640 : i32
    %mul3A_19 = arith.muli %arg1, %mul3A_18 : i32
    %add3A_20 = arith.constant 384 : i32
    %add3A_21 = arith.addi %mul3A_19, %add3A_20 : i32
    %dma_start3A_22 = arith.constant 0 : i32
    %dma_start3A_23 = tpu.memref_slice %arg18[%add3A_21, %dma_start3A_22] : memref<10240x128xf32, #tpu.memory_space<vmem_shared>> -> memref<128x128xf32, #tpu.memory_space<vmem_shared>>
    tpu.enqueue_dma source(%arg5 : memref<128x128xf32, #tpu.memory_space<hbm>>) target(%dma_start3A_23 : memref<128x128xf32, #tpu.memory_space<vmem_shared>>) target_semaphore(%arg17 : memref<!tpu.dma_semaphore, #tpu.memory_space<semaphore_mem>>)
    %mul3A_24 = arith.constant 640 : i32
    %mul3A_25 = arith.muli %arg1, %mul3A_24 : i32
    %add3A_26 = arith.constant 512 : i32
    %add3A_27 = arith.addi %mul3A_25, %add3A_26 : i32
    %dma_start3A_28 = arith.constant 0 : i32
    %dma_start3A_29 = tpu.memref_slice %arg18[%add3A_27, %dma_start3A_28] : memref<10240x128xf32, #tpu.memory_space<vmem_shared>> -> memref<128x128xf32, #tpu.memory_space<vmem_shared>>
    tpu.enqueue_dma source(%arg5 : memref<128x128xf32, #tpu.memory_space<hbm>>) target(%dma_start3A_29 : memref<128x128xf32, #tpu.memory_space<vmem_shared>>) target_semaphore(%arg17 : memref<!tpu.dma_semaphore, #tpu.memory_space<semaphore_mem>>)
    "tpu.region"() ({
      %run_scoped3A = tpu.sem_alloc : memref<!tpu.dma_semaphore, #tpu.memory_space<semaphore_mem>>
      %dma_start3A_99 = arith.constant 0 : i32
      %dma_start3A_100 = arith.constant 0 : i32
      %dma_start3A_101 = tpu.memref_slice %arg3[%add3A, %dma_start3A_99, %dma_start3A_100] : memref<32x80x128xi32, #tpu.memory_space<hbm>> -> memref<1x8x128xi32, #tpu.memory_space<hbm>>
      %dma_start3A_102 = tpu.memref_squeeze %dma_start3A_101 : memref<1x8x128xi32, #tpu.memory_space<hbm>> -> memref<8x128xi32, #tpu.memory_space<hbm>>
      %dma_start3A_103 = arith.constant 0 : i32
      %dma_start3A_104 = arith.constant 0 : i32
      %dma_start3A_105 = tpu.memref_slice %arg3[%add3A, %dma_start3A_103, %dma_start3A_104] : memref<32x80x128xi32, #tpu.memory_space<hbm>> -> memref<1x8x128xi32, #tpu.memory_space<hbm>>
      %dma_start3A_106 = tpu.memref_squeeze %dma_start3A_105 : memref<1x8x128xi32, #tpu.memory_space<hbm>> -> memref<8x128xi32, #tpu.memory_space<hbm>>
      tpu.enqueue_dma source(%dma_start3A_106 : memref<8x128xi32, #tpu.memory_space<hbm>>) target(%arg7 : memref<8x128xi32, #tpu.memory_space<vmem>>) target_semaphore(%run_scoped3A : memref<!tpu.dma_semaphore, #tpu.memory_space<semaphore_mem>>)
      %dma_wait3A_107 = arith.constant 0 : i32
      %dma_wait3A_108 = arith.constant 0 : i32
      %dma_wait3A_109 = tpu.memref_slice %arg3[%add3A, %dma_wait3A_107, %dma_wait3A_108] : memref<32x80x128xi32, #tpu.memory_space<hbm>> -> memref<1x8x128xi32, #tpu.memory_space<hbm>>
      %dma_wait3A_110 = tpu.memref_squeeze %dma_wait3A_109 : memref<1x8x128xi32, #tpu.memory_space<hbm>> -> memref<8x128xi32, #tpu.memory_space<hbm>>
      %dma_wait3A_111 = arith.constant 0 : i32
      %dma_wait3A_112 = arith.constant 0 : i32
      %dma_wait3A_113 = tpu.memref_slice %arg3[%add3A, %dma_wait3A_111, %dma_wait3A_112] : memref<32x80x128xi32, #tpu.memory_space<hbm>> -> memref<1x8x128xi32, #tpu.memory_space<hbm>>
      %dma_wait3A_114 = tpu.memref_squeeze %dma_wait3A_113 : memref<1x8x128xi32, #tpu.memory_space<hbm>> -> memref<8x128xi32, #tpu.memory_space<hbm>>
      tpu.wait_dma2 semaphore(%run_scoped3A : memref<!tpu.dma_semaphore, #tpu.memory_space<semaphore_mem>>) src(%dma_wait3A_114 : memref<8x128xi32, #tpu.memory_space<hbm>>) dst(%arg7 : memref<8x128xi32, #tpu.memory_space<vmem>>)
      tpu.yield
    }) : () -> ()
    "tpu.region"() ({
      %run_scoped3A = tpu.sem_alloc : memref<!tpu.dma_semaphore, #tpu.memory_space<semaphore_mem>>
      %dma_start3A_99 = arith.constant 0 : i32
      %dma_start3A_100 = arith.constant 0 : i32
      %dma_start3A_101 = tpu.memref_slice %arg4[%add3A, %dma_start3A_99, %dma_start3A_100] : memref<32x80x128xi32, #tpu.memory_space<hbm>> -> memref<1x8x128xi32, #tpu.memory_space<hbm>>
      %dma_start3A_102 = tpu.memref_squeeze %dma_start3A_101 : memref<1x8x128xi32, #tpu.memory_space<hbm>> -> memref<8x128xi32, #tpu.memory_space<hbm>>
      %dma_start3A_103 = arith.constant 0 : i32
      %dma_start3A_104 = arith.constant 0 : i32
      %dma_start3A_105 = tpu.memref_slice %arg4[%add3A, %dma_start3A_103, %dma_start3A_104] : memref<32x80x128xi32, #tpu.memory_space<hbm>> -> memref<1x8x128xi32, #tpu.memory_space<hbm>>
      %dma_start3A_106 = tpu.memref_squeeze %dma_start3A_105 : memref<1x8x128xi32, #tpu.memory_space<hbm>> -> memref<8x128xi32, #tpu.memory_space<hbm>>
      tpu.enqueue_dma source(%dma_start3A_106 : memref<8x128xi32, #tpu.memory_space<hbm>>) target(%arg9 : memref<8x128xi32, #tpu.memory_space<vmem>>) target_semaphore(%run_scoped3A : memref<!tpu.dma_semaphore, #tpu.memory_space<semaphore_mem>>)
      %dma_wait3A_107 = arith.constant 0 : i32
      %dma_wait3A_108 = arith.constant 0 : i32
      %dma_wait3A_109 = tpu.memref_slice %arg4[%add3A, %dma_wait3A_107, %dma_wait3A_108] : memref<32x80x128xi32, #tpu.memory_space<hbm>> -> memref<1x8x128xi32, #tpu.memory_space<hbm>>
      %dma_wait3A_110 = tpu.memref_squeeze %dma_wait3A_109 : memref<1x8x128xi32, #tpu.memory_space<hbm>> -> memref<8x128xi32, #tpu.memory_space<hbm>>
      %dma_wait3A_111 = arith.constant 0 : i32
      %dma_wait3A_112 = arith.constant 0 : i32
      %dma_wait3A_113 = tpu.memref_slice %arg4[%add3A, %dma_wait3A_111, %dma_wait3A_112] : memref<32x80x128xi32, #tpu.memory_space<hbm>> -> memref<1x8x128xi32, #tpu.memory_space<hbm>>
      %dma_wait3A_114 = tpu.memref_squeeze %dma_wait3A_113 : memref<1x8x128xi32, #tpu.memory_space<hbm>> -> memref<8x128xi32, #tpu.memory_space<hbm>>
      tpu.wait_dma2 semaphore(%run_scoped3A : memref<!tpu.dma_semaphore, #tpu.memory_space<semaphore_mem>>) src(%dma_wait3A_114 : memref<8x128xi32, #tpu.memory_space<hbm>>) dst(%arg9 : memref<8x128xi32, #tpu.memory_space<vmem>>)
      tpu.yield
    }) : () -> ()
    %dma_start3A_30 = arith.constant 8 : i32
    %dma_start3A_31 = arith.constant 0 : i32
    %dma_start3A_32 = tpu.memref_slice %arg3[%add3A, %dma_start3A_30, %dma_start3A_31] : memref<32x80x128xi32, #tpu.memory_space<hbm>> -> memref<1x8x128xi32, #tpu.memory_space<hbm>>
    %dma_start3A_33 = tpu.memref_squeeze %dma_start3A_32 : memref<1x8x128xi32, #tpu.memory_space<hbm>> -> memref<8x128xi32, #tpu.memory_space<hbm>>
    %dma_start3A_34 = arith.constant 8 : i32
    %dma_start3A_35 = arith.constant 0 : i32
    %dma_start3A_36 = tpu.memref_slice %arg3[%add3A, %dma_start3A_34, %dma_start3A_35] : memref<32x80x128xi32, #tpu.memory_space<hbm>> -> memref<1x8x128xi32, #tpu.memory_space<hbm>>
    %dma_start3A_37 = tpu.memref_squeeze %dma_start3A_36 : memref<1x8x128xi32, #tpu.memory_space<hbm>> -> memref<8x128xi32, #tpu.memory_space<hbm>>
    tpu.enqueue_dma source(%dma_start3A_37 : memref<8x128xi32, #tpu.memory_space<hbm>>) target(%arg8 : memref<8x128xi32, #tpu.memory_space<vmem>>) target_semaphore(%arg13 : memref<!tpu.dma_semaphore, #tpu.memory_space<semaphore_mem>>)
    %dma_start3A_38 = arith.constant 8 : i32
    %dma_start3A_39 = arith.constant 0 : i32
    %dma_start3A_40 = tpu.memref_slice %arg4[%add3A, %dma_start3A_38, %dma_start3A_39] : memref<32x80x128xi32, #tpu.memory_space<hbm>> -> memref<1x8x128xi32, #tpu.memory_space<hbm>>
    %dma_start3A_41 = tpu.memref_squeeze %dma_start3A_40 : memref<1x8x128xi32, #tpu.memory_space<hbm>> -> memref<8x128xi32, #tpu.memory_space<hbm>>
    %dma_start3A_42 = arith.constant 8 : i32
    %dma_start3A_43 = arith.constant 0 : i32
    %dma_start3A_44 = tpu.memref_slice %arg4[%add3A, %dma_start3A_42, %dma_start3A_43] : memref<32x80x128xi32, #tpu.memory_space<hbm>> -> memref<1x8x128xi32, #tpu.memory_space<hbm>>
    %dma_start3A_45 = tpu.memref_squeeze %dma_start3A_44 : memref<1x8x128xi32, #tpu.memory_space<hbm>> -> memref<8x128xi32, #tpu.memory_space<hbm>>
    tpu.enqueue_dma source(%dma_start3A_45 : memref<8x128xi32, #tpu.memory_space<hbm>>) target(%arg10 : memref<8x128xi32, #tpu.memory_space<vmem>>) target_semaphore(%arg14 : memref<!tpu.dma_semaphore, #tpu.memory_space<semaphore_mem>>)
    %mul3A_46 = arith.constant 640 : i32
    %mul3A_47 = arith.muli %arg1, %mul3A_46 : i32
    %add3A_48 = arith.constant 0 : i32
    %add3A_49 = arith.addi %mul3A_47, %add3A_48 : i32
    %dma_wait3A = arith.constant 0 : i32
    %dma_wait3A_50 = tpu.memref_slice %arg18[%add3A_49, %dma_wait3A] : memref<10240x128xf32, #tpu.memory_space<vmem_shared>> -> memref<128x128xf32, #tpu.memory_space<vmem_shared>>
    tpu.wait_dma2 semaphore(%arg17 : memref<!tpu.dma_semaphore, #tpu.memory_space<semaphore_mem>>) src(%arg5 : memref<128x128xf32, #tpu.memory_space<hbm>>) dst(%dma_wait3A_50 : memref<128x128xf32, #tpu.memory_space<vmem_shared>>)
    %mul3A_51 = arith.constant 640 : i32
    %mul3A_52 = arith.muli %arg1, %mul3A_51 : i32
    %add3A_53 = arith.constant 128 : i32
    %add3A_54 = arith.addi %mul3A_52, %add3A_53 : i32
    %dma_wait3A_55 = arith.constant 0 : i32
    %dma_wait3A_56 = tpu.memref_slice %arg18[%add3A_54, %dma_wait3A_55] : memref<10240x128xf32, #tpu.memory_space<vmem_shared>> -> memref<128x128xf32, #tpu.memory_space<vmem_shared>>
    tpu.wait_dma2 semaphore(%arg17 : memref<!tpu.dma_semaphore, #tpu.memory_space<semaphore_mem>>) src(%arg5 : memref<128x128xf32, #tpu.memory_space<hbm>>) dst(%dma_wait3A_56 : memref<128x128xf32, #tpu.memory_space<vmem_shared>>)
    %mul3A_57 = arith.constant 640 : i32
    %mul3A_58 = arith.muli %arg1, %mul3A_57 : i32
    %add3A_59 = arith.constant 256 : i32
    %add3A_60 = arith.addi %mul3A_58, %add3A_59 : i32
    %dma_wait3A_61 = arith.constant 0 : i32
    %dma_wait3A_62 = tpu.memref_slice %arg18[%add3A_60, %dma_wait3A_61] : memref<10240x128xf32, #tpu.memory_space<vmem_shared>> -> memref<128x128xf32, #tpu.memory_space<vmem_shared>>
    tpu.wait_dma2 semaphore(%arg17 : memref<!tpu.dma_semaphore, #tpu.memory_space<semaphore_mem>>) src(%arg5 : memref<128x128xf32, #tpu.memory_space<hbm>>) dst(%dma_wait3A_62 : memref<128x128xf32, #tpu.memory_space<vmem_shared>>)
    %mul3A_63 = arith.constant 640 : i32
    %mul3A_64 = arith.muli %arg1, %mul3A_63 : i32
    %add3A_65 = arith.constant 384 : i32
    %add3A_66 = arith.addi %mul3A_64, %add3A_65 : i32
    %dma_wait3A_67 = arith.constant 0 : i32
    %dma_wait3A_68 = tpu.memref_slice %arg18[%add3A_66, %dma_wait3A_67] : memref<10240x128xf32, #tpu.memory_space<vmem_shared>> -> memref<128x128xf32, #tpu.memory_space<vmem_shared>>
    tpu.wait_dma2 semaphore(%arg17 : memref<!tpu.dma_semaphore, #tpu.memory_space<semaphore_mem>>) src(%arg5 : memref<128x128xf32, #tpu.memory_space<hbm>>) dst(%dma_wait3A_68 : memref<128x128xf32, #tpu.memory_space<vmem_shared>>)
    %mul3A_69 = arith.constant 640 : i32
    %mul3A_70 = arith.muli %arg1, %mul3A_69 : i32
    %add3A_71 = arith.constant 512 : i32
    %add3A_72 = arith.addi %mul3A_70, %add3A_71 : i32
    %dma_wait3A_73 = arith.constant 0 : i32
    %dma_wait3A_74 = tpu.memref_slice %arg18[%add3A_72, %dma_wait3A_73] : memref<10240x128xf32, #tpu.memory_space<vmem_shared>> -> memref<128x128xf32, #tpu.memory_space<vmem_shared>>
    tpu.wait_dma2 semaphore(%arg17 : memref<!tpu.dma_semaphore, #tpu.memory_space<semaphore_mem>>) src(%arg5 : memref<128x128xf32, #tpu.memory_space<hbm>>) dst(%dma_wait3A_74 : memref<128x128xf32, #tpu.memory_space<vmem_shared>>)
    %barrier3A = arith.constant 0 : index
    tpu.barrier barrier_id(%barrier3A)
    %dma_start3A_75 = arith.constant 0 : i32
    %dma_start3A_76 = arith.constant 0 : i32
    %dma_start3A_77 = tpu.memref_slice %arg7[%dma_start3A_75, %dma_start3A_76] : memref<8x128xi32, #tpu.memory_space<vmem>> -> memref<1x128xi32, #tpu.memory_space<vmem>>
    %dma_start3A_78 = tpu.memref_squeeze %dma_start3A_77 : memref<1x128xi32, #tpu.memory_space<vmem>> -> memref<128xi32, #tpu.memory_space<vmem>>
    %dma_start3A_79 = arith.constant 0 : i32
    %dma_start3A_80 = arith.constant 0 : i32
    %dma_start3A_81 = tpu.memref_slice %arg2[%dma_start3A_79, %dma_start3A_80] : memref<10000x128xf32, #tpu.memory_space<hbm>> -> memref<10000x128xf32, #tpu.memory_space<hbm>>
    tpu.enqueue_indirect_dma source(%dma_start3A_81 : memref<10000x128xf32, #tpu.memory_space<hbm>>) target(%arg11 : memref<128x128xf32, #tpu.memory_space<vmem>>) offsets(%dma_start3A_78 : memref<128xi32, #tpu.memory_space<vmem>>) semaphore(%arg15 : memref<!tpu.dma_semaphore, #tpu.memory_space<semaphore_mem>>)
    %dma_start3A_82 = arith.constant 1 : i32
    %dma_start3A_83 = arith.constant 0 : i32
    %dma_start3A_84 = tpu.memref_slice %arg7[%dma_start3A_82, %dma_start3A_83] : memref<8x128xi32, #tpu.memory_space<vmem>> -> memref<1x128xi32, #tpu.memory_space<vmem>>
    %dma_start3A_85 = tpu.memref_squeeze %dma_start3A_84 : memref<1x128xi32, #tpu.memory_space<vmem>> -> memref<128xi32, #tpu.memory_space<vmem>>
    %dma_start3A_86 = arith.constant 0 : i32
    %dma_start3A_87 = arith.constant 0 : i32
    %dma_start3A_88 = tpu.memref_slice %arg2[%dma_start3A_86, %dma_start3A_87] : memref<10000x128xf32, #tpu.memory_space<hbm>> -> memref<10000x128xf32, #tpu.memory_space<hbm>>
    tpu.enqueue_indirect_dma source(%dma_start3A_88 : memref<10000x128xf32, #tpu.memory_space<hbm>>) target(%arg12 : memref<128x128xf32, #tpu.memory_space<vmem>>) offsets(%dma_start3A_85 : memref<128xi32, #tpu.memory_space<vmem>>) semaphore(%arg16 : memref<!tpu.dma_semaphore, #tpu.memory_space<semaphore_mem>>)
    %scan3A = arith.constant 0 : i32
    %scan3A_89 = arith.constant 0 : i32
    %scan3A_90 = arith.constant 5 : i32
    %scan3A_91 = arith.addi %scan3A_89, %scan3A_90 : i32
    %scan3A_92 = arith.constant 1 : i32
    scf.for %scan3A_99 = %scan3A_89 to %scan3A_91 step %scan3A_92  : i32 {
      %mul3A_100 = arith.constant 2 : i32
      %mul3A_101 = arith.muli %scan3A_99, %mul3A_100 : i32
      %add3A_102 = arith.constant 0 : i32
      %add3A_103 = arith.addi %mul3A_101, %add3A_102 : i32
      %dma_wait3A_104 = arith.constant 0 : i32
      %dma_wait3A_105 = arith.constant 0 : i32
      %dma_wait3A_106 = tpu.memref_slice %arg7[%dma_wait3A_104, %dma_wait3A_105] : memref<8x128xi32, #tpu.memory_space<vmem>> -> memref<1x128xi32, #tpu.memory_space<vmem>>
      %dma_wait3A_107 = tpu.memref_squeeze %dma_wait3A_106 : memref<1x128xi32, #tpu.memory_space<vmem>> -> memref<128xi32, #tpu.memory_space<vmem>>
      %dma_wait3A_108 = arith.constant 0 : i32
      %dma_wait3A_109 = arith.constant 0 : i32
      %dma_wait3A_110 = tpu.memref_slice %arg2[%dma_wait3A_108, %dma_wait3A_109] : memref<10000x128xf32, #tpu.memory_space<hbm>> -> memref<10000x128xf32, #tpu.memory_space<hbm>>
      tpu.wait_indirect_dma semaphore(%arg15 : memref<!tpu.dma_semaphore, #tpu.memory_space<semaphore_mem>>) src(%dma_wait3A_110 : memref<10000x128xf32, #tpu.memory_space<hbm>>) dst(%arg11 : memref<128x128xf32, #tpu.memory_space<vmem>>)
      %run_scoped3A = arith.constant 0 : i32
      "tpu.region"() ({
        %run_scoped3A_372 = tpu.sem_alloc : memref<!tpu.dma_semaphore, #tpu.memory_space<semaphore_mem>>
        %dma_start3A_373 = arith.constant 0 : i32
        %dma_start3A_374 = tpu.memref_slice %arg9[%run_scoped3A, %dma_start3A_373] : memref<8x128xi32, #tpu.memory_space<vmem>> -> memref<1x128xi32, #tpu.memory_space<vmem>>
        %dma_start3A_375 = tpu.memref_squeeze %dma_start3A_374 : memref<1x128xi32, #tpu.memory_space<vmem>> -> memref<128xi32, #tpu.memory_space<vmem>>
        %dma_start3A_376 = arith.constant 0 : i32
        %dma_start3A_377 = arith.constant 0 : i32
        %dma_start3A_378 = tpu.memref_slice %arg18[%dma_start3A_376, %dma_start3A_377] : memref<10240x128xf32, #tpu.memory_space<vmem_shared>> -> memref<10240x128xf32, #tpu.memory_space<vmem_shared>>
        tpu.enqueue_indirect_dma source(%arg11 : memref<128x128xf32, #tpu.memory_space<vmem>>) target(%dma_start3A_378 : memref<10240x128xf32, #tpu.memory_space<vmem_shared>>) offsets(%dma_start3A_375 : memref<128xi32, #tpu.memory_space<vmem>>) semaphore(%run_scoped3A_372 : memref<!tpu.dma_semaphore, #tpu.memory_space<semaphore_mem>>) {add = true}
        %dma_wait3A_379 = arith.constant 0 : i32
        %dma_wait3A_380 = tpu.memref_slice %arg9[%run_scoped3A, %dma_wait3A_379] : memref<8x128xi32, #tpu.memory_space<vmem>> -> memref<1x128xi32, #tpu.memory_space<vmem>>
        %dma_wait3A_381 = tpu.memref_squeeze %dma_wait3A_380 : memref<1x128xi32, #tpu.memory_space<vmem>> -> memref<128xi32, #tpu.memory_space<vmem>>
        %dma_wait3A_382 = arith.constant 0 : i32
        %dma_wait3A_383 = arith.constant 0 : i32
        %dma_wait3A_384 = tpu.memref_slice %arg18[%dma_wait3A_382, %dma_wait3A_383] : memref<10240x128xf32, #tpu.memory_space<vmem_shared>> -> memref<10240x128xf32, #tpu.memory_space<vmem_shared>>
        tpu.wait_indirect_dma semaphore(%run_scoped3A_372 : memref<!tpu.dma_semaphore, #tpu.memory_space<semaphore_mem>>) src(%arg11 : memref<128x128xf32, #tpu.memory_space<vmem>>) dst(%dma_wait3A_384 : memref<10240x128xf32, #tpu.memory_space<vmem_shared>>)
        tpu.yield
      }) : () -> ()
      %dma_start3A_111 = arith.constant 2 : i32
      %dma_start3A_112 = arith.constant 0 : i32
      %dma_start3A_113 = tpu.memref_slice %arg7[%dma_start3A_111, %dma_start3A_112] : memref<8x128xi32, #tpu.memory_space<vmem>> -> memref<1x128xi32, #tpu.memory_space<vmem>>
      %dma_start3A_114 = tpu.memref_squeeze %dma_start3A_113 : memref<1x128xi32, #tpu.memory_space<vmem>> -> memref<128xi32, #tpu.memory_space<vmem>>
      %dma_start3A_115 = arith.constant 0 : i32
      %dma_start3A_116 = arith.constant 0 : i32
      %dma_start3A_117 = tpu.memref_slice %arg2[%dma_start3A_115, %dma_start3A_116] : memref<10000x128xf32, #tpu.memory_space<hbm>> -> memref<10000x128xf32, #tpu.memory_space<hbm>>
      tpu.enqueue_indirect_dma source(%dma_start3A_117 : memref<10000x128xf32, #tpu.memory_space<hbm>>) target(%arg11 : memref<128x128xf32, #tpu.memory_space<vmem>>) offsets(%dma_start3A_114 : memref<128xi32, #tpu.memory_space<vmem>>) semaphore(%arg15 : memref<!tpu.dma_semaphore, #tpu.memory_space<semaphore_mem>>)
      %dma_wait3A_118 = arith.constant 1 : i32
      %dma_wait3A_119 = arith.constant 0 : i32
      %dma_wait3A_120 = tpu.memref_slice %arg7[%dma_wait3A_118, %dma_wait3A_119] : memref<8x128xi32, #tpu.memory_space<vmem>> -> memref<1x128xi32, #tpu.memory_space<vmem>>
      %dma_wait3A_121 = tpu.memref_squeeze %dma_wait3A_120 : memref<1x128xi32, #tpu.memory_space<vmem>> -> memref<128xi32, #tpu.memory_space<vmem>>
      %dma_wait3A_122 = arith.constant 0 : i32
      %dma_wait3A_123 = arith.constant 0 : i32
      %dma_wait3A_124 = tpu.memref_slice %arg2[%dma_wait3A_122, %dma_wait3A_123] : memref<10000x128xf32, #tpu.memory_space<hbm>> -> memref<10000x128xf32, #tpu.memory_space<hbm>>
      tpu.wait_indirect_dma semaphore(%arg16 : memref<!tpu.dma_semaphore, #tpu.memory_space<semaphore_mem>>) src(%dma_wait3A_124 : memref<10000x128xf32, #tpu.memory_space<hbm>>) dst(%arg12 : memref<128x128xf32, #tpu.memory_space<vmem>>)
      %run_scoped3A_125 = arith.constant 1 : i32
      "tpu.region"() ({
        %run_scoped3A_372 = tpu.sem_alloc : memref<!tpu.dma_semaphore, #tpu.memory_space<semaphore_mem>>
        %dma_start3A_373 = arith.constant 0 : i32
        %dma_start3A_374 = tpu.memref_slice %arg9[%run_scoped3A_125, %dma_start3A_373] : memref<8x128xi32, #tpu.memory_space<vmem>> -> memref<1x128xi32, #tpu.memory_space<vmem>>
        %dma_start3A_375 = tpu.memref_squeeze %dma_start3A_374 : memref<1x128xi32, #tpu.memory_space<vmem>> -> memref<128xi32, #tpu.memory_space<vmem>>
        %dma_start3A_376 = arith.constant 0 : i32
        %dma_start3A_377 = arith.constant 0 : i32
        %dma_start3A_378 = tpu.memref_slice %arg18[%dma_start3A_376, %dma_start3A_377] : memref<10240x128xf32, #tpu.memory_space<vmem_shared>> -> memref<10240x128xf32, #tpu.memory_space<vmem_shared>>
        tpu.enqueue_indirect_dma source(%arg12 : memref<128x128xf32, #tpu.memory_space<vmem>>) target(%dma_start3A_378 : memref<10240x128xf32, #tpu.memory_space<vmem_shared>>) offsets(%dma_start3A_375 : memref<128xi32, #tpu.memory_space<vmem>>) semaphore(%run_scoped3A_372 : memref<!tpu.dma_semaphore, #tpu.memory_space<semaphore_mem>>) {add = true}
        %dma_wait3A_379 = arith.constant 0 : i32
        %dma_wait3A_380 = tpu.memref_slice %arg9[%run_scoped3A_125, %dma_wait3A_379] : memref<8x128xi32, #tpu.memory_space<vmem>> -> memref<1x128xi32, #tpu.memory_space<vmem>>
        %dma_wait3A_381 = tpu.memref_squeeze %dma_wait3A_380 : memref<1x128xi32, #tpu.memory_space<vmem>> -> memref<128xi32, #tpu.memory_space<vmem>>
        %dma_wait3A_382 = arith.constant 0 : i32
        %dma_wait3A_383 = arith.constant 0 : i32
        %dma_wait3A_384 = tpu.memref_slice %arg18[%dma_wait3A_382, %dma_wait3A_383] : memref<10240x128xf32, #tpu.memory_space<vmem_shared>> -> memref<10240x128xf32, #tpu.memory_space<vmem_shared>>
        tpu.wait_indirect_dma semaphore(%run_scoped3A_372 : memref<!tpu.dma_semaphore, #tpu.memory_space<semaphore_mem>>) src(%arg12 : memref<128x128xf32, #tpu.memory_space<vmem>>) dst(%dma_wait3A_384 : memref<10240x128xf32, #tpu.memory_space<vmem_shared>>)
        tpu.yield
      }) : () -> ()
      %dma_start3A_126 = arith.constant 3 : i32
      %dma_start3A_127 = arith.constant 0 : i32
      %dma_start3A_128 = tpu.memref_slice %arg7[%dma_start3A_126, %dma_start3A_127] : memref<8x128xi32, #tpu.memory_space<vmem>> -> memref<1x128xi32, #tpu.memory_space<vmem>>
      %dma_start3A_129 = tpu.memref_squeeze %dma_start3A_128 : memref<1x128xi32, #tpu.memory_space<vmem>> -> memref<128xi32, #tpu.memory_space<vmem>>
      %dma_start3A_130 = arith.constant 0 : i32
      %dma_start3A_131 = arith.constant 0 : i32
      %dma_start3A_132 = tpu.memref_slice %arg2[%dma_start3A_130, %dma_start3A_131] : memref<10000x128xf32, #tpu.memory_space<hbm>> -> memref<10000x128xf32, #tpu.memory_space<hbm>>
      tpu.enqueue_indirect_dma source(%dma_start3A_132 : memref<10000x128xf32, #tpu.memory_space<hbm>>) target(%arg12 : memref<128x128xf32, #tpu.memory_space<vmem>>) offsets(%dma_start3A_129 : memref<128xi32, #tpu.memory_space<vmem>>) semaphore(%arg16 : memref<!tpu.dma_semaphore, #tpu.memory_space<semaphore_mem>>)
      %dma_wait3A_133 = arith.constant 2 : i32
      %dma_wait3A_134 = arith.constant 0 : i32
      %dma_wait3A_135 = tpu.memref_slice %arg7[%dma_wait3A_133, %dma_wait3A_134] : memref<8x128xi32, #tpu.memory_space<vmem>> -> memref<1x128xi32, #tpu.memory_space<vmem>>
      %dma_wait3A_136 = tpu.memref_squeeze %dma_wait3A_135 : memref<1x128xi32, #tpu.memory_space<vmem>> -> memref<128xi32, #tpu.memory_space<vmem>>
      %dma_wait3A_137 = arith.constant 0 : i32
      %dma_wait3A_138 = arith.constant 0 : i32
      %dma_wait3A_139 = tpu.memref_slice %arg2[%dma_wait3A_137, %dma_wait3A_138] : memref<10000x128xf32, #tpu.memory_space<hbm>> -> memref<10000x128xf32, #tpu.memory_space<hbm>>
      tpu.wait_indirect_dma semaphore(%arg15 : memref<!tpu.dma_semaphore, #tpu.memory_space<semaphore_mem>>) src(%dma_wait3A_139 : memref<10000x128xf32, #tpu.memory_space<hbm>>) dst(%arg11 : memref<128x128xf32, #tpu.memory_space<vmem>>)
      %run_scoped3A_140 = arith.constant 2 : i32
      "tpu.region"() ({
        %run_scoped3A_372 = tpu.sem_alloc : memref<!tpu.dma_semaphore, #tpu.memory_space<semaphore_mem>>
        %dma_start3A_373 = arith.constant 0 : i32
        %dma_start3A_374 = tpu.memref_slice %arg9[%run_scoped3A_140, %dma_start3A_373] : memref<8x128xi32, #tpu.memory_space<vmem>> -> memref<1x128xi32, #tpu.memory_space<vmem>>
        %dma_start3A_375 = tpu.memref_squeeze %dma_start3A_374 : memref<1x128xi32, #tpu.memory_space<vmem>> -> memref<128xi32, #tpu.memory_space<vmem>>
        %dma_start3A_376 = arith.constant 0 : i32
        %dma_start3A_377 = arith.constant 0 : i32
        %dma_start3A_378 = tpu.memref_slice %arg18[%dma_start3A_376, %dma_start3A_377] : memref<10240x128xf32, #tpu.memory_space<vmem_shared>> -> memref<10240x128xf32, #tpu.memory_space<vmem_shared>>
        tpu.enqueue_indirect_dma source(%arg11 : memref<128x128xf32, #tpu.memory_space<vmem>>) target(%dma_start3A_378 : memref<10240x128xf32, #tpu.memory_space<vmem_shared>>) offsets(%dma_start3A_375 : memref<128xi32, #tpu.memory_space<vmem>>) semaphore(%run_scoped3A_372 : memref<!tpu.dma_semaphore, #tpu.memory_space<semaphore_mem>>) {add = true}
        %dma_wait3A_379 = arith.constant 0 : i32
        %dma_wait3A_380 = tpu.memref_slice %arg9[%run_scoped3A_140, %dma_wait3A_379] : memref<8x128xi32, #tpu.memory_space<vmem>> -> memref<1x128xi32, #tpu.memory_space<vmem>>
        %dma_wait3A_381 = tpu.memref_squeeze %dma_wait3A_380 : memref<1x128xi32, #tpu.memory_space<vmem>> -> memref<128xi32, #tpu.memory_space<vmem>>
        %dma_wait3A_382 = arith.constant 0 : i32
        %dma_wait3A_383 = arith.constant 0 : i32
        %dma_wait3A_384 = tpu.memref_slice %arg18[%dma_wait3A_382, %dma_wait3A_383] : memref<10240x128xf32, #tpu.memory_space<vmem_shared>> -> memref<10240x128xf32, #tpu.memory_space<vmem_shared>>
        tpu.wait_indirect_dma semaphore(%run_scoped3A_372 : memref<!tpu.dma_semaphore, #tpu.memory_space<semaphore_mem>>) src(%arg11 : memref<128x128xf32, #tpu.memory_space<vmem>>) dst(%dma_wait3A_384 : memref<10240x128xf32, #tpu.memory_space<vmem_shared>>)
        tpu.yield
      }) : () -> ()
      %dma_start3A_141 = arith.constant 4 : i32
      %dma_start3A_142 = arith.constant 0 : i32
      %dma_start3A_143 = tpu.memref_slice %arg7[%dma_start3A_141, %dma_start3A_142] : memref<8x128xi32, #tpu.memory_space<vmem>> -> memref<1x128xi32, #tpu.memory_space<vmem>>
      %dma_start3A_144 = tpu.memref_squeeze %dma_start3A_143 : memref<1x128xi32, #tpu.memory_space<vmem>> -> memref<128xi32, #tpu.memory_space<vmem>>
      %dma_start3A_145 = arith.constant 0 : i32
      %dma_start3A_146 = arith.constant 0 : i32
      %dma_start3A_147 = tpu.memref_slice %arg2[%dma_start3A_145, %dma_start3A_146] : memref<10000x128xf32, #tpu.memory_space<hbm>> -> memref<10000x128xf32, #tpu.memory_space<hbm>>
      tpu.enqueue_indirect_dma source(%dma_start3A_147 : memref<10000x128xf32, #tpu.memory_space<hbm>>) target(%arg11 : memref<128x128xf32, #tpu.memory_space<vmem>>) offsets(%dma_start3A_144 : memref<128xi32, #tpu.memory_space<vmem>>) semaphore(%arg15 : memref<!tpu.dma_semaphore, #tpu.memory_space<semaphore_mem>>)
      %dma_wait3A_148 = arith.constant 3 : i32
      %dma_wait3A_149 = arith.constant 0 : i32
      %dma_wait3A_150 = tpu.memref_slice %arg7[%dma_wait3A_148, %dma_wait3A_149] : memref<8x128xi32, #tpu.memory_space<vmem>> -> memref<1x128xi32, #tpu.memory_space<vmem>>
      %dma_wait3A_151 = tpu.memref_squeeze %dma_wait3A_150 : memref<1x128xi32, #tpu.memory_space<vmem>> -> memref<128xi32, #tpu.memory_space<vmem>>
      %dma_wait3A_152 = arith.constant 0 : i32
      %dma_wait3A_153 = arith.constant 0 : i32
      %dma_wait3A_154 = tpu.memref_slice %arg2[%dma_wait3A_152, %dma_wait3A_153] : memref<10000x128xf32, #tpu.memory_space<hbm>> -> memref<10000x128xf32, #tpu.memory_space<hbm>>
      tpu.wait_indirect_dma semaphore(%arg16 : memref<!tpu.dma_semaphore, #tpu.memory_space<semaphore_mem>>) src(%dma_wait3A_154 : memref<10000x128xf32, #tpu.memory_space<hbm>>) dst(%arg12 : memref<128x128xf32, #tpu.memory_space<vmem>>)
      %run_scoped3A_155 = arith.constant 3 : i32
      "tpu.region"() ({
        %run_scoped3A_372 = tpu.sem_alloc : memref<!tpu.dma_semaphore, #tpu.memory_space<semaphore_mem>>
        %dma_start3A_373 = arith.constant 0 : i32
        %dma_start3A_374 = tpu.memref_slice %arg9[%run_scoped3A_155, %dma_start3A_373] : memref<8x128xi32, #tpu.memory_space<vmem>> -> memref<1x128xi32, #tpu.memory_space<vmem>>
        %dma_start3A_375 = tpu.memref_squeeze %dma_start3A_374 : memref<1x128xi32, #tpu.memory_space<vmem>> -> memref<128xi32, #tpu.memory_space<vmem>>
        %dma_start3A_376 = arith.constant 0 : i32
        %dma_start3A_377 = arith.constant 0 : i32
        %dma_start3A_378 = tpu.memref_slice %arg18[%dma_start3A_376, %dma_start3A_377] : memref<10240x128xf32, #tpu.memory_space<vmem_shared>> -> memref<10240x128xf32, #tpu.memory_space<vmem_shared>>
        tpu.enqueue_indirect_dma source(%arg12 : memref<128x128xf32, #tpu.memory_space<vmem>>) target(%dma_start3A_378 : memref<10240x128xf32, #tpu.memory_space<vmem_shared>>) offsets(%dma_start3A_375 : memref<128xi32, #tpu.memory_space<vmem>>) semaphore(%run_scoped3A_372 : memref<!tpu.dma_semaphore, #tpu.memory_space<semaphore_mem>>) {add = true}
        %dma_wait3A_379 = arith.constant 0 : i32
        %dma_wait3A_380 = tpu.memref_slice %arg9[%run_scoped3A_155, %dma_wait3A_379] : memref<8x128xi32, #tpu.memory_space<vmem>> -> memref<1x128xi32, #tpu.memory_space<vmem>>
        %dma_wait3A_381 = tpu.memref_squeeze %dma_wait3A_380 : memref<1x128xi32, #tpu.memory_space<vmem>> -> memref<128xi32, #tpu.memory_space<vmem>>
        %dma_wait3A_382 = arith.constant 0 : i32
        %dma_wait3A_383 = arith.constant 0 : i32
        %dma_wait3A_384 = tpu.memref_slice %arg18[%dma_wait3A_382, %dma_wait3A_383] : memref<10240x128xf32, #tpu.memory_space<vmem_shared>> -> memref<10240x128xf32, #tpu.memory_space<vmem_shared>>
        tpu.wait_indirect_dma semaphore(%run_scoped3A_372 : memref<!tpu.dma_semaphore, #tpu.memory_space<semaphore_mem>>) src(%arg12 : memref<128x128xf32, #tpu.memory_space<vmem>>) dst(%dma_wait3A_384 : memref<10240x128xf32, #tpu.memory_space<vmem_shared>>)
        tpu.yield
      }) : () -> ()
      %dma_start3A_156 = arith.constant 5 : i32
      %dma_start3A_157 = arith.constant 0 : i32
      %dma_start3A_158 = tpu.memref_slice %arg7[%dma_start3A_156, %dma_start3A_157] : memref<8x128xi32, #tpu.memory_space<vmem>> -> memref<1x128xi32, #tpu.memory_space<vmem>>
      %dma_start3A_159 = tpu.memref_squeeze %dma_start3A_158 : memref<1x128xi32, #tpu.memory_space<vmem>> -> memref<128xi32, #tpu.memory_space<vmem>>
      %dma_start3A_160 = arith.constant 0 : i32
      %dma_start3A_161 = arith.constant 0 : i32
      %dma_start3A_162 = tpu.memref_slice %arg2[%dma_start3A_160, %dma_start3A_161] : memref<10000x128xf32, #tpu.memory_space<hbm>> -> memref<10000x128xf32, #tpu.memory_space<hbm>>
      tpu.enqueue_indirect_dma source(%dma_start3A_162 : memref<10000x128xf32, #tpu.memory_space<hbm>>) target(%arg12 : memref<128x128xf32, #tpu.memory_space<vmem>>) offsets(%dma_start3A_159 : memref<128xi32, #tpu.memory_space<vmem>>) semaphore(%arg16 : memref<!tpu.dma_semaphore, #tpu.memory_space<semaphore_mem>>)
      %dma_wait3A_163 = arith.constant 4 : i32
      %dma_wait3A_164 = arith.constant 0 : i32
      %dma_wait3A_165 = tpu.memref_slice %arg7[%dma_wait3A_163, %dma_wait3A_164] : memref<8x128xi32, #tpu.memory_space<vmem>> -> memref<1x128xi32, #tpu.memory_space<vmem>>
      %dma_wait3A_166 = tpu.memref_squeeze %dma_wait3A_165 : memref<1x128xi32, #tpu.memory_space<vmem>> -> memref<128xi32, #tpu.memory_space<vmem>>
      %dma_wait3A_167 = arith.constant 0 : i32
      %dma_wait3A_168 = arith.constant 0 : i32
      %dma_wait3A_169 = tpu.memref_slice %arg2[%dma_wait3A_167, %dma_wait3A_168] : memref<10000x128xf32, #tpu.memory_space<hbm>> -> memref<10000x128xf32, #tpu.memory_space<hbm>>
      tpu.wait_indirect_dma semaphore(%arg15 : memref<!tpu.dma_semaphore, #tpu.memory_space<semaphore_mem>>) src(%dma_wait3A_169 : memref<10000x128xf32, #tpu.memory_space<hbm>>) dst(%arg11 : memref<128x128xf32, #tpu.memory_space<vmem>>)
      %run_scoped3A_170 = arith.constant 4 : i32
      "tpu.region"() ({
        %run_scoped3A_372 = tpu.sem_alloc : memref<!tpu.dma_semaphore, #tpu.memory_space<semaphore_mem>>
        %dma_start3A_373 = arith.constant 0 : i32
        %dma_start3A_374 = tpu.memref_slice %arg9[%run_scoped3A_170, %dma_start3A_373] : memref<8x128xi32, #tpu.memory_space<vmem>> -> memref<1x128xi32, #tpu.memory_space<vmem>>
        %dma_start3A_375 = tpu.memref_squeeze %dma_start3A_374 : memref<1x128xi32, #tpu.memory_space<vmem>> -> memref<128xi32, #tpu.memory_space<vmem>>
        %dma_start3A_376 = arith.constant 0 : i32
        %dma_start3A_377 = arith.constant 0 : i32
        %dma_start3A_378 = tpu.memref_slice %arg18[%dma_start3A_376, %dma_start3A_377] : memref<10240x128xf32, #tpu.memory_space<vmem_shared>> -> memref<10240x128xf32, #tpu.memory_space<vmem_shared>>
        tpu.enqueue_indirect_dma source(%arg11 : memref<128x128xf32, #tpu.memory_space<vmem>>) target(%dma_start3A_378 : memref<10240x128xf32, #tpu.memory_space<vmem_shared>>) offsets(%dma_start3A_375 : memref<128xi32, #tpu.memory_space<vmem>>) semaphore(%run_scoped3A_372 : memref<!tpu.dma_semaphore, #tpu.memory_space<semaphore_mem>>) {add = true}
        %dma_wait3A_379 = arith.constant 0 : i32
        %dma_wait3A_380 = tpu.memref_slice %arg9[%run_scoped3A_170, %dma_wait3A_379] : memref<8x128xi32, #tpu.memory_space<vmem>> -> memref<1x128xi32, #tpu.memory_space<vmem>>
        %dma_wait3A_381 = tpu.memref_squeeze %dma_wait3A_380 : memref<1x128xi32, #tpu.memory_space<vmem>> -> memref<128xi32, #tpu.memory_space<vmem>>
        %dma_wait3A_382 = arith.constant 0 : i32
        %dma_wait3A_383 = arith.constant 0 : i32
        %dma_wait3A_384 = tpu.memref_slice %arg18[%dma_wait3A_382, %dma_wait3A_383] : memref<10240x128xf32, #tpu.memory_space<vmem_shared>> -> memref<10240x128xf32, #tpu.memory_space<vmem_shared>>
        tpu.wait_indirect_dma semaphore(%run_scoped3A_372 : memref<!tpu.dma_semaphore, #tpu.memory_space<semaphore_mem>>) src(%arg11 : memref<128x128xf32, #tpu.memory_space<vmem>>) dst(%dma_wait3A_384 : memref<10240x128xf32, #tpu.memory_space<vmem_shared>>)
        tpu.yield
      }) : () -> ()
      %dma_start3A_171 = arith.constant 6 : i32
      %dma_start3A_172 = arith.constant 0 : i32
      %dma_start3A_173 = tpu.memref_slice %arg7[%dma_start3A_171, %dma_start3A_172] : memref<8x128xi32, #tpu.memory_space<vmem>> -> memref<1x128xi32, #tpu.memory_space<vmem>>
      %dma_start3A_174 = tpu.memref_squeeze %dma_start3A_173 : memref<1x128xi32, #tpu.memory_space<vmem>> -> memref<128xi32, #tpu.memory_space<vmem>>
      %dma_start3A_175 = arith.constant 0 : i32
      %dma_start3A_176 = arith.constant 0 : i32
      %dma_start3A_177 = tpu.memref_slice %arg2[%dma_start3A_175, %dma_start3A_176] : memref<10000x128xf32, #tpu.memory_space<hbm>> -> memref<10000x128xf32, #tpu.memory_space<hbm>>
      tpu.enqueue_indirect_dma source(%dma_start3A_177 : memref<10000x128xf32, #tpu.memory_space<hbm>>) target(%arg11 : memref<128x128xf32, #tpu.memory_space<vmem>>) offsets(%dma_start3A_174 : memref<128xi32, #tpu.memory_space<vmem>>) semaphore(%arg15 : memref<!tpu.dma_semaphore, #tpu.memory_space<semaphore_mem>>)
      %dma_wait3A_178 = arith.constant 5 : i32
      %dma_wait3A_179 = arith.constant 0 : i32
      %dma_wait3A_180 = tpu.memref_slice %arg7[%dma_wait3A_178, %dma_wait3A_179] : memref<8x128xi32, #tpu.memory_space<vmem>> -> memref<1x128xi32, #tpu.memory_space<vmem>>
      %dma_wait3A_181 = tpu.memref_squeeze %dma_wait3A_180 : memref<1x128xi32, #tpu.memory_space<vmem>> -> memref<128xi32, #tpu.memory_space<vmem>>
      %dma_wait3A_182 = arith.constant 0 : i32
      %dma_wait3A_183 = arith.constant 0 : i32
      %dma_wait3A_184 = tpu.memref_slice %arg2[%dma_wait3A_182, %dma_wait3A_183] : memref<10000x128xf32, #tpu.memory_space<hbm>> -> memref<10000x128xf32, #tpu.memory_space<hbm>>
      tpu.wait_indirect_dma semaphore(%arg16 : memref<!tpu.dma_semaphore, #tpu.memory_space<semaphore_mem>>) src(%dma_wait3A_184 : memref<10000x128xf32, #tpu.memory_space<hbm>>) dst(%arg12 : memref<128x128xf32, #tpu.memory_space<vmem>>)
      %run_scoped3A_185 = arith.constant 5 : i32
      "tpu.region"() ({
        %run_scoped3A_372 = tpu.sem_alloc : memref<!tpu.dma_semaphore, #tpu.memory_space<semaphore_mem>>
        %dma_start3A_373 = arith.constant 0 : i32
        %dma_start3A_374 = tpu.memref_slice %arg9[%run_scoped3A_185, %dma_start3A_373] : memref<8x128xi32, #tpu.memory_space<vmem>> -> memref<1x128xi32, #tpu.memory_space<vmem>>
        %dma_start3A_375 = tpu.memref_squeeze %dma_start3A_374 : memref<1x128xi32, #tpu.memory_space<vmem>> -> memref<128xi32, #tpu.memory_space<vmem>>
        %dma_start3A_376 = arith.constant 0 : i32
        %dma_start3A_377 = arith.constant 0 : i32
        %dma_start3A_378 = tpu.memref_slice %arg18[%dma_start3A_376, %dma_start3A_377] : memref<10240x128xf32, #tpu.memory_space<vmem_shared>> -> memref<10240x128xf32, #tpu.memory_space<vmem_shared>>
        tpu.enqueue_indirect_dma source(%arg12 : memref<128x128xf32, #tpu.memory_space<vmem>>) target(%dma_start3A_378 : memref<10240x128xf32, #tpu.memory_space<vmem_shared>>) offsets(%dma_start3A_375 : memref<128xi32, #tpu.memory_space<vmem>>) semaphore(%run_scoped3A_372 : memref<!tpu.dma_semaphore, #tpu.memory_space<semaphore_mem>>) {add = true}
        %dma_wait3A_379 = arith.constant 0 : i32
        %dma_wait3A_380 = tpu.memref_slice %arg9[%run_scoped3A_185, %dma_wait3A_379] : memref<8x128xi32, #tpu.memory_space<vmem>> -> memref<1x128xi32, #tpu.memory_space<vmem>>
        %dma_wait3A_381 = tpu.memref_squeeze %dma_wait3A_380 : memref<1x128xi32, #tpu.memory_space<vmem>> -> memref<128xi32, #tpu.memory_space<vmem>>
        %dma_wait3A_382 = arith.constant 0 : i32
        %dma_wait3A_383 = arith.constant 0 : i32
        %dma_wait3A_384 = tpu.memref_slice %arg18[%dma_wait3A_382, %dma_wait3A_383] : memref<10240x128xf32, #tpu.memory_space<vmem_shared>> -> memref<10240x128xf32, #tpu.memory_space<vmem_shared>>
        tpu.wait_indirect_dma semaphore(%run_scoped3A_372 : memref<!tpu.dma_semaphore, #tpu.memory_space<semaphore_mem>>) src(%arg12 : memref<128x128xf32, #tpu.memory_space<vmem>>) dst(%dma_wait3A_384 : memref<10240x128xf32, #tpu.memory_space<vmem_shared>>)
        tpu.yield
      }) : () -> ()
      %dma_start3A_186 = arith.constant 7 : i32
      %dma_start3A_187 = arith.constant 0 : i32
      %dma_start3A_188 = tpu.memref_slice %arg7[%dma_start3A_186, %dma_start3A_187] : memref<8x128xi32, #tpu.memory_space<vmem>> -> memref<1x128xi32, #tpu.memory_space<vmem>>
      %dma_start3A_189 = tpu.memref_squeeze %dma_start3A_188 : memref<1x128xi32, #tpu.memory_space<vmem>> -> memref<128xi32, #tpu.memory_space<vmem>>
      %dma_start3A_190 = arith.constant 0 : i32
      %dma_start3A_191 = arith.constant 0 : i32
      %dma_start3A_192 = tpu.memref_slice %arg2[%dma_start3A_190, %dma_start3A_191] : memref<10000x128xf32, #tpu.memory_space<hbm>> -> memref<10000x128xf32, #tpu.memory_space<hbm>>
      tpu.enqueue_indirect_dma source(%dma_start3A_192 : memref<10000x128xf32, #tpu.memory_space<hbm>>) target(%arg12 : memref<128x128xf32, #tpu.memory_space<vmem>>) offsets(%dma_start3A_189 : memref<128xi32, #tpu.memory_space<vmem>>) semaphore(%arg16 : memref<!tpu.dma_semaphore, #tpu.memory_space<semaphore_mem>>)
      %dma_wait3A_193 = arith.constant 6 : i32
      %dma_wait3A_194 = arith.constant 0 : i32
      %dma_wait3A_195 = tpu.memref_slice %arg7[%dma_wait3A_193, %dma_wait3A_194] : memref<8x128xi32, #tpu.memory_space<vmem>> -> memref<1x128xi32, #tpu.memory_space<vmem>>
      %dma_wait3A_196 = tpu.memref_squeeze %dma_wait3A_195 : memref<1x128xi32, #tpu.memory_space<vmem>> -> memref<128xi32, #tpu.memory_space<vmem>>
      %dma_wait3A_197 = arith.constant 0 : i32
      %dma_wait3A_198 = arith.constant 0 : i32
      %dma_wait3A_199 = tpu.memref_slice %arg2[%dma_wait3A_197, %dma_wait3A_198] : memref<10000x128xf32, #tpu.memory_space<hbm>> -> memref<10000x128xf32, #tpu.memory_space<hbm>>
      tpu.wait_indirect_dma semaphore(%arg15 : memref<!tpu.dma_semaphore, #tpu.memory_space<semaphore_mem>>) src(%dma_wait3A_199 : memref<10000x128xf32, #tpu.memory_space<hbm>>) dst(%arg11 : memref<128x128xf32, #tpu.memory_space<vmem>>)
      %run_scoped3A_200 = arith.constant 6 : i32
      "tpu.region"() ({
        %run_scoped3A_372 = tpu.sem_alloc : memref<!tpu.dma_semaphore, #tpu.memory_space<semaphore_mem>>
        %dma_start3A_373 = arith.constant 0 : i32
        %dma_start3A_374 = tpu.memref_slice %arg9[%run_scoped3A_200, %dma_start3A_373] : memref<8x128xi32, #tpu.memory_space<vmem>> -> memref<1x128xi32, #tpu.memory_space<vmem>>
        %dma_start3A_375 = tpu.memref_squeeze %dma_start3A_374 : memref<1x128xi32, #tpu.memory_space<vmem>> -> memref<128xi32, #tpu.memory_space<vmem>>
        %dma_start3A_376 = arith.constant 0 : i32
        %dma_start3A_377 = arith.constant 0 : i32
        %dma_start3A_378 = tpu.memref_slice %arg18[%dma_start3A_376, %dma_start3A_377] : memref<10240x128xf32, #tpu.memory_space<vmem_shared>> -> memref<10240x128xf32, #tpu.memory_space<vmem_shared>>
        tpu.enqueue_indirect_dma source(%arg11 : memref<128x128xf32, #tpu.memory_space<vmem>>) target(%dma_start3A_378 : memref<10240x128xf32, #tpu.memory_space<vmem_shared>>) offsets(%dma_start3A_375 : memref<128xi32, #tpu.memory_space<vmem>>) semaphore(%run_scoped3A_372 : memref<!tpu.dma_semaphore, #tpu.memory_space<semaphore_mem>>) {add = true}
        %dma_wait3A_379 = arith.constant 0 : i32
        %dma_wait3A_380 = tpu.memref_slice %arg9[%run_scoped3A_200, %dma_wait3A_379] : memref<8x128xi32, #tpu.memory_space<vmem>> -> memref<1x128xi32, #tpu.memory_space<vmem>>
        %dma_wait3A_381 = tpu.memref_squeeze %dma_wait3A_380 : memref<1x128xi32, #tpu.memory_space<vmem>> -> memref<128xi32, #tpu.memory_space<vmem>>
        %dma_wait3A_382 = arith.constant 0 : i32
        %dma_wait3A_383 = arith.constant 0 : i32
        %dma_wait3A_384 = tpu.memref_slice %arg18[%dma_wait3A_382, %dma_wait3A_383] : memref<10240x128xf32, #tpu.memory_space<vmem_shared>> -> memref<10240x128xf32, #tpu.memory_space<vmem_shared>>
        tpu.wait_indirect_dma semaphore(%run_scoped3A_372 : memref<!tpu.dma_semaphore, #tpu.memory_space<semaphore_mem>>) src(%arg11 : memref<128x128xf32, #tpu.memory_space<vmem>>) dst(%dma_wait3A_384 : memref<10240x128xf32, #tpu.memory_space<vmem_shared>>)
        tpu.yield
      }) : () -> ()
      %add3A_201 = arith.constant 1 : i32
      %add3A_202 = arith.addi %add3A_103, %add3A_201 : i32
      %lt3A = arith.constant 10 : i32
      %lt3A_203 = arith.cmpi slt, %add3A_202, %lt3A : i32
      %convert_element_type3A = arith.extui %lt3A_203 : i1 to i32
      %cond3A = arith.constant 0 : i32
      %cond3A_204 = arith.cmpi ne, %convert_element_type3A, %cond3A : i32
      scf.if %cond3A_204 {
        %add3A_372 = arith.constant 1 : i32
        %add3A_373 = arith.addi %add3A_103, %add3A_372 : i32
        %mul3A_374 = arith.constant 8 : i32
        %mul3A_375 = arith.muli %add3A_373, %mul3A_374 : i32
        %dma_wait3A_376 = arith.constant 0 : i32
        %dma_wait3A_377 = tpu.memref_slice %arg3[%add3A, %mul3A_375, %dma_wait3A_376] : memref<32x80x128xi32, #tpu.memory_space<hbm>> -> memref<1x8x128xi32, #tpu.memory_space<hbm>>
        %dma_wait3A_378 = tpu.memref_squeeze %dma_wait3A_377 : memref<1x8x128xi32, #tpu.memory_space<hbm>> -> memref<8x128xi32, #tpu.memory_space<hbm>>
        %dma_wait3A_379 = arith.constant 0 : i32
        %dma_wait3A_380 = tpu.memref_slice %arg3[%add3A, %mul3A_375, %dma_wait3A_379] : memref<32x80x128xi32, #tpu.memory_space<hbm>> -> memref<1x8x128xi32, #tpu.memory_space<hbm>>
        %dma_wait3A_381 = tpu.memref_squeeze %dma_wait3A_380 : memref<1x8x128xi32, #tpu.memory_space<hbm>> -> memref<8x128xi32, #tpu.memory_space<hbm>>
        tpu.wait_dma2 semaphore(%arg13 : memref<!tpu.dma_semaphore, #tpu.memory_space<semaphore_mem>>) src(%dma_wait3A_381 : memref<8x128xi32, #tpu.memory_space<hbm>>) dst(%arg8 : memref<8x128xi32, #tpu.memory_space<vmem>>)
        %add3A_382 = arith.constant 1 : i32
        %add3A_383 = arith.addi %add3A_103, %add3A_382 : i32
        %mul3A_384 = arith.constant 8 : i32
        %mul3A_385 = arith.muli %add3A_383, %mul3A_384 : i32
        %dma_wait3A_386 = arith.constant 0 : i32
        %dma_wait3A_387 = tpu.memref_slice %arg4[%add3A, %mul3A_385, %dma_wait3A_386] : memref<32x80x128xi32, #tpu.memory_space<hbm>> -> memref<1x8x128xi32, #tpu.memory_space<hbm>>
        %dma_wait3A_388 = tpu.memref_squeeze %dma_wait3A_387 : memref<1x8x128xi32, #tpu.memory_space<hbm>> -> memref<8x128xi32, #tpu.memory_space<hbm>>
        %dma_wait3A_389 = arith.constant 0 : i32
        %dma_wait3A_390 = tpu.memref_slice %arg4[%add3A, %mul3A_385, %dma_wait3A_389] : memref<32x80x128xi32, #tpu.memory_space<hbm>> -> memref<1x8x128xi32, #tpu.memory_space<hbm>>
        %dma_wait3A_391 = tpu.memref_squeeze %dma_wait3A_390 : memref<1x8x128xi32, #tpu.memory_space<hbm>> -> memref<8x128xi32, #tpu.memory_space<hbm>>
        tpu.wait_dma2 semaphore(%arg14 : memref<!tpu.dma_semaphore, #tpu.memory_space<semaphore_mem>>) src(%dma_wait3A_391 : memref<8x128xi32, #tpu.memory_space<hbm>>) dst(%arg10 : memref<8x128xi32, #tpu.memory_space<vmem>>)
      } else {
      }
      %add3A_205 = arith.constant 1 : i32
      %add3A_206 = arith.addi %add3A_103, %add3A_205 : i32
      %lt3A_207 = arith.constant 10 : i32
      %lt3A_208 = arith.cmpi slt, %add3A_206, %lt3A_207 : i32
      %convert_element_type3A_209 = arith.extui %lt3A_208 : i1 to i32
      %cond3A_210 = arith.constant 0 : i32
      %cond3A_211 = arith.cmpi ne, %convert_element_type3A_209, %cond3A_210 : i32
      scf.if %cond3A_211 {
        %dma_start3A_372 = arith.constant 0 : i32
        %dma_start3A_373 = arith.constant 0 : i32
        %dma_start3A_374 = tpu.memref_slice %arg8[%dma_start3A_372, %dma_start3A_373] : memref<8x128xi32, #tpu.memory_space<vmem>> -> memref<1x128xi32, #tpu.memory_space<vmem>>
        %dma_start3A_375 = tpu.memref_squeeze %dma_start3A_374 : memref<1x128xi32, #tpu.memory_space<vmem>> -> memref<128xi32, #tpu.memory_space<vmem>>
        %dma_start3A_376 = arith.constant 0 : i32
        %dma_start3A_377 = arith.constant 0 : i32
        %dma_start3A_378 = tpu.memref_slice %arg2[%dma_start3A_376, %dma_start3A_377] : memref<10000x128xf32, #tpu.memory_space<hbm>> -> memref<10000x128xf32, #tpu.memory_space<hbm>>
        tpu.enqueue_indirect_dma source(%dma_start3A_378 : memref<10000x128xf32, #tpu.memory_space<hbm>>) target(%arg11 : memref<128x128xf32, #tpu.memory_space<vmem>>) offsets(%dma_start3A_375 : memref<128xi32, #tpu.memory_space<vmem>>) semaphore(%arg15 : memref<!tpu.dma_semaphore, #tpu.memory_space<semaphore_mem>>)
      } else {
      }
      %dma_wait3A_212 = arith.constant 7 : i32
      %dma_wait3A_213 = arith.constant 0 : i32
      %dma_wait3A_214 = tpu.memref_slice %arg7[%dma_wait3A_212, %dma_wait3A_213] : memref<8x128xi32, #tpu.memory_space<vmem>> -> memref<1x128xi32, #tpu.memory_space<vmem>>
      %dma_wait3A_215 = tpu.memref_squeeze %dma_wait3A_214 : memref<1x128xi32, #tpu.memory_space<vmem>> -> memref<128xi32, #tpu.memory_space<vmem>>
      %dma_wait3A_216 = arith.constant 0 : i32
      %dma_wait3A_217 = arith.constant 0 : i32
      %dma_wait3A_218 = tpu.memref_slice %arg2[%dma_wait3A_216, %dma_wait3A_217] : memref<10000x128xf32, #tpu.memory_space<hbm>> -> memref<10000x128xf32, #tpu.memory_space<hbm>>
      tpu.wait_indirect_dma semaphore(%arg16 : memref<!tpu.dma_semaphore, #tpu.memory_space<semaphore_mem>>) src(%dma_wait3A_218 : memref<10000x128xf32, #tpu.memory_space<hbm>>) dst(%arg12 : memref<128x128xf32, #tpu.memory_space<vmem>>)
      %run_scoped3A_219 = arith.constant 7 : i32
      "tpu.region"() ({
        %run_scoped3A_372 = tpu.sem_alloc : memref<!tpu.dma_semaphore, #tpu.memory_space<semaphore_mem>>
        %dma_start3A_373 = arith.constant 0 : i32
        %dma_start3A_374 = tpu.memref_slice %arg9[%run_scoped3A_219, %dma_start3A_373] : memref<8x128xi32, #tpu.memory_space<vmem>> -> memref<1x128xi32, #tpu.memory_space<vmem>>
        %dma_start3A_375 = tpu.memref_squeeze %dma_start3A_374 : memref<1x128xi32, #tpu.memory_space<vmem>> -> memref<128xi32, #tpu.memory_space<vmem>>
        %dma_start3A_376 = arith.constant 0 : i32
        %dma_start3A_377 = arith.constant 0 : i32
        %dma_start3A_378 = tpu.memref_slice %arg18[%dma_start3A_376, %dma_start3A_377] : memref<10240x128xf32, #tpu.memory_space<vmem_shared>> -> memref<10240x128xf32, #tpu.memory_space<vmem_shared>>
        tpu.enqueue_indirect_dma source(%arg12 : memref<128x128xf32, #tpu.memory_space<vmem>>) target(%dma_start3A_378 : memref<10240x128xf32, #tpu.memory_space<vmem_shared>>) offsets(%dma_start3A_375 : memref<128xi32, #tpu.memory_space<vmem>>) semaphore(%run_scoped3A_372 : memref<!tpu.dma_semaphore, #tpu.memory_space<semaphore_mem>>) {add = true}
        %dma_wait3A_379 = arith.constant 0 : i32
        %dma_wait3A_380 = tpu.memref_slice %arg9[%run_scoped3A_219, %dma_wait3A_379] : memref<8x128xi32, #tpu.memory_space<vmem>> -> memref<1x128xi32, #tpu.memory_space<vmem>>
        %dma_wait3A_381 = tpu.memref_squeeze %dma_wait3A_380 : memref<1x128xi32, #tpu.memory_space<vmem>> -> memref<128xi32, #tpu.memory_space<vmem>>
        %dma_wait3A_382 = arith.constant 0 : i32
        %dma_wait3A_383 = arith.constant 0 : i32
        %dma_wait3A_384 = tpu.memref_slice %arg18[%dma_wait3A_382, %dma_wait3A_383] : memref<10240x128xf32, #tpu.memory_space<vmem_shared>> -> memref<10240x128xf32, #tpu.memory_space<vmem_shared>>
        tpu.wait_indirect_dma semaphore(%run_scoped3A_372 : memref<!tpu.dma_semaphore, #tpu.memory_space<semaphore_mem>>) src(%arg12 : memref<128x128xf32, #tpu.memory_space<vmem>>) dst(%dma_wait3A_384 : memref<10240x128xf32, #tpu.memory_space<vmem_shared>>)
        tpu.yield
      }) : () -> ()
      %add3A_220 = arith.constant 1 : i32
      %add3A_221 = arith.addi %add3A_103, %add3A_220 : i32
      %lt3A_222 = arith.constant 10 : i32
      %lt3A_223 = arith.cmpi slt, %add3A_221, %lt3A_222 : i32
      %convert_element_type3A_224 = arith.extui %lt3A_223 : i1 to i32
      %cond3A_225 = arith.constant 0 : i32
      %cond3A_226 = arith.cmpi ne, %convert_element_type3A_224, %cond3A_225 : i32
      scf.if %cond3A_226 {
        %dma_start3A_372 = arith.constant 1 : i32
        %dma_start3A_373 = arith.constant 0 : i32
        %dma_start3A_374 = tpu.memref_slice %arg8[%dma_start3A_372, %dma_start3A_373] : memref<8x128xi32, #tpu.memory_space<vmem>> -> memref<1x128xi32, #tpu.memory_space<vmem>>
        %dma_start3A_375 = tpu.memref_squeeze %dma_start3A_374 : memref<1x128xi32, #tpu.memory_space<vmem>> -> memref<128xi32, #tpu.memory_space<vmem>>
        %dma_start3A_376 = arith.constant 0 : i32
        %dma_start3A_377 = arith.constant 0 : i32
        %dma_start3A_378 = tpu.memref_slice %arg2[%dma_start3A_376, %dma_start3A_377] : memref<10000x128xf32, #tpu.memory_space<hbm>> -> memref<10000x128xf32, #tpu.memory_space<hbm>>
        tpu.enqueue_indirect_dma source(%dma_start3A_378 : memref<10000x128xf32, #tpu.memory_space<hbm>>) target(%arg12 : memref<128x128xf32, #tpu.memory_space<vmem>>) offsets(%dma_start3A_375 : memref<128xi32, #tpu.memory_space<vmem>>) semaphore(%arg16 : memref<!tpu.dma_semaphore, #tpu.memory_space<semaphore_mem>>)
      } else {
      }
      %add3A_227 = arith.constant 2 : i32
      %add3A_228 = arith.addi %add3A_103, %add3A_227 : i32
      %lt3A_229 = arith.constant 10 : i32
      %lt3A_230 = arith.cmpi slt, %add3A_228, %lt3A_229 : i32
      %convert_element_type3A_231 = arith.extui %lt3A_230 : i1 to i32
      %cond3A_232 = arith.constant 0 : i32
      %cond3A_233 = arith.cmpi ne, %convert_element_type3A_231, %cond3A_232 : i32
      scf.if %cond3A_233 {
        %add3A_372 = arith.constant 2 : i32
        %add3A_373 = arith.addi %add3A_103, %add3A_372 : i32
        %mul3A_374 = arith.constant 8 : i32
        %mul3A_375 = arith.muli %add3A_373, %mul3A_374 : i32
        %dma_start3A_376 = arith.constant 0 : i32
        %dma_start3A_377 = tpu.memref_slice %arg3[%add3A, %mul3A_375, %dma_start3A_376] : memref<32x80x128xi32, #tpu.memory_space<hbm>> -> memref<1x8x128xi32, #tpu.memory_space<hbm>>
        %dma_start3A_378 = tpu.memref_squeeze %dma_start3A_377 : memref<1x8x128xi32, #tpu.memory_space<hbm>> -> memref<8x128xi32, #tpu.memory_space<hbm>>
        %dma_start3A_379 = arith.constant 0 : i32
        %dma_start3A_380 = tpu.memref_slice %arg3[%add3A, %mul3A_375, %dma_start3A_379] : memref<32x80x128xi32, #tpu.memory_space<hbm>> -> memref<1x8x128xi32, #tpu.memory_space<hbm>>
        %dma_start3A_381 = tpu.memref_squeeze %dma_start3A_380 : memref<1x8x128xi32, #tpu.memory_space<hbm>> -> memref<8x128xi32, #tpu.memory_space<hbm>>
        tpu.enqueue_dma source(%dma_start3A_381 : memref<8x128xi32, #tpu.memory_space<hbm>>) target(%arg7 : memref<8x128xi32, #tpu.memory_space<vmem>>) target_semaphore(%arg13 : memref<!tpu.dma_semaphore, #tpu.memory_space<semaphore_mem>>)
        %add3A_382 = arith.constant 2 : i32
        %add3A_383 = arith.addi %add3A_103, %add3A_382 : i32
        %mul3A_384 = arith.constant 8 : i32
        %mul3A_385 = arith.muli %add3A_383, %mul3A_384 : i32
        %dma_start3A_386 = arith.constant 0 : i32
        %dma_start3A_387 = tpu.memref_slice %arg4[%add3A, %mul3A_385, %dma_start3A_386] : memref<32x80x128xi32, #tpu.memory_space<hbm>> -> memref<1x8x128xi32, #tpu.memory_space<hbm>>
        %dma_start3A_388 = tpu.memref_squeeze %dma_start3A_387 : memref<1x8x128xi32, #tpu.memory_space<hbm>> -> memref<8x128xi32, #tpu.memory_space<hbm>>
        %dma_start3A_389 = arith.constant 0 : i32
        %dma_start3A_390 = tpu.memref_slice %arg4[%add3A, %mul3A_385, %dma_start3A_389] : memref<32x80x128xi32, #tpu.memory_space<hbm>> -> memref<1x8x128xi32, #tpu.memory_space<hbm>>
        %dma_start3A_391 = tpu.memref_squeeze %dma_start3A_390 : memref<1x8x128xi32, #tpu.memory_space<hbm>> -> memref<8x128xi32, #tpu.memory_space<hbm>>
        tpu.enqueue_dma source(%dma_start3A_391 : memref<8x128xi32, #tpu.memory_space<hbm>>) target(%arg9 : memref<8x128xi32, #tpu.memory_space<vmem>>) target_semaphore(%arg14 : memref<!tpu.dma_semaphore, #tpu.memory_space<semaphore_mem>>)
      } else {
      }
      %mul3A_234 = arith.constant 2 : i32
      %mul3A_235 = arith.muli %scan3A_99, %mul3A_234 : i32
      %add3A_236 = arith.constant 1 : i32
      %add3A_237 = arith.addi %mul3A_235, %add3A_236 : i32
      %dma_wait3A_238 = arith.constant 0 : i32
      %dma_wait3A_239 = arith.constant 0 : i32
      %dma_wait3A_240 = tpu.memref_slice %arg8[%dma_wait3A_238, %dma_wait3A_239] : memref<8x128xi32, #tpu.memory_space<vmem>> -> memref<1x128xi32, #tpu.memory_space<vmem>>
      %dma_wait3A_241 = tpu.memref_squeeze %dma_wait3A_240 : memref<1x128xi32, #tpu.memory_space<vmem>> -> memref<128xi32, #tpu.memory_space<vmem>>
      %dma_wait3A_242 = arith.constant 0 : i32
      %dma_wait3A_243 = arith.constant 0 : i32
      %dma_wait3A_244 = tpu.memref_slice %arg2[%dma_wait3A_242, %dma_wait3A_243] : memref<10000x128xf32, #tpu.memory_space<hbm>> -> memref<10000x128xf32, #tpu.memory_space<hbm>>
      tpu.wait_indirect_dma semaphore(%arg15 : memref<!tpu.dma_semaphore, #tpu.memory_space<semaphore_mem>>) src(%dma_wait3A_244 : memref<10000x128xf32, #tpu.memory_space<hbm>>) dst(%arg11 : memref<128x128xf32, #tpu.memory_space<vmem>>)
      %run_scoped3A_245 = arith.constant 0 : i32
      "tpu.region"() ({
        %run_scoped3A_372 = tpu.sem_alloc : memref<!tpu.dma_semaphore, #tpu.memory_space<semaphore_mem>>
        %dma_start3A_373 = arith.constant 0 : i32
        %dma_start3A_374 = tpu.memref_slice %arg10[%run_scoped3A_245, %dma_start3A_373] : memref<8x128xi32, #tpu.memory_space<vmem>> -> memref<1x128xi32, #tpu.memory_space<vmem>>
        %dma_start3A_375 = tpu.memref_squeeze %dma_start3A_374 : memref<1x128xi32, #tpu.memory_space<vmem>> -> memref<128xi32, #tpu.memory_space<vmem>>
        %dma_start3A_376 = arith.constant 0 : i32
        %dma_start3A_377 = arith.constant 0 : i32
        %dma_start3A_378 = tpu.memref_slice %arg18[%dma_start3A_376, %dma_start3A_377] : memref<10240x128xf32, #tpu.memory_space<vmem_shared>> -> memref<10240x128xf32, #tpu.memory_space<vmem_shared>>
        tpu.enqueue_indirect_dma source(%arg11 : memref<128x128xf32, #tpu.memory_space<vmem>>) target(%dma_start3A_378 : memref<10240x128xf32, #tpu.memory_space<vmem_shared>>) offsets(%dma_start3A_375 : memref<128xi32, #tpu.memory_space<vmem>>) semaphore(%run_scoped3A_372 : memref<!tpu.dma_semaphore, #tpu.memory_space<semaphore_mem>>) {add = true}
        %dma_wait3A_379 = arith.constant 0 : i32
        %dma_wait3A_380 = tpu.memref_slice %arg10[%run_scoped3A_245, %dma_wait3A_379] : memref<8x128xi32, #tpu.memory_space<vmem>> -> memref<1x128xi32, #tpu.memory_space<vmem>>
        %dma_wait3A_381 = tpu.memref_squeeze %dma_wait3A_380 : memref<1x128xi32, #tpu.memory_space<vmem>> -> memref<128xi32, #tpu.memory_space<vmem>>
        %dma_wait3A_382 = arith.constant 0 : i32
        %dma_wait3A_383 = arith.constant 0 : i32
        %dma_wait3A_384 = tpu.memref_slice %arg18[%dma_wait3A_382, %dma_wait3A_383] : memref<10240x128xf32, #tpu.memory_space<vmem_shared>> -> memref<10240x128xf32, #tpu.memory_space<vmem_shared>>
        tpu.wait_indirect_dma semaphore(%run_scoped3A_372 : memref<!tpu.dma_semaphore, #tpu.memory_space<semaphore_mem>>) src(%arg11 : memref<128x128xf32, #tpu.memory_space<vmem>>) dst(%dma_wait3A_384 : memref<10240x128xf32, #tpu.memory_space<vmem_shared>>)
        tpu.yield
      }) : () -> ()
      %dma_start3A_246 = arith.constant 2 : i32
      %dma_start3A_247 = arith.constant 0 : i32
      %dma_start3A_248 = tpu.memref_slice %arg8[%dma_start3A_246, %dma_start3A_247] : memref<8x128xi32, #tpu.memory_space<vmem>> -> memref<1x128xi32, #tpu.memory_space<vmem>>
      %dma_start3A_249 = tpu.memref_squeeze %dma_start3A_248 : memref<1x128xi32, #tpu.memory_space<vmem>> -> memref<128xi32, #tpu.memory_space<vmem>>
      %dma_start3A_250 = arith.constant 0 : i32
      %dma_start3A_251 = arith.constant 0 : i32
      %dma_start3A_252 = tpu.memref_slice %arg2[%dma_start3A_250, %dma_start3A_251] : memref<10000x128xf32, #tpu.memory_space<hbm>> -> memref<10000x128xf32, #tpu.memory_space<hbm>>
      tpu.enqueue_indirect_dma source(%dma_start3A_252 : memref<10000x128xf32, #tpu.memory_space<hbm>>) target(%arg11 : memref<128x128xf32, #tpu.memory_space<vmem>>) offsets(%dma_start3A_249 : memref<128xi32, #tpu.memory_space<vmem>>) semaphore(%arg15 : memref<!tpu.dma_semaphore, #tpu.memory_space<semaphore_mem>>)
      %dma_wait3A_253 = arith.constant 1 : i32
      %dma_wait3A_254 = arith.constant 0 : i32
      %dma_wait3A_255 = tpu.memref_slice %arg8[%dma_wait3A_253, %dma_wait3A_254] : memref<8x128xi32, #tpu.memory_space<vmem>> -> memref<1x128xi32, #tpu.memory_space<vmem>>
      %dma_wait3A_256 = tpu.memref_squeeze %dma_wait3A_255 : memref<1x128xi32, #tpu.memory_space<vmem>> -> memref<128xi32, #tpu.memory_space<vmem>>
      %dma_wait3A_257 = arith.constant 0 : i32
      %dma_wait3A_258 = arith.constant 0 : i32
      %dma_wait3A_259 = tpu.memref_slice %arg2[%dma_wait3A_257, %dma_wait3A_258] : memref<10000x128xf32, #tpu.memory_space<hbm>> -> memref<10000x128xf32, #tpu.memory_space<hbm>>
      tpu.wait_indirect_dma semaphore(%arg16 : memref<!tpu.dma_semaphore, #tpu.memory_space<semaphore_mem>>) src(%dma_wait3A_259 : memref<10000x128xf32, #tpu.memory_space<hbm>>) dst(%arg12 : memref<128x128xf32, #tpu.memory_space<vmem>>)
      %run_scoped3A_260 = arith.constant 1 : i32
      "tpu.region"() ({
        %run_scoped3A_372 = tpu.sem_alloc : memref<!tpu.dma_semaphore, #tpu.memory_space<semaphore_mem>>
        %dma_start3A_373 = arith.constant 0 : i32
        %dma_start3A_374 = tpu.memref_slice %arg10[%run_scoped3A_260, %dma_start3A_373] : memref<8x128xi32, #tpu.memory_space<vmem>> -> memref<1x128xi32, #tpu.memory_space<vmem>>
        %dma_start3A_375 = tpu.memref_squeeze %dma_start3A_374 : memref<1x128xi32, #tpu.memory_space<vmem>> -> memref<128xi32, #tpu.memory_space<vmem>>
        %dma_start3A_376 = arith.constant 0 : i32
        %dma_start3A_377 = arith.constant 0 : i32
        %dma_start3A_378 = tpu.memref_slice %arg18[%dma_start3A_376, %dma_start3A_377] : memref<10240x128xf32, #tpu.memory_space<vmem_shared>> -> memref<10240x128xf32, #tpu.memory_space<vmem_shared>>
        tpu.enqueue_indirect_dma source(%arg12 : memref<128x128xf32, #tpu.memory_space<vmem>>) target(%dma_start3A_378 : memref<10240x128xf32, #tpu.memory_space<vmem_shared>>) offsets(%dma_start3A_375 : memref<128xi32, #tpu.memory_space<vmem>>) semaphore(%run_scoped3A_372 : memref<!tpu.dma_semaphore, #tpu.memory_space<semaphore_mem>>) {add = true}
        %dma_wait3A_379 = arith.constant 0 : i32
        %dma_wait3A_380 = tpu.memref_slice %arg10[%run_scoped3A_260, %dma_wait3A_379] : memref<8x128xi32, #tpu.memory_space<vmem>> -> memref<1x128xi32, #tpu.memory_space<vmem>>
        %dma_wait3A_381 = tpu.memref_squeeze %dma_wait3A_380 : memref<1x128xi32, #tpu.memory_space<vmem>> -> memref<128xi32, #tpu.memory_space<vmem>>
        %dma_wait3A_382 = arith.constant 0 : i32
        %dma_wait3A_383 = arith.constant 0 : i32
        %dma_wait3A_384 = tpu.memref_slice %arg18[%dma_wait3A_382, %dma_wait3A_383] : memref<10240x128xf32, #tpu.memory_space<vmem_shared>> -> memref<10240x128xf32, #tpu.memory_space<vmem_shared>>
        tpu.wait_indirect_dma semaphore(%run_scoped3A_372 : memref<!tpu.dma_semaphore, #tpu.memory_space<semaphore_mem>>) src(%arg12 : memref<128x128xf32, #tpu.memory_space<vmem>>) dst(%dma_wait3A_384 : memref<10240x128xf32, #tpu.memory_space<vmem_shared>>)
        tpu.yield
      }) : () -> ()
      %dma_start3A_261 = arith.constant 3 : i32
      %dma_start3A_262 = arith.constant 0 : i32
      %dma_start3A_263 = tpu.memref_slice %arg8[%dma_start3A_261, %dma_start3A_262] : memref<8x128xi32, #tpu.memory_space<vmem>> -> memref<1x128xi32, #tpu.memory_space<vmem>>
      %dma_start3A_264 = tpu.memref_squeeze %dma_start3A_263 : memref<1x128xi32, #tpu.memory_space<vmem>> -> memref<128xi32, #tpu.memory_space<vmem>>
      %dma_start3A_265 = arith.constant 0 : i32
      %dma_start3A_266 = arith.constant 0 : i32
      %dma_start3A_267 = tpu.memref_slice %arg2[%dma_start3A_265, %dma_start3A_266] : memref<10000x128xf32, #tpu.memory_space<hbm>> -> memref<10000x128xf32, #tpu.memory_space<hbm>>
      tpu.enqueue_indirect_dma source(%dma_start3A_267 : memref<10000x128xf32, #tpu.memory_space<hbm>>) target(%arg12 : memref<128x128xf32, #tpu.memory_space<vmem>>) offsets(%dma_start3A_264 : memref<128xi32, #tpu.memory_space<vmem>>) semaphore(%arg16 : memref<!tpu.dma_semaphore, #tpu.memory_space<semaphore_mem>>)
      %dma_wait3A_268 = arith.constant 2 : i32
      %dma_wait3A_269 = arith.constant 0 : i32
      %dma_wait3A_270 = tpu.memref_slice %arg8[%dma_wait3A_268, %dma_wait3A_269] : memref<8x128xi32, #tpu.memory_space<vmem>> -> memref<1x128xi32, #tpu.memory_space<vmem>>
      %dma_wait3A_271 = tpu.memref_squeeze %dma_wait3A_270 : memref<1x128xi32, #tpu.memory_space<vmem>> -> memref<128xi32, #tpu.memory_space<vmem>>
      %dma_wait3A_272 = arith.constant 0 : i32
      %dma_wait3A_273 = arith.constant 0 : i32
      %dma_wait3A_274 = tpu.memref_slice %arg2[%dma_wait3A_272, %dma_wait3A_273] : memref<10000x128xf32, #tpu.memory_space<hbm>> -> memref<10000x128xf32, #tpu.memory_space<hbm>>
      tpu.wait_indirect_dma semaphore(%arg15 : memref<!tpu.dma_semaphore, #tpu.memory_space<semaphore_mem>>) src(%dma_wait3A_274 : memref<10000x128xf32, #tpu.memory_space<hbm>>) dst(%arg11 : memref<128x128xf32, #tpu.memory_space<vmem>>)
      %run_scoped3A_275 = arith.constant 2 : i32
      "tpu.region"() ({
        %run_scoped3A_372 = tpu.sem_alloc : memref<!tpu.dma_semaphore, #tpu.memory_space<semaphore_mem>>
        %dma_start3A_373 = arith.constant 0 : i32
        %dma_start3A_374 = tpu.memref_slice %arg10[%run_scoped3A_275, %dma_start3A_373] : memref<8x128xi32, #tpu.memory_space<vmem>> -> memref<1x128xi32, #tpu.memory_space<vmem>>
        %dma_start3A_375 = tpu.memref_squeeze %dma_start3A_374 : memref<1x128xi32, #tpu.memory_space<vmem>> -> memref<128xi32, #tpu.memory_space<vmem>>
        %dma_start3A_376 = arith.constant 0 : i32
        %dma_start3A_377 = arith.constant 0 : i32
        %dma_start3A_378 = tpu.memref_slice %arg18[%dma_start3A_376, %dma_start3A_377] : memref<10240x128xf32, #tpu.memory_space<vmem_shared>> -> memref<10240x128xf32, #tpu.memory_space<vmem_shared>>
        tpu.enqueue_indirect_dma source(%arg11 : memref<128x128xf32, #tpu.memory_space<vmem>>) target(%dma_start3A_378 : memref<10240x128xf32, #tpu.memory_space<vmem_shared>>) offsets(%dma_start3A_375 : memref<128xi32, #tpu.memory_space<vmem>>) semaphore(%run_scoped3A_372 : memref<!tpu.dma_semaphore, #tpu.memory_space<semaphore_mem>>) {add = true}
        %dma_wait3A_379 = arith.constant 0 : i32
        %dma_wait3A_380 = tpu.memref_slice %arg10[%run_scoped3A_275, %dma_wait3A_379] : memref<8x128xi32, #tpu.memory_space<vmem>> -> memref<1x128xi32, #tpu.memory_space<vmem>>
        %dma_wait3A_381 = tpu.memref_squeeze %dma_wait3A_380 : memref<1x128xi32, #tpu.memory_space<vmem>> -> memref<128xi32, #tpu.memory_space<vmem>>
        %dma_wait3A_382 = arith.constant 0 : i32
        %dma_wait3A_383 = arith.constant 0 : i32
        %dma_wait3A_384 = tpu.memref_slice %arg18[%dma_wait3A_382, %dma_wait3A_383] : memref<10240x128xf32, #tpu.memory_space<vmem_shared>> -> memref<10240x128xf32, #tpu.memory_space<vmem_shared>>
        tpu.wait_indirect_dma semaphore(%run_scoped3A_372 : memref<!tpu.dma_semaphore, #tpu.memory_space<semaphore_mem>>) src(%arg11 : memref<128x128xf32, #tpu.memory_space<vmem>>) dst(%dma_wait3A_384 : memref<10240x128xf32, #tpu.memory_space<vmem_shared>>)
        tpu.yield
      }) : () -> ()
      %dma_start3A_276 = arith.constant 4 : i32
      %dma_start3A_277 = arith.constant 0 : i32
      %dma_start3A_278 = tpu.memref_slice %arg8[%dma_start3A_276, %dma_start3A_277] : memref<8x128xi32, #tpu.memory_space<vmem>> -> memref<1x128xi32, #tpu.memory_space<vmem>>
      %dma_start3A_279 = tpu.memref_squeeze %dma_start3A_278 : memref<1x128xi32, #tpu.memory_space<vmem>> -> memref<128xi32, #tpu.memory_space<vmem>>
      %dma_start3A_280 = arith.constant 0 : i32
      %dma_start3A_281 = arith.constant 0 : i32
      %dma_start3A_282 = tpu.memref_slice %arg2[%dma_start3A_280, %dma_start3A_281] : memref<10000x128xf32, #tpu.memory_space<hbm>> -> memref<10000x128xf32, #tpu.memory_space<hbm>>
      tpu.enqueue_indirect_dma source(%dma_start3A_282 : memref<10000x128xf32, #tpu.memory_space<hbm>>) target(%arg11 : memref<128x128xf32, #tpu.memory_space<vmem>>) offsets(%dma_start3A_279 : memref<128xi32, #tpu.memory_space<vmem>>) semaphore(%arg15 : memref<!tpu.dma_semaphore, #tpu.memory_space<semaphore_mem>>)
      %dma_wait3A_283 = arith.constant 3 : i32
      %dma_wait3A_284 = arith.constant 0 : i32
      %dma_wait3A_285 = tpu.memref_slice %arg8[%dma_wait3A_283, %dma_wait3A_284] : memref<8x128xi32, #tpu.memory_space<vmem>> -> memref<1x128xi32, #tpu.memory_space<vmem>>
      %dma_wait3A_286 = tpu.memref_squeeze %dma_wait3A_285 : memref<1x128xi32, #tpu.memory_space<vmem>> -> memref<128xi32, #tpu.memory_space<vmem>>
      %dma_wait3A_287 = arith.constant 0 : i32
      %dma_wait3A_288 = arith.constant 0 : i32
      %dma_wait3A_289 = tpu.memref_slice %arg2[%dma_wait3A_287, %dma_wait3A_288] : memref<10000x128xf32, #tpu.memory_space<hbm>> -> memref<10000x128xf32, #tpu.memory_space<hbm>>
      tpu.wait_indirect_dma semaphore(%arg16 : memref<!tpu.dma_semaphore, #tpu.memory_space<semaphore_mem>>) src(%dma_wait3A_289 : memref<10000x128xf32, #tpu.memory_space<hbm>>) dst(%arg12 : memref<128x128xf32, #tpu.memory_space<vmem>>)
      %run_scoped3A_290 = arith.constant 3 : i32
      "tpu.region"() ({
        %run_scoped3A_372 = tpu.sem_alloc : memref<!tpu.dma_semaphore, #tpu.memory_space<semaphore_mem>>
        %dma_start3A_373 = arith.constant 0 : i32
        %dma_start3A_374 = tpu.memref_slice %arg10[%run_scoped3A_290, %dma_start3A_373] : memref<8x128xi32, #tpu.memory_space<vmem>> -> memref<1x128xi32, #tpu.memory_space<vmem>>
        %dma_start3A_375 = tpu.memref_squeeze %dma_start3A_374 : memref<1x128xi32, #tpu.memory_space<vmem>> -> memref<128xi32, #tpu.memory_space<vmem>>
        %dma_start3A_376 = arith.constant 0 : i32
        %dma_start3A_377 = arith.constant 0 : i32
        %dma_start3A_378 = tpu.memref_slice %arg18[%dma_start3A_376, %dma_start3A_377] : memref<10240x128xf32, #tpu.memory_space<vmem_shared>> -> memref<10240x128xf32, #tpu.memory_space<vmem_shared>>
        tpu.enqueue_indirect_dma source(%arg12 : memref<128x128xf32, #tpu.memory_space<vmem>>) target(%dma_start3A_378 : memref<10240x128xf32, #tpu.memory_space<vmem_shared>>) offsets(%dma_start3A_375 : memref<128xi32, #tpu.memory_space<vmem>>) semaphore(%run_scoped3A_372 : memref<!tpu.dma_semaphore, #tpu.memory_space<semaphore_mem>>) {add = true}
        %dma_wait3A_379 = arith.constant 0 : i32
        %dma_wait3A_380 = tpu.memref_slice %arg10[%run_scoped3A_290, %dma_wait3A_379] : memref<8x128xi32, #tpu.memory_space<vmem>> -> memref<1x128xi32, #tpu.memory_space<vmem>>
        %dma_wait3A_381 = tpu.memref_squeeze %dma_wait3A_380 : memref<1x128xi32, #tpu.memory_space<vmem>> -> memref<128xi32, #tpu.memory_space<vmem>>
        %dma_wait3A_382 = arith.constant 0 : i32
        %dma_wait3A_383 = arith.constant 0 : i32
        %dma_wait3A_384 = tpu.memref_slice %arg18[%dma_wait3A_382, %dma_wait3A_383] : memref<10240x128xf32, #tpu.memory_space<vmem_shared>> -> memref<10240x128xf32, #tpu.memory_space<vmem_shared>>
        tpu.wait_indirect_dma semaphore(%run_scoped3A_372 : memref<!tpu.dma_semaphore, #tpu.memory_space<semaphore_mem>>) src(%arg12 : memref<128x128xf32, #tpu.memory_space<vmem>>) dst(%dma_wait3A_384 : memref<10240x128xf32, #tpu.memory_space<vmem_shared>>)
        tpu.yield
      }) : () -> ()
      %dma_start3A_291 = arith.constant 5 : i32
      %dma_start3A_292 = arith.constant 0 : i32
      %dma_start3A_293 = tpu.memref_slice %arg8[%dma_start3A_291, %dma_start3A_292] : memref<8x128xi32, #tpu.memory_space<vmem>> -> memref<1x128xi32, #tpu.memory_space<vmem>>
      %dma_start3A_294 = tpu.memref_squeeze %dma_start3A_293 : memref<1x128xi32, #tpu.memory_space<vmem>> -> memref<128xi32, #tpu.memory_space<vmem>>
      %dma_start3A_295 = arith.constant 0 : i32
      %dma_start3A_296 = arith.constant 0 : i32
      %dma_start3A_297 = tpu.memref_slice %arg2[%dma_start3A_295, %dma_start3A_296] : memref<10000x128xf32, #tpu.memory_space<hbm>> -> memref<10000x128xf32, #tpu.memory_space<hbm>>
      tpu.enqueue_indirect_dma source(%dma_start3A_297 : memref<10000x128xf32, #tpu.memory_space<hbm>>) target(%arg12 : memref<128x128xf32, #tpu.memory_space<vmem>>) offsets(%dma_start3A_294 : memref<128xi32, #tpu.memory_space<vmem>>) semaphore(%arg16 : memref<!tpu.dma_semaphore, #tpu.memory_space<semaphore_mem>>)
      %dma_wait3A_298 = arith.constant 4 : i32
      %dma_wait3A_299 = arith.constant 0 : i32
      %dma_wait3A_300 = tpu.memref_slice %arg8[%dma_wait3A_298, %dma_wait3A_299] : memref<8x128xi32, #tpu.memory_space<vmem>> -> memref<1x128xi32, #tpu.memory_space<vmem>>
      %dma_wait3A_301 = tpu.memref_squeeze %dma_wait3A_300 : memref<1x128xi32, #tpu.memory_space<vmem>> -> memref<128xi32, #tpu.memory_space<vmem>>
      %dma_wait3A_302 = arith.constant 0 : i32
      %dma_wait3A_303 = arith.constant 0 : i32
      %dma_wait3A_304 = tpu.memref_slice %arg2[%dma_wait3A_302, %dma_wait3A_303] : memref<10000x128xf32, #tpu.memory_space<hbm>> -> memref<10000x128xf32, #tpu.memory_space<hbm>>
      tpu.wait_indirect_dma semaphore(%arg15 : memref<!tpu.dma_semaphore, #tpu.memory_space<semaphore_mem>>) src(%dma_wait3A_304 : memref<10000x128xf32, #tpu.memory_space<hbm>>) dst(%arg11 : memref<128x128xf32, #tpu.memory_space<vmem>>)
      %run_scoped3A_305 = arith.constant 4 : i32
      "tpu.region"() ({
        %run_scoped3A_372 = tpu.sem_alloc : memref<!tpu.dma_semaphore, #tpu.memory_space<semaphore_mem>>
        %dma_start3A_373 = arith.constant 0 : i32
        %dma_start3A_374 = tpu.memref_slice %arg10[%run_scoped3A_305, %dma_start3A_373] : memref<8x128xi32, #tpu.memory_space<vmem>> -> memref<1x128xi32, #tpu.memory_space<vmem>>
        %dma_start3A_375 = tpu.memref_squeeze %dma_start3A_374 : memref<1x128xi32, #tpu.memory_space<vmem>> -> memref<128xi32, #tpu.memory_space<vmem>>
        %dma_start3A_376 = arith.constant 0 : i32
        %dma_start3A_377 = arith.constant 0 : i32
        %dma_start3A_378 = tpu.memref_slice %arg18[%dma_start3A_376, %dma_start3A_377] : memref<10240x128xf32, #tpu.memory_space<vmem_shared>> -> memref<10240x128xf32, #tpu.memory_space<vmem_shared>>
        tpu.enqueue_indirect_dma source(%arg11 : memref<128x128xf32, #tpu.memory_space<vmem>>) target(%dma_start3A_378 : memref<10240x128xf32, #tpu.memory_space<vmem_shared>>) offsets(%dma_start3A_375 : memref<128xi32, #tpu.memory_space<vmem>>) semaphore(%run_scoped3A_372 : memref<!tpu.dma_semaphore, #tpu.memory_space<semaphore_mem>>) {add = true}
        %dma_wait3A_379 = arith.constant 0 : i32
        %dma_wait3A_380 = tpu.memref_slice %arg10[%run_scoped3A_305, %dma_wait3A_379] : memref<8x128xi32, #tpu.memory_space<vmem>> -> memref<1x128xi32, #tpu.memory_space<vmem>>
        %dma_wait3A_381 = tpu.memref_squeeze %dma_wait3A_380 : memref<1x128xi32, #tpu.memory_space<vmem>> -> memref<128xi32, #tpu.memory_space<vmem>>
        %dma_wait3A_382 = arith.constant 0 : i32
        %dma_wait3A_383 = arith.constant 0 : i32
        %dma_wait3A_384 = tpu.memref_slice %arg18[%dma_wait3A_382, %dma_wait3A_383] : memref<10240x128xf32, #tpu.memory_space<vmem_shared>> -> memref<10240x128xf32, #tpu.memory_space<vmem_shared>>
        tpu.wait_indirect_dma semaphore(%run_scoped3A_372 : memref<!tpu.dma_semaphore, #tpu.memory_space<semaphore_mem>>) src(%arg11 : memref<128x128xf32, #tpu.memory_space<vmem>>) dst(%dma_wait3A_384 : memref<10240x128xf32, #tpu.memory_space<vmem_shared>>)
        tpu.yield
      }) : () -> ()
      %dma_start3A_306 = arith.constant 6 : i32
      %dma_start3A_307 = arith.constant 0 : i32
      %dma_start3A_308 = tpu.memref_slice %arg8[%dma_start3A_306, %dma_start3A_307] : memref<8x128xi32, #tpu.memory_space<vmem>> -> memref<1x128xi32, #tpu.memory_space<vmem>>
      %dma_start3A_309 = tpu.memref_squeeze %dma_start3A_308 : memref<1x128xi32, #tpu.memory_space<vmem>> -> memref<128xi32, #tpu.memory_space<vmem>>
      %dma_start3A_310 = arith.constant 0 : i32
      %dma_start3A_311 = arith.constant 0 : i32
      %dma_start3A_312 = tpu.memref_slice %arg2[%dma_start3A_310, %dma_start3A_311] : memref<10000x128xf32, #tpu.memory_space<hbm>> -> memref<10000x128xf32, #tpu.memory_space<hbm>>
      tpu.enqueue_indirect_dma source(%dma_start3A_312 : memref<10000x128xf32, #tpu.memory_space<hbm>>) target(%arg11 : memref<128x128xf32, #tpu.memory_space<vmem>>) offsets(%dma_start3A_309 : memref<128xi32, #tpu.memory_space<vmem>>) semaphore(%arg15 : memref<!tpu.dma_semaphore, #tpu.memory_space<semaphore_mem>>)
      %dma_wait3A_313 = arith.constant 5 : i32
      %dma_wait3A_314 = arith.constant 0 : i32
      %dma_wait3A_315 = tpu.memref_slice %arg8[%dma_wait3A_313, %dma_wait3A_314] : memref<8x128xi32, #tpu.memory_space<vmem>> -> memref<1x128xi32, #tpu.memory_space<vmem>>
      %dma_wait3A_316 = tpu.memref_squeeze %dma_wait3A_315 : memref<1x128xi32, #tpu.memory_space<vmem>> -> memref<128xi32, #tpu.memory_space<vmem>>
      %dma_wait3A_317 = arith.constant 0 : i32
      %dma_wait3A_318 = arith.constant 0 : i32
      %dma_wait3A_319 = tpu.memref_slice %arg2[%dma_wait3A_317, %dma_wait3A_318] : memref<10000x128xf32, #tpu.memory_space<hbm>> -> memref<10000x128xf32, #tpu.memory_space<hbm>>
      tpu.wait_indirect_dma semaphore(%arg16 : memref<!tpu.dma_semaphore, #tpu.memory_space<semaphore_mem>>) src(%dma_wait3A_319 : memref<10000x128xf32, #tpu.memory_space<hbm>>) dst(%arg12 : memref<128x128xf32, #tpu.memory_space<vmem>>)
      %run_scoped3A_320 = arith.constant 5 : i32
      "tpu.region"() ({
        %run_scoped3A_372 = tpu.sem_alloc : memref<!tpu.dma_semaphore, #tpu.memory_space<semaphore_mem>>
        %dma_start3A_373 = arith.constant 0 : i32
        %dma_start3A_374 = tpu.memref_slice %arg10[%run_scoped3A_320, %dma_start3A_373] : memref<8x128xi32, #tpu.memory_space<vmem>> -> memref<1x128xi32, #tpu.memory_space<vmem>>
        %dma_start3A_375 = tpu.memref_squeeze %dma_start3A_374 : memref<1x128xi32, #tpu.memory_space<vmem>> -> memref<128xi32, #tpu.memory_space<vmem>>
        %dma_start3A_376 = arith.constant 0 : i32
        %dma_start3A_377 = arith.constant 0 : i32
        %dma_start3A_378 = tpu.memref_slice %arg18[%dma_start3A_376, %dma_start3A_377] : memref<10240x128xf32, #tpu.memory_space<vmem_shared>> -> memref<10240x128xf32, #tpu.memory_space<vmem_shared>>
        tpu.enqueue_indirect_dma source(%arg12 : memref<128x128xf32, #tpu.memory_space<vmem>>) target(%dma_start3A_378 : memref<10240x128xf32, #tpu.memory_space<vmem_shared>>) offsets(%dma_start3A_375 : memref<128xi32, #tpu.memory_space<vmem>>) semaphore(%run_scoped3A_372 : memref<!tpu.dma_semaphore, #tpu.memory_space<semaphore_mem>>) {add = true}
        %dma_wait3A_379 = arith.constant 0 : i32
        %dma_wait3A_380 = tpu.memref_slice %arg10[%run_scoped3A_320, %dma_wait3A_379] : memref<8x128xi32, #tpu.memory_space<vmem>> -> memref<1x128xi32, #tpu.memory_space<vmem>>
        %dma_wait3A_381 = tpu.memref_squeeze %dma_wait3A_380 : memref<1x128xi32, #tpu.memory_space<vmem>> -> memref<128xi32, #tpu.memory_space<vmem>>
        %dma_wait3A_382 = arith.constant 0 : i32
        %dma_wait3A_383 = arith.constant 0 : i32
        %dma_wait3A_384 = tpu.memref_slice %arg18[%dma_wait3A_382, %dma_wait3A_383] : memref<10240x128xf32, #tpu.memory_space<vmem_shared>> -> memref<10240x128xf32, #tpu.memory_space<vmem_shared>>
        tpu.wait_indirect_dma semaphore(%run_scoped3A_372 : memref<!tpu.dma_semaphore, #tpu.memory_space<semaphore_mem>>) src(%arg12 : memref<128x128xf32, #tpu.memory_space<vmem>>) dst(%dma_wait3A_384 : memref<10240x128xf32, #tpu.memory_space<vmem_shared>>)
        tpu.yield
      }) : () -> ()
      %dma_start3A_321 = arith.constant 7 : i32
      %dma_start3A_322 = arith.constant 0 : i32
      %dma_start3A_323 = tpu.memref_slice %arg8[%dma_start3A_321, %dma_start3A_322] : memref<8x128xi32, #tpu.memory_space<vmem>> -> memref<1x128xi32, #tpu.memory_space<vmem>>
      %dma_start3A_324 = tpu.memref_squeeze %dma_start3A_323 : memref<1x128xi32, #tpu.memory_space<vmem>> -> memref<128xi32, #tpu.memory_space<vmem>>
      %dma_start3A_325 = arith.constant 0 : i32
      %dma_start3A_326 = arith.constant 0 : i32
      %dma_start3A_327 = tpu.memref_slice %arg2[%dma_start3A_325, %dma_start3A_326] : memref<10000x128xf32, #tpu.memory_space<hbm>> -> memref<10000x128xf32, #tpu.memory_space<hbm>>
      tpu.enqueue_indirect_dma source(%dma_start3A_327 : memref<10000x128xf32, #tpu.memory_space<hbm>>) target(%arg12 : memref<128x128xf32, #tpu.memory_space<vmem>>) offsets(%dma_start3A_324 : memref<128xi32, #tpu.memory_space<vmem>>) semaphore(%arg16 : memref<!tpu.dma_semaphore, #tpu.memory_space<semaphore_mem>>)
      %dma_wait3A_328 = arith.constant 6 : i32
      %dma_wait3A_329 = arith.constant 0 : i32
      %dma_wait3A_330 = tpu.memref_slice %arg8[%dma_wait3A_328, %dma_wait3A_329] : memref<8x128xi32, #tpu.memory_space<vmem>> -> memref<1x128xi32, #tpu.memory_space<vmem>>
      %dma_wait3A_331 = tpu.memref_squeeze %dma_wait3A_330 : memref<1x128xi32, #tpu.memory_space<vmem>> -> memref<128xi32, #tpu.memory_space<vmem>>
      %dma_wait3A_332 = arith.constant 0 : i32
      %dma_wait3A_333 = arith.constant 0 : i32
      %dma_wait3A_334 = tpu.memref_slice %arg2[%dma_wait3A_332, %dma_wait3A_333] : memref<10000x128xf32, #tpu.memory_space<hbm>> -> memref<10000x128xf32, #tpu.memory_space<hbm>>
      tpu.wait_indirect_dma semaphore(%arg15 : memref<!tpu.dma_semaphore, #tpu.memory_space<semaphore_mem>>) src(%dma_wait3A_334 : memref<10000x128xf32, #tpu.memory_space<hbm>>) dst(%arg11 : memref<128x128xf32, #tpu.memory_space<vmem>>)
      %run_scoped3A_335 = arith.constant 6 : i32
      "tpu.region"() ({
        %run_scoped3A_372 = tpu.sem_alloc : memref<!tpu.dma_semaphore, #tpu.memory_space<semaphore_mem>>
        %dma_start3A_373 = arith.constant 0 : i32
        %dma_start3A_374 = tpu.memref_slice %arg10[%run_scoped3A_335, %dma_start3A_373] : memref<8x128xi32, #tpu.memory_space<vmem>> -> memref<1x128xi32, #tpu.memory_space<vmem>>
        %dma_start3A_375 = tpu.memref_squeeze %dma_start3A_374 : memref<1x128xi32, #tpu.memory_space<vmem>> -> memref<128xi32, #tpu.memory_space<vmem>>
        %dma_start3A_376 = arith.constant 0 : i32
        %dma_start3A_377 = arith.constant 0 : i32
        %dma_start3A_378 = tpu.memref_slice %arg18[%dma_start3A_376, %dma_start3A_377] : memref<10240x128xf32, #tpu.memory_space<vmem_shared>> -> memref<10240x128xf32, #tpu.memory_space<vmem_shared>>
        tpu.enqueue_indirect_dma source(%arg11 : memref<128x128xf32, #tpu.memory_space<vmem>>) target(%dma_start3A_378 : memref<10240x128xf32, #tpu.memory_space<vmem_shared>>) offsets(%dma_start3A_375 : memref<128xi32, #tpu.memory_space<vmem>>) semaphore(%run_scoped3A_372 : memref<!tpu.dma_semaphore, #tpu.memory_space<semaphore_mem>>) {add = true}
        %dma_wait3A_379 = arith.constant 0 : i32
        %dma_wait3A_380 = tpu.memref_slice %arg10[%run_scoped3A_335, %dma_wait3A_379] : memref<8x128xi32, #tpu.memory_space<vmem>> -> memref<1x128xi32, #tpu.memory_space<vmem>>
        %dma_wait3A_381 = tpu.memref_squeeze %dma_wait3A_380 : memref<1x128xi32, #tpu.memory_space<vmem>> -> memref<128xi32, #tpu.memory_space<vmem>>
        %dma_wait3A_382 = arith.constant 0 : i32
        %dma_wait3A_383 = arith.constant 0 : i32
        %dma_wait3A_384 = tpu.memref_slice %arg18[%dma_wait3A_382, %dma_wait3A_383] : memref<10240x128xf32, #tpu.memory_space<vmem_shared>> -> memref<10240x128xf32, #tpu.memory_space<vmem_shared>>
        tpu.wait_indirect_dma semaphore(%run_scoped3A_372 : memref<!tpu.dma_semaphore, #tpu.memory_space<semaphore_mem>>) src(%arg11 : memref<128x128xf32, #tpu.memory_space<vmem>>) dst(%dma_wait3A_384 : memref<10240x128xf32, #tpu.memory_space<vmem_shared>>)
        tpu.yield
      }) : () -> ()
      %add3A_336 = arith.constant 1 : i32
      %add3A_337 = arith.addi %add3A_237, %add3A_336 : i32
      %lt3A_338 = arith.constant 10 : i32
      %lt3A_339 = arith.cmpi slt, %add3A_337, %lt3A_338 : i32
      %convert_element_type3A_340 = arith.extui %lt3A_339 : i1 to i32
      %cond3A_341 = arith.constant 0 : i32
      %cond3A_342 = arith.cmpi ne, %convert_element_type3A_340, %cond3A_341 : i32
      scf.if %cond3A_342 {
        %add3A_372 = arith.constant 1 : i32
        %add3A_373 = arith.addi %add3A_237, %add3A_372 : i32
        %mul3A_374 = arith.constant 8 : i32
        %mul3A_375 = arith.muli %add3A_373, %mul3A_374 : i32
        %dma_wait3A_376 = arith.constant 0 : i32
        %dma_wait3A_377 = tpu.memref_slice %arg3[%add3A, %mul3A_375, %dma_wait3A_376] : memref<32x80x128xi32, #tpu.memory_space<hbm>> -> memref<1x8x128xi32, #tpu.memory_space<hbm>>
        %dma_wait3A_378 = tpu.memref_squeeze %dma_wait3A_377 : memref<1x8x128xi32, #tpu.memory_space<hbm>> -> memref<8x128xi32, #tpu.memory_space<hbm>>
        %dma_wait3A_379 = arith.constant 0 : i32
        %dma_wait3A_380 = tpu.memref_slice %arg3[%add3A, %mul3A_375, %dma_wait3A_379] : memref<32x80x128xi32, #tpu.memory_space<hbm>> -> memref<1x8x128xi32, #tpu.memory_space<hbm>>
        %dma_wait3A_381 = tpu.memref_squeeze %dma_wait3A_380 : memref<1x8x128xi32, #tpu.memory_space<hbm>> -> memref<8x128xi32, #tpu.memory_space<hbm>>
        tpu.wait_dma2 semaphore(%arg13 : memref<!tpu.dma_semaphore, #tpu.memory_space<semaphore_mem>>) src(%dma_wait3A_381 : memref<8x128xi32, #tpu.memory_space<hbm>>) dst(%arg7 : memref<8x128xi32, #tpu.memory_space<vmem>>)
        %add3A_382 = arith.constant 1 : i32
        %add3A_383 = arith.addi %add3A_237, %add3A_382 : i32
        %mul3A_384 = arith.constant 8 : i32
        %mul3A_385 = arith.muli %add3A_383, %mul3A_384 : i32
        %dma_wait3A_386 = arith.constant 0 : i32
        %dma_wait3A_387 = tpu.memref_slice %arg4[%add3A, %mul3A_385, %dma_wait3A_386] : memref<32x80x128xi32, #tpu.memory_space<hbm>> -> memref<1x8x128xi32, #tpu.memory_space<hbm>>
        %dma_wait3A_388 = tpu.memref_squeeze %dma_wait3A_387 : memref<1x8x128xi32, #tpu.memory_space<hbm>> -> memref<8x128xi32, #tpu.memory_space<hbm>>
        %dma_wait3A_389 = arith.constant 0 : i32
        %dma_wait3A_390 = tpu.memref_slice %arg4[%add3A, %mul3A_385, %dma_wait3A_389] : memref<32x80x128xi32, #tpu.memory_space<hbm>> -> memref<1x8x128xi32, #tpu.memory_space<hbm>>
        %dma_wait3A_391 = tpu.memref_squeeze %dma_wait3A_390 : memref<1x8x128xi32, #tpu.memory_space<hbm>> -> memref<8x128xi32, #tpu.memory_space<hbm>>
        tpu.wait_dma2 semaphore(%arg14 : memref<!tpu.dma_semaphore, #tpu.memory_space<semaphore_mem>>) src(%dma_wait3A_391 : memref<8x128xi32, #tpu.memory_space<hbm>>) dst(%arg9 : memref<8x128xi32, #tpu.memory_space<vmem>>)
      } else {
      }
      %add3A_343 = arith.constant 1 : i32
      %add3A_344 = arith.addi %add3A_237, %add3A_343 : i32
      %lt3A_345 = arith.constant 10 : i32
      %lt3A_346 = arith.cmpi slt, %add3A_344, %lt3A_345 : i32
      %convert_element_type3A_347 = arith.extui %lt3A_346 : i1 to i32
      %cond3A_348 = arith.constant 0 : i32
      %cond3A_349 = arith.cmpi ne, %convert_element_type3A_347, %cond3A_348 : i32
      scf.if %cond3A_349 {
        %dma_start3A_372 = arith.constant 0 : i32
        %dma_start3A_373 = arith.constant 0 : i32
        %dma_start3A_374 = tpu.memref_slice %arg7[%dma_start3A_372, %dma_start3A_373] : memref<8x128xi32, #tpu.memory_space<vmem>> -> memref<1x128xi32, #tpu.memory_space<vmem>>
        %dma_start3A_375 = tpu.memref_squeeze %dma_start3A_374 : memref<1x128xi32, #tpu.memory_space<vmem>> -> memref<128xi32, #tpu.memory_space<vmem>>
        %dma_start3A_376 = arith.constant 0 : i32
        %dma_start3A_377 = arith.constant 0 : i32
        %dma_start3A_378 = tpu.memref_slice %arg2[%dma_start3A_376, %dma_start3A_377] : memref<10000x128xf32, #tpu.memory_space<hbm>> -> memref<10000x128xf32, #tpu.memory_space<hbm>>
        tpu.enqueue_indirect_dma source(%dma_start3A_378 : memref<10000x128xf32, #tpu.memory_space<hbm>>) target(%arg11 : memref<128x128xf32, #tpu.memory_space<vmem>>) offsets(%dma_start3A_375 : memref<128xi32, #tpu.memory_space<vmem>>) semaphore(%arg15 : memref<!tpu.dma_semaphore, #tpu.memory_space<semaphore_mem>>)
      } else {
      }
      %dma_wait3A_350 = arith.constant 7 : i32
      %dma_wait3A_351 = arith.constant 0 : i32
      %dma_wait3A_352 = tpu.memref_slice %arg8[%dma_wait3A_350, %dma_wait3A_351] : memref<8x128xi32, #tpu.memory_space<vmem>> -> memref<1x128xi32, #tpu.memory_space<vmem>>
      %dma_wait3A_353 = tpu.memref_squeeze %dma_wait3A_352 : memref<1x128xi32, #tpu.memory_space<vmem>> -> memref<128xi32, #tpu.memory_space<vmem>>
      %dma_wait3A_354 = arith.constant 0 : i32
      %dma_wait3A_355 = arith.constant 0 : i32
      %dma_wait3A_356 = tpu.memref_slice %arg2[%dma_wait3A_354, %dma_wait3A_355] : memref<10000x128xf32, #tpu.memory_space<hbm>> -> memref<10000x128xf32, #tpu.memory_space<hbm>>
      tpu.wait_indirect_dma semaphore(%arg16 : memref<!tpu.dma_semaphore, #tpu.memory_space<semaphore_mem>>) src(%dma_wait3A_356 : memref<10000x128xf32, #tpu.memory_space<hbm>>) dst(%arg12 : memref<128x128xf32, #tpu.memory_space<vmem>>)
      %run_scoped3A_357 = arith.constant 7 : i32
      "tpu.region"() ({
        %run_scoped3A_372 = tpu.sem_alloc : memref<!tpu.dma_semaphore, #tpu.memory_space<semaphore_mem>>
        %dma_start3A_373 = arith.constant 0 : i32
        %dma_start3A_374 = tpu.memref_slice %arg10[%run_scoped3A_357, %dma_start3A_373] : memref<8x128xi32, #tpu.memory_space<vmem>> -> memref<1x128xi32, #tpu.memory_space<vmem>>
        %dma_start3A_375 = tpu.memref_squeeze %dma_start3A_374 : memref<1x128xi32, #tpu.memory_space<vmem>> -> memref<128xi32, #tpu.memory_space<vmem>>
        %dma_start3A_376 = arith.constant 0 : i32
        %dma_start3A_377 = arith.constant 0 : i32
        %dma_start3A_378 = tpu.memref_slice %arg18[%dma_start3A_376, %dma_start3A_377] : memref<10240x128xf32, #tpu.memory_space<vmem_shared>> -> memref<10240x128xf32, #tpu.memory_space<vmem_shared>>
        tpu.enqueue_indirect_dma source(%arg12 : memref<128x128xf32, #tpu.memory_space<vmem>>) target(%dma_start3A_378 : memref<10240x128xf32, #tpu.memory_space<vmem_shared>>) offsets(%dma_start3A_375 : memref<128xi32, #tpu.memory_space<vmem>>) semaphore(%run_scoped3A_372 : memref<!tpu.dma_semaphore, #tpu.memory_space<semaphore_mem>>) {add = true}
        %dma_wait3A_379 = arith.constant 0 : i32
        %dma_wait3A_380 = tpu.memref_slice %arg10[%run_scoped3A_357, %dma_wait3A_379] : memref<8x128xi32, #tpu.memory_space<vmem>> -> memref<1x128xi32, #tpu.memory_space<vmem>>
        %dma_wait3A_381 = tpu.memref_squeeze %dma_wait3A_380 : memref<1x128xi32, #tpu.memory_space<vmem>> -> memref<128xi32, #tpu.memory_space<vmem>>
        %dma_wait3A_382 = arith.constant 0 : i32
        %dma_wait3A_383 = arith.constant 0 : i32
        %dma_wait3A_384 = tpu.memref_slice %arg18[%dma_wait3A_382, %dma_wait3A_383] : memref<10240x128xf32, #tpu.memory_space<vmem_shared>> -> memref<10240x128xf32, #tpu.memory_space<vmem_shared>>
        tpu.wait_indirect_dma semaphore(%run_scoped3A_372 : memref<!tpu.dma_semaphore, #tpu.memory_space<semaphore_mem>>) src(%arg12 : memref<128x128xf32, #tpu.memory_space<vmem>>) dst(%dma_wait3A_384 : memref<10240x128xf32, #tpu.memory_space<vmem_shared>>)
        tpu.yield
      }) : () -> ()
      %add3A_358 = arith.constant 1 : i32
      %add3A_359 = arith.addi %add3A_237, %add3A_358 : i32
      %lt3A_360 = arith.constant 10 : i32
      %lt3A_361 = arith.cmpi slt, %add3A_359, %lt3A_360 : i32
      %convert_element_type3A_362 = arith.extui %lt3A_361 : i1 to i32
      %cond3A_363 = arith.constant 0 : i32
      %cond3A_364 = arith.cmpi ne, %convert_element_type3A_362, %cond3A_363 : i32
      scf.if %cond3A_364 {
        %dma_start3A_372 = arith.constant 1 : i32
        %dma_start3A_373 = arith.constant 0 : i32
        %dma_start3A_374 = tpu.memref_slice %arg7[%dma_start3A_372, %dma_start3A_373] : memref<8x128xi32, #tpu.memory_space<vmem>> -> memref<1x128xi32, #tpu.memory_space<vmem>>
        %dma_start3A_375 = tpu.memref_squeeze %dma_start3A_374 : memref<1x128xi32, #tpu.memory_space<vmem>> -> memref<128xi32, #tpu.memory_space<vmem>>
        %dma_start3A_376 = arith.constant 0 : i32
        %dma_start3A_377 = arith.constant 0 : i32
        %dma_start3A_378 = tpu.memref_slice %arg2[%dma_start3A_376, %dma_start3A_377] : memref<10000x128xf32, #tpu.memory_space<hbm>> -> memref<10000x128xf32, #tpu.memory_space<hbm>>
        tpu.enqueue_indirect_dma source(%dma_start3A_378 : memref<10000x128xf32, #tpu.memory_space<hbm>>) target(%arg12 : memref<128x128xf32, #tpu.memory_space<vmem>>) offsets(%dma_start3A_375 : memref<128xi32, #tpu.memory_space<vmem>>) semaphore(%arg16 : memref<!tpu.dma_semaphore, #tpu.memory_space<semaphore_mem>>)
      } else {
      }
      %add3A_365 = arith.constant 2 : i32
      %add3A_366 = arith.addi %add3A_237, %add3A_365 : i32
      %lt3A_367 = arith.constant 10 : i32
      %lt3A_368 = arith.cmpi slt, %add3A_366, %lt3A_367 : i32
      %convert_element_type3A_369 = arith.extui %lt3A_368 : i1 to i32
      %cond3A_370 = arith.constant 0 : i32
      %cond3A_371 = arith.cmpi ne, %convert_element_type3A_369, %cond3A_370 : i32
      scf.if %cond3A_371 {
        %add3A_372 = arith.constant 2 : i32
        %add3A_373 = arith.addi %add3A_237, %add3A_372 : i32
        %mul3A_374 = arith.constant 8 : i32
        %mul3A_375 = arith.muli %add3A_373, %mul3A_374 : i32
        %dma_start3A_376 = arith.constant 0 : i32
        %dma_start3A_377 = tpu.memref_slice %arg3[%add3A, %mul3A_375, %dma_start3A_376] : memref<32x80x128xi32, #tpu.memory_space<hbm>> -> memref<1x8x128xi32, #tpu.memory_space<hbm>>
        %dma_start3A_378 = tpu.memref_squeeze %dma_start3A_377 : memref<1x8x128xi32, #tpu.memory_space<hbm>> -> memref<8x128xi32, #tpu.memory_space<hbm>>
        %dma_start3A_379 = arith.constant 0 : i32
        %dma_start3A_380 = tpu.memref_slice %arg3[%add3A, %mul3A_375, %dma_start3A_379] : memref<32x80x128xi32, #tpu.memory_space<hbm>> -> memref<1x8x128xi32, #tpu.memory_space<hbm>>
        %dma_start3A_381 = tpu.memref_squeeze %dma_start3A_380 : memref<1x8x128xi32, #tpu.memory_space<hbm>> -> memref<8x128xi32, #tpu.memory_space<hbm>>
        tpu.enqueue_dma source(%dma_start3A_381 : memref<8x128xi32, #tpu.memory_space<hbm>>) target(%arg8 : memref<8x128xi32, #tpu.memory_space<vmem>>) target_semaphore(%arg13 : memref<!tpu.dma_semaphore, #tpu.memory_space<semaphore_mem>>)
        %add3A_382 = arith.constant 2 : i32
        %add3A_383 = arith.addi %add3A_237, %add3A_382 : i32
        %mul3A_384 = arith.constant 8 : i32
        %mul3A_385 = arith.muli %add3A_383, %mul3A_384 : i32
        %dma_start3A_386 = arith.constant 0 : i32
        %dma_start3A_387 = tpu.memref_slice %arg4[%add3A, %mul3A_385, %dma_start3A_386] : memref<32x80x128xi32, #tpu.memory_space<hbm>> -> memref<1x8x128xi32, #tpu.memory_space<hbm>>
        %dma_start3A_388 = tpu.memref_squeeze %dma_start3A_387 : memref<1x8x128xi32, #tpu.memory_space<hbm>> -> memref<8x128xi32, #tpu.memory_space<hbm>>
        %dma_start3A_389 = arith.constant 0 : i32
        %dma_start3A_390 = tpu.memref_slice %arg4[%add3A, %mul3A_385, %dma_start3A_389] : memref<32x80x128xi32, #tpu.memory_space<hbm>> -> memref<1x8x128xi32, #tpu.memory_space<hbm>>
        %dma_start3A_391 = tpu.memref_squeeze %dma_start3A_390 : memref<1x8x128xi32, #tpu.memory_space<hbm>> -> memref<8x128xi32, #tpu.memory_space<hbm>>
        tpu.enqueue_dma source(%dma_start3A_391 : memref<8x128xi32, #tpu.memory_space<hbm>>) target(%arg10 : memref<8x128xi32, #tpu.memory_space<vmem>>) target_semaphore(%arg14 : memref<!tpu.dma_semaphore, #tpu.memory_space<semaphore_mem>>)
      } else {
      }
    }
    %scan3A_93 = arith.constant 5 : i32
    %barrier3A_94 = arith.constant 0 : index
    tpu.barrier barrier_id(%barrier3A_94)
    %mul3A_95 = arith.constant 640 : i32
    %mul3A_96 = arith.muli %arg1, %mul3A_95 : i32
    %mul3A_97 = arith.constant 640 : i32
    %mul3A_98 = arith.muli %arg1, %mul3A_97 : i32
    "tpu.region"() ({
      %run_scoped3A = tpu.sem_alloc : memref<!tpu.dma_semaphore, #tpu.memory_space<semaphore_mem>>
      %dma_start3A_99 = arith.constant 0 : i32
      %dma_start3A_100 = tpu.memref_slice %arg6[%arg0, %mul3A_98, %dma_start3A_99] : memref<2x10240x128xf32, #tpu.memory_space<hbm>> -> memref<1x640x128xf32, #tpu.memory_space<hbm>>
      %dma_start3A_101 = tpu.memref_squeeze %dma_start3A_100 : memref<1x640x128xf32, #tpu.memory_space<hbm>> -> memref<640x128xf32, #tpu.memory_space<hbm>>
      %dma_start3A_102 = arith.constant 0 : i32
      %dma_start3A_103 = tpu.memref_slice %arg18[%mul3A_96, %dma_start3A_102] : memref<10240x128xf32, #tpu.memory_space<vmem_shared>> -> memref<640x128xf32, #tpu.memory_space<vmem_shared>>
      tpu.enqueue_dma source(%dma_start3A_103 : memref<640x128xf32, #tpu.memory_space<vmem_shared>>) target(%dma_start3A_101 : memref<640x128xf32, #tpu.memory_space<hbm>>) target_semaphore(%run_scoped3A : memref<!tpu.dma_semaphore, #tpu.memory_space<semaphore_mem>>)
      %dma_wait3A_104 = arith.constant 0 : i32
      %dma_wait3A_105 = tpu.memref_slice %arg6[%arg0, %mul3A_98, %dma_wait3A_104] : memref<2x10240x128xf32, #tpu.memory_space<hbm>> -> memref<1x640x128xf32, #tpu.memory_space<hbm>>
      %dma_wait3A_106 = tpu.memref_squeeze %dma_wait3A_105 : memref<1x640x128xf32, #tpu.memory_space<hbm>> -> memref<640x128xf32, #tpu.memory_space<hbm>>
      %dma_wait3A_107 = arith.constant 0 : i32
      %dma_wait3A_108 = tpu.memref_slice %arg18[%mul3A_96, %dma_wait3A_107] : memref<10240x128xf32, #tpu.memory_space<vmem_shared>> -> memref<640x128xf32, #tpu.memory_space<vmem_shared>>
      tpu.wait_dma2 semaphore(%run_scoped3A : memref<!tpu.dma_semaphore, #tpu.memory_space<semaphore_mem>>) src(%dma_wait3A_108 : memref<640x128xf32, #tpu.memory_space<vmem_shared>>) dst(%dma_wait3A_106 : memref<640x128xf32, #tpu.memory_space<hbm>>)
      tpu.yield
    }) : () -> ()
    return
  }
}

module attributes {stable_mosaic.version = 14 : i64} {
  func.func @_pre_body(%arg0: memref<10000x128xf32, #tpu.memory_space<vmem>>, %arg1: memref<128x128xf32, #tpu.memory_space<vmem>>, %arg2: memref<2x10000x1xf32, #tpu.memory_space<vmem>>, %arg3: memref<10000x128xf32, #tpu.memory_space<vmem>>, %arg4: memref<10000x1xf32, #tpu.memory_space<vmem>>) attributes {dimension_semantics = [], scalar_prefetch = 0 : i64, scratch_operands = 0 : i64, tpu.core_type = #tpu.core_type<tc>} {
    %get3A = arith.constant 0 : index
    %get3A_0 = arith.constant 0 : index
    %get3A_1 = arith.constant 0 : index
    %get3A_2 = vector.load %arg2[%get3A, %get3A_0, %get3A_1] : memref<2x10000x1xf32, #tpu.memory_space<vmem>>, vector<1x10000x1xf32>
    %get3A_3 = vector.shape_cast %get3A_2 : vector<1x10000x1xf32> to vector<10000x1xf32>
    %get3A_4 = arith.constant 1 : index
    %get3A_5 = arith.constant 0 : index
    %get3A_6 = arith.constant 0 : index
    %get3A_7 = vector.load %arg2[%get3A_4, %get3A_5, %get3A_6] : memref<2x10000x1xf32, #tpu.memory_space<vmem>>, vector<1x10000x1xf32>
    %get3A_8 = vector.shape_cast %get3A_7 : vector<1x10000x1xf32> to vector<10000x1xf32>
    %add3A = arith.addf %get3A_3, %get3A_8 : vector<10000x1xf32>
    %add3A_9 = arith.constant 1.000000e+00 : f32
    %add3A_10 = vector.broadcast %add3A_9 : f32 to vector<10000x1xf32>
    %add3A_11 = arith.addf %add3A, %add3A_10 : vector<10000x1xf32>
    %rsqrt3A = math.rsqrt %add3A_11 : vector<10000x1xf32>
    %swap3A = arith.constant 0 : index
    %swap3A_12 = arith.constant 0 : index
    %swap3A_13 = vector.load %arg4[%swap3A, %swap3A_12] : memref<10000x1xf32, #tpu.memory_space<vmem>>, vector<10000x1xf32>
    tpu.vector_store %arg4[%swap3A, %swap3A_12], %rsqrt3A {strides = array<i32>} : memref<10000x1xf32, #tpu.memory_space<vmem>>, vector<10000x1xf32>,
    %get3A_14 = arith.constant 0 : index
    %get3A_15 = arith.constant 0 : index
    %get3A_16 = vector.load %arg0[%get3A_14, %get3A_15] : memref<10000x128xf32, #tpu.memory_space<vmem>>, vector<10000x128xf32>
    %get3A_17 = arith.constant 0 : index
    %get3A_18 = arith.constant 0 : index
    %get3A_19 = vector.load %arg1[%get3A_17, %get3A_18] : memref<128x128xf32, #tpu.memory_space<vmem>>, vector<128x128xf32>
    %dot_general3A = arith.constant dense<0.000000e+00> : vector<10000x128xf32>
    %dot_general3A_20 = tpu.matmul %get3A_16, %get3A_19, %dot_general3A {dimension_numbers = #tpu.dot_dimension_numbers<[1], [0], [0], [1], [0, 0, 1, 1], [], []>, transpose_lhs_hint = false} : vector<10000x128xf32>, vector<128x128xf32>, vector<10000x128xf32> -> vector<10000x128xf32>
    %mul3A = vector.broadcast %rsqrt3A : vector<10000x1xf32> to vector<10000x128xf32>
    %mul3A_21 = arith.mulf %dot_general3A_20, %mul3A : vector<10000x128xf32>
    %swap3A_22 = arith.constant 0 : index
    %swap3A_23 = arith.constant 0 : index
    %swap3A_24 = vector.load %arg3[%swap3A_22, %swap3A_23] : memref<10000x128xf32, #tpu.memory_space<vmem>>, vector<10000x128xf32>
    tpu.vector_store %arg3[%swap3A_22, %swap3A_23], %mul3A_21 {strides = array<i32>} : memref<10000x128xf32, #tpu.memory_space<vmem>>, vector<10000x128xf32>,
    return
  }
}

module attributes {stable_mosaic.version = 14 : i64} {
  func.func @_mid_body(%arg0: memref<2x10000x128xf32, #tpu.memory_space<vmem>>, %arg1: memref<10000x128xf32, #tpu.memory_space<vmem>>, %arg2: memref<10000x1xf32, #tpu.memory_space<vmem>>, %arg3: memref<1x128xf32, #tpu.memory_space<vmem>>, %arg4: memref<128x128xf32, #tpu.memory_space<vmem>>, %arg5: memref<10000x128xf32, #tpu.memory_space<vmem>>) attributes {dimension_semantics = [], scalar_prefetch = 0 : i64, scratch_operands = 0 : i64, tpu.core_type = #tpu.core_type<tc>} {
    %get3A = arith.constant 0 : index
    %get3A_0 = arith.constant 0 : index
    %get3A_1 = vector.load %arg2[%get3A, %get3A_0] : memref<10000x1xf32, #tpu.memory_space<vmem>>, vector<10000x1xf32>
    %get3A_2 = arith.constant 0 : index
    %get3A_3 = arith.constant 0 : index
    %get3A_4 = arith.constant 0 : index
    %get3A_5 = vector.load %arg0[%get3A_2, %get3A_3, %get3A_4] : memref<2x10000x128xf32, #tpu.memory_space<vmem>>, vector<1x10000x128xf32>
    %get3A_6 = vector.shape_cast %get3A_5 : vector<1x10000x128xf32> to vector<10000x128xf32>
    %get3A_7 = arith.constant 1 : index
    %get3A_8 = arith.constant 0 : index
    %get3A_9 = arith.constant 0 : index
    %get3A_10 = vector.load %arg0[%get3A_7, %get3A_8, %get3A_9] : memref<2x10000x128xf32, #tpu.memory_space<vmem>>, vector<1x10000x128xf32>
    %get3A_11 = vector.shape_cast %get3A_10 : vector<1x10000x128xf32> to vector<10000x128xf32>
    %add3A = arith.addf %get3A_6, %get3A_11 : vector<10000x128xf32>
    %get3A_12 = arith.constant 0 : index
    %get3A_13 = arith.constant 0 : index
    %get3A_14 = vector.load %arg1[%get3A_12, %get3A_13] : memref<10000x128xf32, #tpu.memory_space<vmem>>, vector<10000x128xf32>
    %add3A_15 = arith.addf %add3A, %get3A_14 : vector<10000x128xf32>
    %mul3A = vector.broadcast %get3A_1 : vector<10000x1xf32> to vector<10000x128xf32>
    %mul3A_16 = arith.mulf %add3A_15, %mul3A : vector<10000x128xf32>
    %get3A_17 = arith.constant 0 : index
    %get3A_18 = arith.constant 0 : index
    %get3A_19 = vector.load %arg3[%get3A_17, %get3A_18] : memref<1x128xf32, #tpu.memory_space<vmem>>, vector<1x128xf32>
    %add3A_20 = vector.broadcast %get3A_19 : vector<1x128xf32> to vector<10000x128xf32>
    %add3A_21 = arith.addf %mul3A_16, %add3A_20 : vector<10000x128xf32>
    %max3A = arith.constant 0.000000e+00 : f32
    %max3A_22 = vector.broadcast %max3A : f32 to vector<10000x128xf32>
    %max3A_23 = arith.maximumf %add3A_21, %max3A_22 : vector<10000x128xf32>
    %get3A_24 = arith.constant 0 : index
    %get3A_25 = arith.constant 0 : index
    %get3A_26 = vector.load %arg4[%get3A_24, %get3A_25] : memref<128x128xf32, #tpu.memory_space<vmem>>, vector<128x128xf32>
    %dot_general3A = arith.constant dense<0.000000e+00> : vector<10000x128xf32>
    %dot_general3A_27 = tpu.matmul %max3A_23, %get3A_26, %dot_general3A {dimension_numbers = #tpu.dot_dimension_numbers<[1], [0], [0], [1], [0, 0, 1, 1], [], []>, transpose_lhs_hint = false} : vector<10000x128xf32>, vector<128x128xf32>, vector<10000x128xf32> -> vector<10000x128xf32>
    %mul3A_28 = vector.broadcast %get3A_1 : vector<10000x1xf32> to vector<10000x128xf32>
    %mul3A_29 = arith.mulf %dot_general3A_27, %mul3A_28 : vector<10000x128xf32>
    %swap3A = arith.constant 0 : index
    %swap3A_30 = arith.constant 0 : index
    %swap3A_31 = vector.load %arg5[%swap3A, %swap3A_30] : memref<10000x128xf32, #tpu.memory_space<vmem>>, vector<10000x128xf32>
    tpu.vector_store %arg5[%swap3A, %swap3A_30], %mul3A_29 {strides = array<i32>} : memref<10000x128xf32, #tpu.memory_space<vmem>>, vector<10000x128xf32>,
    return
  }
}

module attributes {stable_mosaic.version = 14 : i64} {
  func.func @_post_body(%arg0: memref<2x10000x128xf32, #tpu.memory_space<vmem>>, %arg1: memref<10000x128xf32, #tpu.memory_space<vmem>>, %arg2: memref<10000x1xf32, #tpu.memory_space<vmem>>, %arg3: memref<1x128xf32, #tpu.memory_space<vmem>>, %arg4: memref<10000x128xf32, #tpu.memory_space<vmem>>) attributes {dimension_semantics = [], scalar_prefetch = 0 : i64, scratch_operands = 0 : i64, tpu.core_type = #tpu.core_type<tc>} {
    %get3A = arith.constant 0 : index
    %get3A_0 = arith.constant 0 : index
    %get3A_1 = arith.constant 0 : index
    %get3A_2 = vector.load %arg0[%get3A, %get3A_0, %get3A_1] : memref<2x10000x128xf32, #tpu.memory_space<vmem>>, vector<1x10000x128xf32>
    %get3A_3 = vector.shape_cast %get3A_2 : vector<1x10000x128xf32> to vector<10000x128xf32>
    %get3A_4 = arith.constant 1 : index
    %get3A_5 = arith.constant 0 : index
    %get3A_6 = arith.constant 0 : index
    %get3A_7 = vector.load %arg0[%get3A_4, %get3A_5, %get3A_6] : memref<2x10000x128xf32, #tpu.memory_space<vmem>>, vector<1x10000x128xf32>
    %get3A_8 = vector.shape_cast %get3A_7 : vector<1x10000x128xf32> to vector<10000x128xf32>
    %add3A = arith.addf %get3A_3, %get3A_8 : vector<10000x128xf32>
    %get3A_9 = arith.constant 0 : index
    %get3A_10 = arith.constant 0 : index
    %get3A_11 = vector.load %arg1[%get3A_9, %get3A_10] : memref<10000x128xf32, #tpu.memory_space<vmem>>, vector<10000x128xf32>
    %add3A_12 = arith.addf %add3A, %get3A_11 : vector<10000x128xf32>
    %get3A_13 = arith.constant 0 : index
    %get3A_14 = arith.constant 0 : index
    %get3A_15 = vector.load %arg2[%get3A_13, %get3A_14] : memref<10000x1xf32, #tpu.memory_space<vmem>>, vector<10000x1xf32>
    %mul3A = vector.broadcast %get3A_15 : vector<10000x1xf32> to vector<10000x128xf32>
    %mul3A_16 = arith.mulf %add3A_12, %mul3A : vector<10000x128xf32>
    %get3A_17 = arith.constant 0 : index
    %get3A_18 = arith.constant 0 : index
    %get3A_19 = vector.load %arg3[%get3A_17, %get3A_18] : memref<1x128xf32, #tpu.memory_space<vmem>>, vector<1x128xf32>
    %add3A_20 = vector.broadcast %get3A_19 : vector<1x128xf32> to vector<10000x128xf32>
    %add3A_21 = arith.addf %mul3A_16, %add3A_20 : vector<10000x128xf32>
    %swap3A = arith.constant 0 : index
    %swap3A_22 = arith.constant 0 : index
    %swap3A_23 = vector.load %arg4[%swap3A, %swap3A_22] : memref<10000x128xf32, #tpu.memory_space<vmem>>, vector<10000x128xf32>
    tpu.vector_store %arg4[%swap3A, %swap3A_22], %add3A_21 {strides = array<i32>} : memref<10000x128xf32, #tpu.memory_space<vmem>>, vector<10000x128xf32>,
    return
  }
}

</mosaic_0001>

<sc_bundles>
// kernel: kernel.11.cloned.1.call-start
scs
__scs_entry_jumppad:
0x0: {  	(pc) =	sbr.rel $0x88, $3  }
0x1: {  	(tag) =	ssettag $0x0;
	lr =	simm.s32 $0x1  }
0x2: {  	[smem:$0x3F9B] =	sst lr;
	_ =	strace $0xD0000000  }
0x3: {  	_ = 	snop  }
0x4: {  	_ = 	snop  }
0x5: {  	_ = 	snop  }
0x6: {  	_ = 	snop  }
0x7: {  	_ = 	snop  }
__scs_overlays_trampoline_lowered:
0x8: {  	[smem:$0x3FAA] =	sst s0  }
0x9: {  	[smem:$0x3FAB] =	sst s1  }
0xa: {  	[smem:$0x3FAC] =	sst s2  }
0xb: {  	[smem:$0x3FAD] =	sst s3  }
0xc: {  	[smem:$0x3FAE] =	sst s4  }
0xd: {  	[smem:$0x3FAF] =	sst s5  }
0xe: {  	[smem:$0x3FB0] =	sst s6  }
0xf: {  	[smem:$0x3FB1] =	sst s7  }
0x10: {  	[smem:$0x3FB2] =	sst s8  }
0x11: {  	[smem:$0x3FB3] =	sst s9;
	s0 =	simm.s32 @!p0 $0x0  }
0x12: {  	s1 =	sld [smem:$0x3F99];
	s0 =	simm.s32 @p0 $0x1  }
0x13: {  	[smem:$0x3FB4] =	sst s0;
	s0 =	simm.s32 @!p1 $0x0  }
0x14: {  	s2 =	sld [smem:$0x3F98];
	s0 =	simm.s32 @p1 $0x1  }
0x15: {  	[smem:$0x3FB5] =	sst s0;
	s0 =	simm.s32 @!p2 $0x0  }
0x16: {  	s3 =	sld [smem:$0x3FDB];
	s0 =	simm.s32 @p2 $0x1  }
0x17: {  	s4 =	simm.s32 $0x1BF5;
	[smem:$0x3FB7] =	sst s0  }
0x18: {  	s0 =	sld [smem:$0x3F9A];
	_ =	swait.ge [sflag:s4], $0x0  }
0x19: {  	s7 =	sld [smem:$0x3F9B]  }
0x1a: {  	s8 =	sadd.s32 $0xFFFFE003, lr  }
0x1b: {  	s9 =	sadd.s32 $0xFFFFFEF7, lr;
	s5 =	simm.s32 $0xFFFFFFFF;
	p2 =	slt.u32 s8, $0xFFFFF086  }
0x1c: {  	p1 =	slt.u32 s9, $0xF7A;
	s5 =	simm.s32 @!p2 $0x0  }
0x1d: {  	s5 =	simm.s32 @p1 $0x1;
	p0 =	seq.s32 s7, s2  }
0x1e: {  	s7 =	smul.u32 @!p0 $0xF7A, s2;
	p2 =	seq.s32 @!p0 s5, $0x0  }
0x1f: {  	s9 =	smul.u32 $0xF7A, s1;
	s8 =	simm.s32 @!p0 $0x1BF5;
	p2 =	por !p2, p0  }
0x20: {  	[sflag:s8] =	ssyncset.s32 @!p0 $0xFFFFF086;
	s6 =	sadd.s32 @!p0 s3, s7;
	s7 =	simm.s32 @!p0 $0x108  }
0x21: {  	s3 =	sadd.s32 s3, s9;
	s6 =	sadd.s32 @!p0 $0x88, s6;
	s7 =	simm.s32 @p2 $0x1082  }
0x22: {  	[simem:s7], [sflag:s8] =	dma.local @!p0 [hbm:s6], $0xF7A  }
0x23: {  	s9 =	sor.u32 $0xD0000000, s2;
	s6 =	simm.s32 $0x108;
	_ =	swait.ge @!p0 [sflag:s8], $0x0  }
0x24: {  	s3 =	sadd.s32 $0x88, s3;
	s6 =	simm.s32 @!p1 $0x1082;
	[sflag:s4] =	ssyncset.s32 $0xFFFFF086  }
0x25: {  	[simem:s6], [sflag:s4] =	dma.local [hbm:s3], $0xF7A  }
0x26: {  	[smem:$0x3F9B] =	sst s1;
	(tag) =	ssettag s2;
	_ =	strace s9  }
0x27: {  	s1 =	sld [smem:$0x3FAB]  }
0x28: {  	s2 =	sld [smem:$0x3FAC]  }
0x29: {  	s4 =	sld [smem:$0x3FAE]  }
0x2a: {  	p0 =	seq.s32 s5, $0x0;
	s5 =	sld [smem:$0x3FAF]  }
0x2b: {  	s6 =	sld [smem:$0x3FB0]  }
0x2c: {  	s7 =	sld [smem:$0x3FB1]  }
0x2d: {  	s3 =	simm.s32 $0x108;
	s8 =	sld [smem:$0x3FB2]  }
0x2e: {  	s3 =	simm.s32 @!p0 $0x1082;
	s9 =	sld [smem:$0x3FB3]  }
0x2f: {  	lr =	sadd.s32 s0, s3;
	s0 =	sld [smem:$0x3FAA]  }
0x30: {  	s3 =	sld [smem:$0x3FAD]  }
0x31: {  	[smem:$0x3FB6] =	sst s10  }
0x32: {  	s10 =	sld [smem:$0x3FB4];
	_ =	sdelay $0x3  }
0x33: {  	p0 =	seq.s32 s10, $0x1;
	s10 =	sld [smem:$0x3FB6];
	_ =	sdelay $0x3  }
0x34: {  	[smem:$0x3FB6] =	sst s10  }
0x35: {  	s10 =	sld [smem:$0x3FB5];
	_ =	sdelay $0x3  }
0x36: {  	p1 =	seq.s32 s10, $0x1;
	s10 =	sld [smem:$0x3FB6];
	_ =	sdelay $0x3  }
0x37: {  	[smem:$0x3FB6] =	sst s10  }
0x38: {  	s10 =	sld [smem:$0x3FB7]  }
0x39: {  	_ = 	snop;
	(pc) =	sbr.ind lr, $3  }
0x3a: {  	_ = 	snop  }
0x3b: {  	_ = 	snop  }
0x3c: {  	p2 =	seq.s32 s10, $0x1;
	s10 =	sld [smem:$0x3FB6]  }
0x3d: {  	_ =	shalt  }
0x3e: {  	_ =	shalt  }
0x3f: {  	_ =	shalt  }
0x40: {  	_ =	shalt  }
0x41: {  	_ =	shalt  }
0x42: {  	_ =	shalt  }
0x43: {  	_ =	shalt  }
0x44: {  	_ =	shalt  }
0x45: {  	_ =	shalt  }
0x46: {  	_ =	shalt  }
0x47: {  	_ =	shalt  }
0x48: {  	_ =	shalt  }
0x49: {  	_ =	shalt  }
0x4a: {  	_ =	shalt  }
0x4b: {  	_ =	shalt  }
0x4c: {  	_ =	shalt  }
0x4d: {  	_ =	shalt  }
0x4e: {  	_ =	shalt  }
0x4f: {  	_ =	shalt  }
0x50: {  	_ =	shalt  }
0x51: {  	_ =	shalt  }
0x52: {  	_ =	shalt  }
0x53: {  	_ =	shalt  }
0x54: {  	_ =	shalt  }
0x55: {  	_ =	shalt  }
0x56: {  	_ =	shalt  }
0x57: {  	_ =	shalt  }
0x58: {  	_ =	shalt  }
0x59: {  	_ =	shalt  }
0x5a: {  	_ =	shalt  }
0x5b: {  	_ =	shalt  }
0x5c: {  	_ =	shalt  }
0x5d: {  	_ =	shalt  }
0x5e: {  	_ =	shalt  }
0x5f: {  	_ =	shalt  }
0x60: {  	_ =	shalt  }
0x61: {  	_ =	shalt  }
0x62: {  	_ =	shalt  }
0x63: {  	_ =	shalt  }
0x64: {  	_ =	shalt  }
0x65: {  	_ =	shalt  }
0x66: {  	_ =	shalt  }
0x67: {  	_ =	shalt  }
0x68: {  	_ =	shalt  }
0x69: {  	_ =	shalt  }
0x6a: {  	_ =	shalt  }
0x6b: {  	_ =	shalt  }
0x6c: {  	_ =	shalt  }
0x6d: {  	_ =	shalt  }
0x6e: {  	_ =	shalt  }
0x6f: {  	_ =	shalt  }
0x70: {  	_ =	shalt  }
0x71: {  	_ =	shalt  }
0x72: {  	_ =	shalt  }
0x73: {  	_ =	shalt  }
0x74: {  	_ =	shalt  }
0x75: {  	_ =	shalt  }
0x76: {  	_ =	shalt  }
0x77: {  	_ =	shalt  }
0x78: {  	_ =	shalt  }
0x79: {  	_ =	shalt  }
0x7a: {  	_ =	shalt  }
0x7b: {  	_ =	shalt  }
0x7c: {  	_ =	shalt  }
0x7d: {  	_ =	shalt  }
0x7e: {  	_ =	shalt  }
0x7f: {  	_ =	shalt  }
0x80: {  	_ =	shalt  }
0x81: {  	_ =	shalt  }
0x82: {  	_ =	shalt  }
0x83: {  	_ =	shalt  }
0x84: {  	_ =	shalt  }
0x85: {  	_ =	shalt  }
0x86: {  	_ =	shalt  }
0x87: {  	_ =	shalt  }
.Lfunc_end0:
.L_simem_size_0:
called_computation.1_lowered:
.L_overlay_start_0:
0x88: {  	s2 =	sld [smem:$0x3FD9]  }
0x89: {  	s3 =	sld [smem:$0x3FFE];
	_ =	sdelay $0x1  }
0x8a: {  	s1 =	srdreg.scid  }
0x8b: {  	s0 =	sand.u32 $0x1, s1  }
0x8c: {  	s17 =	sshll.u32 s0, $0xA;
	s2 =	sadd.s32 s3, s2  }
0x8d: {  	s2 =	sadd.s32 s2, s17  }
0x8e: {  	[smem:$0x3FC2] =	sst s2  }
0x8f: {  	_ = 	snop  }
0x90: {  	s2 =	sld [smem:$0x3FD0];
	(tm) =	ssettm $0x1  }
0x91: {  	s18 =	sld [smem:$0x3FFB];
	_ =	sdelay $0x3  }
0x92: {  	_ =	strace s18  }
0x93: {  	s3 =	sld [smem:$0x3FFC];
	_ =	sdelay $0x3  }
0x94: {  	_ =	strace s3  }
0x95: {  	s3 =	sld [smem:$0x3FFD];
	_ =	sdelay $0x3  }
0x96: {  	_ =	strace s3  }
0x97: {  	_ =	strace $0x8FFFFFFF  }
0x98: {  	s19 =	sld [smem:$0x3FDB];
	_ =	sdelay $0x1  }
0x99: {  	s4 =	simm.s32 $_scs_section_size  }
0x9a: {  	s5 =	simm.s32 $_size__tile_overlayer_lowered;
	s6 =	simm.s32 $_tile_overlayer_lowered  }
0x9b: {  	s22 =	simm.s32 $0x1BFF;
	s21 =	sshll.u32 s6, $0x1;
	s3 =	sadd.s32 s4, s19  }
0x9c: {  	s7 =	simm.s32 $0x0;
	s20 =	sshll.u32 s5, $0x1;
	s5 =	sadd.s32 s21, s3  }
0x9d: {  	[timem:s7], [sflag:s22] =	dma.local [hbm:s5], s20  }
0x9e: {  	_ =	swait.ge [sflag:s22], s20  }
0x9f: {  	s4 =	ssub.s32 $0x0, s20;
	[sflag:s22] =	ssyncset.done $0x0  }
0xa0: {  	[sflag:s22] =	ssyncadd.s32 s4;
	_ =	sdelay $0x1  }
0xa1: {  	s23 =	simm.s32 $0x1B8B  }
0xa2: {  	_ =	swait.ge [sflag:s23], $0x1  }
0xa3: {  	[sflag:s23] =	ssyncset.done $0x0  }
0xa4: {  	s25 =	simm.s32 $0x1B8E;
	s24 =	sld [smem:$0x3FFE];
	[sflag:s23] =	ssyncadd.s32 $0xFFFFFFFF  }
0xa5: {  	s26 =	simm.s32 $execute0_lowered;
	[smem:$0x3FD2] =	sst s25  }
0xa6: {  	s5 =	sshll.u32 s26, $0x1;
	_ =	strace $0x80000049;
	[dreg:$0x1] =	wrdreg $0xFFFFFFFF  }
0xa7: {  	s28 =	simm.s32 $_size_execute0_lowered;
	s3 =	sadd.s32 s3, s5;
	[dreg:$0x0] =	wrdreg $0x0  }
0xa8: {  	s5 =	sshll.u32 s28, $0x1;
	[dreg:$0x2] =	wrdreg s3  }
0xa9: {  	[dreg:$0x3] =	wrdreg s5  }
0xaa: {  	[dreg:$0x4] =	wrdreg $0xC0  }
0xab: {  	_ =	task [dreg:s7], $0x5FFFF  }
0xac: {  	[dreg:$0x1] =	wrdreg $0xFFFFFFFF  }
0xad: {  	[dreg:$0x0] =	wrdreg $0x60  }
0xae: {  	[dreg:$0x2] =	wrdreg s2  }
0xaf: {  	[dreg:$0x3] =	wrdreg s24  }
0xb0: {  	[dreg:$0x4] =	wrdreg $0x90000  }
0xb1: {  	[dreg:$0x5] =	wrdreg $0x9  }
0xb2: {  	_ =	task.clear_ibuf [dreg:s7], $0x6FFFF;
	_ =	strace $0x90000049  }
0xb3: {  	s29 =	simm.s32 $0x9;
	_ =	strace $0x8000004B  }
0xb4: {  	_ =	swait.ge [sflag:s29], $0x1  }
0xb5: {  	[sflag:s29] =	ssyncadd.s32 $0xFFFFFFFF  }
0xb6: {  	_ =	strace $0x9000004B  }
0xb7: {  	_ =	sfence  }
0xb8: {  	s30 =	sld [smem:$0x0];
	_ =	sdelay $0x2  }
0xb9: {  	s31 =	sshll.u32 s1, $0xD;
	s1 =	sshrl.u32 s1, $0x2  }
0xba: {  	s3 =	sand.u32 $0x4000, s31;
	s1 =	sadd.s32 s1, s30  }
0xbb: {  	s0 =	sor.u32 s3, s0;
	s1 =	sshll.u32 s1, $0x11  }
0xbc: {  	s0 =	sor.u32 s1, s0  }
0xbd: {  	s0 =	sadd.s32 $0x8F2B, s0  }
0xbe: {  	[sflag:s0] =	ssyncadd.remote.s32 $0x1  }
0xbf: {  	_ =	sfence.sel $0xFFFF  }
0xc0: {  	[dreg:$0x0] =	wrdreg $0xFFFFFFFF;
	(pc) =	sbr.abs _section_cstart, $3  }
0xc1: {  	[dreg:$0x1] =	wrdreg $0xFFFFFFFF  }
0xc2: {  	_ =	task.clear_ibuf [dreg:s7], $0x2FFFF;
	_ =	strace $0x9FFFFFFF  }
0xc3: {  	(tm) =	ssettm $0x7FFFFFFF  }
tec
execute0_lowered:
.L_overlay_start_1:
0x0: {  	(tag) =	ssettag $0x1  }
0x1: {  	s1 =	rddreg [dreg:$0x0]  }
0x2: {  	s0 =	rddreg [dreg:$0x1]  }
0x3: {  	s2 =	rddreg [dreg:$0x2];
	s3 =	srdreg.scid;
	s4 =	simm.s32 $0x0  }
0x4: {  	s12 =	stileid.u32;
	s28 =	simm.s32 $0xC00;
	s30 =	simm.s32 $0x80  }
0x5: {  	s31 =	simm.s32 $0x1000;
	s29 =	simm.s32 $0xF80;
	s3 =	sand.u32 $0x1, s3  }
0x6: {  	[smem:$0x7FF] =	sst s4;
	s8 =	smul.u32 $0x14000, s12;
	s5 =	sadd.s32 $0xB800, s0  }
0x7: {  	s6 =	sadd.s32 $0x1800, s0;
	s9 =	sadd.s32 $0x15800, s0;
	s22 =	smul.u32 $0x50000, s12  }
0x8: {  	s25 =	sshll.u32 s12, $0x6;
	s7 =	smul.u32 $0x140000, s3;
	_ =	strace $0x8000004A  }
0x9: {  	[dreg:$0x4] =	wrdreg s9;
	s21 =	ssub.s32 $0x2, s3;
	s10 =	sshll.u32 s3, $0x4  }
0xa: {  	[dreg:$0x5] =	wrdreg s25;
	s3 =	smul.u32 $0x28000, s3;
	s23 =	sshrl.u32 s21, $0x1  }
0xb: {  	s24 =	sor.u32 s12, s10;
	s9 =	sshrl.u32 s22, $0x2;
	s10 =	sor.u32 $0x1C05, s25  }
0xc: {  	s12 =	smul.u32 $0x2800, s12;
	s7 =	sadd.s32 s8, s7;
	s9 =	sadd.s32 s9, s2  }
0xd: {  	s8 =	smul.u32 $0x2800, s24;
	[dreg:$0x6] =	wrdreg s10;
	s10 =	simm.s32 $0x4  }
0xe: {  	s7 =	sshrl.u32 s7, $0x3;
	s26 =	sadd.s32 $0x4000, s9;
	s11 =	sadd.s32 $0x8000, s9  }
0xf: {  	s13 =	sadd.s32 $0xC000, s9;
	s14 =	sadd.s32 $0x10000, s9;
	s3 =	sadd.s32 s12, s3  }
0x10: {  	s12 =	sshrl.u32 s9, $0x3;
	s9 =	simm.s32 $0x2;
	s0 =	sadd.s32 s7, s0  }
0x11: {  	s7 =	ssub.s32 s21, s23;
	s8 =	sshrl.u32 s8, $0x3;
	s19 =	sadd.s32 $0xC00, s3  }
0x12: {  	s22 =	sadd.s32 $0x800, s3;
	s23 =	sshrl.u32 s26, $0x3;
	s24 =	sshrl.u32 s11, $0x3  }
0x13: {  	s25 =	sshrl.u32 s13, $0x3;
	s26 =	sshrl.u32 s14, $0x3;
	[dreg:$0xe] =	wrdreg s12  }
0x14: {  	s3 =	simm.s32 $0x3;
	s14 =	simm.s32 $0x600;
	[dreg:$0xd] =	wrdreg s22  }
0x15: {  	s11 =	simm.s32 $0x0;
	s15 =	sadd.s32 s5, s8;
	[dreg:$0xf] =	wrdreg s23  }
0x16: {  	s17 =	sadd.s32 s6, s8;
	s8 =	sor.u32 $0x80, s8;
	[dreg:$0x10] =	wrdreg s24  }
0x17: {  	s0 =	sadd.s32 $0x16000, s0;
	s20 =	smax.u32 s7, $0x1;
	[dreg:$0x11] =	wrdreg s25  }
0x18: {  	s21 =	sshrl.u32 s19, $0x3;
	[dreg:$0x12] =	wrdreg s26;
	s24 =	simm.s32 $0x6  }
0x19: {  	s26 =	simm.s32 $0x400;
	s7 =	simm.s32 $0x1;
	[dreg:$0x7] =	wrdreg s15  }
0x1a: {  	s22 =	simm.s32 $0xE80;
	s23 =	simm.s32 $0x780;
	[dreg:$0x8] =	wrdreg s17  }
.Ltmp0:
0x1b: {  	s19 =	simm.s32 $0xF00;
	[dreg:$0xb] =	wrdreg s0;
	(pc) =	sbr.rel .LBB2_1-.Ltmp0, $4  }
0x1c: {  	s18 =	sadd.s32 s5, s8;
	s8 =	sadd.s32 s6, s8;
	[dreg:$0xc] =	wrdreg s20  }
0x1d: {  	s16 =	sadd.s32 s21, s6;
	s17 =	sadd.s32 s21, s5;
	s0 =	simm.s32 $0x5000  }
0x1e: {  	s15 =	simm.s32 $0xD80;
	s20 =	simm.s32 $0x680;
	[dreg:$0x9] =	wrdreg s18  }
0x1f: {  	s21 =	simm.s32 $0x700;
	[dreg:$0xa] =	wrdreg s8;
	s18 =	simm.s32 $0xE00  }
.LBB2_4:
0x20: {  	_ =	swait.ge [sflag:s10], $0x4000  }
0x21: {  	[sflag:s10] =	ssyncset.done $0x0  }
0x22: {  	[sflag:s10] =	ssyncadd.s32 $0xFFFFC000  }
0x23: {  	[spmem:s2] =	stream.indirect.scatter.add.f32 [tilespmem:s0], [sflag:$0x6], $0x80, s29, s30, $0xb8;
	[tilespmem:$0x1D000] =	vst v63  }
0x24: {  	_ =	swait.ge [sflag:s24], $0x4000  }
0x25: {  	[sflag:s24] =	ssyncset.done $0x0  }
0x26: {  	[sflag:s24] =	ssyncadd.s32 $0xFFFFC000  }
0x27: {  	[bflag:$0x0] =	sbarrier.arrive $0xFFFF  }
0x28: {  	s8 =	rddreg [dreg:$0x5]  }
0x29: {  	s11 =	rddreg [dreg:$0xb]  }
0x2a: {  	s12 =	rddreg [dreg:$0xe];
	s8 =	sor.u32 $0x1C06, s8  }
0x2b: {  	[hbm:s11], [sflag:s8] =	dma.local [spmem:s12], $0x2800  }
0x2c: {  	_ =	swait.ge [sflag:s24], $0x2800  }
0x2d: {  	s13 =	rddreg [dreg:$0x13]  }
0x2e: {  	s25 =	rddreg [dreg:$0xc];
	s11 =	sadd.s32 $0x1, s13  }
0x2f: {  	p0 =	sne.s32 s11, s25  }
.Ltmp1:
0x30: {  	_ = 	snop;
	(pc) =	sbr.rel @!p0 .LBB2_5-.Ltmp1, $3  }
0x31: {  	_ =	sdelay $0x1  }
0x32: {  	[sflag:s24] =	ssyncset.done $0x0  }
0x33: {  	[sflag:s24] =	ssyncadd.s32 $0xFFFFD800  }
.LBB2_1:
0x34: {  	[dreg:$0x13] =	wrdreg s11  }
0x35: {  	s8 =	rddreg [dreg:$0x4]  }
0x36: {  	s25 =	rddreg [dreg:$0x6]  }
0x37: {  	[spmem:s12], [sflag:s25] =	dma.local [hbm:s8], $0x800  }
0x38: {  	s12 =	rddreg [dreg:$0xf]  }
0x39: {  	[spmem:s12], [sflag:s25] =	dma.local [hbm:s8], $0x800  }
0x3a: {  	s12 =	rddreg [dreg:$0x10]  }
0x3b: {  	[spmem:s12], [sflag:s25] =	dma.local [hbm:s8], $0x800  }
0x3c: {  	s12 =	rddreg [dreg:$0x11]  }
0x3d: {  	[spmem:s12], [sflag:s25] =	dma.local [hbm:s8], $0x800  }
0x3e: {  	s12 =	rddreg [dreg:$0x12]  }
0x3f: {  	[spmem:s12], [sflag:s25] =	dma.local [hbm:s8], $0x800  }
0x40: {  	s8 =	rddreg [dreg:$0x7]  }
0x41: {  	[tilespmem:s4], [sflag:$0x6] =	stream.linear.gather [hbm4b:s8+s4], $0x400, $0x38;
	[tilespmem:$0x1D000] =	vst v63  }
0x42: {  	_ =	swait.ge [sflag:s24], $0x400  }
0x43: {  	[sflag:s24] =	ssyncset.done $0x0  }
0x44: {  	s25 =	simm.s32 $0x800;
	s13 =	rddreg [dreg:$0x8];
	[sflag:s24] =	ssyncadd.s32 $0xFFFFFC00  }
0x45: {  	[tilespmem:s25], [sflag:$0x6] =	stream.linear.gather [hbm4b:s13+s4], $0x400, $0x38;
	[tilespmem:$0x1D000] =	vst v63  }
0x46: {  	_ =	swait.ge [sflag:s24], $0x400  }
0x47: {  	[sflag:s24] =	ssyncset.done $0x0  }
0x48: {  	s12 =	rddreg [dreg:$0x9];
	[sflag:s24] =	ssyncadd.s32 $0xFFFFFC00  }
0x49: {  	[tilespmem:s26], [sflag:$0x1] =	stream.linear.gather [hbm4b:s12+s4], $0x400, $0x38;
	[tilespmem:$0x1D000] =	vst v63  }
0x4a: {  	s25 =	simm.s32 $0x5;
	s13 =	rddreg [dreg:$0xa]  }
0x4b: {  	[tilespmem:s28], [sflag:$0x2] =	stream.linear.gather [hbm4b:s13+s4], $0x400, $0x38;
	[tilespmem:$0x1D000] =	vst v63  }
0x4c: {  	_ =	swait.ge [sflag:s25], $0x800  }
0x4d: {  	[sflag:s25] =	ssyncset.done $0x0  }
0x4e: {  	[sflag:s25] =	ssyncadd.s32 $0xFFFFF800  }
0x4f: {  	_ =	swait.ge [sflag:s25], $0x800  }
0x50: {  	[sflag:s25] =	ssyncset.done $0x0  }
0x51: {  	[sflag:s25] =	ssyncadd.s32 $0xFFFFF800  }
0x52: {  	_ =	swait.ge [sflag:s25], $0x800  }
0x53: {  	[sflag:s25] =	ssyncset.done $0x0  }
0x54: {  	[sflag:s25] =	ssyncadd.s32 $0xFFFFF800  }
0x55: {  	_ =	swait.ge [sflag:s25], $0x800  }
0x56: {  	[sflag:s25] =	ssyncset.done $0x0  }
0x57: {  	[sflag:s25] =	ssyncadd.s32 $0xFFFFF800  }
0x58: {  	_ =	swait.ge [sflag:s25], $0x800  }
0x59: {  	[sflag:s25] =	ssyncset.done $0x0  }
0x5a: {  	[sflag:s25] =	ssyncadd.s32 $0xFFFFF800  }
0x5b: {  	[bflag:$0x0] =	sbarrier.arrive $0xFFFF  }
0x5c: {  	[tilespmem:s31], [sflag:$0x3] =	stream.indirect.gather [hbm4b:s1+s30], $0x80, s4, s30, $0xb8;
	[tilespmem:$0x1D000] =	vst v63  }
0x5d: {  	s25 =	simm.s32 $0x0;
	s8 =	rddreg [dreg:$0xd]  }
0x5e: {  	[tilespmem:s0], [sflag:$0x4] =	stream.indirect.gather [hbm4b:s1+s30], $0x80, s30, s30, $0xb8;
	[tilespmem:$0x1D000] =	vst v63  }
.LBB2_2:
0x5f: {  	_ =	swait.ge [sflag:s3], $0x4000  }
0x60: {  	[sflag:s3] =	ssyncset.done $0x0  }
0x61: {  	s11 =	simm.s32 $0x800;
	[sflag:s3] =	ssyncadd.s32 $0xFFFFC000  }
0x62: {  	[spmem:s2] =	stream.indirect.scatter.add.f32 [tilespmem:s31], [sflag:$0x6], $0x80, s11, s30, $0xb8;
	[tilespmem:$0x1D000] =	vst v63  }
0x63: {  	_ =	swait.ge [sflag:s24], $0x4000  }
0x64: {  	[sflag:s24] =	ssyncset.done $0x0  }
0x65: {  	s12 =	simm.s32 $0x100;
	[sflag:s24] =	ssyncadd.s32 $0xFFFFC000  }
0x66: {  	[tilespmem:s31], [sflag:$0x3] =	stream.indirect.gather [hbm4b:s1+s30], $0x80, s12, s30, $0xb8;
	[tilespmem:$0x1D000] =	vst v63  }
0x67: {  	_ =	swait.ge [sflag:s10], $0x4000  }
0x68: {  	[sflag:s10] =	ssyncset.done $0x0  }
0x69: {  	s13 =	simm.s32 $0x880;
	[sflag:s10] =	ssyncadd.s32 $0xFFFFC000  }
0x6a: {  	[spmem:s2] =	stream.indirect.scatter.add.f32 [tilespmem:s0], [sflag:$0x6], $0x80, s13, s30, $0xb8;
	[tilespmem:$0x1D000] =	vst v63  }
0x6b: {  	_ =	swait.ge [sflag:s24], $0x4000  }
0x6c: {  	[sflag:s24] =	ssyncset.done $0x0  }
0x6d: {  	s12 =	simm.s32 $0x180;
	[sflag:s24] =	ssyncadd.s32 $0xFFFFC000  }
0x6e: {  	[tilespmem:s0], [sflag:$0x4] =	stream.indirect.gather [hbm4b:s1+s30], $0x80, s12, s30, $0xb8;
	[tilespmem:$0x1D000] =	vst v63  }
0x6f: {  	_ =	swait.ge [sflag:s3], $0x4000  }
0x70: {  	[sflag:s3] =	ssyncset.done $0x0  }
0x71: {  	s13 =	simm.s32 $0x900;
	[sflag:s3] =	ssyncadd.s32 $0xFFFFC000  }
0x72: {  	[spmem:s2] =	stream.indirect.scatter.add.f32 [tilespmem:s31], [sflag:$0x6], $0x80, s13, s30, $0xb8;
	[tilespmem:$0x1D000] =	vst v63  }
0x73: {  	_ =	swait.ge [sflag:s24], $0x4000  }
0x74: {  	[sflag:s24] =	ssyncset.done $0x0  }
0x75: {  	s12 =	simm.s32 $0x200;
	[sflag:s24] =	ssyncadd.s32 $0xFFFFC000  }
0x76: {  	[tilespmem:s31], [sflag:$0x3] =	stream.indirect.gather [hbm4b:s1+s30], $0x80, s12, s30, $0xb8;
	[tilespmem:$0x1D000] =	vst v63  }
0x77: {  	_ =	swait.ge [sflag:s10], $0x4000  }
0x78: {  	[sflag:s10] =	ssyncset.done $0x0  }
0x79: {  	s13 =	simm.s32 $0x980;
	[sflag:s10] =	ssyncadd.s32 $0xFFFFC000  }
0x7a: {  	[spmem:s2] =	stream.indirect.scatter.add.f32 [tilespmem:s0], [sflag:$0x6], $0x80, s13, s30, $0xb8;
	[tilespmem:$0x1D000] =	vst v63  }
0x7b: {  	_ =	swait.ge [sflag:s24], $0x4000  }
0x7c: {  	[sflag:s24] =	ssyncset.done $0x0  }
0x7d: {  	s12 =	simm.s32 $0x280;
	[sflag:s24] =	ssyncadd.s32 $0xFFFFC000  }
0x7e: {  	[tilespmem:s0], [sflag:$0x4] =	stream.indirect.gather [hbm4b:s1+s30], $0x80, s12, s30, $0xb8;
	[tilespmem:$0x1D000] =	vst v63  }
0x7f: {  	_ =	swait.ge [sflag:s3], $0x4000  }
0x80: {  	[sflag:s3] =	ssyncset.done $0x0  }
0x81: {  	s13 =	simm.s32 $0xA00;
	[sflag:s3] =	ssyncadd.s32 $0xFFFFC000  }
0x82: {  	[spmem:s2] =	stream.indirect.scatter.add.f32 [tilespmem:s31], [sflag:$0x6], $0x80, s13, s30, $0xb8;
	[tilespmem:$0x1D000] =	vst v63  }
0x83: {  	_ =	swait.ge [sflag:s24], $0x4000  }
0x84: {  	[sflag:s24] =	ssyncset.done $0x0  }
0x85: {  	s12 =	simm.s32 $0x300;
	[sflag:s24] =	ssyncadd.s32 $0xFFFFC000  }
0x86: {  	[tilespmem:s31], [sflag:$0x3] =	stream.indirect.gather [hbm4b:s1+s30], $0x80, s12, s30, $0xb8;
	[tilespmem:$0x1D000] =	vst v63  }
0x87: {  	_ =	swait.ge [sflag:s10], $0x4000  }
0x88: {  	[sflag:s10] =	ssyncset.done $0x0  }
0x89: {  	s13 =	simm.s32 $0xA80;
	[sflag:s10] =	ssyncadd.s32 $0xFFFFC000  }
0x8a: {  	[spmem:s2] =	stream.indirect.scatter.add.f32 [tilespmem:s0], [sflag:$0x6], $0x80, s13, s30, $0xb8;
	[tilespmem:$0x1D000] =	vst v63  }
0x8b: {  	_ =	swait.ge [sflag:s24], $0x4000  }
0x8c: {  	[sflag:s24] =	ssyncset.done $0x0  }
0x8d: {  	s12 =	simm.s32 $0x380;
	[sflag:s24] =	ssyncadd.s32 $0xFFFFC000  }
0x8e: {  	[tilespmem:s0], [sflag:$0x4] =	stream.indirect.gather [hbm4b:s1+s30], $0x80, s12, s30, $0xb8;
	[tilespmem:$0x1D000] =	vst v63  }
0x8f: {  	_ =	swait.ge [sflag:s3], $0x4000  }
0x90: {  	[sflag:s3] =	ssyncset.done $0x0  }
0x91: {  	s13 =	simm.s32 $0xB00;
	[sflag:s3] =	ssyncadd.s32 $0xFFFFC000  }
0x92: {  	[spmem:s2] =	stream.indirect.scatter.add.f32 [tilespmem:s31], [sflag:$0x6], $0x80, s13, s30, $0xb8;
	[tilespmem:$0x1D000] =	vst v63  }
0x93: {  	_ =	swait.ge [sflag:s24], $0x4000  }
0x94: {  	[sflag:s24] =	ssyncset.done $0x0  }
0x95: {  	[sflag:s24] =	ssyncadd.s32 $0xFFFFC000  }
0x96: {  	_ =	swait.ge [sflag:s7], $0x400  }
0x97: {  	[sflag:s7] =	ssyncset.done $0x0  }
0x98: {  	[sflag:s7] =	ssyncadd.s32 $0xFFFFFC00  }
0x99: {  	_ =	swait.ge [sflag:s9], $0x400  }
0x9a: {  	[sflag:s9] =	ssyncset.done $0x0  }
0x9b: {  	[sflag:s9] =	ssyncadd.s32 $0xFFFFFC00  }
0x9c: {  	[tilespmem:s31], [sflag:$0x3] =	stream.indirect.gather [hbm4b:s1+s30], $0x80, s26, s30, $0xb8;
	[tilespmem:$0x1D000] =	vst v63  }
0x9d: {  	_ =	swait.ge [sflag:s10], $0x4000  }
0x9e: {  	[sflag:s10] =	ssyncset.done $0x0  }
0x9f: {  	s12 =	simm.s32 $0xB80;
	[sflag:s10] =	ssyncadd.s32 $0xFFFFC000  }
0xa0: {  	[spmem:s2] =	stream.indirect.scatter.add.f32 [tilespmem:s0], [sflag:$0x6], $0x80, s12, s30, $0xb8;
	[tilespmem:$0x1D000] =	vst v63  }
0xa1: {  	_ =	swait.ge [sflag:s24], $0x4000  }
0xa2: {  	p0 =	seq.s32 s25, $0x400;
	[sflag:s24] =	ssyncset.done $0x0  }
0xa3: {  	s11 =	sshrl.u32 @!p0 s8, $0x3;
	s13 =	simm.s32 $0x480;
	[sflag:s24] =	ssyncadd.s32 $0xFFFFC000  }
0xa4: {  	[tilespmem:s0], [sflag:$0x4] =	stream.indirect.gather [hbm4b:s1+s30], $0x80, s13, s30, $0xb8;
	[tilespmem:$0x1D000] =	vst v63  }
0xa5: {  	s12 =	sadd.s32 @!p0 s5, s11;
	s13 =	simm.s32 @!p0 $0x0  }
0xa6: {  	[tilespmem:s13], [sflag:$0x1] =	stream.linear.gather @!p0 [hbm4b:s12+s13], $0x400, $0x38;
	[tilespmem:$0x1D000] =	vst v63  }
0xa7: {  	s11 =	sadd.s32 @!p0 s6, s11;
	s12 =	simm.s32 @!p0 $0x800  }
0xa8: {  	[tilespmem:s12], [sflag:$0x2] =	stream.linear.gather @!p0 [hbm4b:s11+s13], $0x400, $0x38;
	[tilespmem:$0x1D000] =	vst v63  }
0xa9: {  	_ =	swait.ge [sflag:s3], $0x4000  }
0xaa: {  	[sflag:s3] =	ssyncset.done $0x0  }
0xab: {  	[sflag:s3] =	ssyncadd.s32 $0xFFFFC000  }
0xac: {  	[spmem:s2] =	stream.indirect.scatter.add.f32 [tilespmem:s31], [sflag:$0x6], $0x80, s28, s30, $0xb8;
	[tilespmem:$0x1D000] =	vst v63  }
0xad: {  	_ =	swait.ge [sflag:s24], $0x4000  }
0xae: {  	[sflag:s24] =	ssyncset.done $0x0  }
0xaf: {  	s12 =	simm.s32 $0x500;
	[sflag:s24] =	ssyncadd.s32 $0xFFFFC000  }
0xb0: {  	[tilespmem:s31], [sflag:$0x3] =	stream.indirect.gather [hbm4b:s1+s30], $0x80, s12, s30, $0xb8;
	[tilespmem:$0x1D000] =	vst v63  }
0xb1: {  	_ =	swait.ge [sflag:s10], $0x4000  }
0xb2: {  	[sflag:s10] =	ssyncset.done $0x0  }
0xb3: {  	s13 =	simm.s32 $0xC80;
	[sflag:s10] =	ssyncadd.s32 $0xFFFFC000  }
0xb4: {  	[spmem:s2] =	stream.indirect.scatter.add.f32 [tilespmem:s0], [sflag:$0x6], $0x80, s13, s30, $0xb8;
	[tilespmem:$0x1D000] =	vst v63  }
0xb5: {  	_ =	swait.ge [sflag:s24], $0x4000  }
0xb6: {  	[sflag:s24] =	ssyncset.done $0x0  }
0xb7: {  	s12 =	simm.s32 $0x580;
	[sflag:s24] =	ssyncadd.s32 $0xFFFFC000  }
0xb8: {  	[tilespmem:s0], [sflag:$0x4] =	stream.indirect.gather [hbm4b:s1+s30], $0x80, s12, s30, $0xb8;
	[tilespmem:$0x1D000] =	vst v63  }
0xb9: {  	_ =	swait.ge [sflag:s3], $0x4000  }
0xba: {  	[sflag:s3] =	ssyncset.done $0x0  }
0xbb: {  	s13 =	simm.s32 $0xD00;
	[sflag:s3] =	ssyncadd.s32 $0xFFFFC000  }
0xbc: {  	[spmem:s2] =	stream.indirect.scatter.add.f32 [tilespmem:s31], [sflag:$0x6], $0x80, s13, s30, $0xb8;
	[tilespmem:$0x1D000] =	vst v63  }
0xbd: {  	_ =	swait.ge [sflag:s24], $0x4000  }
0xbe: {  	[sflag:s24] =	ssyncset.done $0x0  }
0xbf: {  	[sflag:s24] =	ssyncadd.s32 $0xFFFFC000  }
0xc0: {  	[tilespmem:s31], [sflag:$0x3] =	stream.indirect.gather [hbm4b:s1+s30], $0x80, s14, s30, $0xb8;
	[tilespmem:$0x1D000] =	vst v63  }
0xc1: {  	_ =	swait.ge [sflag:s10], $0x4000  }
0xc2: {  	[sflag:s10] =	ssyncset.done $0x0  }
0xc3: {  	[sflag:s10] =	ssyncadd.s32 $0xFFFFC000  }
0xc4: {  	[spmem:s2] =	stream.indirect.scatter.add.f32 [tilespmem:s0], [sflag:$0x6], $0x80, s15, s30, $0xb8;
	[tilespmem:$0x1D000] =	vst v63  }
0xc5: {  	_ =	swait.ge [sflag:s24], $0x4000  }
0xc6: {  	[sflag:s24] =	ssyncset.done $0x0  }
0xc7: {  	[sflag:s24] =	ssyncadd.s32 $0xFFFFC000  }
0xc8: {  	[tilespmem:s0], [sflag:$0x4] =	stream.indirect.gather [hbm4b:s1+s30], $0x80, s20, s30, $0xb8;
	[tilespmem:$0x1D000] =	vst v63  }
0xc9: {  	_ =	swait.ge [sflag:s3], $0x4000  }
0xca: {  	[sflag:s3] =	ssyncset.done $0x0  }
0xcb: {  	[sflag:s3] =	ssyncadd.s32 $0xFFFFC000  }
0xcc: {  	[spmem:s2] =	stream.indirect.scatter.add.f32 [tilespmem:s31], [sflag:$0x6], $0x80, s18, s30, $0xb8;
	[tilespmem:$0x1D000] =	vst v63  }
0xcd: {  	_ =	swait.ge [sflag:s24], $0x4000  }
0xce: {  	[sflag:s24] =	ssyncset.done $0x0  }
0xcf: {  	[sflag:s24] =	ssyncadd.s32 $0xFFFFC000  }
0xd0: {  	[tilespmem:s31], [sflag:$0x3] =	stream.indirect.gather [hbm4b:s1+s30], $0x80, s21, s30, $0xb8;
	[tilespmem:$0x1D000] =	vst v63  }
0xd1: {  	_ =	swait.ge [sflag:s10], $0x4000  }
0xd2: {  	[sflag:s10] =	ssyncset.done $0x0  }
0xd3: {  	[sflag:s10] =	ssyncadd.s32 $0xFFFFC000  }
0xd4: {  	[spmem:s2] =	stream.indirect.scatter.add.f32 [tilespmem:s0], [sflag:$0x6], $0x80, s22, s30, $0xb8;
	[tilespmem:$0x1D000] =	vst v63  }
0xd5: {  	_ =	swait.ge [sflag:s24], $0x4000  }
0xd6: {  	[sflag:s24] =	ssyncset.done $0x0  }
0xd7: {  	[sflag:s24] =	ssyncadd.s32 $0xFFFFC000  }
0xd8: {  	[tilespmem:s0], [sflag:$0x4] =	stream.indirect.gather [hbm4b:s1+s30], $0x80, s23, s30, $0xb8;
	[tilespmem:$0x1D000] =	vst v63  }
0xd9: {  	_ =	swait.ge [sflag:s3], $0x4000  }
0xda: {  	[sflag:s3] =	ssyncset.done $0x0  }
.Ltmp2:
0xdb: {  	[sflag:s3] =	ssyncadd.s32 $0xFFFFC000;
	(pc) =	sbr.rel @p0 .LBB2_4-.Ltmp2, $4  }
0xdc: {  	[spmem:s2] =	stream.indirect.scatter.add.f32 [tilespmem:s31], [sflag:$0x6], $0x80, s19, s30, $0xb8;
	[tilespmem:$0x1D000] =	vst v63  }
0xdd: {  	_ =	swait.ge [sflag:s24], $0x4000  }
0xde: {  	[sflag:s24] =	ssyncset.done $0x0  }
0xdf: {  	[sflag:s24] =	ssyncadd.s32 $0xFFFFC000  }
0xe0: {  	_ =	swait.ge [sflag:s7], $0x400  }
0xe1: {  	[sflag:s7] =	ssyncset.done $0x0  }
0xe2: {  	[sflag:s7] =	ssyncadd.s32 $0xFFFFFC00  }
0xe3: {  	_ =	swait.ge [sflag:s9], $0x400  }
0xe4: {  	[sflag:s9] =	ssyncset.done $0x0  }
0xe5: {  	[sflag:s9] =	ssyncadd.s32 $0xFFFFFC00  }
0xe6: {  	[tilespmem:s31], [sflag:$0x3] =	stream.indirect.gather [hbm4b:s1+s30], $0x80, s4, s30, $0xb8;
	[tilespmem:$0x1D000] =	vst v63  }
0xe7: {  	_ =	swait.ge [sflag:s10], $0x4000  }
0xe8: {  	[sflag:s10] =	ssyncset.done $0x0  }
0xe9: {  	[sflag:s10] =	ssyncadd.s32 $0xFFFFC000  }
0xea: {  	[spmem:s2] =	stream.indirect.scatter.add.f32 [tilespmem:s0], [sflag:$0x6], $0x80, s29, s30, $0xb8;
	[tilespmem:$0x1D000] =	vst v63  }
0xeb: {  	_ =	swait.ge [sflag:s24], $0x4000  }
0xec: {  	[sflag:s24] =	ssyncset.done $0x0  }
0xed: {  	[sflag:s24] =	ssyncadd.s32 $0xFFFFC000  }
0xee: {  	[tilespmem:s0], [sflag:$0x4] =	stream.indirect.gather [hbm4b:s1+s30], $0x80, s30, s30, $0xb8;
	[tilespmem:$0x1D000] =	vst v63  }
.Ltmp3:
0xef: {  	_ = 	snop;
	(pc) =	sbr.rel .LBB2_2-.Ltmp3, $4  }
0xf0: {  	s11 =	sadd.s32 s25, s17  }
0xf1: {  	[tilespmem:s26], [sflag:$0x1] =	stream.linear.gather [hbm4b:s11+s4], $0x400, $0x38;
	[tilespmem:$0x1D000] =	vst v63  }
0xf2: {  	s13 =	sadd.s32 s25, s16;
	s25 =	sadd.s32 $0x100, s25;
	s8 =	sadd.s32 $0x800, s8  }
0xf3: {  	[tilespmem:s28], [sflag:$0x2] =	stream.linear.gather [hbm4b:s13+s4], $0x400, $0x38;
	[tilespmem:$0x1D000] =	vst v63  }
.LBB2_5:
0xf4: {  	_ =	sfence.sel $0x180000  }
0xf5: {  	[bflag:$0x0] =	sbarrier.arrive $0xFFFF  }
0xf6: {  	_ =	strace $0x9000004A  }
0xf7: {  	s0 =	stileid.u32;
	[bflag:$0x2] =	sbarrier.arrive $0xFFFF  }
0xf8: {  	p0 =	sne.s32 s0, $0x0;
	s0 =	rddreg [dreg:$0x3]  }
0xf9: {  	s0 =	sadd.s32 @!p0 $0x100000, s0  }
0xfa: {  	[sflag:s0] =	ssyncadd.tile.s32 @!p0 $0x1;
	_ =	shalt  }
.Lfunc_end2:
_tile_overlayer_lowered:
.L_overlay_start_2:
0xfb: {  	(tag) =	ssettag $0x2  }
0xfc: {  	s0 =	rddreg [dreg:$0x0];
	s2 =	stileid.u32  }
0xfd: {  	s1 =	rddreg [dreg:$0x1];
	p0 =	sne.s32 s2, $0x0  }
0xfe: {  	s3 =	rddreg [dreg:$0x2];
	[bflag:$0x3] =	sbarrier.arrive $0xFFFF;
	s2 =	simm.s32 @!p0 $0x1C06  }
0xff: {  	[timem:s3], [sflag:s2] =	dma.local @!p0 [hbm:s0], s1  }
0x100: {  	s0 =	simm.s32 @!p0 $0x6  }
0x101: {  	_ =	swait.ge @!p0 [sflag:s0], s1  }
0x102: {  	s1 =	ssub.s32 @!p0 $0x0, s1;
	[sflag:s0] =	ssyncset.done @!p0 $0x0  }
0x103: {  	[sflag:s0] =	ssyncadd.s32 @!p0 s1  }
0x104: {  	[bflag:$0x3] =	sbarrier.arrive $0xFFFF  }
0x105: {  	_ =	shalt  }

// kernel: kernel.14.cloned.1.call-start
scs
__scs_entry_jumppad:
0x0: {  	(pc) =	sbr.rel $0x88, $3  }
0x1: {  	(tag) =	ssettag $0x0;
	lr =	simm.s32 $0x1  }
0x2: {  	[smem:$0x3F9B] =	sst lr;
	_ =	strace $0xD0000000  }
0x3: {  	_ = 	snop  }
0x4: {  	_ = 	snop  }
0x5: {  	_ = 	snop  }
0x6: {  	_ = 	snop  }
0x7: {  	_ = 	snop  }
__scs_overlays_trampoline_lowered:
0x8: {  	[smem:$0x3FAA] =	sst s0  }
0x9: {  	[smem:$0x3FAB] =	sst s1  }
0xa: {  	[smem:$0x3FAC] =	sst s2  }
0xb: {  	[smem:$0x3FAD] =	sst s3  }
0xc: {  	[smem:$0x3FAE] =	sst s4  }
0xd: {  	[smem:$0x3FAF] =	sst s5  }
0xe: {  	[smem:$0x3FB0] =	sst s6  }
0xf: {  	[smem:$0x3FB1] =	sst s7  }
0x10: {  	[smem:$0x3FB2] =	sst s8  }
0x11: {  	[smem:$0x3FB3] =	sst s9;
	s0 =	simm.s32 @!p0 $0x0  }
0x12: {  	s1 =	sld [smem:$0x3F99];
	s0 =	simm.s32 @p0 $0x1  }
0x13: {  	[smem:$0x3FB4] =	sst s0;
	s0 =	simm.s32 @!p1 $0x0  }
0x14: {  	s2 =	sld [smem:$0x3F98];
	s0 =	simm.s32 @p1 $0x1  }
0x15: {  	[smem:$0x3FB5] =	sst s0;
	s0 =	simm.s32 @!p2 $0x0  }
0x16: {  	s3 =	sld [smem:$0x3FDB];
	s0 =	simm.s32 @p2 $0x1  }
0x17: {  	s4 =	simm.s32 $0x1BF5;
	[smem:$0x3FB7] =	sst s0  }
0x18: {  	s0 =	sld [smem:$0x3F9A];
	_ =	swait.ge [sflag:s4], $0x0  }
0x19: {  	s7 =	sld [smem:$0x3F9B]  }
0x1a: {  	s8 =	sadd.s32 $0xFFFFE003, lr  }
0x1b: {  	s9 =	sadd.s32 $0xFFFFFEF7, lr;
	s5 =	simm.s32 $0xFFFFFFFF;
	p2 =	slt.u32 s8, $0xFFFFF086  }
0x1c: {  	p1 =	slt.u32 s9, $0xF7A;
	s5 =	simm.s32 @!p2 $0x0  }
0x1d: {  	s5 =	simm.s32 @p1 $0x1;
	p0 =	seq.s32 s7, s2  }
0x1e: {  	s7 =	smul.u32 @!p0 $0xF7A, s2;
	p2 =	seq.s32 @!p0 s5, $0x0  }
0x1f: {  	s9 =	smul.u32 $0xF7A, s1;
	s8 =	simm.s32 @!p0 $0x1BF5;
	p2 =	por !p2, p0  }
0x20: {  	[sflag:s8] =	ssyncset.s32 @!p0 $0xFFFFF086;
	s6 =	sadd.s32 @!p0 s3, s7;
	s7 =	simm.s32 @!p0 $0x108  }
0x21: {  	s3 =	sadd.s32 s3, s9;
	s6 =	sadd.s32 @!p0 $0x88, s6;
	s7 =	simm.s32 @p2 $0x1082  }
0x22: {  	[simem:s7], [sflag:s8] =	dma.local @!p0 [hbm:s6], $0xF7A  }
0x23: {  	s9 =	sor.u32 $0xD0000000, s2;
	s6 =	simm.s32 $0x108;
	_ =	swait.ge @!p0 [sflag:s8], $0x0  }
0x24: {  	s3 =	sadd.s32 $0x88, s3;
	s6 =	simm.s32 @!p1 $0x1082;
	[sflag:s4] =	ssyncset.s32 $0xFFFFF086  }
0x25: {  	[simem:s6], [sflag:s4] =	dma.local [hbm:s3], $0xF7A  }
0x26: {  	[smem:$0x3F9B] =	sst s1;
	(tag) =	ssettag s2;
	_ =	strace s9  }
0x27: {  	s1 =	sld [smem:$0x3FAB]  }
0x28: {  	s2 =	sld [smem:$0x3FAC]  }
0x29: {  	s4 =	sld [smem:$0x3FAE]  }
0x2a: {  	p0 =	seq.s32 s5, $0x0;
	s5 =	sld [smem:$0x3FAF]  }
0x2b: {  	s6 =	sld [smem:$0x3FB0]  }
0x2c: {  	s7 =	sld [smem:$0x3FB1]  }
0x2d: {  	s3 =	simm.s32 $0x108;
	s8 =	sld [smem:$0x3FB2]  }
0x2e: {  	s3 =	simm.s32 @!p0 $0x1082;
	s9 =	sld [smem:$0x3FB3]  }
0x2f: {  	lr =	sadd.s32 s0, s3;
	s0 =	sld [smem:$0x3FAA]  }
0x30: {  	s3 =	sld [smem:$0x3FAD]  }
0x31: {  	[smem:$0x3FB6] =	sst s10  }
0x32: {  	s10 =	sld [smem:$0x3FB4];
	_ =	sdelay $0x3  }
0x33: {  	p0 =	seq.s32 s10, $0x1;
	s10 =	sld [smem:$0x3FB6];
	_ =	sdelay $0x3  }
0x34: {  	[smem:$0x3FB6] =	sst s10  }
0x35: {  	s10 =	sld [smem:$0x3FB5];
	_ =	sdelay $0x3  }
0x36: {  	p1 =	seq.s32 s10, $0x1;
	s10 =	sld [smem:$0x3FB6];
	_ =	sdelay $0x3  }
0x37: {  	[smem:$0x3FB6] =	sst s10  }
0x38: {  	s10 =	sld [smem:$0x3FB7]  }
0x39: {  	_ = 	snop;
	(pc) =	sbr.ind lr, $3  }
0x3a: {  	_ = 	snop  }
0x3b: {  	_ = 	snop  }
0x3c: {  	p2 =	seq.s32 s10, $0x1;
	s10 =	sld [smem:$0x3FB6]  }
0x3d: {  	_ =	shalt  }
0x3e: {  	_ =	shalt  }
0x3f: {  	_ =	shalt  }
0x40: {  	_ =	shalt  }
0x41: {  	_ =	shalt  }
0x42: {  	_ =	shalt  }
0x43: {  	_ =	shalt  }
0x44: {  	_ =	shalt  }
0x45: {  	_ =	shalt  }
0x46: {  	_ =	shalt  }
0x47: {  	_ =	shalt  }
0x48: {  	_ =	shalt  }
0x49: {  	_ =	shalt  }
0x4a: {  	_ =	shalt  }
0x4b: {  	_ =	shalt  }
0x4c: {  	_ =	shalt  }
0x4d: {  	_ =	shalt  }
0x4e: {  	_ =	shalt  }
0x4f: {  	_ =	shalt  }
0x50: {  	_ =	shalt  }
0x51: {  	_ =	shalt  }
0x52: {  	_ =	shalt  }
0x53: {  	_ =	shalt  }
0x54: {  	_ =	shalt  }
0x55: {  	_ =	shalt  }
0x56: {  	_ =	shalt  }
0x57: {  	_ =	shalt  }
0x58: {  	_ =	shalt  }
0x59: {  	_ =	shalt  }
0x5a: {  	_ =	shalt  }
0x5b: {  	_ =	shalt  }
0x5c: {  	_ =	shalt  }
0x5d: {  	_ =	shalt  }
0x5e: {  	_ =	shalt  }
0x5f: {  	_ =	shalt  }
0x60: {  	_ =	shalt  }
0x61: {  	_ =	shalt  }
0x62: {  	_ =	shalt  }
0x63: {  	_ =	shalt  }
0x64: {  	_ =	shalt  }
0x65: {  	_ =	shalt  }
0x66: {  	_ =	shalt  }
0x67: {  	_ =	shalt  }
0x68: {  	_ =	shalt  }
0x69: {  	_ =	shalt  }
0x6a: {  	_ =	shalt  }
0x6b: {  	_ =	shalt  }
0x6c: {  	_ =	shalt  }
0x6d: {  	_ =	shalt  }
0x6e: {  	_ =	shalt  }
0x6f: {  	_ =	shalt  }
0x70: {  	_ =	shalt  }
0x71: {  	_ =	shalt  }
0x72: {  	_ =	shalt  }
0x73: {  	_ =	shalt  }
0x74: {  	_ =	shalt  }
0x75: {  	_ =	shalt  }
0x76: {  	_ =	shalt  }
0x77: {  	_ =	shalt  }
0x78: {  	_ =	shalt  }
0x79: {  	_ =	shalt  }
0x7a: {  	_ =	shalt  }
0x7b: {  	_ =	shalt  }
0x7c: {  	_ =	shalt  }
0x7d: {  	_ =	shalt  }
0x7e: {  	_ =	shalt  }
0x7f: {  	_ =	shalt  }
0x80: {  	_ =	shalt  }
0x81: {  	_ =	shalt  }
0x82: {  	_ =	shalt  }
0x83: {  	_ =	shalt  }
0x84: {  	_ =	shalt  }
0x85: {  	_ =	shalt  }
0x86: {  	_ =	shalt  }
0x87: {  	_ =	shalt  }
.Lfunc_end0:
.L_simem_size_0:
called_computation.2_lowered:
.L_overlay_start_0:
0x88: {  	s2 =	sld [smem:$0x3FD9]  }
0x89: {  	s3 =	sld [smem:$0x3FFE];
	_ =	sdelay $0x1  }
0x8a: {  	s1 =	srdreg.scid  }
0x8b: {  	s0 =	sand.u32 $0x1, s1  }
0x8c: {  	s17 =	sshll.u32 s0, $0xA;
	s2 =	sadd.s32 s3, s2  }
0x8d: {  	s2 =	sadd.s32 s2, s17  }
0x8e: {  	[smem:$0x3FC2] =	sst s2  }
0x8f: {  	_ = 	snop  }
0x90: {  	s2 =	sld [smem:$0x3FD0];
	(tm) =	ssettm $0x1  }
0x91: {  	s18 =	sld [smem:$0x3FFB];
	_ =	sdelay $0x3  }
0x92: {  	_ =	strace s18  }
0x93: {  	s3 =	sld [smem:$0x3FFC];
	_ =	sdelay $0x3  }
0x94: {  	_ =	strace s3  }
0x95: {  	s3 =	sld [smem:$0x3FFD];
	_ =	sdelay $0x3  }
0x96: {  	_ =	strace s3  }
0x97: {  	_ =	strace $0x8FFFFFFF  }
0x98: {  	s19 =	sld [smem:$0x3FDB];
	_ =	sdelay $0x1  }
0x99: {  	s4 =	simm.s32 $_scs_section_size  }
0x9a: {  	s5 =	simm.s32 $_size__tile_overlayer_lowered;
	s6 =	simm.s32 $_tile_overlayer_lowered  }
0x9b: {  	s22 =	simm.s32 $0x1BFF;
	s21 =	sshll.u32 s6, $0x1;
	s3 =	sadd.s32 s4, s19  }
0x9c: {  	s7 =	simm.s32 $0x0;
	s20 =	sshll.u32 s5, $0x1;
	s5 =	sadd.s32 s21, s3  }
0x9d: {  	[timem:s7], [sflag:s22] =	dma.local [hbm:s5], s20  }
0x9e: {  	_ =	swait.ge [sflag:s22], s20  }
0x9f: {  	s4 =	ssub.s32 $0x0, s20;
	[sflag:s22] =	ssyncset.done $0x0  }
0xa0: {  	[sflag:s22] =	ssyncadd.s32 s4;
	_ =	sdelay $0x1  }
0xa1: {  	s23 =	simm.s32 $0x1B8B  }
0xa2: {  	_ =	swait.ge [sflag:s23], $0x1  }
0xa3: {  	[sflag:s23] =	ssyncset.done $0x0  }
0xa4: {  	s25 =	simm.s32 $0x1B8E;
	s24 =	sld [smem:$0x3FFE];
	[sflag:s23] =	ssyncadd.s32 $0xFFFFFFFF  }
0xa5: {  	s26 =	simm.s32 $execute0_lowered;
	[smem:$0x3FD2] =	sst s25  }
0xa6: {  	s5 =	sshll.u32 s26, $0x1;
	_ =	strace $0x8000004C;
	[dreg:$0x1] =	wrdreg $0xFFFFFFFF  }
0xa7: {  	s28 =	simm.s32 $_size_execute0_lowered;
	s3 =	sadd.s32 s3, s5;
	[dreg:$0x0] =	wrdreg $0x0  }
0xa8: {  	s5 =	sshll.u32 s28, $0x1;
	[dreg:$0x2] =	wrdreg s3  }
0xa9: {  	[dreg:$0x3] =	wrdreg s5  }
0xaa: {  	[dreg:$0x4] =	wrdreg $0xC0  }
0xab: {  	_ =	task [dreg:s7], $0x5FFFF  }
0xac: {  	[dreg:$0x1] =	wrdreg $0xFFFFFFFF  }
0xad: {  	[dreg:$0x0] =	wrdreg $0x60  }
0xae: {  	[dreg:$0x2] =	wrdreg s2  }
0xaf: {  	[dreg:$0x3] =	wrdreg s24  }
0xb0: {  	[dreg:$0x4] =	wrdreg $0x90000  }
0xb1: {  	[dreg:$0x5] =	wrdreg $0x9  }
0xb2: {  	_ =	task.clear_ibuf [dreg:s7], $0x6FFFF;
	_ =	strace $0x9000004C  }
0xb3: {  	s29 =	simm.s32 $0x9;
	_ =	strace $0x8000004E  }
0xb4: {  	_ =	swait.ge [sflag:s29], $0x1  }
0xb5: {  	[sflag:s29] =	ssyncadd.s32 $0xFFFFFFFF  }
0xb6: {  	_ =	strace $0x9000004E  }
0xb7: {  	_ =	sfence  }
0xb8: {  	s30 =	sld [smem:$0x0];
	_ =	sdelay $0x2  }
0xb9: {  	s31 =	sshll.u32 s1, $0xD;
	s1 =	sshrl.u32 s1, $0x2  }
0xba: {  	s3 =	sand.u32 $0x4000, s31;
	s1 =	sadd.s32 s1, s30  }
0xbb: {  	s0 =	sor.u32 s3, s0;
	s1 =	sshll.u32 s1, $0x11  }
0xbc: {  	s0 =	sor.u32 s1, s0  }
0xbd: {  	s0 =	sadd.s32 $0x8F2B, s0  }
0xbe: {  	[sflag:s0] =	ssyncadd.remote.s32 $0x1  }
0xbf: {  	_ =	sfence.sel $0xFFFF  }
0xc0: {  	[dreg:$0x0] =	wrdreg $0xFFFFFFFF;
	(pc) =	sbr.abs _section_cstart, $3  }
0xc1: {  	[dreg:$0x1] =	wrdreg $0xFFFFFFFF  }
0xc2: {  	_ =	task.clear_ibuf [dreg:s7], $0x2FFFF;
	_ =	strace $0x9FFFFFFF  }
0xc3: {  	(tm) =	ssettm $0x7FFFFFFF  }
tec
execute0_lowered:
.L_overlay_start_1:
0x0: {  	(tag) =	ssettag $0x1  }
0x1: {  	s1 =	rddreg [dreg:$0x0]  }
0x2: {  	s0 =	rddreg [dreg:$0x1]  }
0x3: {  	s2 =	rddreg [dreg:$0x2];
	s3 =	srdreg.scid;
	s4 =	simm.s32 $0x0  }
0x4: {  	s12 =	stileid.u32;
	s28 =	simm.s32 $0xC00;
	s30 =	simm.s32 $0x80  }
0x5: {  	s31 =	simm.s32 $0x1000;
	s29 =	simm.s32 $0xF80;
	s3 =	sand.u32 $0x1, s3  }
0x6: {  	[smem:$0x7FF] =	sst s4;
	s8 =	smul.u32 $0x14000, s12;
	s5 =	sadd.s32 $0xB800, s0  }
0x7: {  	s6 =	sadd.s32 $0x1800, s0;
	s9 =	sadd.s32 $0x15800, s0;
	s22 =	smul.u32 $0x50000, s12  }
0x8: {  	s25 =	sshll.u32 s12, $0x6;
	s7 =	smul.u32 $0x140000, s3;
	_ =	strace $0x8000004D  }
0x9: {  	[dreg:$0x4] =	wrdreg s9;
	s21 =	ssub.s32 $0x2, s3;
	s10 =	sshll.u32 s3, $0x4  }
0xa: {  	[dreg:$0x5] =	wrdreg s25;
	s3 =	smul.u32 $0x28000, s3;
	s23 =	sshrl.u32 s21, $0x1  }
0xb: {  	s24 =	sor.u32 s12, s10;
	s9 =	sshrl.u32 s22, $0x2;
	s10 =	sor.u32 $0x1C05, s25  }
0xc: {  	s12 =	smul.u32 $0x2800, s12;
	s7 =	sadd.s32 s8, s7;
	s9 =	sadd.s32 s9, s2  }
0xd: {  	s8 =	smul.u32 $0x2800, s24;
	[dreg:$0x6] =	wrdreg s10;
	s10 =	simm.s32 $0x4  }
0xe: {  	s7 =	sshrl.u32 s7, $0x3;
	s26 =	sadd.s32 $0x4000, s9;
	s11 =	sadd.s32 $0x8000, s9  }
0xf: {  	s13 =	sadd.s32 $0xC000, s9;
	s14 =	sadd.s32 $0x10000, s9;
	s3 =	sadd.s32 s12, s3  }
0x10: {  	s12 =	sshrl.u32 s9, $0x3;
	s9 =	simm.s32 $0x2;
	s0 =	sadd.s32 s7, s0  }
0x11: {  	s7 =	ssub.s32 s21, s23;
	s8 =	sshrl.u32 s8, $0x3;
	s19 =	sadd.s32 $0xC00, s3  }
0x12: {  	s22 =	sadd.s32 $0x800, s3;
	s23 =	sshrl.u32 s26, $0x3;
	s24 =	sshrl.u32 s11, $0x3  }
0x13: {  	s25 =	sshrl.u32 s13, $0x3;
	s26 =	sshrl.u32 s14, $0x3;
	[dreg:$0xe] =	wrdreg s12  }
0x14: {  	s3 =	simm.s32 $0x3;
	s14 =	simm.s32 $0x600;
	[dreg:$0xd] =	wrdreg s22  }
0x15: {  	s11 =	simm.s32 $0x0;
	s15 =	sadd.s32 s5, s8;
	[dreg:$0xf] =	wrdreg s23  }
0x16: {  	s17 =	sadd.s32 s6, s8;
	s8 =	sor.u32 $0x80, s8;
	[dreg:$0x10] =	wrdreg s24  }
0x17: {  	s0 =	sadd.s32 $0x16000, s0;
	s20 =	smax.u32 s7, $0x1;
	[dreg:$0x11] =	wrdreg s25  }
0x18: {  	s21 =	sshrl.u32 s19, $0x3;
	[dreg:$0x12] =	wrdreg s26;
	s24 =	simm.s32 $0x6  }
0x19: {  	s26 =	simm.s32 $0x400;
	s7 =	simm.s32 $0x1;
	[dreg:$0x7] =	wrdreg s15  }
0x1a: {  	s22 =	simm.s32 $0xE80;
	s23 =	simm.s32 $0x780;
	[dreg:$0x8] =	wrdreg s17  }
.Ltmp0:
0x1b: {  	s19 =	simm.s32 $0xF00;
	[dreg:$0xb] =	wrdreg s0;
	(pc) =	sbr.rel .LBB2_1-.Ltmp0, $4  }
0x1c: {  	s18 =	sadd.s32 s5, s8;
	s8 =	sadd.s32 s6, s8;
	[dreg:$0xc] =	wrdreg s20  }
0x1d: {  	s16 =	sadd.s32 s21, s6;
	s17 =	sadd.s32 s21, s5;
	s0 =	simm.s32 $0x5000  }
0x1e: {  	s15 =	simm.s32 $0xD80;
	s20 =	simm.s32 $0x680;
	[dreg:$0x9] =	wrdreg s18  }
0x1f: {  	s21 =	simm.s32 $0x700;
	[dreg:$0xa] =	wrdreg s8;
	s18 =	simm.s32 $0xE00  }
.LBB2_4:
0x20: {  	_ =	swait.ge [sflag:s10], $0x4000  }
0x21: {  	[sflag:s10] =	ssyncset.done $0x0  }
0x22: {  	[sflag:s10] =	ssyncadd.s32 $0xFFFFC000  }
0x23: {  	[spmem:s2] =	stream.indirect.scatter.add.f32 [tilespmem:s0], [sflag:$0x6], $0x80, s29, s30, $0xb8;
	[tilespmem:$0x1D000] =	vst v63  }
0x24: {  	_ =	swait.ge [sflag:s24], $0x4000  }
0x25: {  	[sflag:s24] =	ssyncset.done $0x0  }
0x26: {  	[sflag:s24] =	ssyncadd.s32 $0xFFFFC000  }
0x27: {  	[bflag:$0x0] =	sbarrier.arrive $0xFFFF  }
0x28: {  	s8 =	rddreg [dreg:$0x5]  }
0x29: {  	s11 =	rddreg [dreg:$0xb]  }
0x2a: {  	s12 =	rddreg [dreg:$0xe];
	s8 =	sor.u32 $0x1C06, s8  }
0x2b: {  	[hbm:s11], [sflag:s8] =	dma.local [spmem:s12], $0x2800  }
0x2c: {  	_ =	swait.ge [sflag:s24], $0x2800  }
0x2d: {  	s13 =	rddreg [dreg:$0x13]  }
0x2e: {  	s25 =	rddreg [dreg:$0xc];
	s11 =	sadd.s32 $0x1, s13  }
0x2f: {  	p0 =	sne.s32 s11, s25  }
.Ltmp1:
0x30: {  	_ = 	snop;
	(pc) =	sbr.rel @!p0 .LBB2_5-.Ltmp1, $3  }
0x31: {  	_ =	sdelay $0x1  }
0x32: {  	[sflag:s24] =	ssyncset.done $0x0  }
0x33: {  	[sflag:s24] =	ssyncadd.s32 $0xFFFFD800  }
.LBB2_1:
0x34: {  	[dreg:$0x13] =	wrdreg s11  }
0x35: {  	s8 =	rddreg [dreg:$0x4]  }
0x36: {  	s25 =	rddreg [dreg:$0x6]  }
0x37: {  	[spmem:s12], [sflag:s25] =	dma.local [hbm:s8], $0x800  }
0x38: {  	s12 =	rddreg [dreg:$0xf]  }
0x39: {  	[spmem:s12], [sflag:s25] =	dma.local [hbm:s8], $0x800  }
0x3a: {  	s12 =	rddreg [dreg:$0x10]  }
0x3b: {  	[spmem:s12], [sflag:s25] =	dma.local [hbm:s8], $0x800  }
0x3c: {  	s12 =	rddreg [dreg:$0x11]  }
0x3d: {  	[spmem:s12], [sflag:s25] =	dma.local [hbm:s8], $0x800  }
0x3e: {  	s12 =	rddreg [dreg:$0x12]  }
0x3f: {  	[spmem:s12], [sflag:s25] =	dma.local [hbm:s8], $0x800  }
0x40: {  	s8 =	rddreg [dreg:$0x7]  }
0x41: {  	[tilespmem:s4], [sflag:$0x6] =	stream.linear.gather [hbm4b:s8+s4], $0x400, $0x38;
	[tilespmem:$0x1D000] =	vst v63  }
0x42: {  	_ =	swait.ge [sflag:s24], $0x400  }
0x43: {  	[sflag:s24] =	ssyncset.done $0x0  }
0x44: {  	s25 =	simm.s32 $0x800;
	s13 =	rddreg [dreg:$0x8];
	[sflag:s24] =	ssyncadd.s32 $0xFFFFFC00  }
0x45: {  	[tilespmem:s25], [sflag:$0x6] =	stream.linear.gather [hbm4b:s13+s4], $0x400, $0x38;
	[tilespmem:$0x1D000] =	vst v63  }
0x46: {  	_ =	swait.ge [sflag:s24], $0x400  }
0x47: {  	[sflag:s24] =	ssyncset.done $0x0  }
0x48: {  	s12 =	rddreg [dreg:$0x9];
	[sflag:s24] =	ssyncadd.s32 $0xFFFFFC00  }
0x49: {  	[tilespmem:s26], [sflag:$0x1] =	stream.linear.gather [hbm4b:s12+s4], $0x400, $0x38;
	[tilespmem:$0x1D000] =	vst v63  }
0x4a: {  	s25 =	simm.s32 $0x5;
	s13 =	rddreg [dreg:$0xa]  }
0x4b: {  	[tilespmem:s28], [sflag:$0x2] =	stream.linear.gather [hbm4b:s13+s4], $0x400, $0x38;
	[tilespmem:$0x1D000] =	vst v63  }
0x4c: {  	_ =	swait.ge [sflag:s25], $0x800  }
0x4d: {  	[sflag:s25] =	ssyncset.done $0x0  }
0x4e: {  	[sflag:s25] =	ssyncadd.s32 $0xFFFFF800  }
0x4f: {  	_ =	swait.ge [sflag:s25], $0x800  }
0x50: {  	[sflag:s25] =	ssyncset.done $0x0  }
0x51: {  	[sflag:s25] =	ssyncadd.s32 $0xFFFFF800  }
0x52: {  	_ =	swait.ge [sflag:s25], $0x800  }
0x53: {  	[sflag:s25] =	ssyncset.done $0x0  }
0x54: {  	[sflag:s25] =	ssyncadd.s32 $0xFFFFF800  }
0x55: {  	_ =	swait.ge [sflag:s25], $0x800  }
0x56: {  	[sflag:s25] =	ssyncset.done $0x0  }
0x57: {  	[sflag:s25] =	ssyncadd.s32 $0xFFFFF800  }
0x58: {  	_ =	swait.ge [sflag:s25], $0x800  }
0x59: {  	[sflag:s25] =	ssyncset.done $0x0  }
0x5a: {  	[sflag:s25] =	ssyncadd.s32 $0xFFFFF800  }
0x5b: {  	[bflag:$0x0] =	sbarrier.arrive $0xFFFF  }
0x5c: {  	[tilespmem:s31], [sflag:$0x3] =	stream.indirect.gather [hbm4b:s1+s30], $0x80, s4, s30, $0xb8;
	[tilespmem:$0x1D000] =	vst v63  }
0x5d: {  	s25 =	simm.s32 $0x0;
	s8 =	rddreg [dreg:$0xd]  }
0x5e: {  	[tilespmem:s0], [sflag:$0x4] =	stream.indirect.gather [hbm4b:s1+s30], $0x80, s30, s30, $0xb8;
	[tilespmem:$0x1D000] =	vst v63  }
.LBB2_2:
0x5f: {  	_ =	swait.ge [sflag:s3], $0x4000  }
0x60: {  	[sflag:s3] =	ssyncset.done $0x0  }
0x61: {  	s11 =	simm.s32 $0x800;
	[sflag:s3] =	ssyncadd.s32 $0xFFFFC000  }
0x62: {  	[spmem:s2] =	stream.indirect.scatter.add.f32 [tilespmem:s31], [sflag:$0x6], $0x80, s11, s30, $0xb8;
	[tilespmem:$0x1D000] =	vst v63  }
0x63: {  	_ =	swait.ge [sflag:s24], $0x4000  }
0x64: {  	[sflag:s24] =	ssyncset.done $0x0  }
0x65: {  	s12 =	simm.s32 $0x100;
	[sflag:s24] =	ssyncadd.s32 $0xFFFFC000  }
0x66: {  	[tilespmem:s31], [sflag:$0x3] =	stream.indirect.gather [hbm4b:s1+s30], $0x80, s12, s30, $0xb8;
	[tilespmem:$0x1D000] =	vst v63  }
0x67: {  	_ =	swait.ge [sflag:s10], $0x4000  }
0x68: {  	[sflag:s10] =	ssyncset.done $0x0  }
0x69: {  	s13 =	simm.s32 $0x880;
	[sflag:s10] =	ssyncadd.s32 $0xFFFFC000  }
0x6a: {  	[spmem:s2] =	stream.indirect.scatter.add.f32 [tilespmem:s0], [sflag:$0x6], $0x80, s13, s30, $0xb8;
	[tilespmem:$0x1D000] =	vst v63  }
0x6b: {  	_ =	swait.ge [sflag:s24], $0x4000  }
0x6c: {  	[sflag:s24] =	ssyncset.done $0x0  }
0x6d: {  	s12 =	simm.s32 $0x180;
	[sflag:s24] =	ssyncadd.s32 $0xFFFFC000  }
0x6e: {  	[tilespmem:s0], [sflag:$0x4] =	stream.indirect.gather [hbm4b:s1+s30], $0x80, s12, s30, $0xb8;
	[tilespmem:$0x1D000] =	vst v63  }
0x6f: {  	_ =	swait.ge [sflag:s3], $0x4000  }
0x70: {  	[sflag:s3] =	ssyncset.done $0x0  }
0x71: {  	s13 =	simm.s32 $0x900;
	[sflag:s3] =	ssyncadd.s32 $0xFFFFC000  }
0x72: {  	[spmem:s2] =	stream.indirect.scatter.add.f32 [tilespmem:s31], [sflag:$0x6], $0x80, s13, s30, $0xb8;
	[tilespmem:$0x1D000] =	vst v63  }
0x73: {  	_ =	swait.ge [sflag:s24], $0x4000  }
0x74: {  	[sflag:s24] =	ssyncset.done $0x0  }
0x75: {  	s12 =	simm.s32 $0x200;
	[sflag:s24] =	ssyncadd.s32 $0xFFFFC000  }
0x76: {  	[tilespmem:s31], [sflag:$0x3] =	stream.indirect.gather [hbm4b:s1+s30], $0x80, s12, s30, $0xb8;
	[tilespmem:$0x1D000] =	vst v63  }
0x77: {  	_ =	swait.ge [sflag:s10], $0x4000  }
0x78: {  	[sflag:s10] =	ssyncset.done $0x0  }
0x79: {  	s13 =	simm.s32 $0x980;
	[sflag:s10] =	ssyncadd.s32 $0xFFFFC000  }
0x7a: {  	[spmem:s2] =	stream.indirect.scatter.add.f32 [tilespmem:s0], [sflag:$0x6], $0x80, s13, s30, $0xb8;
	[tilespmem:$0x1D000] =	vst v63  }
0x7b: {  	_ =	swait.ge [sflag:s24], $0x4000  }
0x7c: {  	[sflag:s24] =	ssyncset.done $0x0  }
0x7d: {  	s12 =	simm.s32 $0x280;
	[sflag:s24] =	ssyncadd.s32 $0xFFFFC000  }
0x7e: {  	[tilespmem:s0], [sflag:$0x4] =	stream.indirect.gather [hbm4b:s1+s30], $0x80, s12, s30, $0xb8;
	[tilespmem:$0x1D000] =	vst v63  }
0x7f: {  	_ =	swait.ge [sflag:s3], $0x4000  }
0x80: {  	[sflag:s3] =	ssyncset.done $0x0  }
0x81: {  	s13 =	simm.s32 $0xA00;
	[sflag:s3] =	ssyncadd.s32 $0xFFFFC000  }
0x82: {  	[spmem:s2] =	stream.indirect.scatter.add.f32 [tilespmem:s31], [sflag:$0x6], $0x80, s13, s30, $0xb8;
	[tilespmem:$0x1D000] =	vst v63  }
0x83: {  	_ =	swait.ge [sflag:s24], $0x4000  }
0x84: {  	[sflag:s24] =	ssyncset.done $0x0  }
0x85: {  	s12 =	simm.s32 $0x300;
	[sflag:s24] =	ssyncadd.s32 $0xFFFFC000  }
0x86: {  	[tilespmem:s31], [sflag:$0x3] =	stream.indirect.gather [hbm4b:s1+s30], $0x80, s12, s30, $0xb8;
	[tilespmem:$0x1D000] =	vst v63  }
0x87: {  	_ =	swait.ge [sflag:s10], $0x4000  }
0x88: {  	[sflag:s10] =	ssyncset.done $0x0  }
0x89: {  	s13 =	simm.s32 $0xA80;
	[sflag:s10] =	ssyncadd.s32 $0xFFFFC000  }
0x8a: {  	[spmem:s2] =	stream.indirect.scatter.add.f32 [tilespmem:s0], [sflag:$0x6], $0x80, s13, s30, $0xb8;
	[tilespmem:$0x1D000] =	vst v63  }
0x8b: {  	_ =	swait.ge [sflag:s24], $0x4000  }
0x8c: {  	[sflag:s24] =	ssyncset.done $0x0  }
0x8d: {  	s12 =	simm.s32 $0x380;
	[sflag:s24] =	ssyncadd.s32 $0xFFFFC000  }
0x8e: {  	[tilespmem:s0], [sflag:$0x4] =	stream.indirect.gather [hbm4b:s1+s30], $0x80, s12, s30, $0xb8;
	[tilespmem:$0x1D000] =	vst v63  }
0x8f: {  	_ =	swait.ge [sflag:s3], $0x4000  }
0x90: {  	[sflag:s3] =	ssyncset.done $0x0  }
0x91: {  	s13 =	simm.s32 $0xB00;
	[sflag:s3] =	ssyncadd.s32 $0xFFFFC000  }
0x92: {  	[spmem:s2] =	stream.indirect.scatter.add.f32 [tilespmem:s31], [sflag:$0x6], $0x80, s13, s30, $0xb8;
	[tilespmem:$0x1D000] =	vst v63  }
0x93: {  	_ =	swait.ge [sflag:s24], $0x4000  }
0x94: {  	[sflag:s24] =	ssyncset.done $0x0  }
0x95: {  	[sflag:s24] =	ssyncadd.s32 $0xFFFFC000  }
0x96: {  	_ =	swait.ge [sflag:s7], $0x400  }
0x97: {  	[sflag:s7] =	ssyncset.done $0x0  }
0x98: {  	[sflag:s7] =	ssyncadd.s32 $0xFFFFFC00  }
0x99: {  	_ =	swait.ge [sflag:s9], $0x400  }
0x9a: {  	[sflag:s9] =	ssyncset.done $0x0  }
0x9b: {  	[sflag:s9] =	ssyncadd.s32 $0xFFFFFC00  }
0x9c: {  	[tilespmem:s31], [sflag:$0x3] =	stream.indirect.gather [hbm4b:s1+s30], $0x80, s26, s30, $0xb8;
	[tilespmem:$0x1D000] =	vst v63  }
0x9d: {  	_ =	swait.ge [sflag:s10], $0x4000  }
0x9e: {  	[sflag:s10] =	ssyncset.done $0x0  }
0x9f: {  	s12 =	simm.s32 $0xB80;
	[sflag:s10] =	ssyncadd.s32 $0xFFFFC000  }
0xa0: {  	[spmem:s2] =	stream.indirect.scatter.add.f32 [tilespmem:s0], [sflag:$0x6], $0x80, s12, s30, $0xb8;
	[tilespmem:$0x1D000] =	vst v63  }
0xa1: {  	_ =	swait.ge [sflag:s24], $0x4000  }
0xa2: {  	p0 =	seq.s32 s25, $0x400;
	[sflag:s24] =	ssyncset.done $0x0  }
0xa3: {  	s11 =	sshrl.u32 @!p0 s8, $0x3;
	s13 =	simm.s32 $0x480;
	[sflag:s24] =	ssyncadd.s32 $0xFFFFC000  }
0xa4: {  	[tilespmem:s0], [sflag:$0x4] =	stream.indirect.gather [hbm4b:s1+s30], $0x80, s13, s30, $0xb8;
	[tilespmem:$0x1D000] =	vst v63  }
0xa5: {  	s12 =	sadd.s32 @!p0 s5, s11;
	s13 =	simm.s32 @!p0 $0x0  }
0xa6: {  	[tilespmem:s13], [sflag:$0x1] =	stream.linear.gather @!p0 [hbm4b:s12+s13], $0x400, $0x38;
	[tilespmem:$0x1D000] =	vst v63  }
0xa7: {  	s11 =	sadd.s32 @!p0 s6, s11;
	s12 =	simm.s32 @!p0 $0x800  }
0xa8: {  	[tilespmem:s12], [sflag:$0x2] =	stream.linear.gather @!p0 [hbm4b:s11+s13], $0x400, $0x38;
	[tilespmem:$0x1D000] =	vst v63  }
0xa9: {  	_ =	swait.ge [sflag:s3], $0x4000  }
0xaa: {  	[sflag:s3] =	ssyncset.done $0x0  }
0xab: {  	[sflag:s3] =	ssyncadd.s32 $0xFFFFC000  }
0xac: {  	[spmem:s2] =	stream.indirect.scatter.add.f32 [tilespmem:s31], [sflag:$0x6], $0x80, s28, s30, $0xb8;
	[tilespmem:$0x1D000] =	vst v63  }
0xad: {  	_ =	swait.ge [sflag:s24], $0x4000  }
0xae: {  	[sflag:s24] =	ssyncset.done $0x0  }
0xaf: {  	s12 =	simm.s32 $0x500;
	[sflag:s24] =	ssyncadd.s32 $0xFFFFC000  }
0xb0: {  	[tilespmem:s31], [sflag:$0x3] =	stream.indirect.gather [hbm4b:s1+s30], $0x80, s12, s30, $0xb8;
	[tilespmem:$0x1D000] =	vst v63  }
0xb1: {  	_ =	swait.ge [sflag:s10], $0x4000  }
0xb2: {  	[sflag:s10] =	ssyncset.done $0x0  }
0xb3: {  	s13 =	simm.s32 $0xC80;
	[sflag:s10] =	ssyncadd.s32 $0xFFFFC000  }
0xb4: {  	[spmem:s2] =	stream.indirect.scatter.add.f32 [tilespmem:s0], [sflag:$0x6], $0x80, s13, s30, $0xb8;
	[tilespmem:$0x1D000] =	vst v63  }
0xb5: {  	_ =	swait.ge [sflag:s24], $0x4000  }
0xb6: {  	[sflag:s24] =	ssyncset.done $0x0  }
0xb7: {  	s12 =	simm.s32 $0x580;
	[sflag:s24] =	ssyncadd.s32 $0xFFFFC000  }
0xb8: {  	[tilespmem:s0], [sflag:$0x4] =	stream.indirect.gather [hbm4b:s1+s30], $0x80, s12, s30, $0xb8;
	[tilespmem:$0x1D000] =	vst v63  }
0xb9: {  	_ =	swait.ge [sflag:s3], $0x4000  }
0xba: {  	[sflag:s3] =	ssyncset.done $0x0  }
0xbb: {  	s13 =	simm.s32 $0xD00;
	[sflag:s3] =	ssyncadd.s32 $0xFFFFC000  }
0xbc: {  	[spmem:s2] =	stream.indirect.scatter.add.f32 [tilespmem:s31], [sflag:$0x6], $0x80, s13, s30, $0xb8;
	[tilespmem:$0x1D000] =	vst v63  }
0xbd: {  	_ =	swait.ge [sflag:s24], $0x4000  }
0xbe: {  	[sflag:s24] =	ssyncset.done $0x0  }
0xbf: {  	[sflag:s24] =	ssyncadd.s32 $0xFFFFC000  }
0xc0: {  	[tilespmem:s31], [sflag:$0x3] =	stream.indirect.gather [hbm4b:s1+s30], $0x80, s14, s30, $0xb8;
	[tilespmem:$0x1D000] =	vst v63  }
0xc1: {  	_ =	swait.ge [sflag:s10], $0x4000  }
0xc2: {  	[sflag:s10] =	ssyncset.done $0x0  }
0xc3: {  	[sflag:s10] =	ssyncadd.s32 $0xFFFFC000  }
0xc4: {  	[spmem:s2] =	stream.indirect.scatter.add.f32 [tilespmem:s0], [sflag:$0x6], $0x80, s15, s30, $0xb8;
	[tilespmem:$0x1D000] =	vst v63  }
0xc5: {  	_ =	swait.ge [sflag:s24], $0x4000  }
0xc6: {  	[sflag:s24] =	ssyncset.done $0x0  }
0xc7: {  	[sflag:s24] =	ssyncadd.s32 $0xFFFFC000  }
0xc8: {  	[tilespmem:s0], [sflag:$0x4] =	stream.indirect.gather [hbm4b:s1+s30], $0x80, s20, s30, $0xb8;
	[tilespmem:$0x1D000] =	vst v63  }
0xc9: {  	_ =	swait.ge [sflag:s3], $0x4000  }
0xca: {  	[sflag:s3] =	ssyncset.done $0x0  }
0xcb: {  	[sflag:s3] =	ssyncadd.s32 $0xFFFFC000  }
0xcc: {  	[spmem:s2] =	stream.indirect.scatter.add.f32 [tilespmem:s31], [sflag:$0x6], $0x80, s18, s30, $0xb8;
	[tilespmem:$0x1D000] =	vst v63  }
0xcd: {  	_ =	swait.ge [sflag:s24], $0x4000  }
0xce: {  	[sflag:s24] =	ssyncset.done $0x0  }
0xcf: {  	[sflag:s24] =	ssyncadd.s32 $0xFFFFC000  }
0xd0: {  	[tilespmem:s31], [sflag:$0x3] =	stream.indirect.gather [hbm4b:s1+s30], $0x80, s21, s30, $0xb8;
	[tilespmem:$0x1D000] =	vst v63  }
0xd1: {  	_ =	swait.ge [sflag:s10], $0x4000  }
0xd2: {  	[sflag:s10] =	ssyncset.done $0x0  }
0xd3: {  	[sflag:s10] =	ssyncadd.s32 $0xFFFFC000  }
0xd4: {  	[spmem:s2] =	stream.indirect.scatter.add.f32 [tilespmem:s0], [sflag:$0x6], $0x80, s22, s30, $0xb8;
	[tilespmem:$0x1D000] =	vst v63  }
0xd5: {  	_ =	swait.ge [sflag:s24], $0x4000  }
0xd6: {  	[sflag:s24] =	ssyncset.done $0x0  }
0xd7: {  	[sflag:s24] =	ssyncadd.s32 $0xFFFFC000  }
0xd8: {  	[tilespmem:s0], [sflag:$0x4] =	stream.indirect.gather [hbm4b:s1+s30], $0x80, s23, s30, $0xb8;
	[tilespmem:$0x1D000] =	vst v63  }
0xd9: {  	_ =	swait.ge [sflag:s3], $0x4000  }
0xda: {  	[sflag:s3] =	ssyncset.done $0x0  }
.Ltmp2:
0xdb: {  	[sflag:s3] =	ssyncadd.s32 $0xFFFFC000;
	(pc) =	sbr.rel @p0 .LBB2_4-.Ltmp2, $4  }
0xdc: {  	[spmem:s2] =	stream.indirect.scatter.add.f32 [tilespmem:s31], [sflag:$0x6], $0x80, s19, s30, $0xb8;
	[tilespmem:$0x1D000] =	vst v63  }
0xdd: {  	_ =	swait.ge [sflag:s24], $0x4000  }
0xde: {  	[sflag:s24] =	ssyncset.done $0x0  }
0xdf: {  	[sflag:s24] =	ssyncadd.s32 $0xFFFFC000  }
0xe0: {  	_ =	swait.ge [sflag:s7], $0x400  }
0xe1: {  	[sflag:s7] =	ssyncset.done $0x0  }
0xe2: {  	[sflag:s7] =	ssyncadd.s32 $0xFFFFFC00  }
0xe3: {  	_ =	swait.ge [sflag:s9], $0x400  }
0xe4: {  	[sflag:s9] =	ssyncset.done $0x0  }
0xe5: {  	[sflag:s9] =	ssyncadd.s32 $0xFFFFFC00  }
0xe6: {  	[tilespmem:s31], [sflag:$0x3] =	stream.indirect.gather [hbm4b:s1+s30], $0x80, s4, s30, $0xb8;
	[tilespmem:$0x1D000] =	vst v63  }
0xe7: {  	_ =	swait.ge [sflag:s10], $0x4000  }
0xe8: {  	[sflag:s10] =	ssyncset.done $0x0  }
0xe9: {  	[sflag:s10] =	ssyncadd.s32 $0xFFFFC000  }
0xea: {  	[spmem:s2] =	stream.indirect.scatter.add.f32 [tilespmem:s0], [sflag:$0x6], $0x80, s29, s30, $0xb8;
	[tilespmem:$0x1D000] =	vst v63  }
0xeb: {  	_ =	swait.ge [sflag:s24], $0x4000  }
0xec: {  	[sflag:s24] =	ssyncset.done $0x0  }
0xed: {  	[sflag:s24] =	ssyncadd.s32 $0xFFFFC000  }
0xee: {  	[tilespmem:s0], [sflag:$0x4] =	stream.indirect.gather [hbm4b:s1+s30], $0x80, s30, s30, $0xb8;
	[tilespmem:$0x1D000] =	vst v63  }
.Ltmp3:
0xef: {  	_ = 	snop;
	(pc) =	sbr.rel .LBB2_2-.Ltmp3, $4  }
0xf0: {  	s11 =	sadd.s32 s25, s17  }
0xf1: {  	[tilespmem:s26], [sflag:$0x1] =	stream.linear.gather [hbm4b:s11+s4], $0x400, $0x38;
	[tilespmem:$0x1D000] =	vst v63  }
0xf2: {  	s13 =	sadd.s32 s25, s16;
	s25 =	sadd.s32 $0x100, s25;
	s8 =	sadd.s32 $0x800, s8  }
0xf3: {  	[tilespmem:s28], [sflag:$0x2] =	stream.linear.gather [hbm4b:s13+s4], $0x400, $0x38;
	[tilespmem:$0x1D000] =	vst v63  }
.LBB2_5:
0xf4: {  	_ =	sfence.sel $0x180000  }
0xf5: {  	[bflag:$0x0] =	sbarrier.arrive $0xFFFF  }
0xf6: {  	_ =	strace $0x9000004D  }
0xf7: {  	s0 =	stileid.u32;
	[bflag:$0x2] =	sbarrier.arrive $0xFFFF  }
0xf8: {  	p0 =	sne.s32 s0, $0x0;
	s0 =	rddreg [dreg:$0x3]  }
0xf9: {  	s0 =	sadd.s32 @!p0 $0x100000, s0  }
0xfa: {  	[sflag:s0] =	ssyncadd.tile.s32 @!p0 $0x1;
	_ =	shalt  }
.Lfunc_end2:
_tile_overlayer_lowered:
.L_overlay_start_2:
0xfb: {  	(tag) =	ssettag $0x2  }
0xfc: {  	s0 =	rddreg [dreg:$0x0];
	s2 =	stileid.u32  }
0xfd: {  	s1 =	rddreg [dreg:$0x1];
	p0 =	sne.s32 s2, $0x0  }
0xfe: {  	s3 =	rddreg [dreg:$0x2];
	[bflag:$0x3] =	sbarrier.arrive $0xFFFF;
	s2 =	simm.s32 @!p0 $0x1C06  }
0xff: {  	[timem:s3], [sflag:s2] =	dma.local @!p0 [hbm:s0], s1  }
0x100: {  	s0 =	simm.s32 @!p0 $0x6  }
0x101: {  	_ =	swait.ge @!p0 [sflag:s0], s1  }
0x102: {  	s1 =	ssub.s32 @!p0 $0x0, s1;
	[sflag:s0] =	ssyncset.done @!p0 $0x0  }
0x103: {  	[sflag:s0] =	ssyncadd.s32 @!p0 s1  }
0x104: {  	[bflag:$0x3] =	sbarrier.arrive $0xFFFF  }
0x105: {  	_ =	shalt  }

// kernel: kernel.8.cloned.1.call-start
scs
__scs_entry_jumppad:
0x0: {  	(pc) =	sbr.rel $0x88, $3  }
0x1: {  	(tag) =	ssettag $0x0;
	lr =	simm.s32 $0x1  }
0x2: {  	[smem:$0x3F9B] =	sst lr;
	_ =	strace $0xD0000000  }
0x3: {  	_ = 	snop  }
0x4: {  	_ = 	snop  }
0x5: {  	_ = 	snop  }
0x6: {  	_ = 	snop  }
0x7: {  	_ = 	snop  }
__scs_overlays_trampoline_lowered:
0x8: {  	[smem:$0x3FAA] =	sst s0  }
0x9: {  	[smem:$0x3FAB] =	sst s1  }
0xa: {  	[smem:$0x3FAC] =	sst s2  }
0xb: {  	[smem:$0x3FAD] =	sst s3  }
0xc: {  	[smem:$0x3FAE] =	sst s4  }
0xd: {  	[smem:$0x3FAF] =	sst s5  }
0xe: {  	[smem:$0x3FB0] =	sst s6  }
0xf: {  	[smem:$0x3FB1] =	sst s7  }
0x10: {  	[smem:$0x3FB2] =	sst s8  }
0x11: {  	[smem:$0x3FB3] =	sst s9;
	s0 =	simm.s32 @!p0 $0x0  }
0x12: {  	s1 =	sld [smem:$0x3F99];
	s0 =	simm.s32 @p0 $0x1  }
0x13: {  	[smem:$0x3FB4] =	sst s0;
	s0 =	simm.s32 @!p1 $0x0  }
0x14: {  	s2 =	sld [smem:$0x3F98];
	s0 =	simm.s32 @p1 $0x1  }
0x15: {  	[smem:$0x3FB5] =	sst s0;
	s0 =	simm.s32 @!p2 $0x0  }
0x16: {  	s3 =	sld [smem:$0x3FDB];
	s0 =	simm.s32 @p2 $0x1  }
0x17: {  	s4 =	simm.s32 $0x1BF5;
	[smem:$0x3FB7] =	sst s0  }
0x18: {  	s0 =	sld [smem:$0x3F9A];
	_ =	swait.ge [sflag:s4], $0x0  }
0x19: {  	s7 =	sld [smem:$0x3F9B]  }
0x1a: {  	s8 =	sadd.s32 $0xFFFFE003, lr  }
0x1b: {  	s9 =	sadd.s32 $0xFFFFFEF7, lr;
	s5 =	simm.s32 $0xFFFFFFFF;
	p2 =	slt.u32 s8, $0xFFFFF086  }
0x1c: {  	p1 =	slt.u32 s9, $0xF7A;
	s5 =	simm.s32 @!p2 $0x0  }
0x1d: {  	s5 =	simm.s32 @p1 $0x1;
	p0 =	seq.s32 s7, s2  }
0x1e: {  	s7 =	smul.u32 @!p0 $0xF7A, s2;
	p2 =	seq.s32 @!p0 s5, $0x0  }
0x1f: {  	s9 =	smul.u32 $0xF7A, s1;
	s8 =	simm.s32 @!p0 $0x1BF5;
	p2 =	por !p2, p0  }
0x20: {  	[sflag:s8] =	ssyncset.s32 @!p0 $0xFFFFF086;
	s6 =	sadd.s32 @!p0 s3, s7;
	s7 =	simm.s32 @!p0 $0x108  }
0x21: {  	s3 =	sadd.s32 s3, s9;
	s6 =	sadd.s32 @!p0 $0x88, s6;
	s7 =	simm.s32 @p2 $0x1082  }
0x22: {  	[simem:s7], [sflag:s8] =	dma.local @!p0 [hbm:s6], $0xF7A  }
0x23: {  	s9 =	sor.u32 $0xD0000000, s2;
	s6 =	simm.s32 $0x108;
	_ =	swait.ge @!p0 [sflag:s8], $0x0  }
0x24: {  	s3 =	sadd.s32 $0x88, s3;
	s6 =	simm.s32 @!p1 $0x1082;
	[sflag:s4] =	ssyncset.s32 $0xFFFFF086  }
0x25: {  	[simem:s6], [sflag:s4] =	dma.local [hbm:s3], $0xF7A  }
0x26: {  	[smem:$0x3F9B] =	sst s1;
	(tag) =	ssettag s2;
	_ =	strace s9  }
0x27: {  	s1 =	sld [smem:$0x3FAB]  }
0x28: {  	s2 =	sld [smem:$0x3FAC]  }
0x29: {  	s4 =	sld [smem:$0x3FAE]  }
0x2a: {  	p0 =	seq.s32 s5, $0x0;
	s5 =	sld [smem:$0x3FAF]  }
0x2b: {  	s6 =	sld [smem:$0x3FB0]  }
0x2c: {  	s7 =	sld [smem:$0x3FB1]  }
0x2d: {  	s3 =	simm.s32 $0x108;
	s8 =	sld [smem:$0x3FB2]  }
0x2e: {  	s3 =	simm.s32 @!p0 $0x1082;
	s9 =	sld [smem:$0x3FB3]  }
0x2f: {  	lr =	sadd.s32 s0, s3;
	s0 =	sld [smem:$0x3FAA]  }
0x30: {  	s3 =	sld [smem:$0x3FAD]  }
0x31: {  	[smem:$0x3FB6] =	sst s10  }
0x32: {  	s10 =	sld [smem:$0x3FB4];
	_ =	sdelay $0x3  }
0x33: {  	p0 =	seq.s32 s10, $0x1;
	s10 =	sld [smem:$0x3FB6];
	_ =	sdelay $0x3  }
0x34: {  	[smem:$0x3FB6] =	sst s10  }
0x35: {  	s10 =	sld [smem:$0x3FB5];
	_ =	sdelay $0x3  }
0x36: {  	p1 =	seq.s32 s10, $0x1;
	s10 =	sld [smem:$0x3FB6];
	_ =	sdelay $0x3  }
0x37: {  	[smem:$0x3FB6] =	sst s10  }
0x38: {  	s10 =	sld [smem:$0x3FB7]  }
0x39: {  	_ = 	snop;
	(pc) =	sbr.ind lr, $3  }
0x3a: {  	_ = 	snop  }
0x3b: {  	_ = 	snop  }
0x3c: {  	p2 =	seq.s32 s10, $0x1;
	s10 =	sld [smem:$0x3FB6]  }
0x3d: {  	_ =	shalt  }
0x3e: {  	_ =	shalt  }
0x3f: {  	_ =	shalt  }
0x40: {  	_ =	shalt  }
0x41: {  	_ =	shalt  }
0x42: {  	_ =	shalt  }
0x43: {  	_ =	shalt  }
0x44: {  	_ =	shalt  }
0x45: {  	_ =	shalt  }
0x46: {  	_ =	shalt  }
0x47: {  	_ =	shalt  }
0x48: {  	_ =	shalt  }
0x49: {  	_ =	shalt  }
0x4a: {  	_ =	shalt  }
0x4b: {  	_ =	shalt  }
0x4c: {  	_ =	shalt  }
0x4d: {  	_ =	shalt  }
0x4e: {  	_ =	shalt  }
0x4f: {  	_ =	shalt  }
0x50: {  	_ =	shalt  }
0x51: {  	_ =	shalt  }
0x52: {  	_ =	shalt  }
0x53: {  	_ =	shalt  }
0x54: {  	_ =	shalt  }
0x55: {  	_ =	shalt  }
0x56: {  	_ =	shalt  }
0x57: {  	_ =	shalt  }
0x58: {  	_ =	shalt  }
0x59: {  	_ =	shalt  }
0x5a: {  	_ =	shalt  }
0x5b: {  	_ =	shalt  }
0x5c: {  	_ =	shalt  }
0x5d: {  	_ =	shalt  }
0x5e: {  	_ =	shalt  }
0x5f: {  	_ =	shalt  }
0x60: {  	_ =	shalt  }
0x61: {  	_ =	shalt  }
0x62: {  	_ =	shalt  }
0x63: {  	_ =	shalt  }
0x64: {  	_ =	shalt  }
0x65: {  	_ =	shalt  }
0x66: {  	_ =	shalt  }
0x67: {  	_ =	shalt  }
0x68: {  	_ =	shalt  }
0x69: {  	_ =	shalt  }
0x6a: {  	_ =	shalt  }
0x6b: {  	_ =	shalt  }
0x6c: {  	_ =	shalt  }
0x6d: {  	_ =	shalt  }
0x6e: {  	_ =	shalt  }
0x6f: {  	_ =	shalt  }
0x70: {  	_ =	shalt  }
0x71: {  	_ =	shalt  }
0x72: {  	_ =	shalt  }
0x73: {  	_ =	shalt  }
0x74: {  	_ =	shalt  }
0x75: {  	_ =	shalt  }
0x76: {  	_ =	shalt  }
0x77: {  	_ =	shalt  }
0x78: {  	_ =	shalt  }
0x79: {  	_ =	shalt  }
0x7a: {  	_ =	shalt  }
0x7b: {  	_ =	shalt  }
0x7c: {  	_ =	shalt  }
0x7d: {  	_ =	shalt  }
0x7e: {  	_ =	shalt  }
0x7f: {  	_ =	shalt  }
0x80: {  	_ =	shalt  }
0x81: {  	_ =	shalt  }
0x82: {  	_ =	shalt  }
0x83: {  	_ =	shalt  }
0x84: {  	_ =	shalt  }
0x85: {  	_ =	shalt  }
0x86: {  	_ =	shalt  }
0x87: {  	_ =	shalt  }
.Lfunc_end0:
.L_simem_size_0:
called_computation_lowered:
.L_overlay_start_0:
0x88: {  	s2 =	sld [smem:$0x3FD9]  }
0x89: {  	s3 =	sld [smem:$0x3FFE];
	_ =	sdelay $0x1  }
0x8a: {  	s1 =	srdreg.scid  }
0x8b: {  	s0 =	sand.u32 $0x1, s1  }
0x8c: {  	s17 =	sshll.u32 s0, $0xA;
	s2 =	sadd.s32 s3, s2  }
0x8d: {  	s2 =	sadd.s32 s2, s17  }
0x8e: {  	[smem:$0x3FC2] =	sst s2  }
0x8f: {  	_ = 	snop  }
0x90: {  	s2 =	sld [smem:$0x3FD0];
	(tm) =	ssettm $0x1  }
0x91: {  	s18 =	sld [smem:$0x3FFB];
	_ =	sdelay $0x3  }
0x92: {  	_ =	strace s18  }
0x93: {  	s3 =	sld [smem:$0x3FFC];
	_ =	sdelay $0x3  }
0x94: {  	_ =	strace s3  }
0x95: {  	s3 =	sld [smem:$0x3FFD];
	_ =	sdelay $0x3  }
0x96: {  	_ =	strace s3  }
0x97: {  	_ =	strace $0x8FFFFFFF  }
0x98: {  	s19 =	sld [smem:$0x3FDB];
	_ =	sdelay $0x1  }
0x99: {  	s4 =	simm.s32 $_scs_section_size  }
0x9a: {  	s5 =	simm.s32 $_size__tile_overlayer_lowered;
	s6 =	simm.s32 $_tile_overlayer_lowered  }
0x9b: {  	s22 =	simm.s32 $0x1BFF;
	s21 =	sshll.u32 s6, $0x1;
	s3 =	sadd.s32 s4, s19  }
0x9c: {  	s7 =	simm.s32 $0x0;
	s20 =	sshll.u32 s5, $0x1;
	s5 =	sadd.s32 s21, s3  }
0x9d: {  	[timem:s7], [sflag:s22] =	dma.local [hbm:s5], s20  }
0x9e: {  	_ =	swait.ge [sflag:s22], s20  }
0x9f: {  	s4 =	ssub.s32 $0x0, s20;
	[sflag:s22] =	ssyncset.done $0x0  }
0xa0: {  	[sflag:s22] =	ssyncadd.s32 s4;
	_ =	sdelay $0x1  }
0xa1: {  	s23 =	simm.s32 $0x1B8B  }
0xa2: {  	_ =	swait.ge [sflag:s23], $0x1  }
0xa3: {  	[sflag:s23] =	ssyncset.done $0x0  }
0xa4: {  	s25 =	simm.s32 $0x1B8E;
	s24 =	sld [smem:$0x3FFE];
	[sflag:s23] =	ssyncadd.s32 $0xFFFFFFFF  }
0xa5: {  	s26 =	simm.s32 $execute0_lowered;
	[smem:$0x3FD2] =	sst s25  }
0xa6: {  	s5 =	sshll.u32 s26, $0x1;
	_ =	strace $0x80000046;
	[dreg:$0x1] =	wrdreg $0xFFFFFFFF  }
0xa7: {  	s28 =	simm.s32 $_size_execute0_lowered;
	s3 =	sadd.s32 s3, s5;
	[dreg:$0x0] =	wrdreg $0x0  }
0xa8: {  	s5 =	sshll.u32 s28, $0x1;
	[dreg:$0x2] =	wrdreg s3  }
0xa9: {  	[dreg:$0x3] =	wrdreg s5  }
0xaa: {  	[dreg:$0x4] =	wrdreg $0xC0  }
0xab: {  	_ =	task [dreg:s7], $0x5FFFF  }
0xac: {  	[dreg:$0x1] =	wrdreg $0xFFFFFFFF  }
0xad: {  	[dreg:$0x0] =	wrdreg $0x60  }
0xae: {  	[dreg:$0x2] =	wrdreg s24  }
0xaf: {  	[dreg:$0x3] =	wrdreg s2  }
0xb0: {  	[dreg:$0x4] =	wrdreg $0x2B000  }
0xb1: {  	[dreg:$0x5] =	wrdreg $0x9  }
0xb2: {  	_ =	task.clear_ibuf [dreg:s7], $0x6FFFF;
	_ =	strace $0x90000046  }
0xb3: {  	s29 =	simm.s32 $0x9;
	_ =	strace $0x80000048  }
0xb4: {  	_ =	swait.ge [sflag:s29], $0x1  }
0xb5: {  	[sflag:s29] =	ssyncadd.s32 $0xFFFFFFFF  }
0xb6: {  	_ =	strace $0x90000048  }
0xb7: {  	_ =	sfence  }
0xb8: {  	s30 =	sld [smem:$0x0];
	_ =	sdelay $0x2  }
0xb9: {  	s31 =	sshll.u32 s1, $0xD;
	s1 =	sshrl.u32 s1, $0x2  }
0xba: {  	s3 =	sand.u32 $0x4000, s31;
	s1 =	sadd.s32 s1, s30  }
0xbb: {  	s0 =	sor.u32 s3, s0;
	s1 =	sshll.u32 s1, $0x11  }
0xbc: {  	s0 =	sor.u32 s1, s0  }
0xbd: {  	s0 =	sadd.s32 $0x8F2B, s0  }
0xbe: {  	[sflag:s0] =	ssyncadd.remote.s32 $0x1  }
0xbf: {  	_ =	sfence.sel $0xFFFF  }
0xc0: {  	[dreg:$0x0] =	wrdreg $0xFFFFFFFF;
	(pc) =	sbr.abs _section_cstart, $3  }
0xc1: {  	[dreg:$0x1] =	wrdreg $0xFFFFFFFF  }
0xc2: {  	_ =	task.clear_ibuf [dreg:s7], $0x2FFFF;
	_ =	strace $0x9FFFFFFF  }
0xc3: {  	(tm) =	ssettm $0x7FFFFFFF  }
tec
execute0_lowered:
.L_overlay_start_1:
0x0: {  	(tag) =	ssettag $0x1  }
0x1: {  	s4 =	rddreg [dreg:$0x0]  }
0x2: {  	s6 =	rddreg [dreg:$0x1]  }
0x3: {  	s0 =	srdreg.scid;
	s2 =	rddreg [dreg:$0x2]  }
0x4: {  	s3 =	simm.s32 $0x0;
	s11 =	simm.s32 $0x2800;
	s14 =	simm.s32 $0x20  }
0x5: {  	s15 =	simm.s32 $0x10;
	s5 =	sand.u32 $0x1, s0;
	s0 =	stileid.u32  }
0x6: {  	s16 =	simm.s32 $0x0;
	[smem:$0x7FF] =	sst s3;
	s8 =	smul.u32 $0xA00, s0  }
0x7: {  	s1 =	sshll.u32 s5, $0x4;
	s9 =	ssub.s32 $0x2, s5;
	s10 =	smul.u32 $0x500, s0  }
0x8: {  	s5 =	sshll.u32 s5, $0x7;
	s12 =	sshll.u32 s0, $0x6;
	s7 =	sor.u32 s0, s1  }
0x9: {  	s1 =	rddreg [dreg:$0x3];
	_ =	strace $0x80000047;
	s29 =	sshrl.u32 s9, $0x1  }
0xa: {  	s12 =	sor.u32 $0x1C01, s12;
	s7 =	smul.u32 $0x500, s7;
	s8 =	sshrl.u32 s8, $0x2  }
0xb: {  	s30 =	sor.u32 s5, s10;
	s10 =	simm.s32 $0x80;
	s5 =	sadd.s32 s8, s2  }
0xc: {  	s31 =	sshrl.u32 s30, $0x3;
	s8 =	simm.s32 $0x1;
	s4 =	sadd.s32 s7, s4  }
0xd: {  	s7 =	ssub.s32 s9, s29;
	s6 =	sadd.s32 s6, s31;
	s9 =	simm.s32 $0x2880  }
0xe: {  	v0 =	vimm.f32 $1.000000000e+00;
	v1 =	vimm.f32 $0.0e+00;
	s13 =	sshrl.u32 s5, $0x3;
	s4 =	sadd.s32 $0x1800, s4;
	s7 =	smax.u32 s7, $0x1  }
.LBB2_1:
0xf: {  	[tilespmem:s3], [sflag:$0x1] =	stream.linear.gather [hbm4b:s4+s3], $0x2800, $0x38;
	[tilespmem:$0x2D80] =	vst v63  }
0x10: {  	_ =	swait.ge [sflag:s8], $0x2800  }
0x11: {  	[sflag:s8] =	ssyncset.done $0x0  }
0x12: {  	[sflag:s8] =	ssyncadd.s32 $0xFFFFD800  }
0x13: {  	[tilespmem:$0x2800] =	vst v0  }
0x14: {  	[tilespmem:$0x2810] =	vst v0  }
0x15: {  	[tilespmem:$0x2820] =	vst v0  }
0x16: {  	[tilespmem:$0x2830] =	vst v0  }
0x17: {  	[tilespmem:$0x2840] =	vst v0  }
0x18: {  	[tilespmem:$0x2850] =	vst v0  }
0x19: {  	[tilespmem:$0x2860] =	vst v0  }
0x1a: {  	[tilespmem:$0x2870] =	vst v0  }
0x1b: {  	[tilespmem:$0x2880] =	vst v1  }
0x1c: {  	[tilespmem:$0x2890] =	vst v1  }
0x1d: {  	[tilespmem:$0x28A0] =	vst v1  }
0x1e: {  	[tilespmem:$0x28B0] =	vst v1  }
0x1f: {  	[tilespmem:$0x28C0] =	vst v1  }
0x20: {  	[tilespmem:$0x28D0] =	vst v1  }
0x21: {  	[tilespmem:$0x28E0] =	vst v1  }
0x22: {  	[tilespmem:$0x28F0] =	vst v1  }
0x23: {  	[tilespmem:$0x2900] =	vst v1  }
0x24: {  	[tilespmem:$0x2910] =	vst v1  }
0x25: {  	[tilespmem:$0x2920] =	vst v1  }
0x26: {  	[tilespmem:$0x2930] =	vst v1  }
0x27: {  	[tilespmem:$0x2940] =	vst v1  }
0x28: {  	[tilespmem:$0x2950] =	vst v1  }
0x29: {  	[tilespmem:$0x2960] =	vst v1  }
0x2a: {  	[tilespmem:$0x2970] =	vst v1  }
0x2b: {  	[tilespmem:$0x2980] =	vst v1  }
0x2c: {  	[tilespmem:$0x2990] =	vst v1  }
0x2d: {  	[tilespmem:$0x29A0] =	vst v1  }
0x2e: {  	[tilespmem:$0x29B0] =	vst v1  }
0x2f: {  	[tilespmem:$0x29C0] =	vst v1  }
0x30: {  	[tilespmem:$0x29D0] =	vst v1  }
0x31: {  	[tilespmem:$0x29E0] =	vst v1  }
0x32: {  	[tilespmem:$0x29F0] =	vst v1  }
0x33: {  	[tilespmem:$0x2A00] =	vst v1  }
0x34: {  	[tilespmem:$0x2A10] =	vst v1  }
0x35: {  	[tilespmem:$0x2A20] =	vst v1  }
0x36: {  	[tilespmem:$0x2A30] =	vst v1  }
0x37: {  	[tilespmem:$0x2A40] =	vst v1  }
0x38: {  	[tilespmem:$0x2A50] =	vst v1  }
0x39: {  	[tilespmem:$0x2A60] =	vst v1  }
0x3a: {  	[tilespmem:$0x2A70] =	vst v1  }
0x3b: {  	[tilespmem:$0x2A80] =	vst v1  }
0x3c: {  	[tilespmem:$0x2A90] =	vst v1  }
0x3d: {  	[tilespmem:$0x2AA0] =	vst v1  }
0x3e: {  	[tilespmem:$0x2AB0] =	vst v1  }
0x3f: {  	[tilespmem:$0x2AC0] =	vst v1  }
0x40: {  	[tilespmem:$0x2AD0] =	vst v1  }
0x41: {  	[tilespmem:$0x2AE0] =	vst v1  }
0x42: {  	[tilespmem:$0x2AF0] =	vst v1  }
0x43: {  	[spmem:s5] =	stream.linear.scatter [tilespmem:s9], [sflag:$0x1], $0x280, $0x38;
	[tilespmem:$0x2D80] =	vst v63  }
0x44: {  	_ =	swait.ge [sflag:s8], $0x280  }
0x45: {  	[sflag:s8] =	ssyncset.done $0x0  }
0x46: {  	[sflag:s8] =	ssyncadd.s32 $0xFFFFFD80  }
0x47: {  	s17 =	simm.s32 $0x0;
	[bflag:$0x0] =	sbarrier.arrive $0xFFFF  }
0x48: {  	[spmem:s2] =	stream.indirect.scatter.add.f32 [tilespmem:s11], [sflag:$0x1], $0x1, s17, s10, $0xb8;
	[tilespmem:$0x2D80] =	vst v63  }
0x49: {  	_ =	swait.ge [sflag:s8], $0x80  }
0x4a: {  	s17 =	simm.s32 $0x200;
	[sflag:s8] =	ssyncset.done $0x0  }
.LBB2_2:
0x4b: {  	s18 =	sshra.s32 s17, $0x2;
	[sflag:s8] =	ssyncadd.s32 $0xFFFFFF80;
	p0 =	sne.s32 s17, $0x9E00  }
0x4c: {  	[spmem:s2] =	stream.indirect.scatter.add.f32 [tilespmem:s11], [sflag:$0x1], $0x1, s18, s10, $0xb8;
	[tilespmem:$0x2D80] =	vst v63  }
.Ltmp0:
0x4d: {  	_ = 	snop;
	(pc) =	sbr.rel @p0 .LBB2_2-.Ltmp0, $4  }
0x4e: {  	_ = 	snop  }
0x4f: {  	s17 =	sadd.s32 $0x200, s17  }
0x50: {  	_ =	swait.ge [sflag:s8], $0x80  }
0x51: {  	[sflag:s8] =	ssyncset.done $0x0  }
0x52: {  	s16 =	sadd.s32 $0x1, s16  }
0x53: {  	[sflag:s8] =	ssyncadd.s32 $0xFFFFFF80;
	p0 =	sne.s32 s16, s7  }
.Ltmp1:
0x54: {  	[bflag:$0x0] =	sbarrier.arrive $0xFFFF;
	(pc) =	sbr.rel @p0 .LBB2_1-.Ltmp1, $4  }
0x55: {  	[hbm:s6@s14], [sflag:s12] =	dma.strided [spmem:s13@s15], $0x50, s8, $0x10   }
0x56: {  	_ =	swait.ge [sflag:s8], $0x50  }
0x57: {  	[sflag:s8] =	ssyncset.done $0x0  }
0x58: {  	[sflag:s8] =	ssyncadd.s32 $0xFFFFFFB0  }
0x59: {  	_ =	sfence.sel $0x180000  }
0x5a: {  	[bflag:$0x0] =	sbarrier.arrive $0xFFFF  }
0x5b: {  	p0 =	sne.s32 s0, $0x0;
	_ =	strace $0x90000047  }
0x5c: {  	s0 =	sadd.s32 @!p0 $0x100000, s1;
	[bflag:$0x2] =	sbarrier.arrive $0xFFFF  }
0x5d: {  	[sflag:s0] =	ssyncadd.tile.s32 @!p0 $0x1;
	_ =	shalt  }
.Lfunc_end2:
_tile_overlayer_lowered:
.L_overlay_start_2:
0x5e: {  	(tag) =	ssettag $0x2  }
0x5f: {  	s0 =	rddreg [dreg:$0x0];
	s2 =	stileid.u32  }
0x60: {  	s1 =	rddreg [dreg:$0x1];
	p0 =	sne.s32 s2, $0x0  }
0x61: {  	s3 =	rddreg [dreg:$0x2];
	[bflag:$0x3] =	sbarrier.arrive $0xFFFF;
	s2 =	simm.s32 @!p0 $0x1C01  }
0x62: {  	[timem:s3], [sflag:s2] =	dma.local @!p0 [hbm:s0], s1  }
0x63: {  	s0 =	simm.s32 @!p0 $0x1  }
0x64: {  	_ =	swait.ge @!p0 [sflag:s0], s1  }
0x65: {  	s1 =	ssub.s32 @!p0 $0x0, s1;
	[sflag:s0] =	ssyncset.done @!p0 $0x0  }
0x66: {  	[sflag:s0] =	ssyncadd.s32 @!p0 s1  }
0x67: {  	[bflag:$0x3] =	sbarrier.arrive $0xFFFF  }
0x68: {  	_ =	shalt  }

</sc_bundles>
